<compile_context>
chip_gen: v7x
topology: tpu7x:2x2x1
jax: 0.10.2.dev20260603
libtpu: 0.0.44.dev20260713+nightly
codegen_flags: <defaults>
</compile_context>

<pallas_src>
import functools

import jax
import jax.numpy as jnp
from jax import lax
from jax.experimental import pallas as pl
from jax.experimental.pallas import tpu as pltpu
from jax.experimental.pallas import tpu_sc as plsc

N_PTS = 2_000_000
GRID = 128
CELLS = GRID - 1
TBL = CELLS * CELLS * CELLS
SXR = CELLS * CELLS
SYR = CELLS
PLANE = GRID * GRID

NW = 32
C = 3200
NCH = N_PTS // C

_mesh = plsc.VectorSubcoreMesh(
    core_axis_name="c", subcore_axis_name="s", num_cores=2, num_subcores=16
)
_params = pltpu.CompilerParams(
    needs_layout_passes=False,
    use_tc_tiling_on_sc=False,
)


def _build_body(tp_hbm, tm_hbm, tab_hbm, plA, plB, sbuf, gsem):
    wid = lax.axis_index("s") * 2 + lax.axis_index("c")
    nplanes = jnp.where(wid <= 30, 4, 3)
    iota = lax.iota(jnp.int32, 16)

    def build_one(t_hbm, tbl_off):
        def plane_body(k, carry):
            px = wid + k * NW
            pltpu.sync_copy(t_hbm.at[pl.ds(px * PLANE, PLANE)],
                            plA.at[pl.ds(0, PLANE)])
            pltpu.sync_copy(t_hbm.at[pl.ds((px + 1) * PLANE, PLANE)],
                            plB.at[pl.ds(0, PLANE)])

            rowv = [(iota + j * 16) * 8 for j in range(8)]

            def y_body(y, c2):
                slot = y & 7
                sb = slot * (GRID * 8)
                for j in range(8):
                    z0 = j * 16
                    for c in range(8):
                        dx, dy, dz = (c >> 2) & 1, (c >> 1) & 1, c & 1
                        src = plB if dx else plA
                        vec = src[pl.ds((y + dy) * GRID + z0 + dz, 16)]
                        plsc.store_scatter(sbuf, [rowv[j] + (sb + c)], vec)
                stripe = (tbl_off + px * SXR + y * SYR) * 8
                pltpu.async_copy(sbuf.at[pl.ds(sb, CELLS * 8)],
                                 tab_hbm.at[pl.ds(stripe, CELLS * 8)], gsem)

                @pl.when(y >= 7)
                def _drain():
                    oy = y - 7
                    ostripe = (tbl_off + px * SXR + oy * SYR) * 8
                    pltpu.make_async_copy(
                        sbuf.at[pl.ds((oy & 7) * (GRID * 8), CELLS * 8)],
                        tab_hbm.at[pl.ds(ostripe, CELLS * 8)], gsem).wait()
                return c2

            lax.fori_loop(0, CELLS, y_body, 0)
            for oy in range(CELLS - 7, CELLS):
                ostripe = (tbl_off + px * SXR + oy * SYR) * 8
                pltpu.make_async_copy(
                    sbuf.at[pl.ds((oy & 7) * (GRID * 8), CELLS * 8)],
                    tab_hbm.at[pl.ds(ostripe, CELLS * 8)], gsem).wait()
            return carry

        lax.fori_loop(0, nplanes, plane_body, 0)

    build_one(tp_hbm, 0)
    build_one(tm_hbm, TBL)


_build = functools.partial(
    pl.kernel,
    out_type=jax.ShapeDtypeStruct((2 * TBL * 8,), jnp.float32),
    mesh=_mesh,
    compiler_params=_params,
    scratch_types=[
        pltpu.VMEM((PLANE + 16,), jnp.float32),
        pltpu.VMEM((PLANE + 16,), jnp.float32),
        pltpu.VMEM((8 * GRID * 8,), jnp.float32),
        pltpu.SemaphoreType.DMA,
    ],
)(_build_body)


def _tec_body(rx_hbm, ry_hbm, rz_hbm, phi_hbm, tab_hbm, out_hbm,
              rxv, ryv, rzv, phiv, fxv, fyv, fzv, idxv, pvals, outv, gsem):
    wid = lax.axis_index("s") * 2 + lax.axis_index("c")
    nchunks = jnp.where(wid <= 16, NCH // NW + 1, NCH // NW)
    iota = lax.iota(jnp.int32, 16)

    def do_iter(i, carry):
        s = i & 1

        @pl.when(i < nchunks)
        def _produce():
            chunk = wid + i * NW
            base = chunk * C
            pltpu.sync_copy(rx_hbm.at[pl.ds(base, C)], rxv.at[s])
            pltpu.sync_copy(ry_hbm.at[pl.ds(base, C)], ryv.at[s])
            pltpu.sync_copy(rz_hbm.at[pl.ds(base, C)], rzv.at[s])
            pltpu.sync_copy(phi_hbm.at[pl.ds(base, C)], phiv.at[s])

            def idx_step(j, c2):
                xv = rxv[s, pl.ds(j * 16, 16)]
                yv = ryv[s, pl.ds(j * 16, 16)]
                zv = rzv[s, pl.ds(j * 16, 16)]
                tx = (xv + 1.0) * 63.5
                ty = (yv + 1.0) * 63.5
                tz = (zv + 1.0) * 63.5
                ix = jnp.clip(tx.astype(jnp.int32), 0, GRID - 2)
                iy = jnp.clip(ty.astype(jnp.int32), 0, GRID - 2)
                iz = jnp.clip(tz.astype(jnp.int32), 0, GRID - 2)
                fxv[s, pl.ds(j * 16, 16)] = jnp.clip(tx - ix.astype(jnp.float32), 0.0, 1.0)
                fyv[s, pl.ds(j * 16, 16)] = jnp.clip(ty - iy.astype(jnp.float32), 0.0, 1.0)
                fzv[s, pl.ds(j * 16, 16)] = jnp.clip(tz - iz.astype(jnp.float32), 0.0, 1.0)
                pv = phiv[s, pl.ds(j * 16, 16)]
                idxv[s, pl.ds(j * 16, 16)] = (
                    ix * SXR + iy * SYR + iz + jnp.where(pv < 0.0, TBL, 0))
                return c2

            lax.fori_loop(0, C // 16, idx_step, 0)
            pltpu.async_copy(tab_hbm.at[idxv.at[s]], pvals.at[s], gsem.at[s])

        @pl.when(i > 0)
        def _consume():
            ps = 1 - s
            pbase = (wid + (i - 1) * NW) * C
            pltpu.make_async_copy(tab_hbm.at[idxv.at[ps]], pvals.at[ps],
                                  gsem.at[ps]).wait()

            def comb_step(j, c2):
                rows = iota + j * 16
                v = [plsc.load_gather(pvals.at[ps],
                                      [rows, jnp.full((16,), c, jnp.int32)])
                     for c in range(8)]
                fx = fxv[ps, pl.ds(j * 16, 16)]
                fy = fyv[ps, pl.ds(j * 16, 16)]
                fz = fzv[ps, pl.ds(j * 16, 16)]
                c00 = v[0] * (1.0 - fx) + v[4] * fx
                c01 = v[1] * (1.0 - fx) + v[5] * fx
                c10 = v[2] * (1.0 - fx) + v[6] * fx
                c11 = v[3] * (1.0 - fx) + v[7] * fx
                c0 = c00 * (1.0 - fy) + c10 * fy
                c1 = c01 * (1.0 - fy) + c11 * fy
                outv[ps, pl.ds(j * 16, 16)] = c0 * (1.0 - fz) + c1 * fz
                return c2

            lax.fori_loop(0, C // 16, comb_step, 0)
            pltpu.sync_copy(outv.at[ps], out_hbm.at[pl.ds(pbase, C)])

        return carry

    lax.fori_loop(0, nchunks + 1, do_iter, 0)


_interp = functools.partial(
    pl.kernel,
    out_type=jax.ShapeDtypeStruct((N_PTS,), jnp.float32),
    mesh=_mesh,
    compiler_params=_params,
    scratch_types=[
        pltpu.VMEM((2, C), jnp.float32),
        pltpu.VMEM((2, C), jnp.float32),
        pltpu.VMEM((2, C), jnp.float32),
        pltpu.VMEM((2, C), jnp.float32),
        pltpu.VMEM((2, C), jnp.float32),
        pltpu.VMEM((2, C), jnp.float32),
        pltpu.VMEM((2, C), jnp.float32),
        pltpu.VMEM((2, C), jnp.int32),
        pltpu.VMEM((2, C, 8), jnp.float32),
        pltpu.VMEM((2, C), jnp.float32),
        pltpu.SemaphoreType.DMA((2,)),
    ],
)(_tec_body)


def kernel(r, phi_r, trainables_m, trainables_p):
    rx, ry, rz = r[:, 0], r[:, 1], r[:, 2]
    tab = _build(trainables_p.reshape(-1), trainables_m.reshape(-1))
    return _interp(rx, ry, rz, phi_r, tab.reshape(2 * TBL, 8))

# --- scband reference (transcript-rebuilt; emitter-appended) ---
"""Pipeline reference for scband-discrete-64845416235736 (READ-ONLY COPY).

The authoritative reference and input builder live on the scoring server;
editing this copy changes nothing except your own understanding.
"""

import jax, jax.numpy as jnp
import numpy as np

NX, NY, NZ = 128, 128, 128
XMIN, XMAX = -1.0, 1.0
YMIN, YMAX = -1.0, 1.0
ZMIN, ZMAX = -1.0, 1.0
N_PTS = 2000000


def setup_inputs(seed: int = 0) -> dict:
    key = jax.random.key(seed)
    k1, k2, k3, k4 = jax.random.split(key, 4)
    r = jax.random.uniform(k1, (N_PTS, 3), dtype=jnp.float32, minval=-1.0, maxval=1.0)
    phi_r = jax.random.normal(k2, (N_PTS,), dtype=jnp.float32)
    trainables_m = jax.random.normal(k3, (NX, NY, NZ), dtype=jnp.float32) * 0.1
    trainables_p = jax.random.normal(k4, (NX, NY, NZ), dtype=jnp.float32) * 0.1
    return {"r": r, "phi_r": phi_r, "trainables_m": trainables_m, "trainables_p": trainables_p}


def _axis_locate(coord, cmin, cmax, n):
    t = (coord - cmin) / (cmax - cmin) * (n - 1)
    i0 = jnp.clip(jnp.floor(t), 0, n - 2).astype(jnp.int32)
    f = jnp.clip(t - i0.astype(jnp.float32), 0.0, 1.0)
    return i0, f


def _trilinear_interp(table, r):
    ix, fx = _axis_locate(r[:, 0], XMIN, XMAX, NX)
    iy, fy = _axis_locate(r[:, 1], YMIN, YMAX, NY)
    iz, fz = _axis_locate(r[:, 2], ZMIN, ZMAX, NZ)
    c000 = table[ix, iy, iz]
    c100 = table[ix + 1, iy, iz]
    c010 = table[ix, iy + 1, iz]
    c110 = table[ix + 1, iy + 1, iz]
    c001 = table[ix, iy, iz + 1]
    c101 = table[ix + 1, iy, iz + 1]
    c011 = table[ix, iy + 1, iz + 1]
    c111 = table[ix + 1, iy + 1, iz + 1]
    c00 = c000 * (1.0 - fx) + c100 * fx
    c10 = c010 * (1.0 - fx) + c110 * fx
    c01 = c001 * (1.0 - fx) + c101 * fx
    c11 = c011 * (1.0 - fx) + c111 * fx
    c0 = c00 * (1.0 - fy) + c10 * fy
    c1 = c01 * (1.0 - fy) + c11 * fy
    return c0 * (1.0 - fz) + c1 * fz


def reference(r, phi_r, trainables_m, trainables_p):
    vp = _trilinear_interp(trainables_p, r)
    vm = _trilinear_interp(trainables_m, r)
    return jnp.where(phi_r >= 0, vp, vm)

if __name__ == "__main__":
    import jax
    _d = setup_inputs()
    print(jax.jit(kernel)(*tuple(_d.values())))

</pallas_src>

<mosaic_0001>
#map = affine_map<(d0, d1) -> (0)>
module attributes {stable_mosaic.version = 14 : i64} {
  func.func @_build_body(%arg0: i32, %arg1: i32, %arg2: memref<2097152xf32, #tpu.memory_space<hbm>>, %arg3: memref<2097152xf32, #tpu.memory_space<hbm>>, %arg4: memref<32774128xf32, #tpu.memory_space<hbm>>, %arg5: memref<16400xf32, #tpu.memory_space<vmem>>, %arg6: memref<16400xf32, #tpu.memory_space<vmem>>, %arg7: memref<8192xf32, #tpu.memory_space<vmem>>, %arg8: memref<!tpu.dma_semaphore, #tpu.memory_space<semaphore_mem>>) attributes {dimension_semantics = [#tpu.dimension_semantics<core_parallel>, #tpu.dimension_semantics<subcore_parallel>], iteration_bounds = array<i64: 2, 16>, scalar_prefetch = 0 : i64, scratch_operands = 4 : i64, tpu.core_type = #tpu.core_type<sc_vector_subcore>, window_params = [{transform_indices = #map}, {transform_indices = #map}, {transform_indices = #map}]} {
    %mul3A = arith.constant 2 : i32
    %mul3A_0 = arith.muli %arg1, %mul3A : i32
    %add3A = arith.addi %mul3A_0, %arg0 : i32
    %le3A = arith.constant 30 : i32
    %le3A_1 = arith.cmpi sle, %add3A, %le3A : i32
    %jit3A = arith.constant 4 : i32
    %jit3A_2 = arith.constant 3 : i32
    %select_n3A = arith.select %le3A_1, %jit3A, %jit3A_2 : i32
    %iota3A = tpu.iota {dimensions = array<i32: 0>} : vector<16xi32>
    %while3A = arith.constant 0 : i32
    %while3A_3 = arith.constant 0 : i32
    %while3A_4 = arith.subi %select_n3A, %while3A_3 : i32
    %while3A_5 = arith.addi %while3A_3, %while3A_4 : i32
    %while3A_6 = arith.constant 1 : i32
    %while3A_7 = arith.divsi %while3A_4, %while3A_6 : i32
    %while3A_8 = arith.muli %while3A_7, %while3A_6 : i32
    %while3A_9 = arith.addi %while3A_3, %while3A_8 : i32
    %while3A_10 = arith.constant 1 : i32
    scf.for %while3A_22 = %while3A_3 to %while3A_9 step %while3A_10  : i32 {
      %mul3A_23 = arith.constant 32 : i32
      %mul3A_24 = arith.muli %while3A_22, %mul3A_23 : i32
      %add3A_25 = arith.addi %add3A, %mul3A_24 : i32
      %mul3A_26 = arith.constant 16384 : i32
      %mul3A_27 = arith.muli %add3A_25, %mul3A_26 : i32
      "tpu.region"() ({
        %run_scoped3A = tpu.sem_alloc : memref<!tpu.dma_semaphore, #tpu.memory_space<semaphore_mem>>
        %dma_start3A = arith.constant 0 : i32
        %dma_start3A_182 = tpu.memref_slice %arg5[%dma_start3A] : memref<16400xf32, #tpu.memory_space<vmem>> -> memref<16384xf32, #tpu.memory_space<vmem>>
        %dma_start3A_183 = tpu.memref_slice %arg2[%mul3A_27] : memref<2097152xf32, #tpu.memory_space<hbm>> -> memref<16384xf32, #tpu.memory_space<hbm>>
        %dma_start3A_184 = arith.constant 0 : i32
        %dma_start3A_185 = tpu.memref_slice %arg5[%dma_start3A_184] : memref<16400xf32, #tpu.memory_space<vmem>> -> memref<16384xf32, #tpu.memory_space<vmem>>
        %dma_start3A_186 = tpu.memref_slice %arg2[%mul3A_27] : memref<2097152xf32, #tpu.memory_space<hbm>> -> memref<16384xf32, #tpu.memory_space<hbm>>
        tpu.enqueue_dma source(%dma_start3A_186 : memref<16384xf32, #tpu.memory_space<hbm>>) target(%dma_start3A_185 : memref<16384xf32, #tpu.memory_space<vmem>>) target_semaphore(%run_scoped3A : memref<!tpu.dma_semaphore, #tpu.memory_space<semaphore_mem>>)
        %dma_wait3A_187 = arith.constant 0 : i32
        %dma_wait3A_188 = tpu.memref_slice %arg5[%dma_wait3A_187] : memref<16400xf32, #tpu.memory_space<vmem>> -> memref<16384xf32, #tpu.memory_space<vmem>>
        %dma_wait3A_189 = tpu.memref_slice %arg2[%mul3A_27] : memref<2097152xf32, #tpu.memory_space<hbm>> -> memref<16384xf32, #tpu.memory_space<hbm>>
        %dma_wait3A_190 = arith.constant 0 : i32
        %dma_wait3A_191 = tpu.memref_slice %arg5[%dma_wait3A_190] : memref<16400xf32, #tpu.memory_space<vmem>> -> memref<16384xf32, #tpu.memory_space<vmem>>
        %dma_wait3A_192 = tpu.memref_slice %arg2[%mul3A_27] : memref<2097152xf32, #tpu.memory_space<hbm>> -> memref<16384xf32, #tpu.memory_space<hbm>>
        tpu.wait_dma2 semaphore(%run_scoped3A : memref<!tpu.dma_semaphore, #tpu.memory_space<semaphore_mem>>) src(%dma_wait3A_192 : memref<16384xf32, #tpu.memory_space<hbm>>) dst(%dma_wait3A_191 : memref<16384xf32, #tpu.memory_space<vmem>>)
        tpu.yield
      }) : () -> ()
      %add3A_28 = arith.constant 1 : i32
      %add3A_29 = arith.addi %add3A_25, %add3A_28 : i32
      %mul3A_30 = arith.constant 16384 : i32
      %mul3A_31 = arith.muli %add3A_29, %mul3A_30 : i32
      "tpu.region"() ({
        %run_scoped3A = tpu.sem_alloc : memref<!tpu.dma_semaphore, #tpu.memory_space<semaphore_mem>>
        %dma_start3A = arith.constant 0 : i32
        %dma_start3A_182 = tpu.memref_slice %arg6[%dma_start3A] : memref<16400xf32, #tpu.memory_space<vmem>> -> memref<16384xf32, #tpu.memory_space<vmem>>
        %dma_start3A_183 = tpu.memref_slice %arg2[%mul3A_31] : memref<2097152xf32, #tpu.memory_space<hbm>> -> memref<16384xf32, #tpu.memory_space<hbm>>
        %dma_start3A_184 = arith.constant 0 : i32
        %dma_start3A_185 = tpu.memref_slice %arg6[%dma_start3A_184] : memref<16400xf32, #tpu.memory_space<vmem>> -> memref<16384xf32, #tpu.memory_space<vmem>>
        %dma_start3A_186 = tpu.memref_slice %arg2[%mul3A_31] : memref<2097152xf32, #tpu.memory_space<hbm>> -> memref<16384xf32, #tpu.memory_space<hbm>>
        tpu.enqueue_dma source(%dma_start3A_186 : memref<16384xf32, #tpu.memory_space<hbm>>) target(%dma_start3A_185 : memref<16384xf32, #tpu.memory_space<vmem>>) target_semaphore(%run_scoped3A : memref<!tpu.dma_semaphore, #tpu.memory_space<semaphore_mem>>)
        %dma_wait3A_187 = arith.constant 0 : i32
        %dma_wait3A_188 = tpu.memref_slice %arg6[%dma_wait3A_187] : memref<16400xf32, #tpu.memory_space<vmem>> -> memref<16384xf32, #tpu.memory_space<vmem>>
        %dma_wait3A_189 = tpu.memref_slice %arg2[%mul3A_31] : memref<2097152xf32, #tpu.memory_space<hbm>> -> memref<16384xf32, #tpu.memory_space<hbm>>
        %dma_wait3A_190 = arith.constant 0 : i32
        %dma_wait3A_191 = tpu.memref_slice %arg6[%dma_wait3A_190] : memref<16400xf32, #tpu.memory_space<vmem>> -> memref<16384xf32, #tpu.memory_space<vmem>>
        %dma_wait3A_192 = tpu.memref_slice %arg2[%mul3A_31] : memref<2097152xf32, #tpu.memory_space<hbm>> -> memref<16384xf32, #tpu.memory_space<hbm>>
        tpu.wait_dma2 semaphore(%run_scoped3A : memref<!tpu.dma_semaphore, #tpu.memory_space<semaphore_mem>>) src(%dma_wait3A_192 : memref<16384xf32, #tpu.memory_space<hbm>>) dst(%dma_wait3A_191 : memref<16384xf32, #tpu.memory_space<vmem>>)
        tpu.yield
      }) : () -> ()
      %add3A_32 = arith.constant 0 : i32
      %add3A_33 = vector.broadcast %add3A_32 : i32 to vector<16xi32>
      %add3A_34 = arith.addi %iota3A, %add3A_33 : vector<16xi32>
      %mul3A_35 = arith.constant 8 : i32
      %mul3A_36 = vector.broadcast %mul3A_35 : i32 to vector<16xi32>
      %mul3A_37 = arith.muli %add3A_34, %mul3A_36 : vector<16xi32>
      %add3A_38 = arith.constant 16 : i32
      %add3A_39 = vector.broadcast %add3A_38 : i32 to vector<16xi32>
      %add3A_40 = arith.addi %iota3A, %add3A_39 : vector<16xi32>
      %mul3A_41 = arith.constant 8 : i32
      %mul3A_42 = vector.broadcast %mul3A_41 : i32 to vector<16xi32>
      %mul3A_43 = arith.muli %add3A_40, %mul3A_42 : vector<16xi32>
      %add3A_44 = arith.constant 32 : i32
      %add3A_45 = vector.broadcast %add3A_44 : i32 to vector<16xi32>
      %add3A_46 = arith.addi %iota3A, %add3A_45 : vector<16xi32>
      %mul3A_47 = arith.constant 8 : i32
      %mul3A_48 = vector.broadcast %mul3A_47 : i32 to vector<16xi32>
      %mul3A_49 = arith.muli %add3A_46, %mul3A_48 : vector<16xi32>
      %add3A_50 = arith.constant 48 : i32
      %add3A_51 = vector.broadcast %add3A_50 : i32 to vector<16xi32>
      %add3A_52 = arith.addi %iota3A, %add3A_51 : vector<16xi32>
      %mul3A_53 = arith.constant 8 : i32
      %mul3A_54 = vector.broadcast %mul3A_53 : i32 to vector<16xi32>
      %mul3A_55 = arith.muli %add3A_52, %mul3A_54 : vector<16xi32>
      %add3A_56 = arith.constant 64 : i32
      %add3A_57 = vector.broadcast %add3A_56 : i32 to vector<16xi32>
      %add3A_58 = arith.addi %iota3A, %add3A_57 : vector<16xi32>
      %mul3A_59 = arith.constant 8 : i32
      %mul3A_60 = vector.broadcast %mul3A_59 : i32 to vector<16xi32>
      %mul3A_61 = arith.muli %add3A_58, %mul3A_60 : vector<16xi32>
      %add3A_62 = arith.constant 80 : i32
      %add3A_63 = vector.broadcast %add3A_62 : i32 to vector<16xi32>
      %add3A_64 = arith.addi %iota3A, %add3A_63 : vector<16xi32>
      %mul3A_65 = arith.constant 8 : i32
      %mul3A_66 = vector.broadcast %mul3A_65 : i32 to vector<16xi32>
      %mul3A_67 = arith.muli %add3A_64, %mul3A_66 : vector<16xi32>
      %add3A_68 = arith.constant 96 : i32
      %add3A_69 = vector.broadcast %add3A_68 : i32 to vector<16xi32>
      %add3A_70 = arith.addi %iota3A, %add3A_69 : vector<16xi32>
      %mul3A_71 = arith.constant 8 : i32
      %mul3A_72 = vector.broadcast %mul3A_71 : i32 to vector<16xi32>
      %mul3A_73 = arith.muli %add3A_70, %mul3A_72 : vector<16xi32>
      %add3A_74 = arith.constant 112 : i32
      %add3A_75 = vector.broadcast %add3A_74 : i32 to vector<16xi32>
      %add3A_76 = arith.addi %iota3A, %add3A_75 : vector<16xi32>
      %mul3A_77 = arith.constant 8 : i32
      %mul3A_78 = vector.broadcast %mul3A_77 : i32 to vector<16xi32>
      %mul3A_79 = arith.muli %add3A_76, %mul3A_78 : vector<16xi32>
      %scan3A = arith.constant 0 : i32
      %scan3A_80 = arith.constant 0 : i32
      %scan3A_81 = arith.constant 127 : i32
      %scan3A_82 = arith.addi %scan3A_80, %scan3A_81 : i32
      %scan3A_83 = arith.constant 1 : i32
      scf.for %scan3A_182 = %scan3A_80 to %scan3A_82 step %scan3A_83  : i32 {
        %and3A = arith.constant 7 : i32
        %and3A_183 = arith.andi %scan3A_182, %and3A : i32
        %mul3A_184 = arith.constant 1024 : i32
        %mul3A_185 = arith.muli %and3A_183, %mul3A_184 : i32
        %add3A_186 = arith.constant 0 : i32
        %add3A_187 = arith.addi %scan3A_182, %add3A_186 : i32
        %mul3A_188 = arith.constant 128 : i32
        %mul3A_189 = arith.muli %add3A_187, %mul3A_188 : i32
        %add3A_190 = arith.constant 0 : i32
        %add3A_191 = arith.addi %mul3A_189, %add3A_190 : i32
        %add3A_192 = arith.constant 0 : i32
        %add3A_193 = arith.addi %add3A_191, %add3A_192 : i32
        %get3A = arith.index_cast %add3A_193 : i32 to index
        %get3A_194 = tpu.vector_load %arg5[%get3A] {strides = array<i32>} : memref<16400xf32, #tpu.memory_space<vmem>>, vector<16xf32>,
        %add3A_195 = arith.constant 0 : i32
        %add3A_196 = arith.addi %mul3A_185, %add3A_195 : i32
        %add3A_197 = vector.broadcast %add3A_196 : i32 to vector<16xi32>
        %add3A_198 = arith.addi %mul3A_37, %add3A_197 : vector<16xi32>
        tpu.vector_store_idx %arg7[%add3A_198], %get3A_194 : memref<8192xf32, #tpu.memory_space<vmem>>[vector<16xi32>], vector<16xf32>,
        %add3A_199 = arith.constant 0 : i32
        %add3A_200 = arith.addi %scan3A_182, %add3A_199 : i32
        %mul3A_201 = arith.constant 128 : i32
        %mul3A_202 = arith.muli %add3A_200, %mul3A_201 : i32
        %add3A_203 = arith.constant 0 : i32
        %add3A_204 = arith.addi %mul3A_202, %add3A_203 : i32
        %add3A_205 = arith.constant 1 : i32
        %add3A_206 = arith.addi %add3A_204, %add3A_205 : i32
        %get3A_207 = arith.index_cast %add3A_206 : i32 to index
        %get3A_208 = tpu.vector_load %arg5[%get3A_207] {strides = array<i32>} : memref<16400xf32, #tpu.memory_space<vmem>>, vector<16xf32>,
        %add3A_209 = arith.constant 1 : i32
        %add3A_210 = arith.addi %mul3A_185, %add3A_209 : i32
        %add3A_211 = vector.broadcast %add3A_210 : i32 to vector<16xi32>
        %add3A_212 = arith.addi %mul3A_37, %add3A_211 : vector<16xi32>
        tpu.vector_store_idx %arg7[%add3A_212], %get3A_208 : memref<8192xf32, #tpu.memory_space<vmem>>[vector<16xi32>], vector<16xf32>,
        %add3A_213 = arith.constant 1 : i32
        %add3A_214 = arith.addi %scan3A_182, %add3A_213 : i32
        %mul3A_215 = arith.constant 128 : i32
        %mul3A_216 = arith.muli %add3A_214, %mul3A_215 : i32
        %add3A_217 = arith.constant 0 : i32
        %add3A_218 = arith.addi %mul3A_216, %add3A_217 : i32
        %add3A_219 = arith.constant 0 : i32
        %add3A_220 = arith.addi %add3A_218, %add3A_219 : i32
        %get3A_221 = arith.index_cast %add3A_220 : i32 to index
        %get3A_222 = tpu.vector_load %arg5[%get3A_221] {strides = array<i32>} : memref<16400xf32, #tpu.memory_space<vmem>>, vector<16xf32>,
        %add3A_223 = arith.constant 2 : i32
        %add3A_224 = arith.addi %mul3A_185, %add3A_223 : i32
        %add3A_225 = vector.broadcast %add3A_224 : i32 to vector<16xi32>
        %add3A_226 = arith.addi %mul3A_37, %add3A_225 : vector<16xi32>
        tpu.vector_store_idx %arg7[%add3A_226], %get3A_222 : memref<8192xf32, #tpu.memory_space<vmem>>[vector<16xi32>], vector<16xf32>,
        %add3A_227 = arith.constant 1 : i32
        %add3A_228 = arith.addi %scan3A_182, %add3A_227 : i32
        %mul3A_229 = arith.constant 128 : i32
        %mul3A_230 = arith.muli %add3A_228, %mul3A_229 : i32
        %add3A_231 = arith.constant 0 : i32
        %add3A_232 = arith.addi %mul3A_230, %add3A_231 : i32
        %add3A_233 = arith.constant 1 : i32
        %add3A_234 = arith.addi %add3A_232, %add3A_233 : i32
        %get3A_235 = arith.index_cast %add3A_234 : i32 to index
        %get3A_236 = tpu.vector_load %arg5[%get3A_235] {strides = array<i32>} : memref<16400xf32, #tpu.memory_space<vmem>>, vector<16xf32>,
        %add3A_237 = arith.constant 3 : i32
        %add3A_238 = arith.addi %mul3A_185, %add3A_237 : i32
        %add3A_239 = vector.broadcast %add3A_238 : i32 to vector<16xi32>
        %add3A_240 = arith.addi %mul3A_37, %add3A_239 : vector<16xi32>
        tpu.vector_store_idx %arg7[%add3A_240], %get3A_236 : memref<8192xf32, #tpu.memory_space<vmem>>[vector<16xi32>], vector<16xf32>,
        %add3A_241 = arith.constant 0 : i32
        %add3A_242 = arith.addi %scan3A_182, %add3A_241 : i32
        %mul3A_243 = arith.constant 128 : i32
        %mul3A_244 = arith.muli %add3A_242, %mul3A_243 : i32
        %add3A_245 = arith.constant 0 : i32
        %add3A_246 = arith.addi %mul3A_244, %add3A_245 : i32
        %add3A_247 = arith.constant 0 : i32
        %add3A_248 = arith.addi %add3A_246, %add3A_247 : i32
        %get3A_249 = arith.index_cast %add3A_248 : i32 to index
        %get3A_250 = tpu.vector_load %arg6[%get3A_249] {strides = array<i32>} : memref<16400xf32, #tpu.memory_space<vmem>>, vector<16xf32>,
        %add3A_251 = arith.constant 4 : i32
        %add3A_252 = arith.addi %mul3A_185, %add3A_251 : i32
        %add3A_253 = vector.broadcast %add3A_252 : i32 to vector<16xi32>
        %add3A_254 = arith.addi %mul3A_37, %add3A_253 : vector<16xi32>
        tpu.vector_store_idx %arg7[%add3A_254], %get3A_250 : memref<8192xf32, #tpu.memory_space<vmem>>[vector<16xi32>], vector<16xf32>,
        %add3A_255 = arith.constant 0 : i32
        %add3A_256 = arith.addi %scan3A_182, %add3A_255 : i32
        %mul3A_257 = arith.constant 128 : i32
        %mul3A_258 = arith.muli %add3A_256, %mul3A_257 : i32
        %add3A_259 = arith.constant 0 : i32
        %add3A_260 = arith.addi %mul3A_258, %add3A_259 : i32
        %add3A_261 = arith.constant 1 : i32
        %add3A_262 = arith.addi %add3A_260, %add3A_261 : i32
        %get3A_263 = arith.index_cast %add3A_262 : i32 to index
        %get3A_264 = tpu.vector_load %arg6[%get3A_263] {strides = array<i32>} : memref<16400xf32, #tpu.memory_space<vmem>>, vector<16xf32>,
        %add3A_265 = arith.constant 5 : i32
        %add3A_266 = arith.addi %mul3A_185, %add3A_265 : i32
        %add3A_267 = vector.broadcast %add3A_266 : i32 to vector<16xi32>
        %add3A_268 = arith.addi %mul3A_37, %add3A_267 : vector<16xi32>
        tpu.vector_store_idx %arg7[%add3A_268], %get3A_264 : memref<8192xf32, #tpu.memory_space<vmem>>[vector<16xi32>], vector<16xf32>,
        %add3A_269 = arith.constant 1 : i32
        %add3A_270 = arith.addi %scan3A_182, %add3A_269 : i32
        %mul3A_271 = arith.constant 128 : i32
        %mul3A_272 = arith.muli %add3A_270, %mul3A_271 : i32
        %add3A_273 = arith.constant 0 : i32
        %add3A_274 = arith.addi %mul3A_272, %add3A_273 : i32
        %add3A_275 = arith.constant 0 : i32
        %add3A_276 = arith.addi %add3A_274, %add3A_275 : i32
        %get3A_277 = arith.index_cast %add3A_276 : i32 to index
        %get3A_278 = tpu.vector_load %arg6[%get3A_277] {strides = array<i32>} : memref<16400xf32, #tpu.memory_space<vmem>>, vector<16xf32>,
        %add3A_279 = arith.constant 6 : i32
        %add3A_280 = arith.addi %mul3A_185, %add3A_279 : i32
        %add3A_281 = vector.broadcast %add3A_280 : i32 to vector<16xi32>
        %add3A_282 = arith.addi %mul3A_37, %add3A_281 : vector<16xi32>
        tpu.vector_store_idx %arg7[%add3A_282], %get3A_278 : memref<8192xf32, #tpu.memory_space<vmem>>[vector<16xi32>], vector<16xf32>,
        %add3A_283 = arith.constant 1 : i32
        %add3A_284 = arith.addi %scan3A_182, %add3A_283 : i32
        %mul3A_285 = arith.constant 128 : i32
        %mul3A_286 = arith.muli %add3A_284, %mul3A_285 : i32
        %add3A_287 = arith.constant 0 : i32
        %add3A_288 = arith.addi %mul3A_286, %add3A_287 : i32
        %add3A_289 = arith.constant 1 : i32
        %add3A_290 = arith.addi %add3A_288, %add3A_289 : i32
        %get3A_291 = arith.index_cast %add3A_290 : i32 to index
        %get3A_292 = tpu.vector_load %arg6[%get3A_291] {strides = array<i32>} : memref<16400xf32, #tpu.memory_space<vmem>>, vector<16xf32>,
        %add3A_293 = arith.constant 7 : i32
        %add3A_294 = arith.addi %mul3A_185, %add3A_293 : i32
        %add3A_295 = vector.broadcast %add3A_294 : i32 to vector<16xi32>
        %add3A_296 = arith.addi %mul3A_37, %add3A_295 : vector<16xi32>
        tpu.vector_store_idx %arg7[%add3A_296], %get3A_292 : memref<8192xf32, #tpu.memory_space<vmem>>[vector<16xi32>], vector<16xf32>,
        %add3A_297 = arith.constant 0 : i32
        %add3A_298 = arith.addi %scan3A_182, %add3A_297 : i32
        %mul3A_299 = arith.constant 128 : i32
        %mul3A_300 = arith.muli %add3A_298, %mul3A_299 : i32
        %add3A_301 = arith.constant 16 : i32
        %add3A_302 = arith.addi %mul3A_300, %add3A_301 : i32
        %add3A_303 = arith.constant 0 : i32
        %add3A_304 = arith.addi %add3A_302, %add3A_303 : i32
        %get3A_305 = arith.index_cast %add3A_304 : i32 to index
        %get3A_306 = tpu.vector_load %arg5[%get3A_305] {strides = array<i32>} : memref<16400xf32, #tpu.memory_space<vmem>>, vector<16xf32>,
        %add3A_307 = arith.constant 0 : i32
        %add3A_308 = arith.addi %mul3A_185, %add3A_307 : i32
        %add3A_309 = vector.broadcast %add3A_308 : i32 to vector<16xi32>
        %add3A_310 = arith.addi %mul3A_43, %add3A_309 : vector<16xi32>
        tpu.vector_store_idx %arg7[%add3A_310], %get3A_306 : memref<8192xf32, #tpu.memory_space<vmem>>[vector<16xi32>], vector<16xf32>,
        %add3A_311 = arith.constant 0 : i32
        %add3A_312 = arith.addi %scan3A_182, %add3A_311 : i32
        %mul3A_313 = arith.constant 128 : i32
        %mul3A_314 = arith.muli %add3A_312, %mul3A_313 : i32
        %add3A_315 = arith.constant 16 : i32
        %add3A_316 = arith.addi %mul3A_314, %add3A_315 : i32
        %add3A_317 = arith.constant 1 : i32
        %add3A_318 = arith.addi %add3A_316, %add3A_317 : i32
        %get3A_319 = arith.index_cast %add3A_318 : i32 to index
        %get3A_320 = tpu.vector_load %arg5[%get3A_319] {strides = array<i32>} : memref<16400xf32, #tpu.memory_space<vmem>>, vector<16xf32>,
        %add3A_321 = arith.constant 1 : i32
        %add3A_322 = arith.addi %mul3A_185, %add3A_321 : i32
        %add3A_323 = vector.broadcast %add3A_322 : i32 to vector<16xi32>
        %add3A_324 = arith.addi %mul3A_43, %add3A_323 : vector<16xi32>
        tpu.vector_store_idx %arg7[%add3A_324], %get3A_320 : memref<8192xf32, #tpu.memory_space<vmem>>[vector<16xi32>], vector<16xf32>,
        %add3A_325 = arith.constant 1 : i32
        %add3A_326 = arith.addi %scan3A_182, %add3A_325 : i32
        %mul3A_327 = arith.constant 128 : i32
        %mul3A_328 = arith.muli %add3A_326, %mul3A_327 : i32
        %add3A_329 = arith.constant 16 : i32
        %add3A_330 = arith.addi %mul3A_328, %add3A_329 : i32
        %add3A_331 = arith.constant 0 : i32
        %add3A_332 = arith.addi %add3A_330, %add3A_331 : i32
        %get3A_333 = arith.index_cast %add3A_332 : i32 to index
        %get3A_334 = tpu.vector_load %arg5[%get3A_333] {strides = array<i32>} : memref<16400xf32, #tpu.memory_space<vmem>>, vector<16xf32>,
        %add3A_335 = arith.constant 2 : i32
        %add3A_336 = arith.addi %mul3A_185, %add3A_335 : i32
        %add3A_337 = vector.broadcast %add3A_336 : i32 to vector<16xi32>
        %add3A_338 = arith.addi %mul3A_43, %add3A_337 : vector<16xi32>
        tpu.vector_store_idx %arg7[%add3A_338], %get3A_334 : memref<8192xf32, #tpu.memory_space<vmem>>[vector<16xi32>], vector<16xf32>,
        %add3A_339 = arith.constant 1 : i32
        %add3A_340 = arith.addi %scan3A_182, %add3A_339 : i32
        %mul3A_341 = arith.constant 128 : i32
        %mul3A_342 = arith.muli %add3A_340, %mul3A_341 : i32
        %add3A_343 = arith.constant 16 : i32
        %add3A_344 = arith.addi %mul3A_342, %add3A_343 : i32
        %add3A_345 = arith.constant 1 : i32
        %add3A_346 = arith.addi %add3A_344, %add3A_345 : i32
        %get3A_347 = arith.index_cast %add3A_346 : i32 to index
        %get3A_348 = tpu.vector_load %arg5[%get3A_347] {strides = array<i32>} : memref<16400xf32, #tpu.memory_space<vmem>>, vector<16xf32>,
        %add3A_349 = arith.constant 3 : i32
        %add3A_350 = arith.addi %mul3A_185, %add3A_349 : i32
        %add3A_351 = vector.broadcast %add3A_350 : i32 to vector<16xi32>
        %add3A_352 = arith.addi %mul3A_43, %add3A_351 : vector<16xi32>
        tpu.vector_store_idx %arg7[%add3A_352], %get3A_348 : memref<8192xf32, #tpu.memory_space<vmem>>[vector<16xi32>], vector<16xf32>,
        %add3A_353 = arith.constant 0 : i32
        %add3A_354 = arith.addi %scan3A_182, %add3A_353 : i32
        %mul3A_355 = arith.constant 128 : i32
        %mul3A_356 = arith.muli %add3A_354, %mul3A_355 : i32
        %add3A_357 = arith.constant 16 : i32
        %add3A_358 = arith.addi %mul3A_356, %add3A_357 : i32
        %add3A_359 = arith.constant 0 : i32
        %add3A_360 = arith.addi %add3A_358, %add3A_359 : i32
        %get3A_361 = arith.index_cast %add3A_360 : i32 to index
        %get3A_362 = tpu.vector_load %arg6[%get3A_361] {strides = array<i32>} : memref<16400xf32, #tpu.memory_space<vmem>>, vector<16xf32>,
        %add3A_363 = arith.constant 4 : i32
        %add3A_364 = arith.addi %mul3A_185, %add3A_363 : i32
        %add3A_365 = vector.broadcast %add3A_364 : i32 to vector<16xi32>
        %add3A_366 = arith.addi %mul3A_43, %add3A_365 : vector<16xi32>
        tpu.vector_store_idx %arg7[%add3A_366], %get3A_362 : memref<8192xf32, #tpu.memory_space<vmem>>[vector<16xi32>], vector<16xf32>,
        %add3A_367 = arith.constant 0 : i32
        %add3A_368 = arith.addi %scan3A_182, %add3A_367 : i32
        %mul3A_369 = arith.constant 128 : i32
        %mul3A_370 = arith.muli %add3A_368, %mul3A_369 : i32
        %add3A_371 = arith.constant 16 : i32
        %add3A_372 = arith.addi %mul3A_370, %add3A_371 : i32
        %add3A_373 = arith.constant 1 : i32
        %add3A_374 = arith.addi %add3A_372, %add3A_373 : i32
        %get3A_375 = arith.index_cast %add3A_374 : i32 to index
        %get3A_376 = tpu.vector_load %arg6[%get3A_375] {strides = array<i32>} : memref<16400xf32, #tpu.memory_space<vmem>>, vector<16xf32>,
        %add3A_377 = arith.constant 5 : i32
        %add3A_378 = arith.addi %mul3A_185, %add3A_377 : i32
        %add3A_379 = vector.broadcast %add3A_378 : i32 to vector<16xi32>
        %add3A_380 = arith.addi %mul3A_43, %add3A_379 : vector<16xi32>
        tpu.vector_store_idx %arg7[%add3A_380], %get3A_376 : memref<8192xf32, #tpu.memory_space<vmem>>[vector<16xi32>], vector<16xf32>,
        %add3A_381 = arith.constant 1 : i32
        %add3A_382 = arith.addi %scan3A_182, %add3A_381 : i32
        %mul3A_383 = arith.constant 128 : i32
        %mul3A_384 = arith.muli %add3A_382, %mul3A_383 : i32
        %add3A_385 = arith.constant 16 : i32
        %add3A_386 = arith.addi %mul3A_384, %add3A_385 : i32
        %add3A_387 = arith.constant 0 : i32
        %add3A_388 = arith.addi %add3A_386, %add3A_387 : i32
        %get3A_389 = arith.index_cast %add3A_388 : i32 to index
        %get3A_390 = tpu.vector_load %arg6[%get3A_389] {strides = array<i32>} : memref<16400xf32, #tpu.memory_space<vmem>>, vector<16xf32>,
        %add3A_391 = arith.constant 6 : i32
        %add3A_392 = arith.addi %mul3A_185, %add3A_391 : i32
        %add3A_393 = vector.broadcast %add3A_392 : i32 to vector<16xi32>
        %add3A_394 = arith.addi %mul3A_43, %add3A_393 : vector<16xi32>
        tpu.vector_store_idx %arg7[%add3A_394], %get3A_390 : memref<8192xf32, #tpu.memory_space<vmem>>[vector<16xi32>], vector<16xf32>,
        %add3A_395 = arith.constant 1 : i32
        %add3A_396 = arith.addi %scan3A_182, %add3A_395 : i32
        %mul3A_397 = arith.constant 128 : i32
        %mul3A_398 = arith.muli %add3A_396, %mul3A_397 : i32
        %add3A_399 = arith.constant 16 : i32
        %add3A_400 = arith.addi %mul3A_398, %add3A_399 : i32
        %add3A_401 = arith.constant 1 : i32
        %add3A_402 = arith.addi %add3A_400, %add3A_401 : i32
        %get3A_403 = arith.index_cast %add3A_402 : i32 to index
        %get3A_404 = tpu.vector_load %arg6[%get3A_403] {strides = array<i32>} : memref<16400xf32, #tpu.memory_space<vmem>>, vector<16xf32>,
        %add3A_405 = arith.constant 7 : i32
        %add3A_406 = arith.addi %mul3A_185, %add3A_405 : i32
        %add3A_407 = vector.broadcast %add3A_406 : i32 to vector<16xi32>
        %add3A_408 = arith.addi %mul3A_43, %add3A_407 : vector<16xi32>
        tpu.vector_store_idx %arg7[%add3A_408], %get3A_404 : memref<8192xf32, #tpu.memory_space<vmem>>[vector<16xi32>], vector<16xf32>,
        %add3A_409 = arith.constant 0 : i32
        %add3A_410 = arith.addi %scan3A_182, %add3A_409 : i32
        %mul3A_411 = arith.constant 128 : i32
        %mul3A_412 = arith.muli %add3A_410, %mul3A_411 : i32
        %add3A_413 = arith.constant 32 : i32
        %add3A_414 = arith.addi %mul3A_412, %add3A_413 : i32
        %add3A_415 = arith.constant 0 : i32
        %add3A_416 = arith.addi %add3A_414, %add3A_415 : i32
        %get3A_417 = arith.index_cast %add3A_416 : i32 to index
        %get3A_418 = tpu.vector_load %arg5[%get3A_417] {strides = array<i32>} : memref<16400xf32, #tpu.memory_space<vmem>>, vector<16xf32>,
        %add3A_419 = arith.constant 0 : i32
        %add3A_420 = arith.addi %mul3A_185, %add3A_419 : i32
        %add3A_421 = vector.broadcast %add3A_420 : i32 to vector<16xi32>
        %add3A_422 = arith.addi %mul3A_49, %add3A_421 : vector<16xi32>
        tpu.vector_store_idx %arg7[%add3A_422], %get3A_418 : memref<8192xf32, #tpu.memory_space<vmem>>[vector<16xi32>], vector<16xf32>,
        %add3A_423 = arith.constant 0 : i32
        %add3A_424 = arith.addi %scan3A_182, %add3A_423 : i32
        %mul3A_425 = arith.constant 128 : i32
        %mul3A_426 = arith.muli %add3A_424, %mul3A_425 : i32
        %add3A_427 = arith.constant 32 : i32
        %add3A_428 = arith.addi %mul3A_426, %add3A_427 : i32
        %add3A_429 = arith.constant 1 : i32
        %add3A_430 = arith.addi %add3A_428, %add3A_429 : i32
        %get3A_431 = arith.index_cast %add3A_430 : i32 to index
        %get3A_432 = tpu.vector_load %arg5[%get3A_431] {strides = array<i32>} : memref<16400xf32, #tpu.memory_space<vmem>>, vector<16xf32>,
        %add3A_433 = arith.constant 1 : i32
        %add3A_434 = arith.addi %mul3A_185, %add3A_433 : i32
        %add3A_435 = vector.broadcast %add3A_434 : i32 to vector<16xi32>
        %add3A_436 = arith.addi %mul3A_49, %add3A_435 : vector<16xi32>
        tpu.vector_store_idx %arg7[%add3A_436], %get3A_432 : memref<8192xf32, #tpu.memory_space<vmem>>[vector<16xi32>], vector<16xf32>,
        %add3A_437 = arith.constant 1 : i32
        %add3A_438 = arith.addi %scan3A_182, %add3A_437 : i32
        %mul3A_439 = arith.constant 128 : i32
        %mul3A_440 = arith.muli %add3A_438, %mul3A_439 : i32
        %add3A_441 = arith.constant 32 : i32
        %add3A_442 = arith.addi %mul3A_440, %add3A_441 : i32
        %add3A_443 = arith.constant 0 : i32
        %add3A_444 = arith.addi %add3A_442, %add3A_443 : i32
        %get3A_445 = arith.index_cast %add3A_444 : i32 to index
        %get3A_446 = tpu.vector_load %arg5[%get3A_445] {strides = array<i32>} : memref<16400xf32, #tpu.memory_space<vmem>>, vector<16xf32>,
        %add3A_447 = arith.constant 2 : i32
        %add3A_448 = arith.addi %mul3A_185, %add3A_447 : i32
        %add3A_449 = vector.broadcast %add3A_448 : i32 to vector<16xi32>
        %add3A_450 = arith.addi %mul3A_49, %add3A_449 : vector<16xi32>
        tpu.vector_store_idx %arg7[%add3A_450], %get3A_446 : memref<8192xf32, #tpu.memory_space<vmem>>[vector<16xi32>], vector<16xf32>,
        %add3A_451 = arith.constant 1 : i32
        %add3A_452 = arith.addi %scan3A_182, %add3A_451 : i32
        %mul3A_453 = arith.constant 128 : i32
        %mul3A_454 = arith.muli %add3A_452, %mul3A_453 : i32
        %add3A_455 = arith.constant 32 : i32
        %add3A_456 = arith.addi %mul3A_454, %add3A_455 : i32
        %add3A_457 = arith.constant 1 : i32
        %add3A_458 = arith.addi %add3A_456, %add3A_457 : i32
        %get3A_459 = arith.index_cast %add3A_458 : i32 to index
        %get3A_460 = tpu.vector_load %arg5[%get3A_459] {strides = array<i32>} : memref<16400xf32, #tpu.memory_space<vmem>>, vector<16xf32>,
        %add3A_461 = arith.constant 3 : i32
        %add3A_462 = arith.addi %mul3A_185, %add3A_461 : i32
        %add3A_463 = vector.broadcast %add3A_462 : i32 to vector<16xi32>
        %add3A_464 = arith.addi %mul3A_49, %add3A_463 : vector<16xi32>
        tpu.vector_store_idx %arg7[%add3A_464], %get3A_460 : memref<8192xf32, #tpu.memory_space<vmem>>[vector<16xi32>], vector<16xf32>,
        %add3A_465 = arith.constant 0 : i32
        %add3A_466 = arith.addi %scan3A_182, %add3A_465 : i32
        %mul3A_467 = arith.constant 128 : i32
        %mul3A_468 = arith.muli %add3A_466, %mul3A_467 : i32
        %add3A_469 = arith.constant 32 : i32
        %add3A_470 = arith.addi %mul3A_468, %add3A_469 : i32
        %add3A_471 = arith.constant 0 : i32
        %add3A_472 = arith.addi %add3A_470, %add3A_471 : i32
        %get3A_473 = arith.index_cast %add3A_472 : i32 to index
        %get3A_474 = tpu.vector_load %arg6[%get3A_473] {strides = array<i32>} : memref<16400xf32, #tpu.memory_space<vmem>>, vector<16xf32>,
        %add3A_475 = arith.constant 4 : i32
        %add3A_476 = arith.addi %mul3A_185, %add3A_475 : i32
        %add3A_477 = vector.broadcast %add3A_476 : i32 to vector<16xi32>
        %add3A_478 = arith.addi %mul3A_49, %add3A_477 : vector<16xi32>
        tpu.vector_store_idx %arg7[%add3A_478], %get3A_474 : memref<8192xf32, #tpu.memory_space<vmem>>[vector<16xi32>], vector<16xf32>,
        %add3A_479 = arith.constant 0 : i32
        %add3A_480 = arith.addi %scan3A_182, %add3A_479 : i32
        %mul3A_481 = arith.constant 128 : i32
        %mul3A_482 = arith.muli %add3A_480, %mul3A_481 : i32
        %add3A_483 = arith.constant 32 : i32
        %add3A_484 = arith.addi %mul3A_482, %add3A_483 : i32
        %add3A_485 = arith.constant 1 : i32
        %add3A_486 = arith.addi %add3A_484, %add3A_485 : i32
        %get3A_487 = arith.index_cast %add3A_486 : i32 to index
        %get3A_488 = tpu.vector_load %arg6[%get3A_487] {strides = array<i32>} : memref<16400xf32, #tpu.memory_space<vmem>>, vector<16xf32>,
        %add3A_489 = arith.constant 5 : i32
        %add3A_490 = arith.addi %mul3A_185, %add3A_489 : i32
        %add3A_491 = vector.broadcast %add3A_490 : i32 to vector<16xi32>
        %add3A_492 = arith.addi %mul3A_49, %add3A_491 : vector<16xi32>
        tpu.vector_store_idx %arg7[%add3A_492], %get3A_488 : memref<8192xf32, #tpu.memory_space<vmem>>[vector<16xi32>], vector<16xf32>,
        %add3A_493 = arith.constant 1 : i32
        %add3A_494 = arith.addi %scan3A_182, %add3A_493 : i32
        %mul3A_495 = arith.constant 128 : i32
        %mul3A_496 = arith.muli %add3A_494, %mul3A_495 : i32
        %add3A_497 = arith.constant 32 : i32
        %add3A_498 = arith.addi %mul3A_496, %add3A_497 : i32
        %add3A_499 = arith.constant 0 : i32
        %add3A_500 = arith.addi %add3A_498, %add3A_499 : i32
        %get3A_501 = arith.index_cast %add3A_500 : i32 to index
        %get3A_502 = tpu.vector_load %arg6[%get3A_501] {strides = array<i32>} : memref<16400xf32, #tpu.memory_space<vmem>>, vector<16xf32>,
        %add3A_503 = arith.constant 6 : i32
        %add3A_504 = arith.addi %mul3A_185, %add3A_503 : i32
        %add3A_505 = vector.broadcast %add3A_504 : i32 to vector<16xi32>
        %add3A_506 = arith.addi %mul3A_49, %add3A_505 : vector<16xi32>
        tpu.vector_store_idx %arg7[%add3A_506], %get3A_502 : memref<8192xf32, #tpu.memory_space<vmem>>[vector<16xi32>], vector<16xf32>,
        %add3A_507 = arith.constant 1 : i32
        %add3A_508 = arith.addi %scan3A_182, %add3A_507 : i32
        %mul3A_509 = arith.constant 128 : i32
        %mul3A_510 = arith.muli %add3A_508, %mul3A_509 : i32
        %add3A_511 = arith.constant 32 : i32
        %add3A_512 = arith.addi %mul3A_510, %add3A_511 : i32
        %add3A_513 = arith.constant 1 : i32
        %add3A_514 = arith.addi %add3A_512, %add3A_513 : i32
        %get3A_515 = arith.index_cast %add3A_514 : i32 to index
        %get3A_516 = tpu.vector_load %arg6[%get3A_515] {strides = array<i32>} : memref<16400xf32, #tpu.memory_space<vmem>>, vector<16xf32>,
        %add3A_517 = arith.constant 7 : i32
        %add3A_518 = arith.addi %mul3A_185, %add3A_517 : i32
        %add3A_519 = vector.broadcast %add3A_518 : i32 to vector<16xi32>
        %add3A_520 = arith.addi %mul3A_49, %add3A_519 : vector<16xi32>
        tpu.vector_store_idx %arg7[%add3A_520], %get3A_516 : memref<8192xf32, #tpu.memory_space<vmem>>[vector<16xi32>], vector<16xf32>,
        %add3A_521 = arith.constant 0 : i32
        %add3A_522 = arith.addi %scan3A_182, %add3A_521 : i32
        %mul3A_523 = arith.constant 128 : i32
        %mul3A_524 = arith.muli %add3A_522, %mul3A_523 : i32
        %add3A_525 = arith.constant 48 : i32
        %add3A_526 = arith.addi %mul3A_524, %add3A_525 : i32
        %add3A_527 = arith.constant 0 : i32
        %add3A_528 = arith.addi %add3A_526, %add3A_527 : i32
        %get3A_529 = arith.index_cast %add3A_528 : i32 to index
        %get3A_530 = tpu.vector_load %arg5[%get3A_529] {strides = array<i32>} : memref<16400xf32, #tpu.memory_space<vmem>>, vector<16xf32>,
        %add3A_531 = arith.constant 0 : i32
        %add3A_532 = arith.addi %mul3A_185, %add3A_531 : i32
        %add3A_533 = vector.broadcast %add3A_532 : i32 to vector<16xi32>
        %add3A_534 = arith.addi %mul3A_55, %add3A_533 : vector<16xi32>
        tpu.vector_store_idx %arg7[%add3A_534], %get3A_530 : memref<8192xf32, #tpu.memory_space<vmem>>[vector<16xi32>], vector<16xf32>,
        %add3A_535 = arith.constant 0 : i32
        %add3A_536 = arith.addi %scan3A_182, %add3A_535 : i32
        %mul3A_537 = arith.constant 128 : i32
        %mul3A_538 = arith.muli %add3A_536, %mul3A_537 : i32
        %add3A_539 = arith.constant 48 : i32
        %add3A_540 = arith.addi %mul3A_538, %add3A_539 : i32
        %add3A_541 = arith.constant 1 : i32
        %add3A_542 = arith.addi %add3A_540, %add3A_541 : i32
        %get3A_543 = arith.index_cast %add3A_542 : i32 to index
        %get3A_544 = tpu.vector_load %arg5[%get3A_543] {strides = array<i32>} : memref<16400xf32, #tpu.memory_space<vmem>>, vector<16xf32>,
        %add3A_545 = arith.constant 1 : i32
        %add3A_546 = arith.addi %mul3A_185, %add3A_545 : i32
        %add3A_547 = vector.broadcast %add3A_546 : i32 to vector<16xi32>
        %add3A_548 = arith.addi %mul3A_55, %add3A_547 : vector<16xi32>
        tpu.vector_store_idx %arg7[%add3A_548], %get3A_544 : memref<8192xf32, #tpu.memory_space<vmem>>[vector<16xi32>], vector<16xf32>,
        %add3A_549 = arith.constant 1 : i32
        %add3A_550 = arith.addi %scan3A_182, %add3A_549 : i32
        %mul3A_551 = arith.constant 128 : i32
        %mul3A_552 = arith.muli %add3A_550, %mul3A_551 : i32
        %add3A_553 = arith.constant 48 : i32
        %add3A_554 = arith.addi %mul3A_552, %add3A_553 : i32
        %add3A_555 = arith.constant 0 : i32
        %add3A_556 = arith.addi %add3A_554, %add3A_555 : i32
        %get3A_557 = arith.index_cast %add3A_556 : i32 to index
        %get3A_558 = tpu.vector_load %arg5[%get3A_557] {strides = array<i32>} : memref<16400xf32, #tpu.memory_space<vmem>>, vector<16xf32>,
        %add3A_559 = arith.constant 2 : i32
        %add3A_560 = arith.addi %mul3A_185, %add3A_559 : i32
        %add3A_561 = vector.broadcast %add3A_560 : i32 to vector<16xi32>
        %add3A_562 = arith.addi %mul3A_55, %add3A_561 : vector<16xi32>
        tpu.vector_store_idx %arg7[%add3A_562], %get3A_558 : memref<8192xf32, #tpu.memory_space<vmem>>[vector<16xi32>], vector<16xf32>,
        %add3A_563 = arith.constant 1 : i32
        %add3A_564 = arith.addi %scan3A_182, %add3A_563 : i32
        %mul3A_565 = arith.constant 128 : i32
        %mul3A_566 = arith.muli %add3A_564, %mul3A_565 : i32
        %add3A_567 = arith.constant 48 : i32
        %add3A_568 = arith.addi %mul3A_566, %add3A_567 : i32
        %add3A_569 = arith.constant 1 : i32
        %add3A_570 = arith.addi %add3A_568, %add3A_569 : i32
        %get3A_571 = arith.index_cast %add3A_570 : i32 to index
        %get3A_572 = tpu.vector_load %arg5[%get3A_571] {strides = array<i32>} : memref<16400xf32, #tpu.memory_space<vmem>>, vector<16xf32>,
        %add3A_573 = arith.constant 3 : i32
        %add3A_574 = arith.addi %mul3A_185, %add3A_573 : i32
        %add3A_575 = vector.broadcast %add3A_574 : i32 to vector<16xi32>
        %add3A_576 = arith.addi %mul3A_55, %add3A_575 : vector<16xi32>
        tpu.vector_store_idx %arg7[%add3A_576], %get3A_572 : memref<8192xf32, #tpu.memory_space<vmem>>[vector<16xi32>], vector<16xf32>,
        %add3A_577 = arith.constant 0 : i32
        %add3A_578 = arith.addi %scan3A_182, %add3A_577 : i32
        %mul3A_579 = arith.constant 128 : i32
        %mul3A_580 = arith.muli %add3A_578, %mul3A_579 : i32
        %add3A_581 = arith.constant 48 : i32
        %add3A_582 = arith.addi %mul3A_580, %add3A_581 : i32
        %add3A_583 = arith.constant 0 : i32
        %add3A_584 = arith.addi %add3A_582, %add3A_583 : i32
        %get3A_585 = arith.index_cast %add3A_584 : i32 to index
        %get3A_586 = tpu.vector_load %arg6[%get3A_585] {strides = array<i32>} : memref<16400xf32, #tpu.memory_space<vmem>>, vector<16xf32>,
        %add3A_587 = arith.constant 4 : i32
        %add3A_588 = arith.addi %mul3A_185, %add3A_587 : i32
        %add3A_589 = vector.broadcast %add3A_588 : i32 to vector<16xi32>
        %add3A_590 = arith.addi %mul3A_55, %add3A_589 : vector<16xi32>
        tpu.vector_store_idx %arg7[%add3A_590], %get3A_586 : memref<8192xf32, #tpu.memory_space<vmem>>[vector<16xi32>], vector<16xf32>,
        %add3A_591 = arith.constant 0 : i32
        %add3A_592 = arith.addi %scan3A_182, %add3A_591 : i32
        %mul3A_593 = arith.constant 128 : i32
        %mul3A_594 = arith.muli %add3A_592, %mul3A_593 : i32
        %add3A_595 = arith.constant 48 : i32
        %add3A_596 = arith.addi %mul3A_594, %add3A_595 : i32
        %add3A_597 = arith.constant 1 : i32
        %add3A_598 = arith.addi %add3A_596, %add3A_597 : i32
        %get3A_599 = arith.index_cast %add3A_598 : i32 to index
        %get3A_600 = tpu.vector_load %arg6[%get3A_599] {strides = array<i32>} : memref<16400xf32, #tpu.memory_space<vmem>>, vector<16xf32>,
        %add3A_601 = arith.constant 5 : i32
        %add3A_602 = arith.addi %mul3A_185, %add3A_601 : i32
        %add3A_603 = vector.broadcast %add3A_602 : i32 to vector<16xi32>
        %add3A_604 = arith.addi %mul3A_55, %add3A_603 : vector<16xi32>
        tpu.vector_store_idx %arg7[%add3A_604], %get3A_600 : memref<8192xf32, #tpu.memory_space<vmem>>[vector<16xi32>], vector<16xf32>,
        %add3A_605 = arith.constant 1 : i32
        %add3A_606 = arith.addi %scan3A_182, %add3A_605 : i32
        %mul3A_607 = arith.constant 128 : i32
        %mul3A_608 = arith.muli %add3A_606, %mul3A_607 : i32
        %add3A_609 = arith.constant 48 : i32
        %add3A_610 = arith.addi %mul3A_608, %add3A_609 : i32
        %add3A_611 = arith.constant 0 : i32
        %add3A_612 = arith.addi %add3A_610, %add3A_611 : i32
        %get3A_613 = arith.index_cast %add3A_612 : i32 to index
        %get3A_614 = tpu.vector_load %arg6[%get3A_613] {strides = array<i32>} : memref<16400xf32, #tpu.memory_space<vmem>>, vector<16xf32>,
        %add3A_615 = arith.constant 6 : i32
        %add3A_616 = arith.addi %mul3A_185, %add3A_615 : i32
        %add3A_617 = vector.broadcast %add3A_616 : i32 to vector<16xi32>
        %add3A_618 = arith.addi %mul3A_55, %add3A_617 : vector<16xi32>
        tpu.vector_store_idx %arg7[%add3A_618], %get3A_614 : memref<8192xf32, #tpu.memory_space<vmem>>[vector<16xi32>], vector<16xf32>,
        %add3A_619 = arith.constant 1 : i32
        %add3A_620 = arith.addi %scan3A_182, %add3A_619 : i32
        %mul3A_621 = arith.constant 128 : i32
        %mul3A_622 = arith.muli %add3A_620, %mul3A_621 : i32
        %add3A_623 = arith.constant 48 : i32
        %add3A_624 = arith.addi %mul3A_622, %add3A_623 : i32
        %add3A_625 = arith.constant 1 : i32
        %add3A_626 = arith.addi %add3A_624, %add3A_625 : i32
        %get3A_627 = arith.index_cast %add3A_626 : i32 to index
        %get3A_628 = tpu.vector_load %arg6[%get3A_627] {strides = array<i32>} : memref<16400xf32, #tpu.memory_space<vmem>>, vector<16xf32>,
        %add3A_629 = arith.constant 7 : i32
        %add3A_630 = arith.addi %mul3A_185, %add3A_629 : i32
        %add3A_631 = vector.broadcast %add3A_630 : i32 to vector<16xi32>
        %add3A_632 = arith.addi %mul3A_55, %add3A_631 : vector<16xi32>
        tpu.vector_store_idx %arg7[%add3A_632], %get3A_628 : memref<8192xf32, #tpu.memory_space<vmem>>[vector<16xi32>], vector<16xf32>,
        %add3A_633 = arith.constant 0 : i32
        %add3A_634 = arith.addi %scan3A_182, %add3A_633 : i32
        %mul3A_635 = arith.constant 128 : i32
        %mul3A_636 = arith.muli %add3A_634, %mul3A_635 : i32
        %add3A_637 = arith.constant 64 : i32
        %add3A_638 = arith.addi %mul3A_636, %add3A_637 : i32
        %add3A_639 = arith.constant 0 : i32
        %add3A_640 = arith.addi %add3A_638, %add3A_639 : i32
        %get3A_641 = arith.index_cast %add3A_640 : i32 to index
        %get3A_642 = tpu.vector_load %arg5[%get3A_641] {strides = array<i32>} : memref<16400xf32, #tpu.memory_space<vmem>>, vector<16xf32>,
        %add3A_643 = arith.constant 0 : i32
        %add3A_644 = arith.addi %mul3A_185, %add3A_643 : i32
        %add3A_645 = vector.broadcast %add3A_644 : i32 to vector<16xi32>
        %add3A_646 = arith.addi %mul3A_61, %add3A_645 : vector<16xi32>
        tpu.vector_store_idx %arg7[%add3A_646], %get3A_642 : memref<8192xf32, #tpu.memory_space<vmem>>[vector<16xi32>], vector<16xf32>,
        %add3A_647 = arith.constant 0 : i32
        %add3A_648 = arith.addi %scan3A_182, %add3A_647 : i32
        %mul3A_649 = arith.constant 128 : i32
        %mul3A_650 = arith.muli %add3A_648, %mul3A_649 : i32
        %add3A_651 = arith.constant 64 : i32
        %add3A_652 = arith.addi %mul3A_650, %add3A_651 : i32
        %add3A_653 = arith.constant 1 : i32
        %add3A_654 = arith.addi %add3A_652, %add3A_653 : i32
        %get3A_655 = arith.index_cast %add3A_654 : i32 to index
        %get3A_656 = tpu.vector_load %arg5[%get3A_655] {strides = array<i32>} : memref<16400xf32, #tpu.memory_space<vmem>>, vector<16xf32>,
        %add3A_657 = arith.constant 1 : i32
        %add3A_658 = arith.addi %mul3A_185, %add3A_657 : i32
        %add3A_659 = vector.broadcast %add3A_658 : i32 to vector<16xi32>
        %add3A_660 = arith.addi %mul3A_61, %add3A_659 : vector<16xi32>
        tpu.vector_store_idx %arg7[%add3A_660], %get3A_656 : memref<8192xf32, #tpu.memory_space<vmem>>[vector<16xi32>], vector<16xf32>,
        %add3A_661 = arith.constant 1 : i32
        %add3A_662 = arith.addi %scan3A_182, %add3A_661 : i32
        %mul3A_663 = arith.constant 128 : i32
        %mul3A_664 = arith.muli %add3A_662, %mul3A_663 : i32
        %add3A_665 = arith.constant 64 : i32
        %add3A_666 = arith.addi %mul3A_664, %add3A_665 : i32
        %add3A_667 = arith.constant 0 : i32
        %add3A_668 = arith.addi %add3A_666, %add3A_667 : i32
        %get3A_669 = arith.index_cast %add3A_668 : i32 to index
        %get3A_670 = tpu.vector_load %arg5[%get3A_669] {strides = array<i32>} : memref<16400xf32, #tpu.memory_space<vmem>>, vector<16xf32>,
        %add3A_671 = arith.constant 2 : i32
        %add3A_672 = arith.addi %mul3A_185, %add3A_671 : i32
        %add3A_673 = vector.broadcast %add3A_672 : i32 to vector<16xi32>
        %add3A_674 = arith.addi %mul3A_61, %add3A_673 : vector<16xi32>
        tpu.vector_store_idx %arg7[%add3A_674], %get3A_670 : memref<8192xf32, #tpu.memory_space<vmem>>[vector<16xi32>], vector<16xf32>,
        %add3A_675 = arith.constant 1 : i32
        %add3A_676 = arith.addi %scan3A_182, %add3A_675 : i32
        %mul3A_677 = arith.constant 128 : i32
        %mul3A_678 = arith.muli %add3A_676, %mul3A_677 : i32
        %add3A_679 = arith.constant 64 : i32
        %add3A_680 = arith.addi %mul3A_678, %add3A_679 : i32
        %add3A_681 = arith.constant 1 : i32
        %add3A_682 = arith.addi %add3A_680, %add3A_681 : i32
        %get3A_683 = arith.index_cast %add3A_682 : i32 to index
        %get3A_684 = tpu.vector_load %arg5[%get3A_683] {strides = array<i32>} : memref<16400xf32, #tpu.memory_space<vmem>>, vector<16xf32>,
        %add3A_685 = arith.constant 3 : i32
        %add3A_686 = arith.addi %mul3A_185, %add3A_685 : i32
        %add3A_687 = vector.broadcast %add3A_686 : i32 to vector<16xi32>
        %add3A_688 = arith.addi %mul3A_61, %add3A_687 : vector<16xi32>
        tpu.vector_store_idx %arg7[%add3A_688], %get3A_684 : memref<8192xf32, #tpu.memory_space<vmem>>[vector<16xi32>], vector<16xf32>,
        %add3A_689 = arith.constant 0 : i32
        %add3A_690 = arith.addi %scan3A_182, %add3A_689 : i32
        %mul3A_691 = arith.constant 128 : i32
        %mul3A_692 = arith.muli %add3A_690, %mul3A_691 : i32
        %add3A_693 = arith.constant 64 : i32
        %add3A_694 = arith.addi %mul3A_692, %add3A_693 : i32
        %add3A_695 = arith.constant 0 : i32
        %add3A_696 = arith.addi %add3A_694, %add3A_695 : i32
        %get3A_697 = arith.index_cast %add3A_696 : i32 to index
        %get3A_698 = tpu.vector_load %arg6[%get3A_697] {strides = array<i32>} : memref<16400xf32, #tpu.memory_space<vmem>>, vector<16xf32>,
        %add3A_699 = arith.constant 4 : i32
        %add3A_700 = arith.addi %mul3A_185, %add3A_699 : i32
        %add3A_701 = vector.broadcast %add3A_700 : i32 to vector<16xi32>
        %add3A_702 = arith.addi %mul3A_61, %add3A_701 : vector<16xi32>
        tpu.vector_store_idx %arg7[%add3A_702], %get3A_698 : memref<8192xf32, #tpu.memory_space<vmem>>[vector<16xi32>], vector<16xf32>,
        %add3A_703 = arith.constant 0 : i32
        %add3A_704 = arith.addi %scan3A_182, %add3A_703 : i32
        %mul3A_705 = arith.constant 128 : i32
        %mul3A_706 = arith.muli %add3A_704, %mul3A_705 : i32
        %add3A_707 = arith.constant 64 : i32
        %add3A_708 = arith.addi %mul3A_706, %add3A_707 : i32
        %add3A_709 = arith.constant 1 : i32
        %add3A_710 = arith.addi %add3A_708, %add3A_709 : i32
        %get3A_711 = arith.index_cast %add3A_710 : i32 to index
        %get3A_712 = tpu.vector_load %arg6[%get3A_711] {strides = array<i32>} : memref<16400xf32, #tpu.memory_space<vmem>>, vector<16xf32>,
        %add3A_713 = arith.constant 5 : i32
        %add3A_714 = arith.addi %mul3A_185, %add3A_713 : i32
        %add3A_715 = vector.broadcast %add3A_714 : i32 to vector<16xi32>
        %add3A_716 = arith.addi %mul3A_61, %add3A_715 : vector<16xi32>
        tpu.vector_store_idx %arg7[%add3A_716], %get3A_712 : memref<8192xf32, #tpu.memory_space<vmem>>[vector<16xi32>], vector<16xf32>,
        %add3A_717 = arith.constant 1 : i32
        %add3A_718 = arith.addi %scan3A_182, %add3A_717 : i32
        %mul3A_719 = arith.constant 128 : i32
        %mul3A_720 = arith.muli %add3A_718, %mul3A_719 : i32
        %add3A_721 = arith.constant 64 : i32
        %add3A_722 = arith.addi %mul3A_720, %add3A_721 : i32
        %add3A_723 = arith.constant 0 : i32
        %add3A_724 = arith.addi %add3A_722, %add3A_723 : i32
        %get3A_725 = arith.index_cast %add3A_724 : i32 to index
        %get3A_726 = tpu.vector_load %arg6[%get3A_725] {strides = array<i32>} : memref<16400xf32, #tpu.memory_space<vmem>>, vector<16xf32>,
        %add3A_727 = arith.constant 6 : i32
        %add3A_728 = arith.addi %mul3A_185, %add3A_727 : i32
        %add3A_729 = vector.broadcast %add3A_728 : i32 to vector<16xi32>
        %add3A_730 = arith.addi %mul3A_61, %add3A_729 : vector<16xi32>
        tpu.vector_store_idx %arg7[%add3A_730], %get3A_726 : memref<8192xf32, #tpu.memory_space<vmem>>[vector<16xi32>], vector<16xf32>,
        %add3A_731 = arith.constant 1 : i32
        %add3A_732 = arith.addi %scan3A_182, %add3A_731 : i32
        %mul3A_733 = arith.constant 128 : i32
        %mul3A_734 = arith.muli %add3A_732, %mul3A_733 : i32
        %add3A_735 = arith.constant 64 : i32
        %add3A_736 = arith.addi %mul3A_734, %add3A_735 : i32
        %add3A_737 = arith.constant 1 : i32
        %add3A_738 = arith.addi %add3A_736, %add3A_737 : i32
        %get3A_739 = arith.index_cast %add3A_738 : i32 to index
        %get3A_740 = tpu.vector_load %arg6[%get3A_739] {strides = array<i32>} : memref<16400xf32, #tpu.memory_space<vmem>>, vector<16xf32>,
        %add3A_741 = arith.constant 7 : i32
        %add3A_742 = arith.addi %mul3A_185, %add3A_741 : i32
        %add3A_743 = vector.broadcast %add3A_742 : i32 to vector<16xi32>
        %add3A_744 = arith.addi %mul3A_61, %add3A_743 : vector<16xi32>
        tpu.vector_store_idx %arg7[%add3A_744], %get3A_740 : memref<8192xf32, #tpu.memory_space<vmem>>[vector<16xi32>], vector<16xf32>,
        %add3A_745 = arith.constant 0 : i32
        %add3A_746 = arith.addi %scan3A_182, %add3A_745 : i32
        %mul3A_747 = arith.constant 128 : i32
        %mul3A_748 = arith.muli %add3A_746, %mul3A_747 : i32
        %add3A_749 = arith.constant 80 : i32
        %add3A_750 = arith.addi %mul3A_748, %add3A_749 : i32
        %add3A_751 = arith.constant 0 : i32
        %add3A_752 = arith.addi %add3A_750, %add3A_751 : i32
        %get3A_753 = arith.index_cast %add3A_752 : i32 to index
        %get3A_754 = tpu.vector_load %arg5[%get3A_753] {strides = array<i32>} : memref<16400xf32, #tpu.memory_space<vmem>>, vector<16xf32>,
        %add3A_755 = arith.constant 0 : i32
        %add3A_756 = arith.addi %mul3A_185, %add3A_755 : i32
        %add3A_757 = vector.broadcast %add3A_756 : i32 to vector<16xi32>
        %add3A_758 = arith.addi %mul3A_67, %add3A_757 : vector<16xi32>
        tpu.vector_store_idx %arg7[%add3A_758], %get3A_754 : memref<8192xf32, #tpu.memory_space<vmem>>[vector<16xi32>], vector<16xf32>,
        %add3A_759 = arith.constant 0 : i32
        %add3A_760 = arith.addi %scan3A_182, %add3A_759 : i32
        %mul3A_761 = arith.constant 128 : i32
        %mul3A_762 = arith.muli %add3A_760, %mul3A_761 : i32
        %add3A_763 = arith.constant 80 : i32
        %add3A_764 = arith.addi %mul3A_762, %add3A_763 : i32
        %add3A_765 = arith.constant 1 : i32
        %add3A_766 = arith.addi %add3A_764, %add3A_765 : i32
        %get3A_767 = arith.index_cast %add3A_766 : i32 to index
        %get3A_768 = tpu.vector_load %arg5[%get3A_767] {strides = array<i32>} : memref<16400xf32, #tpu.memory_space<vmem>>, vector<16xf32>,
        %add3A_769 = arith.constant 1 : i32
        %add3A_770 = arith.addi %mul3A_185, %add3A_769 : i32
        %add3A_771 = vector.broadcast %add3A_770 : i32 to vector<16xi32>
        %add3A_772 = arith.addi %mul3A_67, %add3A_771 : vector<16xi32>
        tpu.vector_store_idx %arg7[%add3A_772], %get3A_768 : memref<8192xf32, #tpu.memory_space<vmem>>[vector<16xi32>], vector<16xf32>,
        %add3A_773 = arith.constant 1 : i32
        %add3A_774 = arith.addi %scan3A_182, %add3A_773 : i32
        %mul3A_775 = arith.constant 128 : i32
        %mul3A_776 = arith.muli %add3A_774, %mul3A_775 : i32
        %add3A_777 = arith.constant 80 : i32
        %add3A_778 = arith.addi %mul3A_776, %add3A_777 : i32
        %add3A_779 = arith.constant 0 : i32
        %add3A_780 = arith.addi %add3A_778, %add3A_779 : i32
        %get3A_781 = arith.index_cast %add3A_780 : i32 to index
        %get3A_782 = tpu.vector_load %arg5[%get3A_781] {strides = array<i32>} : memref<16400xf32, #tpu.memory_space<vmem>>, vector<16xf32>,
        %add3A_783 = arith.constant 2 : i32
        %add3A_784 = arith.addi %mul3A_185, %add3A_783 : i32
        %add3A_785 = vector.broadcast %add3A_784 : i32 to vector<16xi32>
        %add3A_786 = arith.addi %mul3A_67, %add3A_785 : vector<16xi32>
        tpu.vector_store_idx %arg7[%add3A_786], %get3A_782 : memref<8192xf32, #tpu.memory_space<vmem>>[vector<16xi32>], vector<16xf32>,
        %add3A_787 = arith.constant 1 : i32
        %add3A_788 = arith.addi %scan3A_182, %add3A_787 : i32
        %mul3A_789 = arith.constant 128 : i32
        %mul3A_790 = arith.muli %add3A_788, %mul3A_789 : i32
        %add3A_791 = arith.constant 80 : i32
        %add3A_792 = arith.addi %mul3A_790, %add3A_791 : i32
        %add3A_793 = arith.constant 1 : i32
        %add3A_794 = arith.addi %add3A_792, %add3A_793 : i32
        %get3A_795 = arith.index_cast %add3A_794 : i32 to index
        %get3A_796 = tpu.vector_load %arg5[%get3A_795] {strides = array<i32>} : memref<16400xf32, #tpu.memory_space<vmem>>, vector<16xf32>,
        %add3A_797 = arith.constant 3 : i32
        %add3A_798 = arith.addi %mul3A_185, %add3A_797 : i32
        %add3A_799 = vector.broadcast %add3A_798 : i32 to vector<16xi32>
        %add3A_800 = arith.addi %mul3A_67, %add3A_799 : vector<16xi32>
        tpu.vector_store_idx %arg7[%add3A_800], %get3A_796 : memref<8192xf32, #tpu.memory_space<vmem>>[vector<16xi32>], vector<16xf32>,
        %add3A_801 = arith.constant 0 : i32
        %add3A_802 = arith.addi %scan3A_182, %add3A_801 : i32
        %mul3A_803 = arith.constant 128 : i32
        %mul3A_804 = arith.muli %add3A_802, %mul3A_803 : i32
        %add3A_805 = arith.constant 80 : i32
        %add3A_806 = arith.addi %mul3A_804, %add3A_805 : i32
        %add3A_807 = arith.constant 0 : i32
        %add3A_808 = arith.addi %add3A_806, %add3A_807 : i32
        %get3A_809 = arith.index_cast %add3A_808 : i32 to index
        %get3A_810 = tpu.vector_load %arg6[%get3A_809] {strides = array<i32>} : memref<16400xf32, #tpu.memory_space<vmem>>, vector<16xf32>,
        %add3A_811 = arith.constant 4 : i32
        %add3A_812 = arith.addi %mul3A_185, %add3A_811 : i32
        %add3A_813 = vector.broadcast %add3A_812 : i32 to vector<16xi32>
        %add3A_814 = arith.addi %mul3A_67, %add3A_813 : vector<16xi32>
        tpu.vector_store_idx %arg7[%add3A_814], %get3A_810 : memref<8192xf32, #tpu.memory_space<vmem>>[vector<16xi32>], vector<16xf32>,
        %add3A_815 = arith.constant 0 : i32
        %add3A_816 = arith.addi %scan3A_182, %add3A_815 : i32
        %mul3A_817 = arith.constant 128 : i32
        %mul3A_818 = arith.muli %add3A_816, %mul3A_817 : i32
        %add3A_819 = arith.constant 80 : i32
        %add3A_820 = arith.addi %mul3A_818, %add3A_819 : i32
        %add3A_821 = arith.constant 1 : i32
        %add3A_822 = arith.addi %add3A_820, %add3A_821 : i32
        %get3A_823 = arith.index_cast %add3A_822 : i32 to index
        %get3A_824 = tpu.vector_load %arg6[%get3A_823] {strides = array<i32>} : memref<16400xf32, #tpu.memory_space<vmem>>, vector<16xf32>,
        %add3A_825 = arith.constant 5 : i32
        %add3A_826 = arith.addi %mul3A_185, %add3A_825 : i32
        %add3A_827 = vector.broadcast %add3A_826 : i32 to vector<16xi32>
        %add3A_828 = arith.addi %mul3A_67, %add3A_827 : vector<16xi32>
        tpu.vector_store_idx %arg7[%add3A_828], %get3A_824 : memref<8192xf32, #tpu.memory_space<vmem>>[vector<16xi32>], vector<16xf32>,
        %add3A_829 = arith.constant 1 : i32
        %add3A_830 = arith.addi %scan3A_182, %add3A_829 : i32
        %mul3A_831 = arith.constant 128 : i32
        %mul3A_832 = arith.muli %add3A_830, %mul3A_831 : i32
        %add3A_833 = arith.constant 80 : i32
        %add3A_834 = arith.addi %mul3A_832, %add3A_833 : i32
        %add3A_835 = arith.constant 0 : i32
        %add3A_836 = arith.addi %add3A_834, %add3A_835 : i32
        %get3A_837 = arith.index_cast %add3A_836 : i32 to index
        %get3A_838 = tpu.vector_load %arg6[%get3A_837] {strides = array<i32>} : memref<16400xf32, #tpu.memory_space<vmem>>, vector<16xf32>,
        %add3A_839 = arith.constant 6 : i32
        %add3A_840 = arith.addi %mul3A_185, %add3A_839 : i32
        %add3A_841 = vector.broadcast %add3A_840 : i32 to vector<16xi32>
        %add3A_842 = arith.addi %mul3A_67, %add3A_841 : vector<16xi32>
        tpu.vector_store_idx %arg7[%add3A_842], %get3A_838 : memref<8192xf32, #tpu.memory_space<vmem>>[vector<16xi32>], vector<16xf32>,
        %add3A_843 = arith.constant 1 : i32
        %add3A_844 = arith.addi %scan3A_182, %add3A_843 : i32
        %mul3A_845 = arith.constant 128 : i32
        %mul3A_846 = arith.muli %add3A_844, %mul3A_845 : i32
        %add3A_847 = arith.constant 80 : i32
        %add3A_848 = arith.addi %mul3A_846, %add3A_847 : i32
        %add3A_849 = arith.constant 1 : i32
        %add3A_850 = arith.addi %add3A_848, %add3A_849 : i32
        %get3A_851 = arith.index_cast %add3A_850 : i32 to index
        %get3A_852 = tpu.vector_load %arg6[%get3A_851] {strides = array<i32>} : memref<16400xf32, #tpu.memory_space<vmem>>, vector<16xf32>,
        %add3A_853 = arith.constant 7 : i32
        %add3A_854 = arith.addi %mul3A_185, %add3A_853 : i32
        %add3A_855 = vector.broadcast %add3A_854 : i32 to vector<16xi32>
        %add3A_856 = arith.addi %mul3A_67, %add3A_855 : vector<16xi32>
        tpu.vector_store_idx %arg7[%add3A_856], %get3A_852 : memref<8192xf32, #tpu.memory_space<vmem>>[vector<16xi32>], vector<16xf32>,
        %add3A_857 = arith.constant 0 : i32
        %add3A_858 = arith.addi %scan3A_182, %add3A_857 : i32
        %mul3A_859 = arith.constant 128 : i32
        %mul3A_860 = arith.muli %add3A_858, %mul3A_859 : i32
        %add3A_861 = arith.constant 96 : i32
        %add3A_862 = arith.addi %mul3A_860, %add3A_861 : i32
        %add3A_863 = arith.constant 0 : i32
        %add3A_864 = arith.addi %add3A_862, %add3A_863 : i32
        %get3A_865 = arith.index_cast %add3A_864 : i32 to index
        %get3A_866 = tpu.vector_load %arg5[%get3A_865] {strides = array<i32>} : memref<16400xf32, #tpu.memory_space<vmem>>, vector<16xf32>,
        %add3A_867 = arith.constant 0 : i32
        %add3A_868 = arith.addi %mul3A_185, %add3A_867 : i32
        %add3A_869 = vector.broadcast %add3A_868 : i32 to vector<16xi32>
        %add3A_870 = arith.addi %mul3A_73, %add3A_869 : vector<16xi32>
        tpu.vector_store_idx %arg7[%add3A_870], %get3A_866 : memref<8192xf32, #tpu.memory_space<vmem>>[vector<16xi32>], vector<16xf32>,
        %add3A_871 = arith.constant 0 : i32
        %add3A_872 = arith.addi %scan3A_182, %add3A_871 : i32
        %mul3A_873 = arith.constant 128 : i32
        %mul3A_874 = arith.muli %add3A_872, %mul3A_873 : i32
        %add3A_875 = arith.constant 96 : i32
        %add3A_876 = arith.addi %mul3A_874, %add3A_875 : i32
        %add3A_877 = arith.constant 1 : i32
        %add3A_878 = arith.addi %add3A_876, %add3A_877 : i32
        %get3A_879 = arith.index_cast %add3A_878 : i32 to index
        %get3A_880 = tpu.vector_load %arg5[%get3A_879] {strides = array<i32>} : memref<16400xf32, #tpu.memory_space<vmem>>, vector<16xf32>,
        %add3A_881 = arith.constant 1 : i32
        %add3A_882 = arith.addi %mul3A_185, %add3A_881 : i32
        %add3A_883 = vector.broadcast %add3A_882 : i32 to vector<16xi32>
        %add3A_884 = arith.addi %mul3A_73, %add3A_883 : vector<16xi32>
        tpu.vector_store_idx %arg7[%add3A_884], %get3A_880 : memref<8192xf32, #tpu.memory_space<vmem>>[vector<16xi32>], vector<16xf32>,
        %add3A_885 = arith.constant 1 : i32
        %add3A_886 = arith.addi %scan3A_182, %add3A_885 : i32
        %mul3A_887 = arith.constant 128 : i32
        %mul3A_888 = arith.muli %add3A_886, %mul3A_887 : i32
        %add3A_889 = arith.constant 96 : i32
        %add3A_890 = arith.addi %mul3A_888, %add3A_889 : i32
        %add3A_891 = arith.constant 0 : i32
        %add3A_892 = arith.addi %add3A_890, %add3A_891 : i32
        %get3A_893 = arith.index_cast %add3A_892 : i32 to index
        %get3A_894 = tpu.vector_load %arg5[%get3A_893] {strides = array<i32>} : memref<16400xf32, #tpu.memory_space<vmem>>, vector<16xf32>,
        %add3A_895 = arith.constant 2 : i32
        %add3A_896 = arith.addi %mul3A_185, %add3A_895 : i32
        %add3A_897 = vector.broadcast %add3A_896 : i32 to vector<16xi32>
        %add3A_898 = arith.addi %mul3A_73, %add3A_897 : vector<16xi32>
        tpu.vector_store_idx %arg7[%add3A_898], %get3A_894 : memref<8192xf32, #tpu.memory_space<vmem>>[vector<16xi32>], vector<16xf32>,
        %add3A_899 = arith.constant 1 : i32
        %add3A_900 = arith.addi %scan3A_182, %add3A_899 : i32
        %mul3A_901 = arith.constant 128 : i32
        %mul3A_902 = arith.muli %add3A_900, %mul3A_901 : i32
        %add3A_903 = arith.constant 96 : i32
        %add3A_904 = arith.addi %mul3A_902, %add3A_903 : i32
        %add3A_905 = arith.constant 1 : i32
        %add3A_906 = arith.addi %add3A_904, %add3A_905 : i32
        %get3A_907 = arith.index_cast %add3A_906 : i32 to index
        %get3A_908 = tpu.vector_load %arg5[%get3A_907] {strides = array<i32>} : memref<16400xf32, #tpu.memory_space<vmem>>, vector<16xf32>,
        %add3A_909 = arith.constant 3 : i32
        %add3A_910 = arith.addi %mul3A_185, %add3A_909 : i32
        %add3A_911 = vector.broadcast %add3A_910 : i32 to vector<16xi32>
        %add3A_912 = arith.addi %mul3A_73, %add3A_911 : vector<16xi32>
        tpu.vector_store_idx %arg7[%add3A_912], %get3A_908 : memref<8192xf32, #tpu.memory_space<vmem>>[vector<16xi32>], vector<16xf32>,
        %add3A_913 = arith.constant 0 : i32
        %add3A_914 = arith.addi %scan3A_182, %add3A_913 : i32
        %mul3A_915 = arith.constant 128 : i32
        %mul3A_916 = arith.muli %add3A_914, %mul3A_915 : i32
        %add3A_917 = arith.constant 96 : i32
        %add3A_918 = arith.addi %mul3A_916, %add3A_917 : i32
        %add3A_919 = arith.constant 0 : i32
        %add3A_920 = arith.addi %add3A_918, %add3A_919 : i32
        %get3A_921 = arith.index_cast %add3A_920 : i32 to index
        %get3A_922 = tpu.vector_load %arg6[%get3A_921] {strides = array<i32>} : memref<16400xf32, #tpu.memory_space<vmem>>, vector<16xf32>,
        %add3A_923 = arith.constant 4 : i32
        %add3A_924 = arith.addi %mul3A_185, %add3A_923 : i32
        %add3A_925 = vector.broadcast %add3A_924 : i32 to vector<16xi32>
        %add3A_926 = arith.addi %mul3A_73, %add3A_925 : vector<16xi32>
        tpu.vector_store_idx %arg7[%add3A_926], %get3A_922 : memref<8192xf32, #tpu.memory_space<vmem>>[vector<16xi32>], vector<16xf32>,
        %add3A_927 = arith.constant 0 : i32
        %add3A_928 = arith.addi %scan3A_182, %add3A_927 : i32
        %mul3A_929 = arith.constant 128 : i32
        %mul3A_930 = arith.muli %add3A_928, %mul3A_929 : i32
        %add3A_931 = arith.constant 96 : i32
        %add3A_932 = arith.addi %mul3A_930, %add3A_931 : i32
        %add3A_933 = arith.constant 1 : i32
        %add3A_934 = arith.addi %add3A_932, %add3A_933 : i32
        %get3A_935 = arith.index_cast %add3A_934 : i32 to index
        %get3A_936 = tpu.vector_load %arg6[%get3A_935] {strides = array<i32>} : memref<16400xf32, #tpu.memory_space<vmem>>, vector<16xf32>,
        %add3A_937 = arith.constant 5 : i32
        %add3A_938 = arith.addi %mul3A_185, %add3A_937 : i32
        %add3A_939 = vector.broadcast %add3A_938 : i32 to vector<16xi32>
        %add3A_940 = arith.addi %mul3A_73, %add3A_939 : vector<16xi32>
        tpu.vector_store_idx %arg7[%add3A_940], %get3A_936 : memref<8192xf32, #tpu.memory_space<vmem>>[vector<16xi32>], vector<16xf32>,
        %add3A_941 = arith.constant 1 : i32
        %add3A_942 = arith.addi %scan3A_182, %add3A_941 : i32
        %mul3A_943 = arith.constant 128 : i32
        %mul3A_944 = arith.muli %add3A_942, %mul3A_943 : i32
        %add3A_945 = arith.constant 96 : i32
        %add3A_946 = arith.addi %mul3A_944, %add3A_945 : i32
        %add3A_947 = arith.constant 0 : i32
        %add3A_948 = arith.addi %add3A_946, %add3A_947 : i32
        %get3A_949 = arith.index_cast %add3A_948 : i32 to index
        %get3A_950 = tpu.vector_load %arg6[%get3A_949] {strides = array<i32>} : memref<16400xf32, #tpu.memory_space<vmem>>, vector<16xf32>,
        %add3A_951 = arith.constant 6 : i32
        %add3A_952 = arith.addi %mul3A_185, %add3A_951 : i32
        %add3A_953 = vector.broadcast %add3A_952 : i32 to vector<16xi32>
        %add3A_954 = arith.addi %mul3A_73, %add3A_953 : vector<16xi32>
        tpu.vector_store_idx %arg7[%add3A_954], %get3A_950 : memref<8192xf32, #tpu.memory_space<vmem>>[vector<16xi32>], vector<16xf32>,
        %add3A_955 = arith.constant 1 : i32
        %add3A_956 = arith.addi %scan3A_182, %add3A_955 : i32
        %mul3A_957 = arith.constant 128 : i32
        %mul3A_958 = arith.muli %add3A_956, %mul3A_957 : i32
        %add3A_959 = arith.constant 96 : i32
        %add3A_960 = arith.addi %mul3A_958, %add3A_959 : i32
        %add3A_961 = arith.constant 1 : i32
        %add3A_962 = arith.addi %add3A_960, %add3A_961 : i32
        %get3A_963 = arith.index_cast %add3A_962 : i32 to index
        %get3A_964 = tpu.vector_load %arg6[%get3A_963] {strides = array<i32>} : memref<16400xf32, #tpu.memory_space<vmem>>, vector<16xf32>,
        %add3A_965 = arith.constant 7 : i32
        %add3A_966 = arith.addi %mul3A_185, %add3A_965 : i32
        %add3A_967 = vector.broadcast %add3A_966 : i32 to vector<16xi32>
        %add3A_968 = arith.addi %mul3A_73, %add3A_967 : vector<16xi32>
        tpu.vector_store_idx %arg7[%add3A_968], %get3A_964 : memref<8192xf32, #tpu.memory_space<vmem>>[vector<16xi32>], vector<16xf32>,
        %add3A_969 = arith.constant 0 : i32
        %add3A_970 = arith.addi %scan3A_182, %add3A_969 : i32
        %mul3A_971 = arith.constant 128 : i32
        %mul3A_972 = arith.muli %add3A_970, %mul3A_971 : i32
        %add3A_973 = arith.constant 112 : i32
        %add3A_974 = arith.addi %mul3A_972, %add3A_973 : i32
        %add3A_975 = arith.constant 0 : i32
        %add3A_976 = arith.addi %add3A_974, %add3A_975 : i32
        %get3A_977 = arith.index_cast %add3A_976 : i32 to index
        %get3A_978 = tpu.vector_load %arg5[%get3A_977] {strides = array<i32>} : memref<16400xf32, #tpu.memory_space<vmem>>, vector<16xf32>,
        %add3A_979 = arith.constant 0 : i32
        %add3A_980 = arith.addi %mul3A_185, %add3A_979 : i32
        %add3A_981 = vector.broadcast %add3A_980 : i32 to vector<16xi32>
        %add3A_982 = arith.addi %mul3A_79, %add3A_981 : vector<16xi32>
        tpu.vector_store_idx %arg7[%add3A_982], %get3A_978 : memref<8192xf32, #tpu.memory_space<vmem>>[vector<16xi32>], vector<16xf32>,
        %add3A_983 = arith.constant 0 : i32
        %add3A_984 = arith.addi %scan3A_182, %add3A_983 : i32
        %mul3A_985 = arith.constant 128 : i32
        %mul3A_986 = arith.muli %add3A_984, %mul3A_985 : i32
        %add3A_987 = arith.constant 112 : i32
        %add3A_988 = arith.addi %mul3A_986, %add3A_987 : i32
        %add3A_989 = arith.constant 1 : i32
        %add3A_990 = arith.addi %add3A_988, %add3A_989 : i32
        %get3A_991 = arith.index_cast %add3A_990 : i32 to index
        %get3A_992 = tpu.vector_load %arg5[%get3A_991] {strides = array<i32>} : memref<16400xf32, #tpu.memory_space<vmem>>, vector<16xf32>,
        %add3A_993 = arith.constant 1 : i32
        %add3A_994 = arith.addi %mul3A_185, %add3A_993 : i32
        %add3A_995 = vector.broadcast %add3A_994 : i32 to vector<16xi32>
        %add3A_996 = arith.addi %mul3A_79, %add3A_995 : vector<16xi32>
        tpu.vector_store_idx %arg7[%add3A_996], %get3A_992 : memref<8192xf32, #tpu.memory_space<vmem>>[vector<16xi32>], vector<16xf32>,
        %add3A_997 = arith.constant 1 : i32
        %add3A_998 = arith.addi %scan3A_182, %add3A_997 : i32
        %mul3A_999 = arith.constant 128 : i32
        %mul3A_1000 = arith.muli %add3A_998, %mul3A_999 : i32
        %add3A_1001 = arith.constant 112 : i32
        %add3A_1002 = arith.addi %mul3A_1000, %add3A_1001 : i32
        %add3A_1003 = arith.constant 0 : i32
        %add3A_1004 = arith.addi %add3A_1002, %add3A_1003 : i32
        %get3A_1005 = arith.index_cast %add3A_1004 : i32 to index
        %get3A_1006 = tpu.vector_load %arg5[%get3A_1005] {strides = array<i32>} : memref<16400xf32, #tpu.memory_space<vmem>>, vector<16xf32>,
        %add3A_1007 = arith.constant 2 : i32
        %add3A_1008 = arith.addi %mul3A_185, %add3A_1007 : i32
        %add3A_1009 = vector.broadcast %add3A_1008 : i32 to vector<16xi32>
        %add3A_1010 = arith.addi %mul3A_79, %add3A_1009 : vector<16xi32>
        tpu.vector_store_idx %arg7[%add3A_1010], %get3A_1006 : memref<8192xf32, #tpu.memory_space<vmem>>[vector<16xi32>], vector<16xf32>,
        %add3A_1011 = arith.constant 1 : i32
        %add3A_1012 = arith.addi %scan3A_182, %add3A_1011 : i32
        %mul3A_1013 = arith.constant 128 : i32
        %mul3A_1014 = arith.muli %add3A_1012, %mul3A_1013 : i32
        %add3A_1015 = arith.constant 112 : i32
        %add3A_1016 = arith.addi %mul3A_1014, %add3A_1015 : i32
        %add3A_1017 = arith.constant 1 : i32
        %add3A_1018 = arith.addi %add3A_1016, %add3A_1017 : i32
        %get3A_1019 = arith.index_cast %add3A_1018 : i32 to index
        %get3A_1020 = tpu.vector_load %arg5[%get3A_1019] {strides = array<i32>} : memref<16400xf32, #tpu.memory_space<vmem>>, vector<16xf32>,
        %add3A_1021 = arith.constant 3 : i32
        %add3A_1022 = arith.addi %mul3A_185, %add3A_1021 : i32
        %add3A_1023 = vector.broadcast %add3A_1022 : i32 to vector<16xi32>
        %add3A_1024 = arith.addi %mul3A_79, %add3A_1023 : vector<16xi32>
        tpu.vector_store_idx %arg7[%add3A_1024], %get3A_1020 : memref<8192xf32, #tpu.memory_space<vmem>>[vector<16xi32>], vector<16xf32>,
        %add3A_1025 = arith.constant 0 : i32
        %add3A_1026 = arith.addi %scan3A_182, %add3A_1025 : i32
        %mul3A_1027 = arith.constant 128 : i32
        %mul3A_1028 = arith.muli %add3A_1026, %mul3A_1027 : i32
        %add3A_1029 = arith.constant 112 : i32
        %add3A_1030 = arith.addi %mul3A_1028, %add3A_1029 : i32
        %add3A_1031 = arith.constant 0 : i32
        %add3A_1032 = arith.addi %add3A_1030, %add3A_1031 : i32
        %get3A_1033 = arith.index_cast %add3A_1032 : i32 to index
        %get3A_1034 = tpu.vector_load %arg6[%get3A_1033] {strides = array<i32>} : memref<16400xf32, #tpu.memory_space<vmem>>, vector<16xf32>,
        %add3A_1035 = arith.constant 4 : i32
        %add3A_1036 = arith.addi %mul3A_185, %add3A_1035 : i32
        %add3A_1037 = vector.broadcast %add3A_1036 : i32 to vector<16xi32>
        %add3A_1038 = arith.addi %mul3A_79, %add3A_1037 : vector<16xi32>
        tpu.vector_store_idx %arg7[%add3A_1038], %get3A_1034 : memref<8192xf32, #tpu.memory_space<vmem>>[vector<16xi32>], vector<16xf32>,
        %add3A_1039 = arith.constant 0 : i32
        %add3A_1040 = arith.addi %scan3A_182, %add3A_1039 : i32
        %mul3A_1041 = arith.constant 128 : i32
        %mul3A_1042 = arith.muli %add3A_1040, %mul3A_1041 : i32
        %add3A_1043 = arith.constant 112 : i32
        %add3A_1044 = arith.addi %mul3A_1042, %add3A_1043 : i32
        %add3A_1045 = arith.constant 1 : i32
        %add3A_1046 = arith.addi %add3A_1044, %add3A_1045 : i32
        %get3A_1047 = arith.index_cast %add3A_1046 : i32 to index
        %get3A_1048 = tpu.vector_load %arg6[%get3A_1047] {strides = array<i32>} : memref<16400xf32, #tpu.memory_space<vmem>>, vector<16xf32>,
        %add3A_1049 = arith.constant 5 : i32
        %add3A_1050 = arith.addi %mul3A_185, %add3A_1049 : i32
        %add3A_1051 = vector.broadcast %add3A_1050 : i32 to vector<16xi32>
        %add3A_1052 = arith.addi %mul3A_79, %add3A_1051 : vector<16xi32>
        tpu.vector_store_idx %arg7[%add3A_1052], %get3A_1048 : memref<8192xf32, #tpu.memory_space<vmem>>[vector<16xi32>], vector<16xf32>,
        %add3A_1053 = arith.constant 1 : i32
        %add3A_1054 = arith.addi %scan3A_182, %add3A_1053 : i32
        %mul3A_1055 = arith.constant 128 : i32
        %mul3A_1056 = arith.muli %add3A_1054, %mul3A_1055 : i32
        %add3A_1057 = arith.constant 112 : i32
        %add3A_1058 = arith.addi %mul3A_1056, %add3A_1057 : i32
        %add3A_1059 = arith.constant 0 : i32
        %add3A_1060 = arith.addi %add3A_1058, %add3A_1059 : i32
        %get3A_1061 = arith.index_cast %add3A_1060 : i32 to index
        %get3A_1062 = tpu.vector_load %arg6[%get3A_1061] {strides = array<i32>} : memref<16400xf32, #tpu.memory_space<vmem>>, vector<16xf32>,
        %add3A_1063 = arith.constant 6 : i32
        %add3A_1064 = arith.addi %mul3A_185, %add3A_1063 : i32
        %add3A_1065 = vector.broadcast %add3A_1064 : i32 to vector<16xi32>
        %add3A_1066 = arith.addi %mul3A_79, %add3A_1065 : vector<16xi32>
        tpu.vector_store_idx %arg7[%add3A_1066], %get3A_1062 : memref<8192xf32, #tpu.memory_space<vmem>>[vector<16xi32>], vector<16xf32>,
        %add3A_1067 = arith.constant 1 : i32
        %add3A_1068 = arith.addi %scan3A_182, %add3A_1067 : i32
        %mul3A_1069 = arith.constant 128 : i32
        %mul3A_1070 = arith.muli %add3A_1068, %mul3A_1069 : i32
        %add3A_1071 = arith.constant 112 : i32
        %add3A_1072 = arith.addi %mul3A_1070, %add3A_1071 : i32
        %add3A_1073 = arith.constant 1 : i32
        %add3A_1074 = arith.addi %add3A_1072, %add3A_1073 : i32
        %get3A_1075 = arith.index_cast %add3A_1074 : i32 to index
        %get3A_1076 = tpu.vector_load %arg6[%get3A_1075] {strides = array<i32>} : memref<16400xf32, #tpu.memory_space<vmem>>, vector<16xf32>,
        %add3A_1077 = arith.constant 7 : i32
        %add3A_1078 = arith.addi %mul3A_185, %add3A_1077 : i32
        %add3A_1079 = vector.broadcast %add3A_1078 : i32 to vector<16xi32>
        %add3A_1080 = arith.addi %mul3A_79, %add3A_1079 : vector<16xi32>
        tpu.vector_store_idx %arg7[%add3A_1080], %get3A_1076 : memref<8192xf32, #tpu.memory_space<vmem>>[vector<16xi32>], vector<16xf32>,
        %mul3A_1081 = arith.constant 16129 : i32
        %mul3A_1082 = arith.muli %add3A_25, %mul3A_1081 : i32
        %add3A_1083 = arith.constant 0 : i32
        %add3A_1084 = arith.addi %add3A_1083, %mul3A_1082 : i32
        %mul3A_1085 = arith.constant 127 : i32
        %mul3A_1086 = arith.muli %scan3A_182, %mul3A_1085 : i32
        %add3A_1087 = arith.addi %add3A_1084, %mul3A_1086 : i32
        %mul3A_1088 = arith.constant 8 : i32
        %mul3A_1089 = arith.muli %add3A_1087, %mul3A_1088 : i32
        %dma_start3A = tpu.memref_slice %arg7[%mul3A_185] : memref<8192xf32, #tpu.memory_space<vmem>> -> memref<1016xf32, #tpu.memory_space<vmem>>
        %dma_start3A_1090 = tpu.memref_slice %arg4[%mul3A_1089] : memref<32774128xf32, #tpu.memory_space<hbm>> -> memref<1016xf32, #tpu.memory_space<hbm>>
        %dma_start3A_1091 = tpu.memref_slice %arg4[%mul3A_1089] : memref<32774128xf32, #tpu.memory_space<hbm>> -> memref<1016xf32, #tpu.memory_space<hbm>>
        %dma_start3A_1092 = tpu.memref_slice %arg7[%mul3A_185] : memref<8192xf32, #tpu.memory_space<vmem>> -> memref<1016xf32, #tpu.memory_space<vmem>>
        tpu.enqueue_dma source(%dma_start3A_1092 : memref<1016xf32, #tpu.memory_space<vmem>>) target(%dma_start3A_1091 : memref<1016xf32, #tpu.memory_space<hbm>>) target_semaphore(%arg8 : memref<!tpu.dma_semaphore, #tpu.memory_space<semaphore_mem>>)
        %ge3A = arith.constant 7 : i32
        %ge3A_1093 = arith.cmpi sge, %scan3A_182, %ge3A : i32
        %convert_element_type3A = arith.extui %ge3A_1093 : i1 to i32
        %cond3A = arith.constant 0 : i32
        %cond3A_1094 = arith.cmpi ne, %convert_element_type3A, %cond3A : i32
        scf.if %cond3A_1094 {
          %sub3A = arith.constant 7 : i32
          %sub3A_1095 = arith.subi %scan3A_182, %sub3A : i32
          %mul3A_1096 = arith.constant 16129 : i32
          %mul3A_1097 = arith.muli %add3A_25, %mul3A_1096 : i32
          %add3A_1098 = arith.constant 0 : i32
          %add3A_1099 = arith.addi %add3A_1098, %mul3A_1097 : i32
          %mul3A_1100 = arith.constant 127 : i32
          %mul3A_1101 = arith.muli %sub3A_1095, %mul3A_1100 : i32
          %add3A_1102 = arith.addi %add3A_1099, %mul3A_1101 : i32
          %mul3A_1103 = arith.constant 8 : i32
          %mul3A_1104 = arith.muli %add3A_1102, %mul3A_1103 : i32
          %and3A_1105 = arith.constant 7 : i32
          %and3A_1106 = arith.andi %sub3A_1095, %and3A_1105 : i32
          %mul3A_1107 = arith.constant 1024 : i32
          %mul3A_1108 = arith.muli %and3A_1106, %mul3A_1107 : i32
          %dma_wait3A_1109 = tpu.memref_slice %arg7[%mul3A_1108] : memref<8192xf32, #tpu.memory_space<vmem>> -> memref<1016xf32, #tpu.memory_space<vmem>>
          %dma_wait3A_1110 = tpu.memref_slice %arg4[%mul3A_1104] : memref<32774128xf32, #tpu.memory_space<hbm>> -> memref<1016xf32, #tpu.memory_space<hbm>>
          %dma_wait3A_1111 = tpu.memref_slice %arg4[%mul3A_1104] : memref<32774128xf32, #tpu.memory_space<hbm>> -> memref<1016xf32, #tpu.memory_space<hbm>>
          %dma_wait3A_1112 = tpu.memref_slice %arg7[%mul3A_1108] : memref<8192xf32, #tpu.memory_space<vmem>> -> memref<1016xf32, #tpu.memory_space<vmem>>
          tpu.wait_dma2 semaphore(%arg8 : memref<!tpu.dma_semaphore, #tpu.memory_space<semaphore_mem>>) src(%dma_wait3A_1112 : memref<1016xf32, #tpu.memory_space<vmem>>) dst(%dma_wait3A_1111 : memref<1016xf32, #tpu.memory_space<hbm>>)
        } else {
        }
      }
      %scan3A_84 = arith.constant 127 : i32
      %mul3A_85 = arith.constant 16129 : i32
      %mul3A_86 = arith.muli %add3A_25, %mul3A_85 : i32
      %add3A_87 = arith.constant 0 : i32
      %add3A_88 = arith.addi %add3A_87, %mul3A_86 : i32
      %add3A_89 = arith.constant 15240 : i32
      %add3A_90 = arith.addi %add3A_88, %add3A_89 : i32
      %mul3A_91 = arith.constant 8 : i32
      %mul3A_92 = arith.muli %add3A_90, %mul3A_91 : i32
      %dma_wait3A = arith.constant 0 : i32
      %dma_wait3A_93 = tpu.memref_slice %arg7[%dma_wait3A] : memref<8192xf32, #tpu.memory_space<vmem>> -> memref<1016xf32, #tpu.memory_space<vmem>>
      %dma_wait3A_94 = tpu.memref_slice %arg4[%mul3A_92] : memref<32774128xf32, #tpu.memory_space<hbm>> -> memref<1016xf32, #tpu.memory_space<hbm>>
      %dma_wait3A_95 = tpu.memref_slice %arg4[%mul3A_92] : memref<32774128xf32, #tpu.memory_space<hbm>> -> memref<1016xf32, #tpu.memory_space<hbm>>
      %dma_wait3A_96 = arith.constant 0 : i32
      %dma_wait3A_97 = tpu.memref_slice %arg7[%dma_wait3A_96] : memref<8192xf32, #tpu.memory_space<vmem>> -> memref<1016xf32, #tpu.memory_space<vmem>>
      tpu.wait_dma2 semaphore(%arg8 : memref<!tpu.dma_semaphore, #tpu.memory_space<semaphore_mem>>) src(%dma_wait3A_97 : memref<1016xf32, #tpu.memory_space<vmem>>) dst(%dma_wait3A_95 : memref<1016xf32, #tpu.memory_space<hbm>>)
      %mul3A_98 = arith.constant 16129 : i32
      %mul3A_99 = arith.muli %add3A_25, %mul3A_98 : i32
      %add3A_100 = arith.constant 0 : i32
      %add3A_101 = arith.addi %add3A_100, %mul3A_99 : i32
      %add3A_102 = arith.constant 15367 : i32
      %add3A_103 = arith.addi %add3A_101, %add3A_102 : i32
      %mul3A_104 = arith.constant 8 : i32
      %mul3A_105 = arith.muli %add3A_103, %mul3A_104 : i32
      %dma_wait3A_106 = arith.constant 1024 : i32
      %dma_wait3A_107 = tpu.memref_slice %arg7[%dma_wait3A_106] : memref<8192xf32, #tpu.memory_space<vmem>> -> memref<1016xf32, #tpu.memory_space<vmem>>
      %dma_wait3A_108 = tpu.memref_slice %arg4[%mul3A_105] : memref<32774128xf32, #tpu.memory_space<hbm>> -> memref<1016xf32, #tpu.memory_space<hbm>>
      %dma_wait3A_109 = tpu.memref_slice %arg4[%mul3A_105] : memref<32774128xf32, #tpu.memory_space<hbm>> -> memref<1016xf32, #tpu.memory_space<hbm>>
      %dma_wait3A_110 = arith.constant 1024 : i32
      %dma_wait3A_111 = tpu.memref_slice %arg7[%dma_wait3A_110] : memref<8192xf32, #tpu.memory_space<vmem>> -> memref<1016xf32, #tpu.memory_space<vmem>>
      tpu.wait_dma2 semaphore(%arg8 : memref<!tpu.dma_semaphore, #tpu.memory_space<semaphore_mem>>) src(%dma_wait3A_111 : memref<1016xf32, #tpu.memory_space<vmem>>) dst(%dma_wait3A_109 : memref<1016xf32, #tpu.memory_space<hbm>>)
      %mul3A_112 = arith.constant 16129 : i32
      %mul3A_113 = arith.muli %add3A_25, %mul3A_112 : i32
      %add3A_114 = arith.constant 0 : i32
      %add3A_115 = arith.addi %add3A_114, %mul3A_113 : i32
      %add3A_116 = arith.constant 15494 : i32
      %add3A_117 = arith.addi %add3A_115, %add3A_116 : i32
      %mul3A_118 = arith.constant 8 : i32
      %mul3A_119 = arith.muli %add3A_117, %mul3A_118 : i32
      %dma_wait3A_120 = arith.constant 2048 : i32
      %dma_wait3A_121 = tpu.memref_slice %arg7[%dma_wait3A_120] : memref<8192xf32, #tpu.memory_space<vmem>> -> memref<1016xf32, #tpu.memory_space<vmem>>
      %dma_wait3A_122 = tpu.memref_slice %arg4[%mul3A_119] : memref<32774128xf32, #tpu.memory_space<hbm>> -> memref<1016xf32, #tpu.memory_space<hbm>>
      %dma_wait3A_123 = tpu.memref_slice %arg4[%mul3A_119] : memref<32774128xf32, #tpu.memory_space<hbm>> -> memref<1016xf32, #tpu.memory_space<hbm>>
      %dma_wait3A_124 = arith.constant 2048 : i32
      %dma_wait3A_125 = tpu.memref_slice %arg7[%dma_wait3A_124] : memref<8192xf32, #tpu.memory_space<vmem>> -> memref<1016xf32, #tpu.memory_space<vmem>>
      tpu.wait_dma2 semaphore(%arg8 : memref<!tpu.dma_semaphore, #tpu.memory_space<semaphore_mem>>) src(%dma_wait3A_125 : memref<1016xf32, #tpu.memory_space<vmem>>) dst(%dma_wait3A_123 : memref<1016xf32, #tpu.memory_space<hbm>>)
      %mul3A_126 = arith.constant 16129 : i32
      %mul3A_127 = arith.muli %add3A_25, %mul3A_126 : i32
      %add3A_128 = arith.constant 0 : i32
      %add3A_129 = arith.addi %add3A_128, %mul3A_127 : i32
      %add3A_130 = arith.constant 15621 : i32
      %add3A_131 = arith.addi %add3A_129, %add3A_130 : i32
      %mul3A_132 = arith.constant 8 : i32
      %mul3A_133 = arith.muli %add3A_131, %mul3A_132 : i32
      %dma_wait3A_134 = arith.constant 3072 : i32
      %dma_wait3A_135 = tpu.memref_slice %arg7[%dma_wait3A_134] : memref<8192xf32, #tpu.memory_space<vmem>> -> memref<1016xf32, #tpu.memory_space<vmem>>
      %dma_wait3A_136 = tpu.memref_slice %arg4[%mul3A_133] : memref<32774128xf32, #tpu.memory_space<hbm>> -> memref<1016xf32, #tpu.memory_space<hbm>>
      %dma_wait3A_137 = tpu.memref_slice %arg4[%mul3A_133] : memref<32774128xf32, #tpu.memory_space<hbm>> -> memref<1016xf32, #tpu.memory_space<hbm>>
      %dma_wait3A_138 = arith.constant 3072 : i32
      %dma_wait3A_139 = tpu.memref_slice %arg7[%dma_wait3A_138] : memref<8192xf32, #tpu.memory_space<vmem>> -> memref<1016xf32, #tpu.memory_space<vmem>>
      tpu.wait_dma2 semaphore(%arg8 : memref<!tpu.dma_semaphore, #tpu.memory_space<semaphore_mem>>) src(%dma_wait3A_139 : memref<1016xf32, #tpu.memory_space<vmem>>) dst(%dma_wait3A_137 : memref<1016xf32, #tpu.memory_space<hbm>>)
      %mul3A_140 = arith.constant 16129 : i32
      %mul3A_141 = arith.muli %add3A_25, %mul3A_140 : i32
      %add3A_142 = arith.constant 0 : i32
      %add3A_143 = arith.addi %add3A_142, %mul3A_141 : i32
      %add3A_144 = arith.constant 15748 : i32
      %add3A_145 = arith.addi %add3A_143, %add3A_144 : i32
      %mul3A_146 = arith.constant 8 : i32
      %mul3A_147 = arith.muli %add3A_145, %mul3A_146 : i32
      %dma_wait3A_148 = arith.constant 4096 : i32
      %dma_wait3A_149 = tpu.memref_slice %arg7[%dma_wait3A_148] : memref<8192xf32, #tpu.memory_space<vmem>> -> memref<1016xf32, #tpu.memory_space<vmem>>
      %dma_wait3A_150 = tpu.memref_slice %arg4[%mul3A_147] : memref<32774128xf32, #tpu.memory_space<hbm>> -> memref<1016xf32, #tpu.memory_space<hbm>>
      %dma_wait3A_151 = tpu.memref_slice %arg4[%mul3A_147] : memref<32774128xf32, #tpu.memory_space<hbm>> -> memref<1016xf32, #tpu.memory_space<hbm>>
      %dma_wait3A_152 = arith.constant 4096 : i32
      %dma_wait3A_153 = tpu.memref_slice %arg7[%dma_wait3A_152] : memref<8192xf32, #tpu.memory_space<vmem>> -> memref<1016xf32, #tpu.memory_space<vmem>>
      tpu.wait_dma2 semaphore(%arg8 : memref<!tpu.dma_semaphore, #tpu.memory_space<semaphore_mem>>) src(%dma_wait3A_153 : memref<1016xf32, #tpu.memory_space<vmem>>) dst(%dma_wait3A_151 : memref<1016xf32, #tpu.memory_space<hbm>>)
      %mul3A_154 = arith.constant 16129 : i32
      %mul3A_155 = arith.muli %add3A_25, %mul3A_154 : i32
      %add3A_156 = arith.constant 0 : i32
      %add3A_157 = arith.addi %add3A_156, %mul3A_155 : i32
      %add3A_158 = arith.constant 15875 : i32
      %add3A_159 = arith.addi %add3A_157, %add3A_158 : i32
      %mul3A_160 = arith.constant 8 : i32
      %mul3A_161 = arith.muli %add3A_159, %mul3A_160 : i32
      %dma_wait3A_162 = arith.constant 5120 : i32
      %dma_wait3A_163 = tpu.memref_slice %arg7[%dma_wait3A_162] : memref<8192xf32, #tpu.memory_space<vmem>> -> memref<1016xf32, #tpu.memory_space<vmem>>
      %dma_wait3A_164 = tpu.memref_slice %arg4[%mul3A_161] : memref<32774128xf32, #tpu.memory_space<hbm>> -> memref<1016xf32, #tpu.memory_space<hbm>>
      %dma_wait3A_165 = tpu.memref_slice %arg4[%mul3A_161] : memref<32774128xf32, #tpu.memory_space<hbm>> -> memref<1016xf32, #tpu.memory_space<hbm>>
      %dma_wait3A_166 = arith.constant 5120 : i32
      %dma_wait3A_167 = tpu.memref_slice %arg7[%dma_wait3A_166] : memref<8192xf32, #tpu.memory_space<vmem>> -> memref<1016xf32, #tpu.memory_space<vmem>>
      tpu.wait_dma2 semaphore(%arg8 : memref<!tpu.dma_semaphore, #tpu.memory_space<semaphore_mem>>) src(%dma_wait3A_167 : memref<1016xf32, #tpu.memory_space<vmem>>) dst(%dma_wait3A_165 : memref<1016xf32, #tpu.memory_space<hbm>>)
      %mul3A_168 = arith.constant 16129 : i32
      %mul3A_169 = arith.muli %add3A_25, %mul3A_168 : i32
      %add3A_170 = arith.constant 0 : i32
      %add3A_171 = arith.addi %add3A_170, %mul3A_169 : i32
      %add3A_172 = arith.constant 16002 : i32
      %add3A_173 = arith.addi %add3A_171, %add3A_172 : i32
      %mul3A_174 = arith.constant 8 : i32
      %mul3A_175 = arith.muli %add3A_173, %mul3A_174 : i32
      %dma_wait3A_176 = arith.constant 6144 : i32
      %dma_wait3A_177 = tpu.memref_slice %arg7[%dma_wait3A_176] : memref<8192xf32, #tpu.memory_space<vmem>> -> memref<1016xf32, #tpu.memory_space<vmem>>
      %dma_wait3A_178 = tpu.memref_slice %arg4[%mul3A_175] : memref<32774128xf32, #tpu.memory_space<hbm>> -> memref<1016xf32, #tpu.memory_space<hbm>>
      %dma_wait3A_179 = tpu.memref_slice %arg4[%mul3A_175] : memref<32774128xf32, #tpu.memory_space<hbm>> -> memref<1016xf32, #tpu.memory_space<hbm>>
      %dma_wait3A_180 = arith.constant 6144 : i32
      %dma_wait3A_181 = tpu.memref_slice %arg7[%dma_wait3A_180] : memref<8192xf32, #tpu.memory_space<vmem>> -> memref<1016xf32, #tpu.memory_space<vmem>>
      tpu.wait_dma2 semaphore(%arg8 : memref<!tpu.dma_semaphore, #tpu.memory_space<semaphore_mem>>) src(%dma_wait3A_181 : memref<1016xf32, #tpu.memory_space<vmem>>) dst(%dma_wait3A_179 : memref<1016xf32, #tpu.memory_space<hbm>>)
    }
    %while3A_11 = arith.constant 1 : i32
    scf.for %while3A_22 = %while3A_9 to %while3A_5 step %while3A_11  : i32 {
      %mul3A_23 = arith.constant 32 : i32
      %mul3A_24 = arith.muli %while3A_22, %mul3A_23 : i32
      %add3A_25 = arith.addi %add3A, %mul3A_24 : i32
      %mul3A_26 = arith.constant 16384 : i32
      %mul3A_27 = arith.muli %add3A_25, %mul3A_26 : i32
      "tpu.region"() ({
        %run_scoped3A = tpu.sem_alloc : memref<!tpu.dma_semaphore, #tpu.memory_space<semaphore_mem>>
        %dma_start3A = arith.constant 0 : i32
        %dma_start3A_182 = tpu.memref_slice %arg5[%dma_start3A] : memref<16400xf32, #tpu.memory_space<vmem>> -> memref<16384xf32, #tpu.memory_space<vmem>>
        %dma_start3A_183 = tpu.memref_slice %arg2[%mul3A_27] : memref<2097152xf32, #tpu.memory_space<hbm>> -> memref<16384xf32, #tpu.memory_space<hbm>>
        %dma_start3A_184 = arith.constant 0 : i32
        %dma_start3A_185 = tpu.memref_slice %arg5[%dma_start3A_184] : memref<16400xf32, #tpu.memory_space<vmem>> -> memref<16384xf32, #tpu.memory_space<vmem>>
        %dma_start3A_186 = tpu.memref_slice %arg2[%mul3A_27] : memref<2097152xf32, #tpu.memory_space<hbm>> -> memref<16384xf32, #tpu.memory_space<hbm>>
        tpu.enqueue_dma source(%dma_start3A_186 : memref<16384xf32, #tpu.memory_space<hbm>>) target(%dma_start3A_185 : memref<16384xf32, #tpu.memory_space<vmem>>) target_semaphore(%run_scoped3A : memref<!tpu.dma_semaphore, #tpu.memory_space<semaphore_mem>>)
        %dma_wait3A_187 = arith.constant 0 : i32
        %dma_wait3A_188 = tpu.memref_slice %arg5[%dma_wait3A_187] : memref<16400xf32, #tpu.memory_space<vmem>> -> memref<16384xf32, #tpu.memory_space<vmem>>
        %dma_wait3A_189 = tpu.memref_slice %arg2[%mul3A_27] : memref<2097152xf32, #tpu.memory_space<hbm>> -> memref<16384xf32, #tpu.memory_space<hbm>>
        %dma_wait3A_190 = arith.constant 0 : i32
        %dma_wait3A_191 = tpu.memref_slice %arg5[%dma_wait3A_190] : memref<16400xf32, #tpu.memory_space<vmem>> -> memref<16384xf32, #tpu.memory_space<vmem>>
        %dma_wait3A_192 = tpu.memref_slice %arg2[%mul3A_27] : memref<2097152xf32, #tpu.memory_space<hbm>> -> memref<16384xf32, #tpu.memory_space<hbm>>
        tpu.wait_dma2 semaphore(%run_scoped3A : memref<!tpu.dma_semaphore, #tpu.memory_space<semaphore_mem>>) src(%dma_wait3A_192 : memref<16384xf32, #tpu.memory_space<hbm>>) dst(%dma_wait3A_191 : memref<16384xf32, #tpu.memory_space<vmem>>)
        tpu.yield
      }) : () -> ()
      %add3A_28 = arith.constant 1 : i32
      %add3A_29 = arith.addi %add3A_25, %add3A_28 : i32
      %mul3A_30 = arith.constant 16384 : i32
      %mul3A_31 = arith.muli %add3A_29, %mul3A_30 : i32
      "tpu.region"() ({
        %run_scoped3A = tpu.sem_alloc : memref<!tpu.dma_semaphore, #tpu.memory_space<semaphore_mem>>
        %dma_start3A = arith.constant 0 : i32
        %dma_start3A_182 = tpu.memref_slice %arg6[%dma_start3A] : memref<16400xf32, #tpu.memory_space<vmem>> -> memref<16384xf32, #tpu.memory_space<vmem>>
        %dma_start3A_183 = tpu.memref_slice %arg2[%mul3A_31] : memref<2097152xf32, #tpu.memory_space<hbm>> -> memref<16384xf32, #tpu.memory_space<hbm>>
        %dma_start3A_184 = arith.constant 0 : i32
        %dma_start3A_185 = tpu.memref_slice %arg6[%dma_start3A_184] : memref<16400xf32, #tpu.memory_space<vmem>> -> memref<16384xf32, #tpu.memory_space<vmem>>
        %dma_start3A_186 = tpu.memref_slice %arg2[%mul3A_31] : memref<2097152xf32, #tpu.memory_space<hbm>> -> memref<16384xf32, #tpu.memory_space<hbm>>
        tpu.enqueue_dma source(%dma_start3A_186 : memref<16384xf32, #tpu.memory_space<hbm>>) target(%dma_start3A_185 : memref<16384xf32, #tpu.memory_space<vmem>>) target_semaphore(%run_scoped3A : memref<!tpu.dma_semaphore, #tpu.memory_space<semaphore_mem>>)
        %dma_wait3A_187 = arith.constant 0 : i32
        %dma_wait3A_188 = tpu.memref_slice %arg6[%dma_wait3A_187] : memref<16400xf32, #tpu.memory_space<vmem>> -> memref<16384xf32, #tpu.memory_space<vmem>>
        %dma_wait3A_189 = tpu.memref_slice %arg2[%mul3A_31] : memref<2097152xf32, #tpu.memory_space<hbm>> -> memref<16384xf32, #tpu.memory_space<hbm>>
        %dma_wait3A_190 = arith.constant 0 : i32
        %dma_wait3A_191 = tpu.memref_slice %arg6[%dma_wait3A_190] : memref<16400xf32, #tpu.memory_space<vmem>> -> memref<16384xf32, #tpu.memory_space<vmem>>
        %dma_wait3A_192 = tpu.memref_slice %arg2[%mul3A_31] : memref<2097152xf32, #tpu.memory_space<hbm>> -> memref<16384xf32, #tpu.memory_space<hbm>>
        tpu.wait_dma2 semaphore(%run_scoped3A : memref<!tpu.dma_semaphore, #tpu.memory_space<semaphore_mem>>) src(%dma_wait3A_192 : memref<16384xf32, #tpu.memory_space<hbm>>) dst(%dma_wait3A_191 : memref<16384xf32, #tpu.memory_space<vmem>>)
        tpu.yield
      }) : () -> ()
      %add3A_32 = arith.constant 0 : i32
      %add3A_33 = vector.broadcast %add3A_32 : i32 to vector<16xi32>
      %add3A_34 = arith.addi %iota3A, %add3A_33 : vector<16xi32>
      %mul3A_35 = arith.constant 8 : i32
      %mul3A_36 = vector.broadcast %mul3A_35 : i32 to vector<16xi32>
      %mul3A_37 = arith.muli %add3A_34, %mul3A_36 : vector<16xi32>
      %add3A_38 = arith.constant 16 : i32
      %add3A_39 = vector.broadcast %add3A_38 : i32 to vector<16xi32>
      %add3A_40 = arith.addi %iota3A, %add3A_39 : vector<16xi32>
      %mul3A_41 = arith.constant 8 : i32
      %mul3A_42 = vector.broadcast %mul3A_41 : i32 to vector<16xi32>
      %mul3A_43 = arith.muli %add3A_40, %mul3A_42 : vector<16xi32>
      %add3A_44 = arith.constant 32 : i32
      %add3A_45 = vector.broadcast %add3A_44 : i32 to vector<16xi32>
      %add3A_46 = arith.addi %iota3A, %add3A_45 : vector<16xi32>
      %mul3A_47 = arith.constant 8 : i32
      %mul3A_48 = vector.broadcast %mul3A_47 : i32 to vector<16xi32>
      %mul3A_49 = arith.muli %add3A_46, %mul3A_48 : vector<16xi32>
      %add3A_50 = arith.constant 48 : i32
      %add3A_51 = vector.broadcast %add3A_50 : i32 to vector<16xi32>
      %add3A_52 = arith.addi %iota3A, %add3A_51 : vector<16xi32>
      %mul3A_53 = arith.constant 8 : i32
      %mul3A_54 = vector.broadcast %mul3A_53 : i32 to vector<16xi32>
      %mul3A_55 = arith.muli %add3A_52, %mul3A_54 : vector<16xi32>
      %add3A_56 = arith.constant 64 : i32
      %add3A_57 = vector.broadcast %add3A_56 : i32 to vector<16xi32>
      %add3A_58 = arith.addi %iota3A, %add3A_57 : vector<16xi32>
      %mul3A_59 = arith.constant 8 : i32
      %mul3A_60 = vector.broadcast %mul3A_59 : i32 to vector<16xi32>
      %mul3A_61 = arith.muli %add3A_58, %mul3A_60 : vector<16xi32>
      %add3A_62 = arith.constant 80 : i32
      %add3A_63 = vector.broadcast %add3A_62 : i32 to vector<16xi32>
      %add3A_64 = arith.addi %iota3A, %add3A_63 : vector<16xi32>
      %mul3A_65 = arith.constant 8 : i32
      %mul3A_66 = vector.broadcast %mul3A_65 : i32 to vector<16xi32>
      %mul3A_67 = arith.muli %add3A_64, %mul3A_66 : vector<16xi32>
      %add3A_68 = arith.constant 96 : i32
      %add3A_69 = vector.broadcast %add3A_68 : i32 to vector<16xi32>
      %add3A_70 = arith.addi %iota3A, %add3A_69 : vector<16xi32>
      %mul3A_71 = arith.constant 8 : i32
      %mul3A_72 = vector.broadcast %mul3A_71 : i32 to vector<16xi32>
      %mul3A_73 = arith.muli %add3A_70, %mul3A_72 : vector<16xi32>
      %add3A_74 = arith.constant 112 : i32
      %add3A_75 = vector.broadcast %add3A_74 : i32 to vector<16xi32>
      %add3A_76 = arith.addi %iota3A, %add3A_75 : vector<16xi32>
      %mul3A_77 = arith.constant 8 : i32
      %mul3A_78 = vector.broadcast %mul3A_77 : i32 to vector<16xi32>
      %mul3A_79 = arith.muli %add3A_76, %mul3A_78 : vector<16xi32>
      %scan3A = arith.constant 0 : i32
      %scan3A_80 = arith.constant 0 : i32
      %scan3A_81 = arith.constant 127 : i32
      %scan3A_82 = arith.addi %scan3A_80, %scan3A_81 : i32
      %scan3A_83 = arith.constant 1 : i32
      scf.for %scan3A_182 = %scan3A_80 to %scan3A_82 step %scan3A_83  : i32 {
        %and3A = arith.constant 7 : i32
        %and3A_183 = arith.andi %scan3A_182, %and3A : i32
        %mul3A_184 = arith.constant 1024 : i32
        %mul3A_185 = arith.muli %and3A_183, %mul3A_184 : i32
        %add3A_186 = arith.constant 0 : i32
        %add3A_187 = arith.addi %scan3A_182, %add3A_186 : i32
        %mul3A_188 = arith.constant 128 : i32
        %mul3A_189 = arith.muli %add3A_187, %mul3A_188 : i32
        %add3A_190 = arith.constant 0 : i32
        %add3A_191 = arith.addi %mul3A_189, %add3A_190 : i32
        %add3A_192 = arith.constant 0 : i32
        %add3A_193 = arith.addi %add3A_191, %add3A_192 : i32
        %get3A = arith.index_cast %add3A_193 : i32 to index
        %get3A_194 = tpu.vector_load %arg5[%get3A] {strides = array<i32>} : memref<16400xf32, #tpu.memory_space<vmem>>, vector<16xf32>,
        %add3A_195 = arith.constant 0 : i32
        %add3A_196 = arith.addi %mul3A_185, %add3A_195 : i32
        %add3A_197 = vector.broadcast %add3A_196 : i32 to vector<16xi32>
        %add3A_198 = arith.addi %mul3A_37, %add3A_197 : vector<16xi32>
        tpu.vector_store_idx %arg7[%add3A_198], %get3A_194 : memref<8192xf32, #tpu.memory_space<vmem>>[vector<16xi32>], vector<16xf32>,
        %add3A_199 = arith.constant 0 : i32
        %add3A_200 = arith.addi %scan3A_182, %add3A_199 : i32
        %mul3A_201 = arith.constant 128 : i32
        %mul3A_202 = arith.muli %add3A_200, %mul3A_201 : i32
        %add3A_203 = arith.constant 0 : i32
        %add3A_204 = arith.addi %mul3A_202, %add3A_203 : i32
        %add3A_205 = arith.constant 1 : i32
        %add3A_206 = arith.addi %add3A_204, %add3A_205 : i32
        %get3A_207 = arith.index_cast %add3A_206 : i32 to index
        %get3A_208 = tpu.vector_load %arg5[%get3A_207] {strides = array<i32>} : memref<16400xf32, #tpu.memory_space<vmem>>, vector<16xf32>,
        %add3A_209 = arith.constant 1 : i32
        %add3A_210 = arith.addi %mul3A_185, %add3A_209 : i32
        %add3A_211 = vector.broadcast %add3A_210 : i32 to vector<16xi32>
        %add3A_212 = arith.addi %mul3A_37, %add3A_211 : vector<16xi32>
        tpu.vector_store_idx %arg7[%add3A_212], %get3A_208 : memref<8192xf32, #tpu.memory_space<vmem>>[vector<16xi32>], vector<16xf32>,
        %add3A_213 = arith.constant 1 : i32
        %add3A_214 = arith.addi %scan3A_182, %add3A_213 : i32
        %mul3A_215 = arith.constant 128 : i32
        %mul3A_216 = arith.muli %add3A_214, %mul3A_215 : i32
        %add3A_217 = arith.constant 0 : i32
        %add3A_218 = arith.addi %mul3A_216, %add3A_217 : i32
        %add3A_219 = arith.constant 0 : i32
        %add3A_220 = arith.addi %add3A_218, %add3A_219 : i32
        %get3A_221 = arith.index_cast %add3A_220 : i32 to index
        %get3A_222 = tpu.vector_load %arg5[%get3A_221] {strides = array<i32>} : memref<16400xf32, #tpu.memory_space<vmem>>, vector<16xf32>,
        %add3A_223 = arith.constant 2 : i32
        %add3A_224 = arith.addi %mul3A_185, %add3A_223 : i32
        %add3A_225 = vector.broadcast %add3A_224 : i32 to vector<16xi32>
        %add3A_226 = arith.addi %mul3A_37, %add3A_225 : vector<16xi32>
        tpu.vector_store_idx %arg7[%add3A_226], %get3A_222 : memref<8192xf32, #tpu.memory_space<vmem>>[vector<16xi32>], vector<16xf32>,
        %add3A_227 = arith.constant 1 : i32
        %add3A_228 = arith.addi %scan3A_182, %add3A_227 : i32
        %mul3A_229 = arith.constant 128 : i32
        %mul3A_230 = arith.muli %add3A_228, %mul3A_229 : i32
        %add3A_231 = arith.constant 0 : i32
        %add3A_232 = arith.addi %mul3A_230, %add3A_231 : i32
        %add3A_233 = arith.constant 1 : i32
        %add3A_234 = arith.addi %add3A_232, %add3A_233 : i32
        %get3A_235 = arith.index_cast %add3A_234 : i32 to index
        %get3A_236 = tpu.vector_load %arg5[%get3A_235] {strides = array<i32>} : memref<16400xf32, #tpu.memory_space<vmem>>, vector<16xf32>,
        %add3A_237 = arith.constant 3 : i32
        %add3A_238 = arith.addi %mul3A_185, %add3A_237 : i32
        %add3A_239 = vector.broadcast %add3A_238 : i32 to vector<16xi32>
        %add3A_240 = arith.addi %mul3A_37, %add3A_239 : vector<16xi32>
        tpu.vector_store_idx %arg7[%add3A_240], %get3A_236 : memref<8192xf32, #tpu.memory_space<vmem>>[vector<16xi32>], vector<16xf32>,
        %add3A_241 = arith.constant 0 : i32
        %add3A_242 = arith.addi %scan3A_182, %add3A_241 : i32
        %mul3A_243 = arith.constant 128 : i32
        %mul3A_244 = arith.muli %add3A_242, %mul3A_243 : i32
        %add3A_245 = arith.constant 0 : i32
        %add3A_246 = arith.addi %mul3A_244, %add3A_245 : i32
        %add3A_247 = arith.constant 0 : i32
        %add3A_248 = arith.addi %add3A_246, %add3A_247 : i32
        %get3A_249 = arith.index_cast %add3A_248 : i32 to index
        %get3A_250 = tpu.vector_load %arg6[%get3A_249] {strides = array<i32>} : memref<16400xf32, #tpu.memory_space<vmem>>, vector<16xf32>,
        %add3A_251 = arith.constant 4 : i32
        %add3A_252 = arith.addi %mul3A_185, %add3A_251 : i32
        %add3A_253 = vector.broadcast %add3A_252 : i32 to vector<16xi32>
        %add3A_254 = arith.addi %mul3A_37, %add3A_253 : vector<16xi32>
        tpu.vector_store_idx %arg7[%add3A_254], %get3A_250 : memref<8192xf32, #tpu.memory_space<vmem>>[vector<16xi32>], vector<16xf32>,
        %add3A_255 = arith.constant 0 : i32
        %add3A_256 = arith.addi %scan3A_182, %add3A_255 : i32
        %mul3A_257 = arith.constant 128 : i32
        %mul3A_258 = arith.muli %add3A_256, %mul3A_257 : i32
        %add3A_259 = arith.constant 0 : i32
        %add3A_260 = arith.addi %mul3A_258, %add3A_259 : i32
        %add3A_261 = arith.constant 1 : i32
        %add3A_262 = arith.addi %add3A_260, %add3A_261 : i32
        %get3A_263 = arith.index_cast %add3A_262 : i32 to index
        %get3A_264 = tpu.vector_load %arg6[%get3A_263] {strides = array<i32>} : memref<16400xf32, #tpu.memory_space<vmem>>, vector<16xf32>,
        %add3A_265 = arith.constant 5 : i32
        %add3A_266 = arith.addi %mul3A_185, %add3A_265 : i32
        %add3A_267 = vector.broadcast %add3A_266 : i32 to vector<16xi32>
        %add3A_268 = arith.addi %mul3A_37, %add3A_267 : vector<16xi32>
        tpu.vector_store_idx %arg7[%add3A_268], %get3A_264 : memref<8192xf32, #tpu.memory_space<vmem>>[vector<16xi32>], vector<16xf32>,
        %add3A_269 = arith.constant 1 : i32
        %add3A_270 = arith.addi %scan3A_182, %add3A_269 : i32
        %mul3A_271 = arith.constant 128 : i32
        %mul3A_272 = arith.muli %add3A_270, %mul3A_271 : i32
        %add3A_273 = arith.constant 0 : i32
        %add3A_274 = arith.addi %mul3A_272, %add3A_273 : i32
        %add3A_275 = arith.constant 0 : i32
        %add3A_276 = arith.addi %add3A_274, %add3A_275 : i32
        %get3A_277 = arith.index_cast %add3A_276 : i32 to index
        %get3A_278 = tpu.vector_load %arg6[%get3A_277] {strides = array<i32>} : memref<16400xf32, #tpu.memory_space<vmem>>, vector<16xf32>,
        %add3A_279 = arith.constant 6 : i32
        %add3A_280 = arith.addi %mul3A_185, %add3A_279 : i32
        %add3A_281 = vector.broadcast %add3A_280 : i32 to vector<16xi32>
        %add3A_282 = arith.addi %mul3A_37, %add3A_281 : vector<16xi32>
        tpu.vector_store_idx %arg7[%add3A_282], %get3A_278 : memref<8192xf32, #tpu.memory_space<vmem>>[vector<16xi32>], vector<16xf32>,
        %add3A_283 = arith.constant 1 : i32
        %add3A_284 = arith.addi %scan3A_182, %add3A_283 : i32
        %mul3A_285 = arith.constant 128 : i32
        %mul3A_286 = arith.muli %add3A_284, %mul3A_285 : i32
        %add3A_287 = arith.constant 0 : i32
        %add3A_288 = arith.addi %mul3A_286, %add3A_287 : i32
        %add3A_289 = arith.constant 1 : i32
        %add3A_290 = arith.addi %add3A_288, %add3A_289 : i32
        %get3A_291 = arith.index_cast %add3A_290 : i32 to index
        %get3A_292 = tpu.vector_load %arg6[%get3A_291] {strides = array<i32>} : memref<16400xf32, #tpu.memory_space<vmem>>, vector<16xf32>,
        %add3A_293 = arith.constant 7 : i32
        %add3A_294 = arith.addi %mul3A_185, %add3A_293 : i32
        %add3A_295 = vector.broadcast %add3A_294 : i32 to vector<16xi32>
        %add3A_296 = arith.addi %mul3A_37, %add3A_295 : vector<16xi32>
        tpu.vector_store_idx %arg7[%add3A_296], %get3A_292 : memref<8192xf32, #tpu.memory_space<vmem>>[vector<16xi32>], vector<16xf32>,
        %add3A_297 = arith.constant 0 : i32
        %add3A_298 = arith.addi %scan3A_182, %add3A_297 : i32
        %mul3A_299 = arith.constant 128 : i32
        %mul3A_300 = arith.muli %add3A_298, %mul3A_299 : i32
        %add3A_301 = arith.constant 16 : i32
        %add3A_302 = arith.addi %mul3A_300, %add3A_301 : i32
        %add3A_303 = arith.constant 0 : i32
        %add3A_304 = arith.addi %add3A_302, %add3A_303 : i32
        %get3A_305 = arith.index_cast %add3A_304 : i32 to index
        %get3A_306 = tpu.vector_load %arg5[%get3A_305] {strides = array<i32>} : memref<16400xf32, #tpu.memory_space<vmem>>, vector<16xf32>,
        %add3A_307 = arith.constant 0 : i32
        %add3A_308 = arith.addi %mul3A_185, %add3A_307 : i32
        %add3A_309 = vector.broadcast %add3A_308 : i32 to vector<16xi32>
        %add3A_310 = arith.addi %mul3A_43, %add3A_309 : vector<16xi32>
        tpu.vector_store_idx %arg7[%add3A_310], %get3A_306 : memref<8192xf32, #tpu.memory_space<vmem>>[vector<16xi32>], vector<16xf32>,
        %add3A_311 = arith.constant 0 : i32
        %add3A_312 = arith.addi %scan3A_182, %add3A_311 : i32
        %mul3A_313 = arith.constant 128 : i32
        %mul3A_314 = arith.muli %add3A_312, %mul3A_313 : i32
        %add3A_315 = arith.constant 16 : i32
        %add3A_316 = arith.addi %mul3A_314, %add3A_315 : i32
        %add3A_317 = arith.constant 1 : i32
        %add3A_318 = arith.addi %add3A_316, %add3A_317 : i32
        %get3A_319 = arith.index_cast %add3A_318 : i32 to index
        %get3A_320 = tpu.vector_load %arg5[%get3A_319] {strides = array<i32>} : memref<16400xf32, #tpu.memory_space<vmem>>, vector<16xf32>,
        %add3A_321 = arith.constant 1 : i32
        %add3A_322 = arith.addi %mul3A_185, %add3A_321 : i32
        %add3A_323 = vector.broadcast %add3A_322 : i32 to vector<16xi32>
        %add3A_324 = arith.addi %mul3A_43, %add3A_323 : vector<16xi32>
        tpu.vector_store_idx %arg7[%add3A_324], %get3A_320 : memref<8192xf32, #tpu.memory_space<vmem>>[vector<16xi32>], vector<16xf32>,
        %add3A_325 = arith.constant 1 : i32
        %add3A_326 = arith.addi %scan3A_182, %add3A_325 : i32
        %mul3A_327 = arith.constant 128 : i32
        %mul3A_328 = arith.muli %add3A_326, %mul3A_327 : i32
        %add3A_329 = arith.constant 16 : i32
        %add3A_330 = arith.addi %mul3A_328, %add3A_329 : i32
        %add3A_331 = arith.constant 0 : i32
        %add3A_332 = arith.addi %add3A_330, %add3A_331 : i32
        %get3A_333 = arith.index_cast %add3A_332 : i32 to index
        %get3A_334 = tpu.vector_load %arg5[%get3A_333] {strides = array<i32>} : memref<16400xf32, #tpu.memory_space<vmem>>, vector<16xf32>,
        %add3A_335 = arith.constant 2 : i32
        %add3A_336 = arith.addi %mul3A_185, %add3A_335 : i32
        %add3A_337 = vector.broadcast %add3A_336 : i32 to vector<16xi32>
        %add3A_338 = arith.addi %mul3A_43, %add3A_337 : vector<16xi32>
        tpu.vector_store_idx %arg7[%add3A_338], %get3A_334 : memref<8192xf32, #tpu.memory_space<vmem>>[vector<16xi32>], vector<16xf32>,
        %add3A_339 = arith.constant 1 : i32
        %add3A_340 = arith.addi %scan3A_182, %add3A_339 : i32
        %mul3A_341 = arith.constant 128 : i32
        %mul3A_342 = arith.muli %add3A_340, %mul3A_341 : i32
        %add3A_343 = arith.constant 16 : i32
        %add3A_344 = arith.addi %mul3A_342, %add3A_343 : i32
        %add3A_345 = arith.constant 1 : i32
        %add3A_346 = arith.addi %add3A_344, %add3A_345 : i32
        %get3A_347 = arith.index_cast %add3A_346 : i32 to index
        %get3A_348 = tpu.vector_load %arg5[%get3A_347] {strides = array<i32>} : memref<16400xf32, #tpu.memory_space<vmem>>, vector<16xf32>,
        %add3A_349 = arith.constant 3 : i32
        %add3A_350 = arith.addi %mul3A_185, %add3A_349 : i32
        %add3A_351 = vector.broadcast %add3A_350 : i32 to vector<16xi32>
        %add3A_352 = arith.addi %mul3A_43, %add3A_351 : vector<16xi32>
        tpu.vector_store_idx %arg7[%add3A_352], %get3A_348 : memref<8192xf32, #tpu.memory_space<vmem>>[vector<16xi32>], vector<16xf32>,
        %add3A_353 = arith.constant 0 : i32
        %add3A_354 = arith.addi %scan3A_182, %add3A_353 : i32
        %mul3A_355 = arith.constant 128 : i32
        %mul3A_356 = arith.muli %add3A_354, %mul3A_355 : i32
        %add3A_357 = arith.constant 16 : i32
        %add3A_358 = arith.addi %mul3A_356, %add3A_357 : i32
        %add3A_359 = arith.constant 0 : i32
        %add3A_360 = arith.addi %add3A_358, %add3A_359 : i32
        %get3A_361 = arith.index_cast %add3A_360 : i32 to index
        %get3A_362 = tpu.vector_load %arg6[%get3A_361] {strides = array<i32>} : memref<16400xf32, #tpu.memory_space<vmem>>, vector<16xf32>,
        %add3A_363 = arith.constant 4 : i32
        %add3A_364 = arith.addi %mul3A_185, %add3A_363 : i32
        %add3A_365 = vector.broadcast %add3A_364 : i32 to vector<16xi32>
        %add3A_366 = arith.addi %mul3A_43, %add3A_365 : vector<16xi32>
        tpu.vector_store_idx %arg7[%add3A_366], %get3A_362 : memref<8192xf32, #tpu.memory_space<vmem>>[vector<16xi32>], vector<16xf32>,
        %add3A_367 = arith.constant 0 : i32
        %add3A_368 = arith.addi %scan3A_182, %add3A_367 : i32
        %mul3A_369 = arith.constant 128 : i32
        %mul3A_370 = arith.muli %add3A_368, %mul3A_369 : i32
        %add3A_371 = arith.constant 16 : i32
        %add3A_372 = arith.addi %mul3A_370, %add3A_371 : i32
        %add3A_373 = arith.constant 1 : i32
        %add3A_374 = arith.addi %add3A_372, %add3A_373 : i32
        %get3A_375 = arith.index_cast %add3A_374 : i32 to index
        %get3A_376 = tpu.vector_load %arg6[%get3A_375] {strides = array<i32>} : memref<16400xf32, #tpu.memory_space<vmem>>, vector<16xf32>,
        %add3A_377 = arith.constant 5 : i32
        %add3A_378 = arith.addi %mul3A_185, %add3A_377 : i32
        %add3A_379 = vector.broadcast %add3A_378 : i32 to vector<16xi32>
        %add3A_380 = arith.addi %mul3A_43, %add3A_379 : vector<16xi32>
        tpu.vector_store_idx %arg7[%add3A_380], %get3A_376 : memref<8192xf32, #tpu.memory_space<vmem>>[vector<16xi32>], vector<16xf32>,
        %add3A_381 = arith.constant 1 : i32
        %add3A_382 = arith.addi %scan3A_182, %add3A_381 : i32
        %mul3A_383 = arith.constant 128 : i32
        %mul3A_384 = arith.muli %add3A_382, %mul3A_383 : i32
        %add3A_385 = arith.constant 16 : i32
        %add3A_386 = arith.addi %mul3A_384, %add3A_385 : i32
        %add3A_387 = arith.constant 0 : i32
        %add3A_388 = arith.addi %add3A_386, %add3A_387 : i32
        %get3A_389 = arith.index_cast %add3A_388 : i32 to index
        %get3A_390 = tpu.vector_load %arg6[%get3A_389] {strides = array<i32>} : memref<16400xf32, #tpu.memory_space<vmem>>, vector<16xf32>,
        %add3A_391 = arith.constant 6 : i32
        %add3A_392 = arith.addi %mul3A_185, %add3A_391 : i32
        %add3A_393 = vector.broadcast %add3A_392 : i32 to vector<16xi32>
        %add3A_394 = arith.addi %mul3A_43, %add3A_393 : vector<16xi32>
        tpu.vector_store_idx %arg7[%add3A_394], %get3A_390 : memref<8192xf32, #tpu.memory_space<vmem>>[vector<16xi32>], vector<16xf32>,
        %add3A_395 = arith.constant 1 : i32
        %add3A_396 = arith.addi %scan3A_182, %add3A_395 : i32
        %mul3A_397 = arith.constant 128 : i32
        %mul3A_398 = arith.muli %add3A_396, %mul3A_397 : i32
        %add3A_399 = arith.constant 16 : i32
        %add3A_400 = arith.addi %mul3A_398, %add3A_399 : i32
        %add3A_401 = arith.constant 1 : i32
        %add3A_402 = arith.addi %add3A_400, %add3A_401 : i32
        %get3A_403 = arith.index_cast %add3A_402 : i32 to index
        %get3A_404 = tpu.vector_load %arg6[%get3A_403] {strides = array<i32>} : memref<16400xf32, #tpu.memory_space<vmem>>, vector<16xf32>,
        %add3A_405 = arith.constant 7 : i32
        %add3A_406 = arith.addi %mul3A_185, %add3A_405 : i32
        %add3A_407 = vector.broadcast %add3A_406 : i32 to vector<16xi32>
        %add3A_408 = arith.addi %mul3A_43, %add3A_407 : vector<16xi32>
        tpu.vector_store_idx %arg7[%add3A_408], %get3A_404 : memref<8192xf32, #tpu.memory_space<vmem>>[vector<16xi32>], vector<16xf32>,
        %add3A_409 = arith.constant 0 : i32
        %add3A_410 = arith.addi %scan3A_182, %add3A_409 : i32
        %mul3A_411 = arith.constant 128 : i32
        %mul3A_412 = arith.muli %add3A_410, %mul3A_411 : i32
        %add3A_413 = arith.constant 32 : i32
        %add3A_414 = arith.addi %mul3A_412, %add3A_413 : i32
        %add3A_415 = arith.constant 0 : i32
        %add3A_416 = arith.addi %add3A_414, %add3A_415 : i32
        %get3A_417 = arith.index_cast %add3A_416 : i32 to index
        %get3A_418 = tpu.vector_load %arg5[%get3A_417] {strides = array<i32>} : memref<16400xf32, #tpu.memory_space<vmem>>, vector<16xf32>,
        %add3A_419 = arith.constant 0 : i32
        %add3A_420 = arith.addi %mul3A_185, %add3A_419 : i32
        %add3A_421 = vector.broadcast %add3A_420 : i32 to vector<16xi32>
        %add3A_422 = arith.addi %mul3A_49, %add3A_421 : vector<16xi32>
        tpu.vector_store_idx %arg7[%add3A_422], %get3A_418 : memref<8192xf32, #tpu.memory_space<vmem>>[vector<16xi32>], vector<16xf32>,
        %add3A_423 = arith.constant 0 : i32
        %add3A_424 = arith.addi %scan3A_182, %add3A_423 : i32
        %mul3A_425 = arith.constant 128 : i32
        %mul3A_426 = arith.muli %add3A_424, %mul3A_425 : i32
        %add3A_427 = arith.constant 32 : i32
        %add3A_428 = arith.addi %mul3A_426, %add3A_427 : i32
        %add3A_429 = arith.constant 1 : i32
        %add3A_430 = arith.addi %add3A_428, %add3A_429 : i32
        %get3A_431 = arith.index_cast %add3A_430 : i32 to index
        %get3A_432 = tpu.vector_load %arg5[%get3A_431] {strides = array<i32>} : memref<16400xf32, #tpu.memory_space<vmem>>, vector<16xf32>,
        %add3A_433 = arith.constant 1 : i32
        %add3A_434 = arith.addi %mul3A_185, %add3A_433 : i32
        %add3A_435 = vector.broadcast %add3A_434 : i32 to vector<16xi32>
        %add3A_436 = arith.addi %mul3A_49, %add3A_435 : vector<16xi32>
        tpu.vector_store_idx %arg7[%add3A_436], %get3A_432 : memref<8192xf32, #tpu.memory_space<vmem>>[vector<16xi32>], vector<16xf32>,
        %add3A_437 = arith.constant 1 : i32
        %add3A_438 = arith.addi %scan3A_182, %add3A_437 : i32
        %mul3A_439 = arith.constant 128 : i32
        %mul3A_440 = arith.muli %add3A_438, %mul3A_439 : i32
        %add3A_441 = arith.constant 32 : i32
        %add3A_442 = arith.addi %mul3A_440, %add3A_441 : i32
        %add3A_443 = arith.constant 0 : i32
        %add3A_444 = arith.addi %add3A_442, %add3A_443 : i32
        %get3A_445 = arith.index_cast %add3A_444 : i32 to index
        %get3A_446 = tpu.vector_load %arg5[%get3A_445] {strides = array<i32>} : memref<16400xf32, #tpu.memory_space<vmem>>, vector<16xf32>,
        %add3A_447 = arith.constant 2 : i32
        %add3A_448 = arith.addi %mul3A_185, %add3A_447 : i32
        %add3A_449 = vector.broadcast %add3A_448 : i32 to vector<16xi32>
        %add3A_450 = arith.addi %mul3A_49, %add3A_449 : vector<16xi32>
        tpu.vector_store_idx %arg7[%add3A_450], %get3A_446 : memref<8192xf32, #tpu.memory_space<vmem>>[vector<16xi32>], vector<16xf32>,
        %add3A_451 = arith.constant 1 : i32
        %add3A_452 = arith.addi %scan3A_182, %add3A_451 : i32
        %mul3A_453 = arith.constant 128 : i32
        %mul3A_454 = arith.muli %add3A_452, %mul3A_453 : i32
        %add3A_455 = arith.constant 32 : i32
        %add3A_456 = arith.addi %mul3A_454, %add3A_455 : i32
        %add3A_457 = arith.constant 1 : i32
        %add3A_458 = arith.addi %add3A_456, %add3A_457 : i32
        %get3A_459 = arith.index_cast %add3A_458 : i32 to index
        %get3A_460 = tpu.vector_load %arg5[%get3A_459] {strides = array<i32>} : memref<16400xf32, #tpu.memory_space<vmem>>, vector<16xf32>,
        %add3A_461 = arith.constant 3 : i32
        %add3A_462 = arith.addi %mul3A_185, %add3A_461 : i32
        %add3A_463 = vector.broadcast %add3A_462 : i32 to vector<16xi32>
        %add3A_464 = arith.addi %mul3A_49, %add3A_463 : vector<16xi32>
        tpu.vector_store_idx %arg7[%add3A_464], %get3A_460 : memref<8192xf32, #tpu.memory_space<vmem>>[vector<16xi32>], vector<16xf32>,
        %add3A_465 = arith.constant 0 : i32
        %add3A_466 = arith.addi %scan3A_182, %add3A_465 : i32
        %mul3A_467 = arith.constant 128 : i32
        %mul3A_468 = arith.muli %add3A_466, %mul3A_467 : i32
        %add3A_469 = arith.constant 32 : i32
        %add3A_470 = arith.addi %mul3A_468, %add3A_469 : i32
        %add3A_471 = arith.constant 0 : i32
        %add3A_472 = arith.addi %add3A_470, %add3A_471 : i32
        %get3A_473 = arith.index_cast %add3A_472 : i32 to index
        %get3A_474 = tpu.vector_load %arg6[%get3A_473] {strides = array<i32>} : memref<16400xf32, #tpu.memory_space<vmem>>, vector<16xf32>,
        %add3A_475 = arith.constant 4 : i32
        %add3A_476 = arith.addi %mul3A_185, %add3A_475 : i32
        %add3A_477 = vector.broadcast %add3A_476 : i32 to vector<16xi32>
        %add3A_478 = arith.addi %mul3A_49, %add3A_477 : vector<16xi32>
        tpu.vector_store_idx %arg7[%add3A_478], %get3A_474 : memref<8192xf32, #tpu.memory_space<vmem>>[vector<16xi32>], vector<16xf32>,
        %add3A_479 = arith.constant 0 : i32
        %add3A_480 = arith.addi %scan3A_182, %add3A_479 : i32
        %mul3A_481 = arith.constant 128 : i32
        %mul3A_482 = arith.muli %add3A_480, %mul3A_481 : i32
        %add3A_483 = arith.constant 32 : i32
        %add3A_484 = arith.addi %mul3A_482, %add3A_483 : i32
        %add3A_485 = arith.constant 1 : i32
        %add3A_486 = arith.addi %add3A_484, %add3A_485 : i32
        %get3A_487 = arith.index_cast %add3A_486 : i32 to index
        %get3A_488 = tpu.vector_load %arg6[%get3A_487] {strides = array<i32>} : memref<16400xf32, #tpu.memory_space<vmem>>, vector<16xf32>,
        %add3A_489 = arith.constant 5 : i32
        %add3A_490 = arith.addi %mul3A_185, %add3A_489 : i32
        %add3A_491 = vector.broadcast %add3A_490 : i32 to vector<16xi32>
        %add3A_492 = arith.addi %mul3A_49, %add3A_491 : vector<16xi32>
        tpu.vector_store_idx %arg7[%add3A_492], %get3A_488 : memref<8192xf32, #tpu.memory_space<vmem>>[vector<16xi32>], vector<16xf32>,
        %add3A_493 = arith.constant 1 : i32
        %add3A_494 = arith.addi %scan3A_182, %add3A_493 : i32
        %mul3A_495 = arith.constant 128 : i32
        %mul3A_496 = arith.muli %add3A_494, %mul3A_495 : i32
        %add3A_497 = arith.constant 32 : i32
        %add3A_498 = arith.addi %mul3A_496, %add3A_497 : i32
        %add3A_499 = arith.constant 0 : i32
        %add3A_500 = arith.addi %add3A_498, %add3A_499 : i32
        %get3A_501 = arith.index_cast %add3A_500 : i32 to index
        %get3A_502 = tpu.vector_load %arg6[%get3A_501] {strides = array<i32>} : memref<16400xf32, #tpu.memory_space<vmem>>, vector<16xf32>,
        %add3A_503 = arith.constant 6 : i32
        %add3A_504 = arith.addi %mul3A_185, %add3A_503 : i32
        %add3A_505 = vector.broadcast %add3A_504 : i32 to vector<16xi32>
        %add3A_506 = arith.addi %mul3A_49, %add3A_505 : vector<16xi32>
        tpu.vector_store_idx %arg7[%add3A_506], %get3A_502 : memref<8192xf32, #tpu.memory_space<vmem>>[vector<16xi32>], vector<16xf32>,
        %add3A_507 = arith.constant 1 : i32
        %add3A_508 = arith.addi %scan3A_182, %add3A_507 : i32
        %mul3A_509 = arith.constant 128 : i32
        %mul3A_510 = arith.muli %add3A_508, %mul3A_509 : i32
        %add3A_511 = arith.constant 32 : i32
        %add3A_512 = arith.addi %mul3A_510, %add3A_511 : i32
        %add3A_513 = arith.constant 1 : i32
        %add3A_514 = arith.addi %add3A_512, %add3A_513 : i32
        %get3A_515 = arith.index_cast %add3A_514 : i32 to index
        %get3A_516 = tpu.vector_load %arg6[%get3A_515] {strides = array<i32>} : memref<16400xf32, #tpu.memory_space<vmem>>, vector<16xf32>,
        %add3A_517 = arith.constant 7 : i32
        %add3A_518 = arith.addi %mul3A_185, %add3A_517 : i32
        %add3A_519 = vector.broadcast %add3A_518 : i32 to vector<16xi32>
        %add3A_520 = arith.addi %mul3A_49, %add3A_519 : vector<16xi32>
        tpu.vector_store_idx %arg7[%add3A_520], %get3A_516 : memref<8192xf32, #tpu.memory_space<vmem>>[vector<16xi32>], vector<16xf32>,
        %add3A_521 = arith.constant 0 : i32
        %add3A_522 = arith.addi %scan3A_182, %add3A_521 : i32
        %mul3A_523 = arith.constant 128 : i32
        %mul3A_524 = arith.muli %add3A_522, %mul3A_523 : i32
        %add3A_525 = arith.constant 48 : i32
        %add3A_526 = arith.addi %mul3A_524, %add3A_525 : i32
        %add3A_527 = arith.constant 0 : i32
        %add3A_528 = arith.addi %add3A_526, %add3A_527 : i32
        %get3A_529 = arith.index_cast %add3A_528 : i32 to index
        %get3A_530 = tpu.vector_load %arg5[%get3A_529] {strides = array<i32>} : memref<16400xf32, #tpu.memory_space<vmem>>, vector<16xf32>,
        %add3A_531 = arith.constant 0 : i32
        %add3A_532 = arith.addi %mul3A_185, %add3A_531 : i32
        %add3A_533 = vector.broadcast %add3A_532 : i32 to vector<16xi32>
        %add3A_534 = arith.addi %mul3A_55, %add3A_533 : vector<16xi32>
        tpu.vector_store_idx %arg7[%add3A_534], %get3A_530 : memref<8192xf32, #tpu.memory_space<vmem>>[vector<16xi32>], vector<16xf32>,
        %add3A_535 = arith.constant 0 : i32
        %add3A_536 = arith.addi %scan3A_182, %add3A_535 : i32
        %mul3A_537 = arith.constant 128 : i32
        %mul3A_538 = arith.muli %add3A_536, %mul3A_537 : i32
        %add3A_539 = arith.constant 48 : i32
        %add3A_540 = arith.addi %mul3A_538, %add3A_539 : i32
        %add3A_541 = arith.constant 1 : i32
        %add3A_542 = arith.addi %add3A_540, %add3A_541 : i32
        %get3A_543 = arith.index_cast %add3A_542 : i32 to index
        %get3A_544 = tpu.vector_load %arg5[%get3A_543] {strides = array<i32>} : memref<16400xf32, #tpu.memory_space<vmem>>, vector<16xf32>,
        %add3A_545 = arith.constant 1 : i32
        %add3A_546 = arith.addi %mul3A_185, %add3A_545 : i32
        %add3A_547 = vector.broadcast %add3A_546 : i32 to vector<16xi32>
        %add3A_548 = arith.addi %mul3A_55, %add3A_547 : vector<16xi32>
        tpu.vector_store_idx %arg7[%add3A_548], %get3A_544 : memref<8192xf32, #tpu.memory_space<vmem>>[vector<16xi32>], vector<16xf32>,
        %add3A_549 = arith.constant 1 : i32
        %add3A_550 = arith.addi %scan3A_182, %add3A_549 : i32
        %mul3A_551 = arith.constant 128 : i32
        %mul3A_552 = arith.muli %add3A_550, %mul3A_551 : i32
        %add3A_553 = arith.constant 48 : i32
        %add3A_554 = arith.addi %mul3A_552, %add3A_553 : i32
        %add3A_555 = arith.constant 0 : i32
        %add3A_556 = arith.addi %add3A_554, %add3A_555 : i32
        %get3A_557 = arith.index_cast %add3A_556 : i32 to index
        %get3A_558 = tpu.vector_load %arg5[%get3A_557] {strides = array<i32>} : memref<16400xf32, #tpu.memory_space<vmem>>, vector<16xf32>,
        %add3A_559 = arith.constant 2 : i32
        %add3A_560 = arith.addi %mul3A_185, %add3A_559 : i32
        %add3A_561 = vector.broadcast %add3A_560 : i32 to vector<16xi32>
        %add3A_562 = arith.addi %mul3A_55, %add3A_561 : vector<16xi32>
        tpu.vector_store_idx %arg7[%add3A_562], %get3A_558 : memref<8192xf32, #tpu.memory_space<vmem>>[vector<16xi32>], vector<16xf32>,
        %add3A_563 = arith.constant 1 : i32
        %add3A_564 = arith.addi %scan3A_182, %add3A_563 : i32
        %mul3A_565 = arith.constant 128 : i32
        %mul3A_566 = arith.muli %add3A_564, %mul3A_565 : i32
        %add3A_567 = arith.constant 48 : i32
        %add3A_568 = arith.addi %mul3A_566, %add3A_567 : i32
        %add3A_569 = arith.constant 1 : i32
        %add3A_570 = arith.addi %add3A_568, %add3A_569 : i32
        %get3A_571 = arith.index_cast %add3A_570 : i32 to index
        %get3A_572 = tpu.vector_load %arg5[%get3A_571] {strides = array<i32>} : memref<16400xf32, #tpu.memory_space<vmem>>, vector<16xf32>,
        %add3A_573 = arith.constant 3 : i32
        %add3A_574 = arith.addi %mul3A_185, %add3A_573 : i32
        %add3A_575 = vector.broadcast %add3A_574 : i32 to vector<16xi32>
        %add3A_576 = arith.addi %mul3A_55, %add3A_575 : vector<16xi32>
        tpu.vector_store_idx %arg7[%add3A_576], %get3A_572 : memref<8192xf32, #tpu.memory_space<vmem>>[vector<16xi32>], vector<16xf32>,
        %add3A_577 = arith.constant 0 : i32
        %add3A_578 = arith.addi %scan3A_182, %add3A_577 : i32
        %mul3A_579 = arith.constant 128 : i32
        %mul3A_580 = arith.muli %add3A_578, %mul3A_579 : i32
        %add3A_581 = arith.constant 48 : i32
        %add3A_582 = arith.addi %mul3A_580, %add3A_581 : i32
        %add3A_583 = arith.constant 0 : i32
        %add3A_584 = arith.addi %add3A_582, %add3A_583 : i32
        %get3A_585 = arith.index_cast %add3A_584 : i32 to index
        %get3A_586 = tpu.vector_load %arg6[%get3A_585] {strides = array<i32>} : memref<16400xf32, #tpu.memory_space<vmem>>, vector<16xf32>,
        %add3A_587 = arith.constant 4 : i32
        %add3A_588 = arith.addi %mul3A_185, %add3A_587 : i32
        %add3A_589 = vector.broadcast %add3A_588 : i32 to vector<16xi32>
        %add3A_590 = arith.addi %mul3A_55, %add3A_589 : vector<16xi32>
        tpu.vector_store_idx %arg7[%add3A_590], %get3A_586 : memref<8192xf32, #tpu.memory_space<vmem>>[vector<16xi32>], vector<16xf32>,
        %add3A_591 = arith.constant 0 : i32
        %add3A_592 = arith.addi %scan3A_182, %add3A_591 : i32
        %mul3A_593 = arith.constant 128 : i32
        %mul3A_594 = arith.muli %add3A_592, %mul3A_593 : i32
        %add3A_595 = arith.constant 48 : i32
        %add3A_596 = arith.addi %mul3A_594, %add3A_595 : i32
        %add3A_597 = arith.constant 1 : i32
        %add3A_598 = arith.addi %add3A_596, %add3A_597 : i32
        %get3A_599 = arith.index_cast %add3A_598 : i32 to index
        %get3A_600 = tpu.vector_load %arg6[%get3A_599] {strides = array<i32>} : memref<16400xf32, #tpu.memory_space<vmem>>, vector<16xf32>,
        %add3A_601 = arith.constant 5 : i32
        %add3A_602 = arith.addi %mul3A_185, %add3A_601 : i32
        %add3A_603 = vector.broadcast %add3A_602 : i32 to vector<16xi32>
        %add3A_604 = arith.addi %mul3A_55, %add3A_603 : vector<16xi32>
        tpu.vector_store_idx %arg7[%add3A_604], %get3A_600 : memref<8192xf32, #tpu.memory_space<vmem>>[vector<16xi32>], vector<16xf32>,
        %add3A_605 = arith.constant 1 : i32
        %add3A_606 = arith.addi %scan3A_182, %add3A_605 : i32
        %mul3A_607 = arith.constant 128 : i32
        %mul3A_608 = arith.muli %add3A_606, %mul3A_607 : i32
        %add3A_609 = arith.constant 48 : i32
        %add3A_610 = arith.addi %mul3A_608, %add3A_609 : i32
        %add3A_611 = arith.constant 0 : i32
        %add3A_612 = arith.addi %add3A_610, %add3A_611 : i32
        %get3A_613 = arith.index_cast %add3A_612 : i32 to index
        %get3A_614 = tpu.vector_load %arg6[%get3A_613] {strides = array<i32>} : memref<16400xf32, #tpu.memory_space<vmem>>, vector<16xf32>,
        %add3A_615 = arith.constant 6 : i32
        %add3A_616 = arith.addi %mul3A_185, %add3A_615 : i32
        %add3A_617 = vector.broadcast %add3A_616 : i32 to vector<16xi32>
        %add3A_618 = arith.addi %mul3A_55, %add3A_617 : vector<16xi32>
        tpu.vector_store_idx %arg7[%add3A_618], %get3A_614 : memref<8192xf32, #tpu.memory_space<vmem>>[vector<16xi32>], vector<16xf32>,
        %add3A_619 = arith.constant 1 : i32
        %add3A_620 = arith.addi %scan3A_182, %add3A_619 : i32
        %mul3A_621 = arith.constant 128 : i32
        %mul3A_622 = arith.muli %add3A_620, %mul3A_621 : i32
        %add3A_623 = arith.constant 48 : i32
        %add3A_624 = arith.addi %mul3A_622, %add3A_623 : i32
        %add3A_625 = arith.constant 1 : i32
        %add3A_626 = arith.addi %add3A_624, %add3A_625 : i32
        %get3A_627 = arith.index_cast %add3A_626 : i32 to index
        %get3A_628 = tpu.vector_load %arg6[%get3A_627] {strides = array<i32>} : memref<16400xf32, #tpu.memory_space<vmem>>, vector<16xf32>,
        %add3A_629 = arith.constant 7 : i32
        %add3A_630 = arith.addi %mul3A_185, %add3A_629 : i32
        %add3A_631 = vector.broadcast %add3A_630 : i32 to vector<16xi32>
        %add3A_632 = arith.addi %mul3A_55, %add3A_631 : vector<16xi32>
        tpu.vector_store_idx %arg7[%add3A_632], %get3A_628 : memref<8192xf32, #tpu.memory_space<vmem>>[vector<16xi32>], vector<16xf32>,
        %add3A_633 = arith.constant 0 : i32
        %add3A_634 = arith.addi %scan3A_182, %add3A_633 : i32
        %mul3A_635 = arith.constant 128 : i32
        %mul3A_636 = arith.muli %add3A_634, %mul3A_635 : i32
        %add3A_637 = arith.constant 64 : i32
        %add3A_638 = arith.addi %mul3A_636, %add3A_637 : i32
        %add3A_639 = arith.constant 0 : i32
        %add3A_640 = arith.addi %add3A_638, %add3A_639 : i32
        %get3A_641 = arith.index_cast %add3A_640 : i32 to index
        %get3A_642 = tpu.vector_load %arg5[%get3A_641] {strides = array<i32>} : memref<16400xf32, #tpu.memory_space<vmem>>, vector<16xf32>,
        %add3A_643 = arith.constant 0 : i32
        %add3A_644 = arith.addi %mul3A_185, %add3A_643 : i32
        %add3A_645 = vector.broadcast %add3A_644 : i32 to vector<16xi32>
        %add3A_646 = arith.addi %mul3A_61, %add3A_645 : vector<16xi32>
        tpu.vector_store_idx %arg7[%add3A_646], %get3A_642 : memref<8192xf32, #tpu.memory_space<vmem>>[vector<16xi32>], vector<16xf32>,
        %add3A_647 = arith.constant 0 : i32
        %add3A_648 = arith.addi %scan3A_182, %add3A_647 : i32
        %mul3A_649 = arith.constant 128 : i32
        %mul3A_650 = arith.muli %add3A_648, %mul3A_649 : i32
        %add3A_651 = arith.constant 64 : i32
        %add3A_652 = arith.addi %mul3A_650, %add3A_651 : i32
        %add3A_653 = arith.constant 1 : i32
        %add3A_654 = arith.addi %add3A_652, %add3A_653 : i32
        %get3A_655 = arith.index_cast %add3A_654 : i32 to index
        %get3A_656 = tpu.vector_load %arg5[%get3A_655] {strides = array<i32>} : memref<16400xf32, #tpu.memory_space<vmem>>, vector<16xf32>,
        %add3A_657 = arith.constant 1 : i32
        %add3A_658 = arith.addi %mul3A_185, %add3A_657 : i32
        %add3A_659 = vector.broadcast %add3A_658 : i32 to vector<16xi32>
        %add3A_660 = arith.addi %mul3A_61, %add3A_659 : vector<16xi32>
        tpu.vector_store_idx %arg7[%add3A_660], %get3A_656 : memref<8192xf32, #tpu.memory_space<vmem>>[vector<16xi32>], vector<16xf32>,
        %add3A_661 = arith.constant 1 : i32
        %add3A_662 = arith.addi %scan3A_182, %add3A_661 : i32
        %mul3A_663 = arith.constant 128 : i32
        %mul3A_664 = arith.muli %add3A_662, %mul3A_663 : i32
        %add3A_665 = arith.constant 64 : i32
        %add3A_666 = arith.addi %mul3A_664, %add3A_665 : i32
        %add3A_667 = arith.constant 0 : i32
        %add3A_668 = arith.addi %add3A_666, %add3A_667 : i32
        %get3A_669 = arith.index_cast %add3A_668 : i32 to index
        %get3A_670 = tpu.vector_load %arg5[%get3A_669] {strides = array<i32>} : memref<16400xf32, #tpu.memory_space<vmem>>, vector<16xf32>,
        %add3A_671 = arith.constant 2 : i32
        %add3A_672 = arith.addi %mul3A_185, %add3A_671 : i32
        %add3A_673 = vector.broadcast %add3A_672 : i32 to vector<16xi32>
        %add3A_674 = arith.addi %mul3A_61, %add3A_673 : vector<16xi32>
        tpu.vector_store_idx %arg7[%add3A_674], %get3A_670 : memref<8192xf32, #tpu.memory_space<vmem>>[vector<16xi32>], vector<16xf32>,
        %add3A_675 = arith.constant 1 : i32
        %add3A_676 = arith.addi %scan3A_182, %add3A_675 : i32
        %mul3A_677 = arith.constant 128 : i32
        %mul3A_678 = arith.muli %add3A_676, %mul3A_677 : i32
        %add3A_679 = arith.constant 64 : i32
        %add3A_680 = arith.addi %mul3A_678, %add3A_679 : i32
        %add3A_681 = arith.constant 1 : i32
        %add3A_682 = arith.addi %add3A_680, %add3A_681 : i32
        %get3A_683 = arith.index_cast %add3A_682 : i32 to index
        %get3A_684 = tpu.vector_load %arg5[%get3A_683] {strides = array<i32>} : memref<16400xf32, #tpu.memory_space<vmem>>, vector<16xf32>,
        %add3A_685 = arith.constant 3 : i32
        %add3A_686 = arith.addi %mul3A_185, %add3A_685 : i32
        %add3A_687 = vector.broadcast %add3A_686 : i32 to vector<16xi32>
        %add3A_688 = arith.addi %mul3A_61, %add3A_687 : vector<16xi32>
        tpu.vector_store_idx %arg7[%add3A_688], %get3A_684 : memref<8192xf32, #tpu.memory_space<vmem>>[vector<16xi32>], vector<16xf32>,
        %add3A_689 = arith.constant 0 : i32
        %add3A_690 = arith.addi %scan3A_182, %add3A_689 : i32
        %mul3A_691 = arith.constant 128 : i32
        %mul3A_692 = arith.muli %add3A_690, %mul3A_691 : i32
        %add3A_693 = arith.constant 64 : i32
        %add3A_694 = arith.addi %mul3A_692, %add3A_693 : i32
        %add3A_695 = arith.constant 0 : i32
        %add3A_696 = arith.addi %add3A_694, %add3A_695 : i32
        %get3A_697 = arith.index_cast %add3A_696 : i32 to index
        %get3A_698 = tpu.vector_load %arg6[%get3A_697] {strides = array<i32>} : memref<16400xf32, #tpu.memory_space<vmem>>, vector<16xf32>,
        %add3A_699 = arith.constant 4 : i32
        %add3A_700 = arith.addi %mul3A_185, %add3A_699 : i32
        %add3A_701 = vector.broadcast %add3A_700 : i32 to vector<16xi32>
        %add3A_702 = arith.addi %mul3A_61, %add3A_701 : vector<16xi32>
        tpu.vector_store_idx %arg7[%add3A_702], %get3A_698 : memref<8192xf32, #tpu.memory_space<vmem>>[vector<16xi32>], vector<16xf32>,
        %add3A_703 = arith.constant 0 : i32
        %add3A_704 = arith.addi %scan3A_182, %add3A_703 : i32
        %mul3A_705 = arith.constant 128 : i32
        %mul3A_706 = arith.muli %add3A_704, %mul3A_705 : i32
        %add3A_707 = arith.constant 64 : i32
        %add3A_708 = arith.addi %mul3A_706, %add3A_707 : i32
        %add3A_709 = arith.constant 1 : i32
        %add3A_710 = arith.addi %add3A_708, %add3A_709 : i32
        %get3A_711 = arith.index_cast %add3A_710 : i32 to index
        %get3A_712 = tpu.vector_load %arg6[%get3A_711] {strides = array<i32>} : memref<16400xf32, #tpu.memory_space<vmem>>, vector<16xf32>,
        %add3A_713 = arith.constant 5 : i32
        %add3A_714 = arith.addi %mul3A_185, %add3A_713 : i32
        %add3A_715 = vector.broadcast %add3A_714 : i32 to vector<16xi32>
        %add3A_716 = arith.addi %mul3A_61, %add3A_715 : vector<16xi32>
        tpu.vector_store_idx %arg7[%add3A_716], %get3A_712 : memref<8192xf32, #tpu.memory_space<vmem>>[vector<16xi32>], vector<16xf32>,
        %add3A_717 = arith.constant 1 : i32
        %add3A_718 = arith.addi %scan3A_182, %add3A_717 : i32
        %mul3A_719 = arith.constant 128 : i32
        %mul3A_720 = arith.muli %add3A_718, %mul3A_719 : i32
        %add3A_721 = arith.constant 64 : i32
        %add3A_722 = arith.addi %mul3A_720, %add3A_721 : i32
        %add3A_723 = arith.constant 0 : i32
        %add3A_724 = arith.addi %add3A_722, %add3A_723 : i32
        %get3A_725 = arith.index_cast %add3A_724 : i32 to index
        %get3A_726 = tpu.vector_load %arg6[%get3A_725] {strides = array<i32>} : memref<16400xf32, #tpu.memory_space<vmem>>, vector<16xf32>,
        %add3A_727 = arith.constant 6 : i32
        %add3A_728 = arith.addi %mul3A_185, %add3A_727 : i32
        %add3A_729 = vector.broadcast %add3A_728 : i32 to vector<16xi32>
        %add3A_730 = arith.addi %mul3A_61, %add3A_729 : vector<16xi32>
        tpu.vector_store_idx %arg7[%add3A_730], %get3A_726 : memref<8192xf32, #tpu.memory_space<vmem>>[vector<16xi32>], vector<16xf32>,
        %add3A_731 = arith.constant 1 : i32
        %add3A_732 = arith.addi %scan3A_182, %add3A_731 : i32
        %mul3A_733 = arith.constant 128 : i32
        %mul3A_734 = arith.muli %add3A_732, %mul3A_733 : i32
        %add3A_735 = arith.constant 64 : i32
        %add3A_736 = arith.addi %mul3A_734, %add3A_735 : i32
        %add3A_737 = arith.constant 1 : i32
        %add3A_738 = arith.addi %add3A_736, %add3A_737 : i32
        %get3A_739 = arith.index_cast %add3A_738 : i32 to index
        %get3A_740 = tpu.vector_load %arg6[%get3A_739] {strides = array<i32>} : memref<16400xf32, #tpu.memory_space<vmem>>, vector<16xf32>,
        %add3A_741 = arith.constant 7 : i32
        %add3A_742 = arith.addi %mul3A_185, %add3A_741 : i32
        %add3A_743 = vector.broadcast %add3A_742 : i32 to vector<16xi32>
        %add3A_744 = arith.addi %mul3A_61, %add3A_743 : vector<16xi32>
        tpu.vector_store_idx %arg7[%add3A_744], %get3A_740 : memref<8192xf32, #tpu.memory_space<vmem>>[vector<16xi32>], vector<16xf32>,
        %add3A_745 = arith.constant 0 : i32
        %add3A_746 = arith.addi %scan3A_182, %add3A_745 : i32
        %mul3A_747 = arith.constant 128 : i32
        %mul3A_748 = arith.muli %add3A_746, %mul3A_747 : i32
        %add3A_749 = arith.constant 80 : i32
        %add3A_750 = arith.addi %mul3A_748, %add3A_749 : i32
        %add3A_751 = arith.constant 0 : i32
        %add3A_752 = arith.addi %add3A_750, %add3A_751 : i32
        %get3A_753 = arith.index_cast %add3A_752 : i32 to index
        %get3A_754 = tpu.vector_load %arg5[%get3A_753] {strides = array<i32>} : memref<16400xf32, #tpu.memory_space<vmem>>, vector<16xf32>,
        %add3A_755 = arith.constant 0 : i32
        %add3A_756 = arith.addi %mul3A_185, %add3A_755 : i32
        %add3A_757 = vector.broadcast %add3A_756 : i32 to vector<16xi32>
        %add3A_758 = arith.addi %mul3A_67, %add3A_757 : vector<16xi32>
        tpu.vector_store_idx %arg7[%add3A_758], %get3A_754 : memref<8192xf32, #tpu.memory_space<vmem>>[vector<16xi32>], vector<16xf32>,
        %add3A_759 = arith.constant 0 : i32
        %add3A_760 = arith.addi %scan3A_182, %add3A_759 : i32
        %mul3A_761 = arith.constant 128 : i32
        %mul3A_762 = arith.muli %add3A_760, %mul3A_761 : i32
        %add3A_763 = arith.constant 80 : i32
        %add3A_764 = arith.addi %mul3A_762, %add3A_763 : i32
        %add3A_765 = arith.constant 1 : i32
        %add3A_766 = arith.addi %add3A_764, %add3A_765 : i32
        %get3A_767 = arith.index_cast %add3A_766 : i32 to index
        %get3A_768 = tpu.vector_load %arg5[%get3A_767] {strides = array<i32>} : memref<16400xf32, #tpu.memory_space<vmem>>, vector<16xf32>,
        %add3A_769 = arith.constant 1 : i32
        %add3A_770 = arith.addi %mul3A_185, %add3A_769 : i32
        %add3A_771 = vector.broadcast %add3A_770 : i32 to vector<16xi32>
        %add3A_772 = arith.addi %mul3A_67, %add3A_771 : vector<16xi32>
        tpu.vector_store_idx %arg7[%add3A_772], %get3A_768 : memref<8192xf32, #tpu.memory_space<vmem>>[vector<16xi32>], vector<16xf32>,
        %add3A_773 = arith.constant 1 : i32
        %add3A_774 = arith.addi %scan3A_182, %add3A_773 : i32
        %mul3A_775 = arith.constant 128 : i32
        %mul3A_776 = arith.muli %add3A_774, %mul3A_775 : i32
        %add3A_777 = arith.constant 80 : i32
        %add3A_778 = arith.addi %mul3A_776, %add3A_777 : i32
        %add3A_779 = arith.constant 0 : i32
        %add3A_780 = arith.addi %add3A_778, %add3A_779 : i32
        %get3A_781 = arith.index_cast %add3A_780 : i32 to index
        %get3A_782 = tpu.vector_load %arg5[%get3A_781] {strides = array<i32>} : memref<16400xf32, #tpu.memory_space<vmem>>, vector<16xf32>,
        %add3A_783 = arith.constant 2 : i32
        %add3A_784 = arith.addi %mul3A_185, %add3A_783 : i32
        %add3A_785 = vector.broadcast %add3A_784 : i32 to vector<16xi32>
        %add3A_786 = arith.addi %mul3A_67, %add3A_785 : vector<16xi32>
        tpu.vector_store_idx %arg7[%add3A_786], %get3A_782 : memref<8192xf32, #tpu.memory_space<vmem>>[vector<16xi32>], vector<16xf32>,
        %add3A_787 = arith.constant 1 : i32
        %add3A_788 = arith.addi %scan3A_182, %add3A_787 : i32
        %mul3A_789 = arith.constant 128 : i32
        %mul3A_790 = arith.muli %add3A_788, %mul3A_789 : i32
        %add3A_791 = arith.constant 80 : i32
        %add3A_792 = arith.addi %mul3A_790, %add3A_791 : i32
        %add3A_793 = arith.constant 1 : i32
        %add3A_794 = arith.addi %add3A_792, %add3A_793 : i32
        %get3A_795 = arith.index_cast %add3A_794 : i32 to index
        %get3A_796 = tpu.vector_load %arg5[%get3A_795] {strides = array<i32>} : memref<16400xf32, #tpu.memory_space<vmem>>, vector<16xf32>,
        %add3A_797 = arith.constant 3 : i32
        %add3A_798 = arith.addi %mul3A_185, %add3A_797 : i32
        %add3A_799 = vector.broadcast %add3A_798 : i32 to vector<16xi32>
        %add3A_800 = arith.addi %mul3A_67, %add3A_799 : vector<16xi32>
        tpu.vector_store_idx %arg7[%add3A_800], %get3A_796 : memref<8192xf32, #tpu.memory_space<vmem>>[vector<16xi32>], vector<16xf32>,
        %add3A_801 = arith.constant 0 : i32
        %add3A_802 = arith.addi %scan3A_182, %add3A_801 : i32
        %mul3A_803 = arith.constant 128 : i32
        %mul3A_804 = arith.muli %add3A_802, %mul3A_803 : i32
        %add3A_805 = arith.constant 80 : i32
        %add3A_806 = arith.addi %mul3A_804, %add3A_805 : i32
        %add3A_807 = arith.constant 0 : i32
        %add3A_808 = arith.addi %add3A_806, %add3A_807 : i32
        %get3A_809 = arith.index_cast %add3A_808 : i32 to index
        %get3A_810 = tpu.vector_load %arg6[%get3A_809] {strides = array<i32>} : memref<16400xf32, #tpu.memory_space<vmem>>, vector<16xf32>,
        %add3A_811 = arith.constant 4 : i32
        %add3A_812 = arith.addi %mul3A_185, %add3A_811 : i32
        %add3A_813 = vector.broadcast %add3A_812 : i32 to vector<16xi32>
        %add3A_814 = arith.addi %mul3A_67, %add3A_813 : vector<16xi32>
        tpu.vector_store_idx %arg7[%add3A_814], %get3A_810 : memref<8192xf32, #tpu.memory_space<vmem>>[vector<16xi32>], vector<16xf32>,
        %add3A_815 = arith.constant 0 : i32
        %add3A_816 = arith.addi %scan3A_182, %add3A_815 : i32
        %mul3A_817 = arith.constant 128 : i32
        %mul3A_818 = arith.muli %add3A_816, %mul3A_817 : i32
        %add3A_819 = arith.constant 80 : i32
        %add3A_820 = arith.addi %mul3A_818, %add3A_819 : i32
        %add3A_821 = arith.constant 1 : i32
        %add3A_822 = arith.addi %add3A_820, %add3A_821 : i32
        %get3A_823 = arith.index_cast %add3A_822 : i32 to index
        %get3A_824 = tpu.vector_load %arg6[%get3A_823] {strides = array<i32>} : memref<16400xf32, #tpu.memory_space<vmem>>, vector<16xf32>,
        %add3A_825 = arith.constant 5 : i32
        %add3A_826 = arith.addi %mul3A_185, %add3A_825 : i32
        %add3A_827 = vector.broadcast %add3A_826 : i32 to vector<16xi32>
        %add3A_828 = arith.addi %mul3A_67, %add3A_827 : vector<16xi32>
        tpu.vector_store_idx %arg7[%add3A_828], %get3A_824 : memref<8192xf32, #tpu.memory_space<vmem>>[vector<16xi32>], vector<16xf32>,
        %add3A_829 = arith.constant 1 : i32
        %add3A_830 = arith.addi %scan3A_182, %add3A_829 : i32
        %mul3A_831 = arith.constant 128 : i32
        %mul3A_832 = arith.muli %add3A_830, %mul3A_831 : i32
        %add3A_833 = arith.constant 80 : i32
        %add3A_834 = arith.addi %mul3A_832, %add3A_833 : i32
        %add3A_835 = arith.constant 0 : i32
        %add3A_836 = arith.addi %add3A_834, %add3A_835 : i32
        %get3A_837 = arith.index_cast %add3A_836 : i32 to index
        %get3A_838 = tpu.vector_load %arg6[%get3A_837] {strides = array<i32>} : memref<16400xf32, #tpu.memory_space<vmem>>, vector<16xf32>,
        %add3A_839 = arith.constant 6 : i32
        %add3A_840 = arith.addi %mul3A_185, %add3A_839 : i32
        %add3A_841 = vector.broadcast %add3A_840 : i32 to vector<16xi32>
        %add3A_842 = arith.addi %mul3A_67, %add3A_841 : vector<16xi32>
        tpu.vector_store_idx %arg7[%add3A_842], %get3A_838 : memref<8192xf32, #tpu.memory_space<vmem>>[vector<16xi32>], vector<16xf32>,
        %add3A_843 = arith.constant 1 : i32
        %add3A_844 = arith.addi %scan3A_182, %add3A_843 : i32
        %mul3A_845 = arith.constant 128 : i32
        %mul3A_846 = arith.muli %add3A_844, %mul3A_845 : i32
        %add3A_847 = arith.constant 80 : i32
        %add3A_848 = arith.addi %mul3A_846, %add3A_847 : i32
        %add3A_849 = arith.constant 1 : i32
        %add3A_850 = arith.addi %add3A_848, %add3A_849 : i32
        %get3A_851 = arith.index_cast %add3A_850 : i32 to index
        %get3A_852 = tpu.vector_load %arg6[%get3A_851] {strides = array<i32>} : memref<16400xf32, #tpu.memory_space<vmem>>, vector<16xf32>,
        %add3A_853 = arith.constant 7 : i32
        %add3A_854 = arith.addi %mul3A_185, %add3A_853 : i32
        %add3A_855 = vector.broadcast %add3A_854 : i32 to vector<16xi32>
        %add3A_856 = arith.addi %mul3A_67, %add3A_855 : vector<16xi32>
        tpu.vector_store_idx %arg7[%add3A_856], %get3A_852 : memref<8192xf32, #tpu.memory_space<vmem>>[vector<16xi32>], vector<16xf32>,
        %add3A_857 = arith.constant 0 : i32
        %add3A_858 = arith.addi %scan3A_182, %add3A_857 : i32
        %mul3A_859 = arith.constant 128 : i32
        %mul3A_860 = arith.muli %add3A_858, %mul3A_859 : i32
        %add3A_861 = arith.constant 96 : i32
        %add3A_862 = arith.addi %mul3A_860, %add3A_861 : i32
        %add3A_863 = arith.constant 0 : i32
        %add3A_864 = arith.addi %add3A_862, %add3A_863 : i32
        %get3A_865 = arith.index_cast %add3A_864 : i32 to index
        %get3A_866 = tpu.vector_load %arg5[%get3A_865] {strides = array<i32>} : memref<16400xf32, #tpu.memory_space<vmem>>, vector<16xf32>,
        %add3A_867 = arith.constant 0 : i32
        %add3A_868 = arith.addi %mul3A_185, %add3A_867 : i32
        %add3A_869 = vector.broadcast %add3A_868 : i32 to vector<16xi32>
        %add3A_870 = arith.addi %mul3A_73, %add3A_869 : vector<16xi32>
        tpu.vector_store_idx %arg7[%add3A_870], %get3A_866 : memref<8192xf32, #tpu.memory_space<vmem>>[vector<16xi32>], vector<16xf32>,
        %add3A_871 = arith.constant 0 : i32
        %add3A_872 = arith.addi %scan3A_182, %add3A_871 : i32
        %mul3A_873 = arith.constant 128 : i32
        %mul3A_874 = arith.muli %add3A_872, %mul3A_873 : i32
        %add3A_875 = arith.constant 96 : i32
        %add3A_876 = arith.addi %mul3A_874, %add3A_875 : i32
        %add3A_877 = arith.constant 1 : i32
        %add3A_878 = arith.addi %add3A_876, %add3A_877 : i32
        %get3A_879 = arith.index_cast %add3A_878 : i32 to index
        %get3A_880 = tpu.vector_load %arg5[%get3A_879] {strides = array<i32>} : memref<16400xf32, #tpu.memory_space<vmem>>, vector<16xf32>,
        %add3A_881 = arith.constant 1 : i32
        %add3A_882 = arith.addi %mul3A_185, %add3A_881 : i32
        %add3A_883 = vector.broadcast %add3A_882 : i32 to vector<16xi32>
        %add3A_884 = arith.addi %mul3A_73, %add3A_883 : vector<16xi32>
        tpu.vector_store_idx %arg7[%add3A_884], %get3A_880 : memref<8192xf32, #tpu.memory_space<vmem>>[vector<16xi32>], vector<16xf32>,
        %add3A_885 = arith.constant 1 : i32
        %add3A_886 = arith.addi %scan3A_182, %add3A_885 : i32
        %mul3A_887 = arith.constant 128 : i32
        %mul3A_888 = arith.muli %add3A_886, %mul3A_887 : i32
        %add3A_889 = arith.constant 96 : i32
        %add3A_890 = arith.addi %mul3A_888, %add3A_889 : i32
        %add3A_891 = arith.constant 0 : i32
        %add3A_892 = arith.addi %add3A_890, %add3A_891 : i32
        %get3A_893 = arith.index_cast %add3A_892 : i32 to index
        %get3A_894 = tpu.vector_load %arg5[%get3A_893] {strides = array<i32>} : memref<16400xf32, #tpu.memory_space<vmem>>, vector<16xf32>,
        %add3A_895 = arith.constant 2 : i32
        %add3A_896 = arith.addi %mul3A_185, %add3A_895 : i32
        %add3A_897 = vector.broadcast %add3A_896 : i32 to vector<16xi32>
        %add3A_898 = arith.addi %mul3A_73, %add3A_897 : vector<16xi32>
        tpu.vector_store_idx %arg7[%add3A_898], %get3A_894 : memref<8192xf32, #tpu.memory_space<vmem>>[vector<16xi32>], vector<16xf32>,
        %add3A_899 = arith.constant 1 : i32
        %add3A_900 = arith.addi %scan3A_182, %add3A_899 : i32
        %mul3A_901 = arith.constant 128 : i32
        %mul3A_902 = arith.muli %add3A_900, %mul3A_901 : i32
        %add3A_903 = arith.constant 96 : i32
        %add3A_904 = arith.addi %mul3A_902, %add3A_903 : i32
        %add3A_905 = arith.constant 1 : i32
        %add3A_906 = arith.addi %add3A_904, %add3A_905 : i32
        %get3A_907 = arith.index_cast %add3A_906 : i32 to index
        %get3A_908 = tpu.vector_load %arg5[%get3A_907] {strides = array<i32>} : memref<16400xf32, #tpu.memory_space<vmem>>, vector<16xf32>,
        %add3A_909 = arith.constant 3 : i32
        %add3A_910 = arith.addi %mul3A_185, %add3A_909 : i32
        %add3A_911 = vector.broadcast %add3A_910 : i32 to vector<16xi32>
        %add3A_912 = arith.addi %mul3A_73, %add3A_911 : vector<16xi32>
        tpu.vector_store_idx %arg7[%add3A_912], %get3A_908 : memref<8192xf32, #tpu.memory_space<vmem>>[vector<16xi32>], vector<16xf32>,
        %add3A_913 = arith.constant 0 : i32
        %add3A_914 = arith.addi %scan3A_182, %add3A_913 : i32
        %mul3A_915 = arith.constant 128 : i32
        %mul3A_916 = arith.muli %add3A_914, %mul3A_915 : i32
        %add3A_917 = arith.constant 96 : i32
        %add3A_918 = arith.addi %mul3A_916, %add3A_917 : i32
        %add3A_919 = arith.constant 0 : i32
        %add3A_920 = arith.addi %add3A_918, %add3A_919 : i32
        %get3A_921 = arith.index_cast %add3A_920 : i32 to index
        %get3A_922 = tpu.vector_load %arg6[%get3A_921] {strides = array<i32>} : memref<16400xf32, #tpu.memory_space<vmem>>, vector<16xf32>,
        %add3A_923 = arith.constant 4 : i32
        %add3A_924 = arith.addi %mul3A_185, %add3A_923 : i32
        %add3A_925 = vector.broadcast %add3A_924 : i32 to vector<16xi32>
        %add3A_926 = arith.addi %mul3A_73, %add3A_925 : vector<16xi32>
        tpu.vector_store_idx %arg7[%add3A_926], %get3A_922 : memref<8192xf32, #tpu.memory_space<vmem>>[vector<16xi32>], vector<16xf32>,
        %add3A_927 = arith.constant 0 : i32
        %add3A_928 = arith.addi %scan3A_182, %add3A_927 : i32
        %mul3A_929 = arith.constant 128 : i32
        %mul3A_930 = arith.muli %add3A_928, %mul3A_929 : i32
        %add3A_931 = arith.constant 96 : i32
        %add3A_932 = arith.addi %mul3A_930, %add3A_931 : i32
        %add3A_933 = arith.constant 1 : i32
        %add3A_934 = arith.addi %add3A_932, %add3A_933 : i32
        %get3A_935 = arith.index_cast %add3A_934 : i32 to index
        %get3A_936 = tpu.vector_load %arg6[%get3A_935] {strides = array<i32>} : memref<16400xf32, #tpu.memory_space<vmem>>, vector<16xf32>,
        %add3A_937 = arith.constant 5 : i32
        %add3A_938 = arith.addi %mul3A_185, %add3A_937 : i32
        %add3A_939 = vector.broadcast %add3A_938 : i32 to vector<16xi32>
        %add3A_940 = arith.addi %mul3A_73, %add3A_939 : vector<16xi32>
        tpu.vector_store_idx %arg7[%add3A_940], %get3A_936 : memref<8192xf32, #tpu.memory_space<vmem>>[vector<16xi32>], vector<16xf32>,
        %add3A_941 = arith.constant 1 : i32
        %add3A_942 = arith.addi %scan3A_182, %add3A_941 : i32
        %mul3A_943 = arith.constant 128 : i32
        %mul3A_944 = arith.muli %add3A_942, %mul3A_943 : i32
        %add3A_945 = arith.constant 96 : i32
        %add3A_946 = arith.addi %mul3A_944, %add3A_945 : i32
        %add3A_947 = arith.constant 0 : i32
        %add3A_948 = arith.addi %add3A_946, %add3A_947 : i32
        %get3A_949 = arith.index_cast %add3A_948 : i32 to index
        %get3A_950 = tpu.vector_load %arg6[%get3A_949] {strides = array<i32>} : memref<16400xf32, #tpu.memory_space<vmem>>, vector<16xf32>,
        %add3A_951 = arith.constant 6 : i32
        %add3A_952 = arith.addi %mul3A_185, %add3A_951 : i32
        %add3A_953 = vector.broadcast %add3A_952 : i32 to vector<16xi32>
        %add3A_954 = arith.addi %mul3A_73, %add3A_953 : vector<16xi32>
        tpu.vector_store_idx %arg7[%add3A_954], %get3A_950 : memref<8192xf32, #tpu.memory_space<vmem>>[vector<16xi32>], vector<16xf32>,
        %add3A_955 = arith.constant 1 : i32
        %add3A_956 = arith.addi %scan3A_182, %add3A_955 : i32
        %mul3A_957 = arith.constant 128 : i32
        %mul3A_958 = arith.muli %add3A_956, %mul3A_957 : i32
        %add3A_959 = arith.constant 96 : i32
        %add3A_960 = arith.addi %mul3A_958, %add3A_959 : i32
        %add3A_961 = arith.constant 1 : i32
        %add3A_962 = arith.addi %add3A_960, %add3A_961 : i32
        %get3A_963 = arith.index_cast %add3A_962 : i32 to index
        %get3A_964 = tpu.vector_load %arg6[%get3A_963] {strides = array<i32>} : memref<16400xf32, #tpu.memory_space<vmem>>, vector<16xf32>,
        %add3A_965 = arith.constant 7 : i32
        %add3A_966 = arith.addi %mul3A_185, %add3A_965 : i32
        %add3A_967 = vector.broadcast %add3A_966 : i32 to vector<16xi32>
        %add3A_968 = arith.addi %mul3A_73, %add3A_967 : vector<16xi32>
        tpu.vector_store_idx %arg7[%add3A_968], %get3A_964 : memref<8192xf32, #tpu.memory_space<vmem>>[vector<16xi32>], vector<16xf32>,
        %add3A_969 = arith.constant 0 : i32
        %add3A_970 = arith.addi %scan3A_182, %add3A_969 : i32
        %mul3A_971 = arith.constant 128 : i32
        %mul3A_972 = arith.muli %add3A_970, %mul3A_971 : i32
        %add3A_973 = arith.constant 112 : i32
        %add3A_974 = arith.addi %mul3A_972, %add3A_973 : i32
        %add3A_975 = arith.constant 0 : i32
        %add3A_976 = arith.addi %add3A_974, %add3A_975 : i32
        %get3A_977 = arith.index_cast %add3A_976 : i32 to index
        %get3A_978 = tpu.vector_load %arg5[%get3A_977] {strides = array<i32>} : memref<16400xf32, #tpu.memory_space<vmem>>, vector<16xf32>,
        %add3A_979 = arith.constant 0 : i32
        %add3A_980 = arith.addi %mul3A_185, %add3A_979 : i32
        %add3A_981 = vector.broadcast %add3A_980 : i32 to vector<16xi32>
        %add3A_982 = arith.addi %mul3A_79, %add3A_981 : vector<16xi32>
        tpu.vector_store_idx %arg7[%add3A_982], %get3A_978 : memref<8192xf32, #tpu.memory_space<vmem>>[vector<16xi32>], vector<16xf32>,
        %add3A_983 = arith.constant 0 : i32
        %add3A_984 = arith.addi %scan3A_182, %add3A_983 : i32
        %mul3A_985 = arith.constant 128 : i32
        %mul3A_986 = arith.muli %add3A_984, %mul3A_985 : i32
        %add3A_987 = arith.constant 112 : i32
        %add3A_988 = arith.addi %mul3A_986, %add3A_987 : i32
        %add3A_989 = arith.constant 1 : i32
        %add3A_990 = arith.addi %add3A_988, %add3A_989 : i32
        %get3A_991 = arith.index_cast %add3A_990 : i32 to index
        %get3A_992 = tpu.vector_load %arg5[%get3A_991] {strides = array<i32>} : memref<16400xf32, #tpu.memory_space<vmem>>, vector<16xf32>,
        %add3A_993 = arith.constant 1 : i32
        %add3A_994 = arith.addi %mul3A_185, %add3A_993 : i32
        %add3A_995 = vector.broadcast %add3A_994 : i32 to vector<16xi32>
        %add3A_996 = arith.addi %mul3A_79, %add3A_995 : vector<16xi32>
        tpu.vector_store_idx %arg7[%add3A_996], %get3A_992 : memref<8192xf32, #tpu.memory_space<vmem>>[vector<16xi32>], vector<16xf32>,
        %add3A_997 = arith.constant 1 : i32
        %add3A_998 = arith.addi %scan3A_182, %add3A_997 : i32
        %mul3A_999 = arith.constant 128 : i32
        %mul3A_1000 = arith.muli %add3A_998, %mul3A_999 : i32
        %add3A_1001 = arith.constant 112 : i32
        %add3A_1002 = arith.addi %mul3A_1000, %add3A_1001 : i32
        %add3A_1003 = arith.constant 0 : i32
        %add3A_1004 = arith.addi %add3A_1002, %add3A_1003 : i32
        %get3A_1005 = arith.index_cast %add3A_1004 : i32 to index
        %get3A_1006 = tpu.vector_load %arg5[%get3A_1005] {strides = array<i32>} : memref<16400xf32, #tpu.memory_space<vmem>>, vector<16xf32>,
        %add3A_1007 = arith.constant 2 : i32
        %add3A_1008 = arith.addi %mul3A_185, %add3A_1007 : i32
        %add3A_1009 = vector.broadcast %add3A_1008 : i32 to vector<16xi32>
        %add3A_1010 = arith.addi %mul3A_79, %add3A_1009 : vector<16xi32>
        tpu.vector_store_idx %arg7[%add3A_1010], %get3A_1006 : memref<8192xf32, #tpu.memory_space<vmem>>[vector<16xi32>], vector<16xf32>,
        %add3A_1011 = arith.constant 1 : i32
        %add3A_1012 = arith.addi %scan3A_182, %add3A_1011 : i32
        %mul3A_1013 = arith.constant 128 : i32
        %mul3A_1014 = arith.muli %add3A_1012, %mul3A_1013 : i32
        %add3A_1015 = arith.constant 112 : i32
        %add3A_1016 = arith.addi %mul3A_1014, %add3A_1015 : i32
        %add3A_1017 = arith.constant 1 : i32
        %add3A_1018 = arith.addi %add3A_1016, %add3A_1017 : i32
        %get3A_1019 = arith.index_cast %add3A_1018 : i32 to index
        %get3A_1020 = tpu.vector_load %arg5[%get3A_1019] {strides = array<i32>} : memref<16400xf32, #tpu.memory_space<vmem>>, vector<16xf32>,
        %add3A_1021 = arith.constant 3 : i32
        %add3A_1022 = arith.addi %mul3A_185, %add3A_1021 : i32
        %add3A_1023 = vector.broadcast %add3A_1022 : i32 to vector<16xi32>
        %add3A_1024 = arith.addi %mul3A_79, %add3A_1023 : vector<16xi32>
        tpu.vector_store_idx %arg7[%add3A_1024], %get3A_1020 : memref<8192xf32, #tpu.memory_space<vmem>>[vector<16xi32>], vector<16xf32>,
        %add3A_1025 = arith.constant 0 : i32
        %add3A_1026 = arith.addi %scan3A_182, %add3A_1025 : i32
        %mul3A_1027 = arith.constant 128 : i32
        %mul3A_1028 = arith.muli %add3A_1026, %mul3A_1027 : i32
        %add3A_1029 = arith.constant 112 : i32
        %add3A_1030 = arith.addi %mul3A_1028, %add3A_1029 : i32
        %add3A_1031 = arith.constant 0 : i32
        %add3A_1032 = arith.addi %add3A_1030, %add3A_1031 : i32
        %get3A_1033 = arith.index_cast %add3A_1032 : i32 to index
        %get3A_1034 = tpu.vector_load %arg6[%get3A_1033] {strides = array<i32>} : memref<16400xf32, #tpu.memory_space<vmem>>, vector<16xf32>,
        %add3A_1035 = arith.constant 4 : i32
        %add3A_1036 = arith.addi %mul3A_185, %add3A_1035 : i32
        %add3A_1037 = vector.broadcast %add3A_1036 : i32 to vector<16xi32>
        %add3A_1038 = arith.addi %mul3A_79, %add3A_1037 : vector<16xi32>
        tpu.vector_store_idx %arg7[%add3A_1038], %get3A_1034 : memref<8192xf32, #tpu.memory_space<vmem>>[vector<16xi32>], vector<16xf32>,
        %add3A_1039 = arith.constant 0 : i32
        %add3A_1040 = arith.addi %scan3A_182, %add3A_1039 : i32
        %mul3A_1041 = arith.constant 128 : i32
        %mul3A_1042 = arith.muli %add3A_1040, %mul3A_1041 : i32
        %add3A_1043 = arith.constant 112 : i32
        %add3A_1044 = arith.addi %mul3A_1042, %add3A_1043 : i32
        %add3A_1045 = arith.constant 1 : i32
        %add3A_1046 = arith.addi %add3A_1044, %add3A_1045 : i32
        %get3A_1047 = arith.index_cast %add3A_1046 : i32 to index
        %get3A_1048 = tpu.vector_load %arg6[%get3A_1047] {strides = array<i32>} : memref<16400xf32, #tpu.memory_space<vmem>>, vector<16xf32>,
        %add3A_1049 = arith.constant 5 : i32
        %add3A_1050 = arith.addi %mul3A_185, %add3A_1049 : i32
        %add3A_1051 = vector.broadcast %add3A_1050 : i32 to vector<16xi32>
        %add3A_1052 = arith.addi %mul3A_79, %add3A_1051 : vector<16xi32>
        tpu.vector_store_idx %arg7[%add3A_1052], %get3A_1048 : memref<8192xf32, #tpu.memory_space<vmem>>[vector<16xi32>], vector<16xf32>,
        %add3A_1053 = arith.constant 1 : i32
        %add3A_1054 = arith.addi %scan3A_182, %add3A_1053 : i32
        %mul3A_1055 = arith.constant 128 : i32
        %mul3A_1056 = arith.muli %add3A_1054, %mul3A_1055 : i32
        %add3A_1057 = arith.constant 112 : i32
        %add3A_1058 = arith.addi %mul3A_1056, %add3A_1057 : i32
        %add3A_1059 = arith.constant 0 : i32
        %add3A_1060 = arith.addi %add3A_1058, %add3A_1059 : i32
        %get3A_1061 = arith.index_cast %add3A_1060 : i32 to index
        %get3A_1062 = tpu.vector_load %arg6[%get3A_1061] {strides = array<i32>} : memref<16400xf32, #tpu.memory_space<vmem>>, vector<16xf32>,
        %add3A_1063 = arith.constant 6 : i32
        %add3A_1064 = arith.addi %mul3A_185, %add3A_1063 : i32
        %add3A_1065 = vector.broadcast %add3A_1064 : i32 to vector<16xi32>
        %add3A_1066 = arith.addi %mul3A_79, %add3A_1065 : vector<16xi32>
        tpu.vector_store_idx %arg7[%add3A_1066], %get3A_1062 : memref<8192xf32, #tpu.memory_space<vmem>>[vector<16xi32>], vector<16xf32>,
        %add3A_1067 = arith.constant 1 : i32
        %add3A_1068 = arith.addi %scan3A_182, %add3A_1067 : i32
        %mul3A_1069 = arith.constant 128 : i32
        %mul3A_1070 = arith.muli %add3A_1068, %mul3A_1069 : i32
        %add3A_1071 = arith.constant 112 : i32
        %add3A_1072 = arith.addi %mul3A_1070, %add3A_1071 : i32
        %add3A_1073 = arith.constant 1 : i32
        %add3A_1074 = arith.addi %add3A_1072, %add3A_1073 : i32
        %get3A_1075 = arith.index_cast %add3A_1074 : i32 to index
        %get3A_1076 = tpu.vector_load %arg6[%get3A_1075] {strides = array<i32>} : memref<16400xf32, #tpu.memory_space<vmem>>, vector<16xf32>,
        %add3A_1077 = arith.constant 7 : i32
        %add3A_1078 = arith.addi %mul3A_185, %add3A_1077 : i32
        %add3A_1079 = vector.broadcast %add3A_1078 : i32 to vector<16xi32>
        %add3A_1080 = arith.addi %mul3A_79, %add3A_1079 : vector<16xi32>
        tpu.vector_store_idx %arg7[%add3A_1080], %get3A_1076 : memref<8192xf32, #tpu.memory_space<vmem>>[vector<16xi32>], vector<16xf32>,
        %mul3A_1081 = arith.constant 16129 : i32
        %mul3A_1082 = arith.muli %add3A_25, %mul3A_1081 : i32
        %add3A_1083 = arith.constant 0 : i32
        %add3A_1084 = arith.addi %add3A_1083, %mul3A_1082 : i32
        %mul3A_1085 = arith.constant 127 : i32
        %mul3A_1086 = arith.muli %scan3A_182, %mul3A_1085 : i32
        %add3A_1087 = arith.addi %add3A_1084, %mul3A_1086 : i32
        %mul3A_1088 = arith.constant 8 : i32
        %mul3A_1089 = arith.muli %add3A_1087, %mul3A_1088 : i32
        %dma_start3A = tpu.memref_slice %arg7[%mul3A_185] : memref<8192xf32, #tpu.memory_space<vmem>> -> memref<1016xf32, #tpu.memory_space<vmem>>
        %dma_start3A_1090 = tpu.memref_slice %arg4[%mul3A_1089] : memref<32774128xf32, #tpu.memory_space<hbm>> -> memref<1016xf32, #tpu.memory_space<hbm>>
        %dma_start3A_1091 = tpu.memref_slice %arg4[%mul3A_1089] : memref<32774128xf32, #tpu.memory_space<hbm>> -> memref<1016xf32, #tpu.memory_space<hbm>>
        %dma_start3A_1092 = tpu.memref_slice %arg7[%mul3A_185] : memref<8192xf32, #tpu.memory_space<vmem>> -> memref<1016xf32, #tpu.memory_space<vmem>>
        tpu.enqueue_dma source(%dma_start3A_1092 : memref<1016xf32, #tpu.memory_space<vmem>>) target(%dma_start3A_1091 : memref<1016xf32, #tpu.memory_space<hbm>>) target_semaphore(%arg8 : memref<!tpu.dma_semaphore, #tpu.memory_space<semaphore_mem>>)
        %ge3A = arith.constant 7 : i32
        %ge3A_1093 = arith.cmpi sge, %scan3A_182, %ge3A : i32
        %convert_element_type3A = arith.extui %ge3A_1093 : i1 to i32
        %cond3A = arith.constant 0 : i32
        %cond3A_1094 = arith.cmpi ne, %convert_element_type3A, %cond3A : i32
        scf.if %cond3A_1094 {
          %sub3A = arith.constant 7 : i32
          %sub3A_1095 = arith.subi %scan3A_182, %sub3A : i32
          %mul3A_1096 = arith.constant 16129 : i32
          %mul3A_1097 = arith.muli %add3A_25, %mul3A_1096 : i32
          %add3A_1098 = arith.constant 0 : i32
          %add3A_1099 = arith.addi %add3A_1098, %mul3A_1097 : i32
          %mul3A_1100 = arith.constant 127 : i32
          %mul3A_1101 = arith.muli %sub3A_1095, %mul3A_1100 : i32
          %add3A_1102 = arith.addi %add3A_1099, %mul3A_1101 : i32
          %mul3A_1103 = arith.constant 8 : i32
          %mul3A_1104 = arith.muli %add3A_1102, %mul3A_1103 : i32
          %and3A_1105 = arith.constant 7 : i32
          %and3A_1106 = arith.andi %sub3A_1095, %and3A_1105 : i32
          %mul3A_1107 = arith.constant 1024 : i32
          %mul3A_1108 = arith.muli %and3A_1106, %mul3A_1107 : i32
          %dma_wait3A_1109 = tpu.memref_slice %arg7[%mul3A_1108] : memref<8192xf32, #tpu.memory_space<vmem>> -> memref<1016xf32, #tpu.memory_space<vmem>>
          %dma_wait3A_1110 = tpu.memref_slice %arg4[%mul3A_1104] : memref<32774128xf32, #tpu.memory_space<hbm>> -> memref<1016xf32, #tpu.memory_space<hbm>>
          %dma_wait3A_1111 = tpu.memref_slice %arg4[%mul3A_1104] : memref<32774128xf32, #tpu.memory_space<hbm>> -> memref<1016xf32, #tpu.memory_space<hbm>>
          %dma_wait3A_1112 = tpu.memref_slice %arg7[%mul3A_1108] : memref<8192xf32, #tpu.memory_space<vmem>> -> memref<1016xf32, #tpu.memory_space<vmem>>
          tpu.wait_dma2 semaphore(%arg8 : memref<!tpu.dma_semaphore, #tpu.memory_space<semaphore_mem>>) src(%dma_wait3A_1112 : memref<1016xf32, #tpu.memory_space<vmem>>) dst(%dma_wait3A_1111 : memref<1016xf32, #tpu.memory_space<hbm>>)
        } else {
        }
      }
      %scan3A_84 = arith.constant 127 : i32
      %mul3A_85 = arith.constant 16129 : i32
      %mul3A_86 = arith.muli %add3A_25, %mul3A_85 : i32
      %add3A_87 = arith.constant 0 : i32
      %add3A_88 = arith.addi %add3A_87, %mul3A_86 : i32
      %add3A_89 = arith.constant 15240 : i32
      %add3A_90 = arith.addi %add3A_88, %add3A_89 : i32
      %mul3A_91 = arith.constant 8 : i32
      %mul3A_92 = arith.muli %add3A_90, %mul3A_91 : i32
      %dma_wait3A = arith.constant 0 : i32
      %dma_wait3A_93 = tpu.memref_slice %arg7[%dma_wait3A] : memref<8192xf32, #tpu.memory_space<vmem>> -> memref<1016xf32, #tpu.memory_space<vmem>>
      %dma_wait3A_94 = tpu.memref_slice %arg4[%mul3A_92] : memref<32774128xf32, #tpu.memory_space<hbm>> -> memref<1016xf32, #tpu.memory_space<hbm>>
      %dma_wait3A_95 = tpu.memref_slice %arg4[%mul3A_92] : memref<32774128xf32, #tpu.memory_space<hbm>> -> memref<1016xf32, #tpu.memory_space<hbm>>
      %dma_wait3A_96 = arith.constant 0 : i32
      %dma_wait3A_97 = tpu.memref_slice %arg7[%dma_wait3A_96] : memref<8192xf32, #tpu.memory_space<vmem>> -> memref<1016xf32, #tpu.memory_space<vmem>>
      tpu.wait_dma2 semaphore(%arg8 : memref<!tpu.dma_semaphore, #tpu.memory_space<semaphore_mem>>) src(%dma_wait3A_97 : memref<1016xf32, #tpu.memory_space<vmem>>) dst(%dma_wait3A_95 : memref<1016xf32, #tpu.memory_space<hbm>>)
      %mul3A_98 = arith.constant 16129 : i32
      %mul3A_99 = arith.muli %add3A_25, %mul3A_98 : i32
      %add3A_100 = arith.constant 0 : i32
      %add3A_101 = arith.addi %add3A_100, %mul3A_99 : i32
      %add3A_102 = arith.constant 15367 : i32
      %add3A_103 = arith.addi %add3A_101, %add3A_102 : i32
      %mul3A_104 = arith.constant 8 : i32
      %mul3A_105 = arith.muli %add3A_103, %mul3A_104 : i32
      %dma_wait3A_106 = arith.constant 1024 : i32
      %dma_wait3A_107 = tpu.memref_slice %arg7[%dma_wait3A_106] : memref<8192xf32, #tpu.memory_space<vmem>> -> memref<1016xf32, #tpu.memory_space<vmem>>
      %dma_wait3A_108 = tpu.memref_slice %arg4[%mul3A_105] : memref<32774128xf32, #tpu.memory_space<hbm>> -> memref<1016xf32, #tpu.memory_space<hbm>>
      %dma_wait3A_109 = tpu.memref_slice %arg4[%mul3A_105] : memref<32774128xf32, #tpu.memory_space<hbm>> -> memref<1016xf32, #tpu.memory_space<hbm>>
      %dma_wait3A_110 = arith.constant 1024 : i32
      %dma_wait3A_111 = tpu.memref_slice %arg7[%dma_wait3A_110] : memref<8192xf32, #tpu.memory_space<vmem>> -> memref<1016xf32, #tpu.memory_space<vmem>>
      tpu.wait_dma2 semaphore(%arg8 : memref<!tpu.dma_semaphore, #tpu.memory_space<semaphore_mem>>) src(%dma_wait3A_111 : memref<1016xf32, #tpu.memory_space<vmem>>) dst(%dma_wait3A_109 : memref<1016xf32, #tpu.memory_space<hbm>>)
      %mul3A_112 = arith.constant 16129 : i32
      %mul3A_113 = arith.muli %add3A_25, %mul3A_112 : i32
      %add3A_114 = arith.constant 0 : i32
      %add3A_115 = arith.addi %add3A_114, %mul3A_113 : i32
      %add3A_116 = arith.constant 15494 : i32
      %add3A_117 = arith.addi %add3A_115, %add3A_116 : i32
      %mul3A_118 = arith.constant 8 : i32
      %mul3A_119 = arith.muli %add3A_117, %mul3A_118 : i32
      %dma_wait3A_120 = arith.constant 2048 : i32
      %dma_wait3A_121 = tpu.memref_slice %arg7[%dma_wait3A_120] : memref<8192xf32, #tpu.memory_space<vmem>> -> memref<1016xf32, #tpu.memory_space<vmem>>
      %dma_wait3A_122 = tpu.memref_slice %arg4[%mul3A_119] : memref<32774128xf32, #tpu.memory_space<hbm>> -> memref<1016xf32, #tpu.memory_space<hbm>>
      %dma_wait3A_123 = tpu.memref_slice %arg4[%mul3A_119] : memref<32774128xf32, #tpu.memory_space<hbm>> -> memref<1016xf32, #tpu.memory_space<hbm>>
      %dma_wait3A_124 = arith.constant 2048 : i32
      %dma_wait3A_125 = tpu.memref_slice %arg7[%dma_wait3A_124] : memref<8192xf32, #tpu.memory_space<vmem>> -> memref<1016xf32, #tpu.memory_space<vmem>>
      tpu.wait_dma2 semaphore(%arg8 : memref<!tpu.dma_semaphore, #tpu.memory_space<semaphore_mem>>) src(%dma_wait3A_125 : memref<1016xf32, #tpu.memory_space<vmem>>) dst(%dma_wait3A_123 : memref<1016xf32, #tpu.memory_space<hbm>>)
      %mul3A_126 = arith.constant 16129 : i32
      %mul3A_127 = arith.muli %add3A_25, %mul3A_126 : i32
      %add3A_128 = arith.constant 0 : i32
      %add3A_129 = arith.addi %add3A_128, %mul3A_127 : i32
      %add3A_130 = arith.constant 15621 : i32
      %add3A_131 = arith.addi %add3A_129, %add3A_130 : i32
      %mul3A_132 = arith.constant 8 : i32
      %mul3A_133 = arith.muli %add3A_131, %mul3A_132 : i32
      %dma_wait3A_134 = arith.constant 3072 : i32
      %dma_wait3A_135 = tpu.memref_slice %arg7[%dma_wait3A_134] : memref<8192xf32, #tpu.memory_space<vmem>> -> memref<1016xf32, #tpu.memory_space<vmem>>
      %dma_wait3A_136 = tpu.memref_slice %arg4[%mul3A_133] : memref<32774128xf32, #tpu.memory_space<hbm>> -> memref<1016xf32, #tpu.memory_space<hbm>>
      %dma_wait3A_137 = tpu.memref_slice %arg4[%mul3A_133] : memref<32774128xf32, #tpu.memory_space<hbm>> -> memref<1016xf32, #tpu.memory_space<hbm>>
      %dma_wait3A_138 = arith.constant 3072 : i32
      %dma_wait3A_139 = tpu.memref_slice %arg7[%dma_wait3A_138] : memref<8192xf32, #tpu.memory_space<vmem>> -> memref<1016xf32, #tpu.memory_space<vmem>>
      tpu.wait_dma2 semaphore(%arg8 : memref<!tpu.dma_semaphore, #tpu.memory_space<semaphore_mem>>) src(%dma_wait3A_139 : memref<1016xf32, #tpu.memory_space<vmem>>) dst(%dma_wait3A_137 : memref<1016xf32, #tpu.memory_space<hbm>>)
      %mul3A_140 = arith.constant 16129 : i32
      %mul3A_141 = arith.muli %add3A_25, %mul3A_140 : i32
      %add3A_142 = arith.constant 0 : i32
      %add3A_143 = arith.addi %add3A_142, %mul3A_141 : i32
      %add3A_144 = arith.constant 15748 : i32
      %add3A_145 = arith.addi %add3A_143, %add3A_144 : i32
      %mul3A_146 = arith.constant 8 : i32
      %mul3A_147 = arith.muli %add3A_145, %mul3A_146 : i32
      %dma_wait3A_148 = arith.constant 4096 : i32
      %dma_wait3A_149 = tpu.memref_slice %arg7[%dma_wait3A_148] : memref<8192xf32, #tpu.memory_space<vmem>> -> memref<1016xf32, #tpu.memory_space<vmem>>
      %dma_wait3A_150 = tpu.memref_slice %arg4[%mul3A_147] : memref<32774128xf32, #tpu.memory_space<hbm>> -> memref<1016xf32, #tpu.memory_space<hbm>>
      %dma_wait3A_151 = tpu.memref_slice %arg4[%mul3A_147] : memref<32774128xf32, #tpu.memory_space<hbm>> -> memref<1016xf32, #tpu.memory_space<hbm>>
      %dma_wait3A_152 = arith.constant 4096 : i32
      %dma_wait3A_153 = tpu.memref_slice %arg7[%dma_wait3A_152] : memref<8192xf32, #tpu.memory_space<vmem>> -> memref<1016xf32, #tpu.memory_space<vmem>>
      tpu.wait_dma2 semaphore(%arg8 : memref<!tpu.dma_semaphore, #tpu.memory_space<semaphore_mem>>) src(%dma_wait3A_153 : memref<1016xf32, #tpu.memory_space<vmem>>) dst(%dma_wait3A_151 : memref<1016xf32, #tpu.memory_space<hbm>>)
      %mul3A_154 = arith.constant 16129 : i32
      %mul3A_155 = arith.muli %add3A_25, %mul3A_154 : i32
      %add3A_156 = arith.constant 0 : i32
      %add3A_157 = arith.addi %add3A_156, %mul3A_155 : i32
      %add3A_158 = arith.constant 15875 : i32
      %add3A_159 = arith.addi %add3A_157, %add3A_158 : i32
      %mul3A_160 = arith.constant 8 : i32
      %mul3A_161 = arith.muli %add3A_159, %mul3A_160 : i32
      %dma_wait3A_162 = arith.constant 5120 : i32
      %dma_wait3A_163 = tpu.memref_slice %arg7[%dma_wait3A_162] : memref<8192xf32, #tpu.memory_space<vmem>> -> memref<1016xf32, #tpu.memory_space<vmem>>
      %dma_wait3A_164 = tpu.memref_slice %arg4[%mul3A_161] : memref<32774128xf32, #tpu.memory_space<hbm>> -> memref<1016xf32, #tpu.memory_space<hbm>>
      %dma_wait3A_165 = tpu.memref_slice %arg4[%mul3A_161] : memref<32774128xf32, #tpu.memory_space<hbm>> -> memref<1016xf32, #tpu.memory_space<hbm>>
      %dma_wait3A_166 = arith.constant 5120 : i32
      %dma_wait3A_167 = tpu.memref_slice %arg7[%dma_wait3A_166] : memref<8192xf32, #tpu.memory_space<vmem>> -> memref<1016xf32, #tpu.memory_space<vmem>>
      tpu.wait_dma2 semaphore(%arg8 : memref<!tpu.dma_semaphore, #tpu.memory_space<semaphore_mem>>) src(%dma_wait3A_167 : memref<1016xf32, #tpu.memory_space<vmem>>) dst(%dma_wait3A_165 : memref<1016xf32, #tpu.memory_space<hbm>>)
      %mul3A_168 = arith.constant 16129 : i32
      %mul3A_169 = arith.muli %add3A_25, %mul3A_168 : i32
      %add3A_170 = arith.constant 0 : i32
      %add3A_171 = arith.addi %add3A_170, %mul3A_169 : i32
      %add3A_172 = arith.constant 16002 : i32
      %add3A_173 = arith.addi %add3A_171, %add3A_172 : i32
      %mul3A_174 = arith.constant 8 : i32
      %mul3A_175 = arith.muli %add3A_173, %mul3A_174 : i32
      %dma_wait3A_176 = arith.constant 6144 : i32
      %dma_wait3A_177 = tpu.memref_slice %arg7[%dma_wait3A_176] : memref<8192xf32, #tpu.memory_space<vmem>> -> memref<1016xf32, #tpu.memory_space<vmem>>
      %dma_wait3A_178 = tpu.memref_slice %arg4[%mul3A_175] : memref<32774128xf32, #tpu.memory_space<hbm>> -> memref<1016xf32, #tpu.memory_space<hbm>>
      %dma_wait3A_179 = tpu.memref_slice %arg4[%mul3A_175] : memref<32774128xf32, #tpu.memory_space<hbm>> -> memref<1016xf32, #tpu.memory_space<hbm>>
      %dma_wait3A_180 = arith.constant 6144 : i32
      %dma_wait3A_181 = tpu.memref_slice %arg7[%dma_wait3A_180] : memref<8192xf32, #tpu.memory_space<vmem>> -> memref<1016xf32, #tpu.memory_space<vmem>>
      tpu.wait_dma2 semaphore(%arg8 : memref<!tpu.dma_semaphore, #tpu.memory_space<semaphore_mem>>) src(%dma_wait3A_181 : memref<1016xf32, #tpu.memory_space<vmem>>) dst(%dma_wait3A_179 : memref<1016xf32, #tpu.memory_space<hbm>>)
    }
    %while3A_12 = arith.constant 0 : i32
    %while3A_13 = arith.constant 0 : i32
    %while3A_14 = arith.subi %select_n3A, %while3A_13 : i32
    %while3A_15 = arith.addi %while3A_13, %while3A_14 : i32
    %while3A_16 = arith.constant 1 : i32
    %while3A_17 = arith.divsi %while3A_14, %while3A_16 : i32
    %while3A_18 = arith.muli %while3A_17, %while3A_16 : i32
    %while3A_19 = arith.addi %while3A_13, %while3A_18 : i32
    %while3A_20 = arith.constant 1 : i32
    scf.for %while3A_22 = %while3A_13 to %while3A_19 step %while3A_20  : i32 {
      %mul3A_23 = arith.constant 32 : i32
      %mul3A_24 = arith.muli %while3A_22, %mul3A_23 : i32
      %add3A_25 = arith.addi %add3A, %mul3A_24 : i32
      %mul3A_26 = arith.constant 16384 : i32
      %mul3A_27 = arith.muli %add3A_25, %mul3A_26 : i32
      "tpu.region"() ({
        %run_scoped3A = tpu.sem_alloc : memref<!tpu.dma_semaphore, #tpu.memory_space<semaphore_mem>>
        %dma_start3A = arith.constant 0 : i32
        %dma_start3A_182 = tpu.memref_slice %arg5[%dma_start3A] : memref<16400xf32, #tpu.memory_space<vmem>> -> memref<16384xf32, #tpu.memory_space<vmem>>
        %dma_start3A_183 = tpu.memref_slice %arg3[%mul3A_27] : memref<2097152xf32, #tpu.memory_space<hbm>> -> memref<16384xf32, #tpu.memory_space<hbm>>
        %dma_start3A_184 = arith.constant 0 : i32
        %dma_start3A_185 = tpu.memref_slice %arg5[%dma_start3A_184] : memref<16400xf32, #tpu.memory_space<vmem>> -> memref<16384xf32, #tpu.memory_space<vmem>>
        %dma_start3A_186 = tpu.memref_slice %arg3[%mul3A_27] : memref<2097152xf32, #tpu.memory_space<hbm>> -> memref<16384xf32, #tpu.memory_space<hbm>>
        tpu.enqueue_dma source(%dma_start3A_186 : memref<16384xf32, #tpu.memory_space<hbm>>) target(%dma_start3A_185 : memref<16384xf32, #tpu.memory_space<vmem>>) target_semaphore(%run_scoped3A : memref<!tpu.dma_semaphore, #tpu.memory_space<semaphore_mem>>)
        %dma_wait3A_187 = arith.constant 0 : i32
        %dma_wait3A_188 = tpu.memref_slice %arg5[%dma_wait3A_187] : memref<16400xf32, #tpu.memory_space<vmem>> -> memref<16384xf32, #tpu.memory_space<vmem>>
        %dma_wait3A_189 = tpu.memref_slice %arg3[%mul3A_27] : memref<2097152xf32, #tpu.memory_space<hbm>> -> memref<16384xf32, #tpu.memory_space<hbm>>
        %dma_wait3A_190 = arith.constant 0 : i32
        %dma_wait3A_191 = tpu.memref_slice %arg5[%dma_wait3A_190] : memref<16400xf32, #tpu.memory_space<vmem>> -> memref<16384xf32, #tpu.memory_space<vmem>>
        %dma_wait3A_192 = tpu.memref_slice %arg3[%mul3A_27] : memref<2097152xf32, #tpu.memory_space<hbm>> -> memref<16384xf32, #tpu.memory_space<hbm>>
        tpu.wait_dma2 semaphore(%run_scoped3A : memref<!tpu.dma_semaphore, #tpu.memory_space<semaphore_mem>>) src(%dma_wait3A_192 : memref<16384xf32, #tpu.memory_space<hbm>>) dst(%dma_wait3A_191 : memref<16384xf32, #tpu.memory_space<vmem>>)
        tpu.yield
      }) : () -> ()
      %add3A_28 = arith.constant 1 : i32
      %add3A_29 = arith.addi %add3A_25, %add3A_28 : i32
      %mul3A_30 = arith.constant 16384 : i32
      %mul3A_31 = arith.muli %add3A_29, %mul3A_30 : i32
      "tpu.region"() ({
        %run_scoped3A = tpu.sem_alloc : memref<!tpu.dma_semaphore, #tpu.memory_space<semaphore_mem>>
        %dma_start3A = arith.constant 0 : i32
        %dma_start3A_182 = tpu.memref_slice %arg6[%dma_start3A] : memref<16400xf32, #tpu.memory_space<vmem>> -> memref<16384xf32, #tpu.memory_space<vmem>>
        %dma_start3A_183 = tpu.memref_slice %arg3[%mul3A_31] : memref<2097152xf32, #tpu.memory_space<hbm>> -> memref<16384xf32, #tpu.memory_space<hbm>>
        %dma_start3A_184 = arith.constant 0 : i32
        %dma_start3A_185 = tpu.memref_slice %arg6[%dma_start3A_184] : memref<16400xf32, #tpu.memory_space<vmem>> -> memref<16384xf32, #tpu.memory_space<vmem>>
        %dma_start3A_186 = tpu.memref_slice %arg3[%mul3A_31] : memref<2097152xf32, #tpu.memory_space<hbm>> -> memref<16384xf32, #tpu.memory_space<hbm>>
        tpu.enqueue_dma source(%dma_start3A_186 : memref<16384xf32, #tpu.memory_space<hbm>>) target(%dma_start3A_185 : memref<16384xf32, #tpu.memory_space<vmem>>) target_semaphore(%run_scoped3A : memref<!tpu.dma_semaphore, #tpu.memory_space<semaphore_mem>>)
        %dma_wait3A_187 = arith.constant 0 : i32
        %dma_wait3A_188 = tpu.memref_slice %arg6[%dma_wait3A_187] : memref<16400xf32, #tpu.memory_space<vmem>> -> memref<16384xf32, #tpu.memory_space<vmem>>
        %dma_wait3A_189 = tpu.memref_slice %arg3[%mul3A_31] : memref<2097152xf32, #tpu.memory_space<hbm>> -> memref<16384xf32, #tpu.memory_space<hbm>>
        %dma_wait3A_190 = arith.constant 0 : i32
        %dma_wait3A_191 = tpu.memref_slice %arg6[%dma_wait3A_190] : memref<16400xf32, #tpu.memory_space<vmem>> -> memref<16384xf32, #tpu.memory_space<vmem>>
        %dma_wait3A_192 = tpu.memref_slice %arg3[%mul3A_31] : memref<2097152xf32, #tpu.memory_space<hbm>> -> memref<16384xf32, #tpu.memory_space<hbm>>
        tpu.wait_dma2 semaphore(%run_scoped3A : memref<!tpu.dma_semaphore, #tpu.memory_space<semaphore_mem>>) src(%dma_wait3A_192 : memref<16384xf32, #tpu.memory_space<hbm>>) dst(%dma_wait3A_191 : memref<16384xf32, #tpu.memory_space<vmem>>)
        tpu.yield
      }) : () -> ()
      %add3A_32 = arith.constant 0 : i32
      %add3A_33 = vector.broadcast %add3A_32 : i32 to vector<16xi32>
      %add3A_34 = arith.addi %iota3A, %add3A_33 : vector<16xi32>
      %mul3A_35 = arith.constant 8 : i32
      %mul3A_36 = vector.broadcast %mul3A_35 : i32 to vector<16xi32>
      %mul3A_37 = arith.muli %add3A_34, %mul3A_36 : vector<16xi32>
      %add3A_38 = arith.constant 16 : i32
      %add3A_39 = vector.broadcast %add3A_38 : i32 to vector<16xi32>
      %add3A_40 = arith.addi %iota3A, %add3A_39 : vector<16xi32>
      %mul3A_41 = arith.constant 8 : i32
      %mul3A_42 = vector.broadcast %mul3A_41 : i32 to vector<16xi32>
      %mul3A_43 = arith.muli %add3A_40, %mul3A_42 : vector<16xi32>
      %add3A_44 = arith.constant 32 : i32
      %add3A_45 = vector.broadcast %add3A_44 : i32 to vector<16xi32>
      %add3A_46 = arith.addi %iota3A, %add3A_45 : vector<16xi32>
      %mul3A_47 = arith.constant 8 : i32
      %mul3A_48 = vector.broadcast %mul3A_47 : i32 to vector<16xi32>
      %mul3A_49 = arith.muli %add3A_46, %mul3A_48 : vector<16xi32>
      %add3A_50 = arith.constant 48 : i32
      %add3A_51 = vector.broadcast %add3A_50 : i32 to vector<16xi32>
      %add3A_52 = arith.addi %iota3A, %add3A_51 : vector<16xi32>
      %mul3A_53 = arith.constant 8 : i32
      %mul3A_54 = vector.broadcast %mul3A_53 : i32 to vector<16xi32>
      %mul3A_55 = arith.muli %add3A_52, %mul3A_54 : vector<16xi32>
      %add3A_56 = arith.constant 64 : i32
      %add3A_57 = vector.broadcast %add3A_56 : i32 to vector<16xi32>
      %add3A_58 = arith.addi %iota3A, %add3A_57 : vector<16xi32>
      %mul3A_59 = arith.constant 8 : i32
      %mul3A_60 = vector.broadcast %mul3A_59 : i32 to vector<16xi32>
      %mul3A_61 = arith.muli %add3A_58, %mul3A_60 : vector<16xi32>
      %add3A_62 = arith.constant 80 : i32
      %add3A_63 = vector.broadcast %add3A_62 : i32 to vector<16xi32>
      %add3A_64 = arith.addi %iota3A, %add3A_63 : vector<16xi32>
      %mul3A_65 = arith.constant 8 : i32
      %mul3A_66 = vector.broadcast %mul3A_65 : i32 to vector<16xi32>
      %mul3A_67 = arith.muli %add3A_64, %mul3A_66 : vector<16xi32>
      %add3A_68 = arith.constant 96 : i32
      %add3A_69 = vector.broadcast %add3A_68 : i32 to vector<16xi32>
      %add3A_70 = arith.addi %iota3A, %add3A_69 : vector<16xi32>
      %mul3A_71 = arith.constant 8 : i32
      %mul3A_72 = vector.broadcast %mul3A_71 : i32 to vector<16xi32>
      %mul3A_73 = arith.muli %add3A_70, %mul3A_72 : vector<16xi32>
      %add3A_74 = arith.constant 112 : i32
      %add3A_75 = vector.broadcast %add3A_74 : i32 to vector<16xi32>
      %add3A_76 = arith.addi %iota3A, %add3A_75 : vector<16xi32>
      %mul3A_77 = arith.constant 8 : i32
      %mul3A_78 = vector.broadcast %mul3A_77 : i32 to vector<16xi32>
      %mul3A_79 = arith.muli %add3A_76, %mul3A_78 : vector<16xi32>
      %scan3A = arith.constant 0 : i32
      %scan3A_80 = arith.constant 0 : i32
      %scan3A_81 = arith.constant 127 : i32
      %scan3A_82 = arith.addi %scan3A_80, %scan3A_81 : i32
      %scan3A_83 = arith.constant 1 : i32
      scf.for %scan3A_182 = %scan3A_80 to %scan3A_82 step %scan3A_83  : i32 {
        %and3A = arith.constant 7 : i32
        %and3A_183 = arith.andi %scan3A_182, %and3A : i32
        %mul3A_184 = arith.constant 1024 : i32
        %mul3A_185 = arith.muli %and3A_183, %mul3A_184 : i32
        %add3A_186 = arith.constant 0 : i32
        %add3A_187 = arith.addi %scan3A_182, %add3A_186 : i32
        %mul3A_188 = arith.constant 128 : i32
        %mul3A_189 = arith.muli %add3A_187, %mul3A_188 : i32
        %add3A_190 = arith.constant 0 : i32
        %add3A_191 = arith.addi %mul3A_189, %add3A_190 : i32
        %add3A_192 = arith.constant 0 : i32
        %add3A_193 = arith.addi %add3A_191, %add3A_192 : i32
        %get3A = arith.index_cast %add3A_193 : i32 to index
        %get3A_194 = tpu.vector_load %arg5[%get3A] {strides = array<i32>} : memref<16400xf32, #tpu.memory_space<vmem>>, vector<16xf32>,
        %add3A_195 = arith.constant 0 : i32
        %add3A_196 = arith.addi %mul3A_185, %add3A_195 : i32
        %add3A_197 = vector.broadcast %add3A_196 : i32 to vector<16xi32>
        %add3A_198 = arith.addi %mul3A_37, %add3A_197 : vector<16xi32>
        tpu.vector_store_idx %arg7[%add3A_198], %get3A_194 : memref<8192xf32, #tpu.memory_space<vmem>>[vector<16xi32>], vector<16xf32>,
        %add3A_199 = arith.constant 0 : i32
        %add3A_200 = arith.addi %scan3A_182, %add3A_199 : i32
        %mul3A_201 = arith.constant 128 : i32
        %mul3A_202 = arith.muli %add3A_200, %mul3A_201 : i32
        %add3A_203 = arith.constant 0 : i32
        %add3A_204 = arith.addi %mul3A_202, %add3A_203 : i32
        %add3A_205 = arith.constant 1 : i32
        %add3A_206 = arith.addi %add3A_204, %add3A_205 : i32
        %get3A_207 = arith.index_cast %add3A_206 : i32 to index
        %get3A_208 = tpu.vector_load %arg5[%get3A_207] {strides = array<i32>} : memref<16400xf32, #tpu.memory_space<vmem>>, vector<16xf32>,
        %add3A_209 = arith.constant 1 : i32
        %add3A_210 = arith.addi %mul3A_185, %add3A_209 : i32
        %add3A_211 = vector.broadcast %add3A_210 : i32 to vector<16xi32>
        %add3A_212 = arith.addi %mul3A_37, %add3A_211 : vector<16xi32>
        tpu.vector_store_idx %arg7[%add3A_212], %get3A_208 : memref<8192xf32, #tpu.memory_space<vmem>>[vector<16xi32>], vector<16xf32>,
        %add3A_213 = arith.constant 1 : i32
        %add3A_214 = arith.addi %scan3A_182, %add3A_213 : i32
        %mul3A_215 = arith.constant 128 : i32
        %mul3A_216 = arith.muli %add3A_214, %mul3A_215 : i32
        %add3A_217 = arith.constant 0 : i32
        %add3A_218 = arith.addi %mul3A_216, %add3A_217 : i32
        %add3A_219 = arith.constant 0 : i32
        %add3A_220 = arith.addi %add3A_218, %add3A_219 : i32
        %get3A_221 = arith.index_cast %add3A_220 : i32 to index
        %get3A_222 = tpu.vector_load %arg5[%get3A_221] {strides = array<i32>} : memref<16400xf32, #tpu.memory_space<vmem>>, vector<16xf32>,
        %add3A_223 = arith.constant 2 : i32
        %add3A_224 = arith.addi %mul3A_185, %add3A_223 : i32
        %add3A_225 = vector.broadcast %add3A_224 : i32 to vector<16xi32>
        %add3A_226 = arith.addi %mul3A_37, %add3A_225 : vector<16xi32>
        tpu.vector_store_idx %arg7[%add3A_226], %get3A_222 : memref<8192xf32, #tpu.memory_space<vmem>>[vector<16xi32>], vector<16xf32>,
        %add3A_227 = arith.constant 1 : i32
        %add3A_228 = arith.addi %scan3A_182, %add3A_227 : i32
        %mul3A_229 = arith.constant 128 : i32
        %mul3A_230 = arith.muli %add3A_228, %mul3A_229 : i32
        %add3A_231 = arith.constant 0 : i32
        %add3A_232 = arith.addi %mul3A_230, %add3A_231 : i32
        %add3A_233 = arith.constant 1 : i32
        %add3A_234 = arith.addi %add3A_232, %add3A_233 : i32
        %get3A_235 = arith.index_cast %add3A_234 : i32 to index
        %get3A_236 = tpu.vector_load %arg5[%get3A_235] {strides = array<i32>} : memref<16400xf32, #tpu.memory_space<vmem>>, vector<16xf32>,
        %add3A_237 = arith.constant 3 : i32
        %add3A_238 = arith.addi %mul3A_185, %add3A_237 : i32
        %add3A_239 = vector.broadcast %add3A_238 : i32 to vector<16xi32>
        %add3A_240 = arith.addi %mul3A_37, %add3A_239 : vector<16xi32>
        tpu.vector_store_idx %arg7[%add3A_240], %get3A_236 : memref<8192xf32, #tpu.memory_space<vmem>>[vector<16xi32>], vector<16xf32>,
        %add3A_241 = arith.constant 0 : i32
        %add3A_242 = arith.addi %scan3A_182, %add3A_241 : i32
        %mul3A_243 = arith.constant 128 : i32
        %mul3A_244 = arith.muli %add3A_242, %mul3A_243 : i32
        %add3A_245 = arith.constant 0 : i32
        %add3A_246 = arith.addi %mul3A_244, %add3A_245 : i32
        %add3A_247 = arith.constant 0 : i32
        %add3A_248 = arith.addi %add3A_246, %add3A_247 : i32
        %get3A_249 = arith.index_cast %add3A_248 : i32 to index
        %get3A_250 = tpu.vector_load %arg6[%get3A_249] {strides = array<i32>} : memref<16400xf32, #tpu.memory_space<vmem>>, vector<16xf32>,
        %add3A_251 = arith.constant 4 : i32
        %add3A_252 = arith.addi %mul3A_185, %add3A_251 : i32
        %add3A_253 = vector.broadcast %add3A_252 : i32 to vector<16xi32>
        %add3A_254 = arith.addi %mul3A_37, %add3A_253 : vector<16xi32>
        tpu.vector_store_idx %arg7[%add3A_254], %get3A_250 : memref<8192xf32, #tpu.memory_space<vmem>>[vector<16xi32>], vector<16xf32>,
        %add3A_255 = arith.constant 0 : i32
        %add3A_256 = arith.addi %scan3A_182, %add3A_255 : i32
        %mul3A_257 = arith.constant 128 : i32
        %mul3A_258 = arith.muli %add3A_256, %mul3A_257 : i32
        %add3A_259 = arith.constant 0 : i32
        %add3A_260 = arith.addi %mul3A_258, %add3A_259 : i32
        %add3A_261 = arith.constant 1 : i32
        %add3A_262 = arith.addi %add3A_260, %add3A_261 : i32
        %get3A_263 = arith.index_cast %add3A_262 : i32 to index
        %get3A_264 = tpu.vector_load %arg6[%get3A_263] {strides = array<i32>} : memref<16400xf32, #tpu.memory_space<vmem>>, vector<16xf32>,
        %add3A_265 = arith.constant 5 : i32
        %add3A_266 = arith.addi %mul3A_185, %add3A_265 : i32
        %add3A_267 = vector.broadcast %add3A_266 : i32 to vector<16xi32>
        %add3A_268 = arith.addi %mul3A_37, %add3A_267 : vector<16xi32>
        tpu.vector_store_idx %arg7[%add3A_268], %get3A_264 : memref<8192xf32, #tpu.memory_space<vmem>>[vector<16xi32>], vector<16xf32>,
        %add3A_269 = arith.constant 1 : i32
        %add3A_270 = arith.addi %scan3A_182, %add3A_269 : i32
        %mul3A_271 = arith.constant 128 : i32
        %mul3A_272 = arith.muli %add3A_270, %mul3A_271 : i32
        %add3A_273 = arith.constant 0 : i32
        %add3A_274 = arith.addi %mul3A_272, %add3A_273 : i32
        %add3A_275 = arith.constant 0 : i32
        %add3A_276 = arith.addi %add3A_274, %add3A_275 : i32
        %get3A_277 = arith.index_cast %add3A_276 : i32 to index
        %get3A_278 = tpu.vector_load %arg6[%get3A_277] {strides = array<i32>} : memref<16400xf32, #tpu.memory_space<vmem>>, vector<16xf32>,
        %add3A_279 = arith.constant 6 : i32
        %add3A_280 = arith.addi %mul3A_185, %add3A_279 : i32
        %add3A_281 = vector.broadcast %add3A_280 : i32 to vector<16xi32>
        %add3A_282 = arith.addi %mul3A_37, %add3A_281 : vector<16xi32>
        tpu.vector_store_idx %arg7[%add3A_282], %get3A_278 : memref<8192xf32, #tpu.memory_space<vmem>>[vector<16xi32>], vector<16xf32>,
        %add3A_283 = arith.constant 1 : i32
        %add3A_284 = arith.addi %scan3A_182, %add3A_283 : i32
        %mul3A_285 = arith.constant 128 : i32
        %mul3A_286 = arith.muli %add3A_284, %mul3A_285 : i32
        %add3A_287 = arith.constant 0 : i32
        %add3A_288 = arith.addi %mul3A_286, %add3A_287 : i32
        %add3A_289 = arith.constant 1 : i32
        %add3A_290 = arith.addi %add3A_288, %add3A_289 : i32
        %get3A_291 = arith.index_cast %add3A_290 : i32 to index
        %get3A_292 = tpu.vector_load %arg6[%get3A_291] {strides = array<i32>} : memref<16400xf32, #tpu.memory_space<vmem>>, vector<16xf32>,
        %add3A_293 = arith.constant 7 : i32
        %add3A_294 = arith.addi %mul3A_185, %add3A_293 : i32
        %add3A_295 = vector.broadcast %add3A_294 : i32 to vector<16xi32>
        %add3A_296 = arith.addi %mul3A_37, %add3A_295 : vector<16xi32>
        tpu.vector_store_idx %arg7[%add3A_296], %get3A_292 : memref<8192xf32, #tpu.memory_space<vmem>>[vector<16xi32>], vector<16xf32>,
        %add3A_297 = arith.constant 0 : i32
        %add3A_298 = arith.addi %scan3A_182, %add3A_297 : i32
        %mul3A_299 = arith.constant 128 : i32
        %mul3A_300 = arith.muli %add3A_298, %mul3A_299 : i32
        %add3A_301 = arith.constant 16 : i32
        %add3A_302 = arith.addi %mul3A_300, %add3A_301 : i32
        %add3A_303 = arith.constant 0 : i32
        %add3A_304 = arith.addi %add3A_302, %add3A_303 : i32
        %get3A_305 = arith.index_cast %add3A_304 : i32 to index
        %get3A_306 = tpu.vector_load %arg5[%get3A_305] {strides = array<i32>} : memref<16400xf32, #tpu.memory_space<vmem>>, vector<16xf32>,
        %add3A_307 = arith.constant 0 : i32
        %add3A_308 = arith.addi %mul3A_185, %add3A_307 : i32
        %add3A_309 = vector.broadcast %add3A_308 : i32 to vector<16xi32>
        %add3A_310 = arith.addi %mul3A_43, %add3A_309 : vector<16xi32>
        tpu.vector_store_idx %arg7[%add3A_310], %get3A_306 : memref<8192xf32, #tpu.memory_space<vmem>>[vector<16xi32>], vector<16xf32>,
        %add3A_311 = arith.constant 0 : i32
        %add3A_312 = arith.addi %scan3A_182, %add3A_311 : i32
        %mul3A_313 = arith.constant 128 : i32
        %mul3A_314 = arith.muli %add3A_312, %mul3A_313 : i32
        %add3A_315 = arith.constant 16 : i32
        %add3A_316 = arith.addi %mul3A_314, %add3A_315 : i32
        %add3A_317 = arith.constant 1 : i32
        %add3A_318 = arith.addi %add3A_316, %add3A_317 : i32
        %get3A_319 = arith.index_cast %add3A_318 : i32 to index
        %get3A_320 = tpu.vector_load %arg5[%get3A_319] {strides = array<i32>} : memref<16400xf32, #tpu.memory_space<vmem>>, vector<16xf32>,
        %add3A_321 = arith.constant 1 : i32
        %add3A_322 = arith.addi %mul3A_185, %add3A_321 : i32
        %add3A_323 = vector.broadcast %add3A_322 : i32 to vector<16xi32>
        %add3A_324 = arith.addi %mul3A_43, %add3A_323 : vector<16xi32>
        tpu.vector_store_idx %arg7[%add3A_324], %get3A_320 : memref<8192xf32, #tpu.memory_space<vmem>>[vector<16xi32>], vector<16xf32>,
        %add3A_325 = arith.constant 1 : i32
        %add3A_326 = arith.addi %scan3A_182, %add3A_325 : i32
        %mul3A_327 = arith.constant 128 : i32
        %mul3A_328 = arith.muli %add3A_326, %mul3A_327 : i32
        %add3A_329 = arith.constant 16 : i32
        %add3A_330 = arith.addi %mul3A_328, %add3A_329 : i32
        %add3A_331 = arith.constant 0 : i32
        %add3A_332 = arith.addi %add3A_330, %add3A_331 : i32
        %get3A_333 = arith.index_cast %add3A_332 : i32 to index
        %get3A_334 = tpu.vector_load %arg5[%get3A_333] {strides = array<i32>} : memref<16400xf32, #tpu.memory_space<vmem>>, vector<16xf32>,
        %add3A_335 = arith.constant 2 : i32
        %add3A_336 = arith.addi %mul3A_185, %add3A_335 : i32
        %add3A_337 = vector.broadcast %add3A_336 : i32 to vector<16xi32>
        %add3A_338 = arith.addi %mul3A_43, %add3A_337 : vector<16xi32>
        tpu.vector_store_idx %arg7[%add3A_338], %get3A_334 : memref<8192xf32, #tpu.memory_space<vmem>>[vector<16xi32>], vector<16xf32>,
        %add3A_339 = arith.constant 1 : i32
        %add3A_340 = arith.addi %scan3A_182, %add3A_339 : i32
        %mul3A_341 = arith.constant 128 : i32
        %mul3A_342 = arith.muli %add3A_340, %mul3A_341 : i32
        %add3A_343 = arith.constant 16 : i32
        %add3A_344 = arith.addi %mul3A_342, %add3A_343 : i32
        %add3A_345 = arith.constant 1 : i32
        %add3A_346 = arith.addi %add3A_344, %add3A_345 : i32
        %get3A_347 = arith.index_cast %add3A_346 : i32 to index
        %get3A_348 = tpu.vector_load %arg5[%get3A_347] {strides = array<i32>} : memref<16400xf32, #tpu.memory_space<vmem>>, vector<16xf32>,
        %add3A_349 = arith.constant 3 : i32
        %add3A_350 = arith.addi %mul3A_185, %add3A_349 : i32
        %add3A_351 = vector.broadcast %add3A_350 : i32 to vector<16xi32>
        %add3A_352 = arith.addi %mul3A_43, %add3A_351 : vector<16xi32>
        tpu.vector_store_idx %arg7[%add3A_352], %get3A_348 : memref<8192xf32, #tpu.memory_space<vmem>>[vector<16xi32>], vector<16xf32>,
        %add3A_353 = arith.constant 0 : i32
        %add3A_354 = arith.addi %scan3A_182, %add3A_353 : i32
        %mul3A_355 = arith.constant 128 : i32
        %mul3A_356 = arith.muli %add3A_354, %mul3A_355 : i32
        %add3A_357 = arith.constant 16 : i32
        %add3A_358 = arith.addi %mul3A_356, %add3A_357 : i32
        %add3A_359 = arith.constant 0 : i32
        %add3A_360 = arith.addi %add3A_358, %add3A_359 : i32
        %get3A_361 = arith.index_cast %add3A_360 : i32 to index
        %get3A_362 = tpu.vector_load %arg6[%get3A_361] {strides = array<i32>} : memref<16400xf32, #tpu.memory_space<vmem>>, vector<16xf32>,
        %add3A_363 = arith.constant 4 : i32
        %add3A_364 = arith.addi %mul3A_185, %add3A_363 : i32
        %add3A_365 = vector.broadcast %add3A_364 : i32 to vector<16xi32>
        %add3A_366 = arith.addi %mul3A_43, %add3A_365 : vector<16xi32>
        tpu.vector_store_idx %arg7[%add3A_366], %get3A_362 : memref<8192xf32, #tpu.memory_space<vmem>>[vector<16xi32>], vector<16xf32>,
        %add3A_367 = arith.constant 0 : i32
        %add3A_368 = arith.addi %scan3A_182, %add3A_367 : i32
        %mul3A_369 = arith.constant 128 : i32
        %mul3A_370 = arith.muli %add3A_368, %mul3A_369 : i32
        %add3A_371 = arith.constant 16 : i32
        %add3A_372 = arith.addi %mul3A_370, %add3A_371 : i32
        %add3A_373 = arith.constant 1 : i32
        %add3A_374 = arith.addi %add3A_372, %add3A_373 : i32
        %get3A_375 = arith.index_cast %add3A_374 : i32 to index
        %get3A_376 = tpu.vector_load %arg6[%get3A_375] {strides = array<i32>} : memref<16400xf32, #tpu.memory_space<vmem>>, vector<16xf32>,
        %add3A_377 = arith.constant 5 : i32
        %add3A_378 = arith.addi %mul3A_185, %add3A_377 : i32
        %add3A_379 = vector.broadcast %add3A_378 : i32 to vector<16xi32>
        %add3A_380 = arith.addi %mul3A_43, %add3A_379 : vector<16xi32>
        tpu.vector_store_idx %arg7[%add3A_380], %get3A_376 : memref<8192xf32, #tpu.memory_space<vmem>>[vector<16xi32>], vector<16xf32>,
        %add3A_381 = arith.constant 1 : i32
        %add3A_382 = arith.addi %scan3A_182, %add3A_381 : i32
        %mul3A_383 = arith.constant 128 : i32
        %mul3A_384 = arith.muli %add3A_382, %mul3A_383 : i32
        %add3A_385 = arith.constant 16 : i32
        %add3A_386 = arith.addi %mul3A_384, %add3A_385 : i32
        %add3A_387 = arith.constant 0 : i32
        %add3A_388 = arith.addi %add3A_386, %add3A_387 : i32
        %get3A_389 = arith.index_cast %add3A_388 : i32 to index
        %get3A_390 = tpu.vector_load %arg6[%get3A_389] {strides = array<i32>} : memref<16400xf32, #tpu.memory_space<vmem>>, vector<16xf32>,
        %add3A_391 = arith.constant 6 : i32
        %add3A_392 = arith.addi %mul3A_185, %add3A_391 : i32
        %add3A_393 = vector.broadcast %add3A_392 : i32 to vector<16xi32>
        %add3A_394 = arith.addi %mul3A_43, %add3A_393 : vector<16xi32>
        tpu.vector_store_idx %arg7[%add3A_394], %get3A_390 : memref<8192xf32, #tpu.memory_space<vmem>>[vector<16xi32>], vector<16xf32>,
        %add3A_395 = arith.constant 1 : i32
        %add3A_396 = arith.addi %scan3A_182, %add3A_395 : i32
        %mul3A_397 = arith.constant 128 : i32
        %mul3A_398 = arith.muli %add3A_396, %mul3A_397 : i32
        %add3A_399 = arith.constant 16 : i32
        %add3A_400 = arith.addi %mul3A_398, %add3A_399 : i32
        %add3A_401 = arith.constant 1 : i32
        %add3A_402 = arith.addi %add3A_400, %add3A_401 : i32
        %get3A_403 = arith.index_cast %add3A_402 : i32 to index
        %get3A_404 = tpu.vector_load %arg6[%get3A_403] {strides = array<i32>} : memref<16400xf32, #tpu.memory_space<vmem>>, vector<16xf32>,
        %add3A_405 = arith.constant 7 : i32
        %add3A_406 = arith.addi %mul3A_185, %add3A_405 : i32
        %add3A_407 = vector.broadcast %add3A_406 : i32 to vector<16xi32>
        %add3A_408 = arith.addi %mul3A_43, %add3A_407 : vector<16xi32>
        tpu.vector_store_idx %arg7[%add3A_408], %get3A_404 : memref<8192xf32, #tpu.memory_space<vmem>>[vector<16xi32>], vector<16xf32>,
        %add3A_409 = arith.constant 0 : i32
        %add3A_410 = arith.addi %scan3A_182, %add3A_409 : i32
        %mul3A_411 = arith.constant 128 : i32
        %mul3A_412 = arith.muli %add3A_410, %mul3A_411 : i32
        %add3A_413 = arith.constant 32 : i32
        %add3A_414 = arith.addi %mul3A_412, %add3A_413 : i32
        %add3A_415 = arith.constant 0 : i32
        %add3A_416 = arith.addi %add3A_414, %add3A_415 : i32
        %get3A_417 = arith.index_cast %add3A_416 : i32 to index
        %get3A_418 = tpu.vector_load %arg5[%get3A_417] {strides = array<i32>} : memref<16400xf32, #tpu.memory_space<vmem>>, vector<16xf32>,
        %add3A_419 = arith.constant 0 : i32
        %add3A_420 = arith.addi %mul3A_185, %add3A_419 : i32
        %add3A_421 = vector.broadcast %add3A_420 : i32 to vector<16xi32>
        %add3A_422 = arith.addi %mul3A_49, %add3A_421 : vector<16xi32>
        tpu.vector_store_idx %arg7[%add3A_422], %get3A_418 : memref<8192xf32, #tpu.memory_space<vmem>>[vector<16xi32>], vector<16xf32>,
        %add3A_423 = arith.constant 0 : i32
        %add3A_424 = arith.addi %scan3A_182, %add3A_423 : i32
        %mul3A_425 = arith.constant 128 : i32
        %mul3A_426 = arith.muli %add3A_424, %mul3A_425 : i32
        %add3A_427 = arith.constant 32 : i32
        %add3A_428 = arith.addi %mul3A_426, %add3A_427 : i32
        %add3A_429 = arith.constant 1 : i32
        %add3A_430 = arith.addi %add3A_428, %add3A_429 : i32
        %get3A_431 = arith.index_cast %add3A_430 : i32 to index
        %get3A_432 = tpu.vector_load %arg5[%get3A_431] {strides = array<i32>} : memref<16400xf32, #tpu.memory_space<vmem>>, vector<16xf32>,
        %add3A_433 = arith.constant 1 : i32
        %add3A_434 = arith.addi %mul3A_185, %add3A_433 : i32
        %add3A_435 = vector.broadcast %add3A_434 : i32 to vector<16xi32>
        %add3A_436 = arith.addi %mul3A_49, %add3A_435 : vector<16xi32>
        tpu.vector_store_idx %arg7[%add3A_436], %get3A_432 : memref<8192xf32, #tpu.memory_space<vmem>>[vector<16xi32>], vector<16xf32>,
        %add3A_437 = arith.constant 1 : i32
        %add3A_438 = arith.addi %scan3A_182, %add3A_437 : i32
        %mul3A_439 = arith.constant 128 : i32
        %mul3A_440 = arith.muli %add3A_438, %mul3A_439 : i32
        %add3A_441 = arith.constant 32 : i32
        %add3A_442 = arith.addi %mul3A_440, %add3A_441 : i32
        %add3A_443 = arith.constant 0 : i32
        %add3A_444 = arith.addi %add3A_442, %add3A_443 : i32
        %get3A_445 = arith.index_cast %add3A_444 : i32 to index
        %get3A_446 = tpu.vector_load %arg5[%get3A_445] {strides = array<i32>} : memref<16400xf32, #tpu.memory_space<vmem>>, vector<16xf32>,
        %add3A_447 = arith.constant 2 : i32
        %add3A_448 = arith.addi %mul3A_185, %add3A_447 : i32
        %add3A_449 = vector.broadcast %add3A_448 : i32 to vector<16xi32>
        %add3A_450 = arith.addi %mul3A_49, %add3A_449 : vector<16xi32>
        tpu.vector_store_idx %arg7[%add3A_450], %get3A_446 : memref<8192xf32, #tpu.memory_space<vmem>>[vector<16xi32>], vector<16xf32>,
        %add3A_451 = arith.constant 1 : i32
        %add3A_452 = arith.addi %scan3A_182, %add3A_451 : i32
        %mul3A_453 = arith.constant 128 : i32
        %mul3A_454 = arith.muli %add3A_452, %mul3A_453 : i32
        %add3A_455 = arith.constant 32 : i32
        %add3A_456 = arith.addi %mul3A_454, %add3A_455 : i32
        %add3A_457 = arith.constant 1 : i32
        %add3A_458 = arith.addi %add3A_456, %add3A_457 : i32
        %get3A_459 = arith.index_cast %add3A_458 : i32 to index
        %get3A_460 = tpu.vector_load %arg5[%get3A_459] {strides = array<i32>} : memref<16400xf32, #tpu.memory_space<vmem>>, vector<16xf32>,
        %add3A_461 = arith.constant 3 : i32
        %add3A_462 = arith.addi %mul3A_185, %add3A_461 : i32
        %add3A_463 = vector.broadcast %add3A_462 : i32 to vector<16xi32>
        %add3A_464 = arith.addi %mul3A_49, %add3A_463 : vector<16xi32>
        tpu.vector_store_idx %arg7[%add3A_464], %get3A_460 : memref<8192xf32, #tpu.memory_space<vmem>>[vector<16xi32>], vector<16xf32>,
        %add3A_465 = arith.constant 0 : i32
        %add3A_466 = arith.addi %scan3A_182, %add3A_465 : i32
        %mul3A_467 = arith.constant 128 : i32
        %mul3A_468 = arith.muli %add3A_466, %mul3A_467 : i32
        %add3A_469 = arith.constant 32 : i32
        %add3A_470 = arith.addi %mul3A_468, %add3A_469 : i32
        %add3A_471 = arith.constant 0 : i32
        %add3A_472 = arith.addi %add3A_470, %add3A_471 : i32
        %get3A_473 = arith.index_cast %add3A_472 : i32 to index
        %get3A_474 = tpu.vector_load %arg6[%get3A_473] {strides = array<i32>} : memref<16400xf32, #tpu.memory_space<vmem>>, vector<16xf32>,
        %add3A_475 = arith.constant 4 : i32
        %add3A_476 = arith.addi %mul3A_185, %add3A_475 : i32
        %add3A_477 = vector.broadcast %add3A_476 : i32 to vector<16xi32>
        %add3A_478 = arith.addi %mul3A_49, %add3A_477 : vector<16xi32>
        tpu.vector_store_idx %arg7[%add3A_478], %get3A_474 : memref<8192xf32, #tpu.memory_space<vmem>>[vector<16xi32>], vector<16xf32>,
        %add3A_479 = arith.constant 0 : i32
        %add3A_480 = arith.addi %scan3A_182, %add3A_479 : i32
        %mul3A_481 = arith.constant 128 : i32
        %mul3A_482 = arith.muli %add3A_480, %mul3A_481 : i32
        %add3A_483 = arith.constant 32 : i32
        %add3A_484 = arith.addi %mul3A_482, %add3A_483 : i32
        %add3A_485 = arith.constant 1 : i32
        %add3A_486 = arith.addi %add3A_484, %add3A_485 : i32
        %get3A_487 = arith.index_cast %add3A_486 : i32 to index
        %get3A_488 = tpu.vector_load %arg6[%get3A_487] {strides = array<i32>} : memref<16400xf32, #tpu.memory_space<vmem>>, vector<16xf32>,
        %add3A_489 = arith.constant 5 : i32
        %add3A_490 = arith.addi %mul3A_185, %add3A_489 : i32
        %add3A_491 = vector.broadcast %add3A_490 : i32 to vector<16xi32>
        %add3A_492 = arith.addi %mul3A_49, %add3A_491 : vector<16xi32>
        tpu.vector_store_idx %arg7[%add3A_492], %get3A_488 : memref<8192xf32, #tpu.memory_space<vmem>>[vector<16xi32>], vector<16xf32>,
        %add3A_493 = arith.constant 1 : i32
        %add3A_494 = arith.addi %scan3A_182, %add3A_493 : i32
        %mul3A_495 = arith.constant 128 : i32
        %mul3A_496 = arith.muli %add3A_494, %mul3A_495 : i32
        %add3A_497 = arith.constant 32 : i32
        %add3A_498 = arith.addi %mul3A_496, %add3A_497 : i32
        %add3A_499 = arith.constant 0 : i32
        %add3A_500 = arith.addi %add3A_498, %add3A_499 : i32
        %get3A_501 = arith.index_cast %add3A_500 : i32 to index
        %get3A_502 = tpu.vector_load %arg6[%get3A_501] {strides = array<i32>} : memref<16400xf32, #tpu.memory_space<vmem>>, vector<16xf32>,
        %add3A_503 = arith.constant 6 : i32
        %add3A_504 = arith.addi %mul3A_185, %add3A_503 : i32
        %add3A_505 = vector.broadcast %add3A_504 : i32 to vector<16xi32>
        %add3A_506 = arith.addi %mul3A_49, %add3A_505 : vector<16xi32>
        tpu.vector_store_idx %arg7[%add3A_506], %get3A_502 : memref<8192xf32, #tpu.memory_space<vmem>>[vector<16xi32>], vector<16xf32>,
        %add3A_507 = arith.constant 1 : i32
        %add3A_508 = arith.addi %scan3A_182, %add3A_507 : i32
        %mul3A_509 = arith.constant 128 : i32
        %mul3A_510 = arith.muli %add3A_508, %mul3A_509 : i32
        %add3A_511 = arith.constant 32 : i32
        %add3A_512 = arith.addi %mul3A_510, %add3A_511 : i32
        %add3A_513 = arith.constant 1 : i32
        %add3A_514 = arith.addi %add3A_512, %add3A_513 : i32
        %get3A_515 = arith.index_cast %add3A_514 : i32 to index
        %get3A_516 = tpu.vector_load %arg6[%get3A_515] {strides = array<i32>} : memref<16400xf32, #tpu.memory_space<vmem>>, vector<16xf32>,
        %add3A_517 = arith.constant 7 : i32
        %add3A_518 = arith.addi %mul3A_185, %add3A_517 : i32
        %add3A_519 = vector.broadcast %add3A_518 : i32 to vector<16xi32>
        %add3A_520 = arith.addi %mul3A_49, %add3A_519 : vector<16xi32>
        tpu.vector_store_idx %arg7[%add3A_520], %get3A_516 : memref<8192xf32, #tpu.memory_space<vmem>>[vector<16xi32>], vector<16xf32>,
        %add3A_521 = arith.constant 0 : i32
        %add3A_522 = arith.addi %scan3A_182, %add3A_521 : i32
        %mul3A_523 = arith.constant 128 : i32
        %mul3A_524 = arith.muli %add3A_522, %mul3A_523 : i32
        %add3A_525 = arith.constant 48 : i32
        %add3A_526 = arith.addi %mul3A_524, %add3A_525 : i32
        %add3A_527 = arith.constant 0 : i32
        %add3A_528 = arith.addi %add3A_526, %add3A_527 : i32
        %get3A_529 = arith.index_cast %add3A_528 : i32 to index
        %get3A_530 = tpu.vector_load %arg5[%get3A_529] {strides = array<i32>} : memref<16400xf32, #tpu.memory_space<vmem>>, vector<16xf32>,
        %add3A_531 = arith.constant 0 : i32
        %add3A_532 = arith.addi %mul3A_185, %add3A_531 : i32
        %add3A_533 = vector.broadcast %add3A_532 : i32 to vector<16xi32>
        %add3A_534 = arith.addi %mul3A_55, %add3A_533 : vector<16xi32>
        tpu.vector_store_idx %arg7[%add3A_534], %get3A_530 : memref<8192xf32, #tpu.memory_space<vmem>>[vector<16xi32>], vector<16xf32>,
        %add3A_535 = arith.constant 0 : i32
        %add3A_536 = arith.addi %scan3A_182, %add3A_535 : i32
        %mul3A_537 = arith.constant 128 : i32
        %mul3A_538 = arith.muli %add3A_536, %mul3A_537 : i32
        %add3A_539 = arith.constant 48 : i32
        %add3A_540 = arith.addi %mul3A_538, %add3A_539 : i32
        %add3A_541 = arith.constant 1 : i32
        %add3A_542 = arith.addi %add3A_540, %add3A_541 : i32
        %get3A_543 = arith.index_cast %add3A_542 : i32 to index
        %get3A_544 = tpu.vector_load %arg5[%get3A_543] {strides = array<i32>} : memref<16400xf32, #tpu.memory_space<vmem>>, vector<16xf32>,
        %add3A_545 = arith.constant 1 : i32
        %add3A_546 = arith.addi %mul3A_185, %add3A_545 : i32
        %add3A_547 = vector.broadcast %add3A_546 : i32 to vector<16xi32>
        %add3A_548 = arith.addi %mul3A_55, %add3A_547 : vector<16xi32>
        tpu.vector_store_idx %arg7[%add3A_548], %get3A_544 : memref<8192xf32, #tpu.memory_space<vmem>>[vector<16xi32>], vector<16xf32>,
        %add3A_549 = arith.constant 1 : i32
        %add3A_550 = arith.addi %scan3A_182, %add3A_549 : i32
        %mul3A_551 = arith.constant 128 : i32
        %mul3A_552 = arith.muli %add3A_550, %mul3A_551 : i32
        %add3A_553 = arith.constant 48 : i32
        %add3A_554 = arith.addi %mul3A_552, %add3A_553 : i32
        %add3A_555 = arith.constant 0 : i32
        %add3A_556 = arith.addi %add3A_554, %add3A_555 : i32
        %get3A_557 = arith.index_cast %add3A_556 : i32 to index
        %get3A_558 = tpu.vector_load %arg5[%get3A_557] {strides = array<i32>} : memref<16400xf32, #tpu.memory_space<vmem>>, vector<16xf32>,
        %add3A_559 = arith.constant 2 : i32
        %add3A_560 = arith.addi %mul3A_185, %add3A_559 : i32
        %add3A_561 = vector.broadcast %add3A_560 : i32 to vector<16xi32>
        %add3A_562 = arith.addi %mul3A_55, %add3A_561 : vector<16xi32>
        tpu.vector_store_idx %arg7[%add3A_562], %get3A_558 : memref<8192xf32, #tpu.memory_space<vmem>>[vector<16xi32>], vector<16xf32>,
        %add3A_563 = arith.constant 1 : i32
        %add3A_564 = arith.addi %scan3A_182, %add3A_563 : i32
        %mul3A_565 = arith.constant 128 : i32
        %mul3A_566 = arith.muli %add3A_564, %mul3A_565 : i32
        %add3A_567 = arith.constant 48 : i32
        %add3A_568 = arith.addi %mul3A_566, %add3A_567 : i32
        %add3A_569 = arith.constant 1 : i32
        %add3A_570 = arith.addi %add3A_568, %add3A_569 : i32
        %get3A_571 = arith.index_cast %add3A_570 : i32 to index
        %get3A_572 = tpu.vector_load %arg5[%get3A_571] {strides = array<i32>} : memref<16400xf32, #tpu.memory_space<vmem>>, vector<16xf32>,
        %add3A_573 = arith.constant 3 : i32
        %add3A_574 = arith.addi %mul3A_185, %add3A_573 : i32
        %add3A_575 = vector.broadcast %add3A_574 : i32 to vector<16xi32>
        %add3A_576 = arith.addi %mul3A_55, %add3A_575 : vector<16xi32>
        tpu.vector_store_idx %arg7[%add3A_576], %get3A_572 : memref<8192xf32, #tpu.memory_space<vmem>>[vector<16xi32>], vector<16xf32>,
        %add3A_577 = arith.constant 0 : i32
        %add3A_578 = arith.addi %scan3A_182, %add3A_577 : i32
        %mul3A_579 = arith.constant 128 : i32
        %mul3A_580 = arith.muli %add3A_578, %mul3A_579 : i32
        %add3A_581 = arith.constant 48 : i32
        %add3A_582 = arith.addi %mul3A_580, %add3A_581 : i32
        %add3A_583 = arith.constant 0 : i32
        %add3A_584 = arith.addi %add3A_582, %add3A_583 : i32
        %get3A_585 = arith.index_cast %add3A_584 : i32 to index
        %get3A_586 = tpu.vector_load %arg6[%get3A_585] {strides = array<i32>} : memref<16400xf32, #tpu.memory_space<vmem>>, vector<16xf32>,
        %add3A_587 = arith.constant 4 : i32
        %add3A_588 = arith.addi %mul3A_185, %add3A_587 : i32
        %add3A_589 = vector.broadcast %add3A_588 : i32 to vector<16xi32>
        %add3A_590 = arith.addi %mul3A_55, %add3A_589 : vector<16xi32>
        tpu.vector_store_idx %arg7[%add3A_590], %get3A_586 : memref<8192xf32, #tpu.memory_space<vmem>>[vector<16xi32>], vector<16xf32>,
        %add3A_591 = arith.constant 0 : i32
        %add3A_592 = arith.addi %scan3A_182, %add3A_591 : i32
        %mul3A_593 = arith.constant 128 : i32
        %mul3A_594 = arith.muli %add3A_592, %mul3A_593 : i32
        %add3A_595 = arith.constant 48 : i32
        %add3A_596 = arith.addi %mul3A_594, %add3A_595 : i32
        %add3A_597 = arith.constant 1 : i32
        %add3A_598 = arith.addi %add3A_596, %add3A_597 : i32
        %get3A_599 = arith.index_cast %add3A_598 : i32 to index
        %get3A_600 = tpu.vector_load %arg6[%get3A_599] {strides = array<i32>} : memref<16400xf32, #tpu.memory_space<vmem>>, vector<16xf32>,
        %add3A_601 = arith.constant 5 : i32
        %add3A_602 = arith.addi %mul3A_185, %add3A_601 : i32
        %add3A_603 = vector.broadcast %add3A_602 : i32 to vector<16xi32>
        %add3A_604 = arith.addi %mul3A_55, %add3A_603 : vector<16xi32>
        tpu.vector_store_idx %arg7[%add3A_604], %get3A_600 : memref<8192xf32, #tpu.memory_space<vmem>>[vector<16xi32>], vector<16xf32>,
        %add3A_605 = arith.constant 1 : i32
        %add3A_606 = arith.addi %scan3A_182, %add3A_605 : i32
        %mul3A_607 = arith.constant 128 : i32
        %mul3A_608 = arith.muli %add3A_606, %mul3A_607 : i32
        %add3A_609 = arith.constant 48 : i32
        %add3A_610 = arith.addi %mul3A_608, %add3A_609 : i32
        %add3A_611 = arith.constant 0 : i32
        %add3A_612 = arith.addi %add3A_610, %add3A_611 : i32
        %get3A_613 = arith.index_cast %add3A_612 : i32 to index
        %get3A_614 = tpu.vector_load %arg6[%get3A_613] {strides = array<i32>} : memref<16400xf32, #tpu.memory_space<vmem>>, vector<16xf32>,
        %add3A_615 = arith.constant 6 : i32
        %add3A_616 = arith.addi %mul3A_185, %add3A_615 : i32
        %add3A_617 = vector.broadcast %add3A_616 : i32 to vector<16xi32>
        %add3A_618 = arith.addi %mul3A_55, %add3A_617 : vector<16xi32>
        tpu.vector_store_idx %arg7[%add3A_618], %get3A_614 : memref<8192xf32, #tpu.memory_space<vmem>>[vector<16xi32>], vector<16xf32>,
        %add3A_619 = arith.constant 1 : i32
        %add3A_620 = arith.addi %scan3A_182, %add3A_619 : i32
        %mul3A_621 = arith.constant 128 : i32
        %mul3A_622 = arith.muli %add3A_620, %mul3A_621 : i32
        %add3A_623 = arith.constant 48 : i32
        %add3A_624 = arith.addi %mul3A_622, %add3A_623 : i32
        %add3A_625 = arith.constant 1 : i32
        %add3A_626 = arith.addi %add3A_624, %add3A_625 : i32
        %get3A_627 = arith.index_cast %add3A_626 : i32 to index
        %get3A_628 = tpu.vector_load %arg6[%get3A_627] {strides = array<i32>} : memref<16400xf32, #tpu.memory_space<vmem>>, vector<16xf32>,
        %add3A_629 = arith.constant 7 : i32
        %add3A_630 = arith.addi %mul3A_185, %add3A_629 : i32
        %add3A_631 = vector.broadcast %add3A_630 : i32 to vector<16xi32>
        %add3A_632 = arith.addi %mul3A_55, %add3A_631 : vector<16xi32>
        tpu.vector_store_idx %arg7[%add3A_632], %get3A_628 : memref<8192xf32, #tpu.memory_space<vmem>>[vector<16xi32>], vector<16xf32>,
        %add3A_633 = arith.constant 0 : i32
        %add3A_634 = arith.addi %scan3A_182, %add3A_633 : i32
        %mul3A_635 = arith.constant 128 : i32
        %mul3A_636 = arith.muli %add3A_634, %mul3A_635 : i32
        %add3A_637 = arith.constant 64 : i32
        %add3A_638 = arith.addi %mul3A_636, %add3A_637 : i32
        %add3A_639 = arith.constant 0 : i32
        %add3A_640 = arith.addi %add3A_638, %add3A_639 : i32
        %get3A_641 = arith.index_cast %add3A_640 : i32 to index
        %get3A_642 = tpu.vector_load %arg5[%get3A_641] {strides = array<i32>} : memref<16400xf32, #tpu.memory_space<vmem>>, vector<16xf32>,
        %add3A_643 = arith.constant 0 : i32
        %add3A_644 = arith.addi %mul3A_185, %add3A_643 : i32
        %add3A_645 = vector.broadcast %add3A_644 : i32 to vector<16xi32>
        %add3A_646 = arith.addi %mul3A_61, %add3A_645 : vector<16xi32>
        tpu.vector_store_idx %arg7[%add3A_646], %get3A_642 : memref<8192xf32, #tpu.memory_space<vmem>>[vector<16xi32>], vector<16xf32>,
        %add3A_647 = arith.constant 0 : i32
        %add3A_648 = arith.addi %scan3A_182, %add3A_647 : i32
        %mul3A_649 = arith.constant 128 : i32
        %mul3A_650 = arith.muli %add3A_648, %mul3A_649 : i32
        %add3A_651 = arith.constant 64 : i32
        %add3A_652 = arith.addi %mul3A_650, %add3A_651 : i32
        %add3A_653 = arith.constant 1 : i32
        %add3A_654 = arith.addi %add3A_652, %add3A_653 : i32
        %get3A_655 = arith.index_cast %add3A_654 : i32 to index
        %get3A_656 = tpu.vector_load %arg5[%get3A_655] {strides = array<i32>} : memref<16400xf32, #tpu.memory_space<vmem>>, vector<16xf32>,
        %add3A_657 = arith.constant 1 : i32
        %add3A_658 = arith.addi %mul3A_185, %add3A_657 : i32
        %add3A_659 = vector.broadcast %add3A_658 : i32 to vector<16xi32>
        %add3A_660 = arith.addi %mul3A_61, %add3A_659 : vector<16xi32>
        tpu.vector_store_idx %arg7[%add3A_660], %get3A_656 : memref<8192xf32, #tpu.memory_space<vmem>>[vector<16xi32>], vector<16xf32>,
        %add3A_661 = arith.constant 1 : i32
        %add3A_662 = arith.addi %scan3A_182, %add3A_661 : i32
        %mul3A_663 = arith.constant 128 : i32
        %mul3A_664 = arith.muli %add3A_662, %mul3A_663 : i32
        %add3A_665 = arith.constant 64 : i32
        %add3A_666 = arith.addi %mul3A_664, %add3A_665 : i32
        %add3A_667 = arith.constant 0 : i32
        %add3A_668 = arith.addi %add3A_666, %add3A_667 : i32
        %get3A_669 = arith.index_cast %add3A_668 : i32 to index
        %get3A_670 = tpu.vector_load %arg5[%get3A_669] {strides = array<i32>} : memref<16400xf32, #tpu.memory_space<vmem>>, vector<16xf32>,
        %add3A_671 = arith.constant 2 : i32
        %add3A_672 = arith.addi %mul3A_185, %add3A_671 : i32
        %add3A_673 = vector.broadcast %add3A_672 : i32 to vector<16xi32>
        %add3A_674 = arith.addi %mul3A_61, %add3A_673 : vector<16xi32>
        tpu.vector_store_idx %arg7[%add3A_674], %get3A_670 : memref<8192xf32, #tpu.memory_space<vmem>>[vector<16xi32>], vector<16xf32>,
        %add3A_675 = arith.constant 1 : i32
        %add3A_676 = arith.addi %scan3A_182, %add3A_675 : i32
        %mul3A_677 = arith.constant 128 : i32
        %mul3A_678 = arith.muli %add3A_676, %mul3A_677 : i32
        %add3A_679 = arith.constant 64 : i32
        %add3A_680 = arith.addi %mul3A_678, %add3A_679 : i32
        %add3A_681 = arith.constant 1 : i32
        %add3A_682 = arith.addi %add3A_680, %add3A_681 : i32
        %get3A_683 = arith.index_cast %add3A_682 : i32 to index
        %get3A_684 = tpu.vector_load %arg5[%get3A_683] {strides = array<i32>} : memref<16400xf32, #tpu.memory_space<vmem>>, vector<16xf32>,
        %add3A_685 = arith.constant 3 : i32
        %add3A_686 = arith.addi %mul3A_185, %add3A_685 : i32
        %add3A_687 = vector.broadcast %add3A_686 : i32 to vector<16xi32>
        %add3A_688 = arith.addi %mul3A_61, %add3A_687 : vector<16xi32>
        tpu.vector_store_idx %arg7[%add3A_688], %get3A_684 : memref<8192xf32, #tpu.memory_space<vmem>>[vector<16xi32>], vector<16xf32>,
        %add3A_689 = arith.constant 0 : i32
        %add3A_690 = arith.addi %scan3A_182, %add3A_689 : i32
        %mul3A_691 = arith.constant 128 : i32
        %mul3A_692 = arith.muli %add3A_690, %mul3A_691 : i32
        %add3A_693 = arith.constant 64 : i32
        %add3A_694 = arith.addi %mul3A_692, %add3A_693 : i32
        %add3A_695 = arith.constant 0 : i32
        %add3A_696 = arith.addi %add3A_694, %add3A_695 : i32
        %get3A_697 = arith.index_cast %add3A_696 : i32 to index
        %get3A_698 = tpu.vector_load %arg6[%get3A_697] {strides = array<i32>} : memref<16400xf32, #tpu.memory_space<vmem>>, vector<16xf32>,
        %add3A_699 = arith.constant 4 : i32
        %add3A_700 = arith.addi %mul3A_185, %add3A_699 : i32
        %add3A_701 = vector.broadcast %add3A_700 : i32 to vector<16xi32>
        %add3A_702 = arith.addi %mul3A_61, %add3A_701 : vector<16xi32>
        tpu.vector_store_idx %arg7[%add3A_702], %get3A_698 : memref<8192xf32, #tpu.memory_space<vmem>>[vector<16xi32>], vector<16xf32>,
        %add3A_703 = arith.constant 0 : i32
        %add3A_704 = arith.addi %scan3A_182, %add3A_703 : i32
        %mul3A_705 = arith.constant 128 : i32
        %mul3A_706 = arith.muli %add3A_704, %mul3A_705 : i32
        %add3A_707 = arith.constant 64 : i32
        %add3A_708 = arith.addi %mul3A_706, %add3A_707 : i32
        %add3A_709 = arith.constant 1 : i32
        %add3A_710 = arith.addi %add3A_708, %add3A_709 : i32
        %get3A_711 = arith.index_cast %add3A_710 : i32 to index
        %get3A_712 = tpu.vector_load %arg6[%get3A_711] {strides = array<i32>} : memref<16400xf32, #tpu.memory_space<vmem>>, vector<16xf32>,
        %add3A_713 = arith.constant 5 : i32
        %add3A_714 = arith.addi %mul3A_185, %add3A_713 : i32
        %add3A_715 = vector.broadcast %add3A_714 : i32 to vector<16xi32>
        %add3A_716 = arith.addi %mul3A_61, %add3A_715 : vector<16xi32>
        tpu.vector_store_idx %arg7[%add3A_716], %get3A_712 : memref<8192xf32, #tpu.memory_space<vmem>>[vector<16xi32>], vector<16xf32>,
        %add3A_717 = arith.constant 1 : i32
        %add3A_718 = arith.addi %scan3A_182, %add3A_717 : i32
        %mul3A_719 = arith.constant 128 : i32
        %mul3A_720 = arith.muli %add3A_718, %mul3A_719 : i32
        %add3A_721 = arith.constant 64 : i32
        %add3A_722 = arith.addi %mul3A_720, %add3A_721 : i32
        %add3A_723 = arith.constant 0 : i32
        %add3A_724 = arith.addi %add3A_722, %add3A_723 : i32
        %get3A_725 = arith.index_cast %add3A_724 : i32 to index
        %get3A_726 = tpu.vector_load %arg6[%get3A_725] {strides = array<i32>} : memref<16400xf32, #tpu.memory_space<vmem>>, vector<16xf32>,
        %add3A_727 = arith.constant 6 : i32
        %add3A_728 = arith.addi %mul3A_185, %add3A_727 : i32
        %add3A_729 = vector.broadcast %add3A_728 : i32 to vector<16xi32>
        %add3A_730 = arith.addi %mul3A_61, %add3A_729 : vector<16xi32>
        tpu.vector_store_idx %arg7[%add3A_730], %get3A_726 : memref<8192xf32, #tpu.memory_space<vmem>>[vector<16xi32>], vector<16xf32>,
        %add3A_731 = arith.constant 1 : i32
        %add3A_732 = arith.addi %scan3A_182, %add3A_731 : i32
        %mul3A_733 = arith.constant 128 : i32
        %mul3A_734 = arith.muli %add3A_732, %mul3A_733 : i32
        %add3A_735 = arith.constant 64 : i32
        %add3A_736 = arith.addi %mul3A_734, %add3A_735 : i32
        %add3A_737 = arith.constant 1 : i32
        %add3A_738 = arith.addi %add3A_736, %add3A_737 : i32
        %get3A_739 = arith.index_cast %add3A_738 : i32 to index
        %get3A_740 = tpu.vector_load %arg6[%get3A_739] {strides = array<i32>} : memref<16400xf32, #tpu.memory_space<vmem>>, vector<16xf32>,
        %add3A_741 = arith.constant 7 : i32
        %add3A_742 = arith.addi %mul3A_185, %add3A_741 : i32
        %add3A_743 = vector.broadcast %add3A_742 : i32 to vector<16xi32>
        %add3A_744 = arith.addi %mul3A_61, %add3A_743 : vector<16xi32>
        tpu.vector_store_idx %arg7[%add3A_744], %get3A_740 : memref<8192xf32, #tpu.memory_space<vmem>>[vector<16xi32>], vector<16xf32>,
        %add3A_745 = arith.constant 0 : i32
        %add3A_746 = arith.addi %scan3A_182, %add3A_745 : i32
        %mul3A_747 = arith.constant 128 : i32
        %mul3A_748 = arith.muli %add3A_746, %mul3A_747 : i32
        %add3A_749 = arith.constant 80 : i32
        %add3A_750 = arith.addi %mul3A_748, %add3A_749 : i32
        %add3A_751 = arith.constant 0 : i32
        %add3A_752 = arith.addi %add3A_750, %add3A_751 : i32
        %get3A_753 = arith.index_cast %add3A_752 : i32 to index
        %get3A_754 = tpu.vector_load %arg5[%get3A_753] {strides = array<i32>} : memref<16400xf32, #tpu.memory_space<vmem>>, vector<16xf32>,
        %add3A_755 = arith.constant 0 : i32
        %add3A_756 = arith.addi %mul3A_185, %add3A_755 : i32
        %add3A_757 = vector.broadcast %add3A_756 : i32 to vector<16xi32>
        %add3A_758 = arith.addi %mul3A_67, %add3A_757 : vector<16xi32>
        tpu.vector_store_idx %arg7[%add3A_758], %get3A_754 : memref<8192xf32, #tpu.memory_space<vmem>>[vector<16xi32>], vector<16xf32>,
        %add3A_759 = arith.constant 0 : i32
        %add3A_760 = arith.addi %scan3A_182, %add3A_759 : i32
        %mul3A_761 = arith.constant 128 : i32
        %mul3A_762 = arith.muli %add3A_760, %mul3A_761 : i32
        %add3A_763 = arith.constant 80 : i32
        %add3A_764 = arith.addi %mul3A_762, %add3A_763 : i32
        %add3A_765 = arith.constant 1 : i32
        %add3A_766 = arith.addi %add3A_764, %add3A_765 : i32
        %get3A_767 = arith.index_cast %add3A_766 : i32 to index
        %get3A_768 = tpu.vector_load %arg5[%get3A_767] {strides = array<i32>} : memref<16400xf32, #tpu.memory_space<vmem>>, vector<16xf32>,
        %add3A_769 = arith.constant 1 : i32
        %add3A_770 = arith.addi %mul3A_185, %add3A_769 : i32
        %add3A_771 = vector.broadcast %add3A_770 : i32 to vector<16xi32>
        %add3A_772 = arith.addi %mul3A_67, %add3A_771 : vector<16xi32>
        tpu.vector_store_idx %arg7[%add3A_772], %get3A_768 : memref<8192xf32, #tpu.memory_space<vmem>>[vector<16xi32>], vector<16xf32>,
        %add3A_773 = arith.constant 1 : i32
        %add3A_774 = arith.addi %scan3A_182, %add3A_773 : i32
        %mul3A_775 = arith.constant 128 : i32
        %mul3A_776 = arith.muli %add3A_774, %mul3A_775 : i32
        %add3A_777 = arith.constant 80 : i32
        %add3A_778 = arith.addi %mul3A_776, %add3A_777 : i32
        %add3A_779 = arith.constant 0 : i32
        %add3A_780 = arith.addi %add3A_778, %add3A_779 : i32
        %get3A_781 = arith.index_cast %add3A_780 : i32 to index
        %get3A_782 = tpu.vector_load %arg5[%get3A_781] {strides = array<i32>} : memref<16400xf32, #tpu.memory_space<vmem>>, vector<16xf32>,
        %add3A_783 = arith.constant 2 : i32
        %add3A_784 = arith.addi %mul3A_185, %add3A_783 : i32
        %add3A_785 = vector.broadcast %add3A_784 : i32 to vector<16xi32>
        %add3A_786 = arith.addi %mul3A_67, %add3A_785 : vector<16xi32>
        tpu.vector_store_idx %arg7[%add3A_786], %get3A_782 : memref<8192xf32, #tpu.memory_space<vmem>>[vector<16xi32>], vector<16xf32>,
        %add3A_787 = arith.constant 1 : i32
        %add3A_788 = arith.addi %scan3A_182, %add3A_787 : i32
        %mul3A_789 = arith.constant 128 : i32
        %mul3A_790 = arith.muli %add3A_788, %mul3A_789 : i32
        %add3A_791 = arith.constant 80 : i32
        %add3A_792 = arith.addi %mul3A_790, %add3A_791 : i32
        %add3A_793 = arith.constant 1 : i32
        %add3A_794 = arith.addi %add3A_792, %add3A_793 : i32
        %get3A_795 = arith.index_cast %add3A_794 : i32 to index
        %get3A_796 = tpu.vector_load %arg5[%get3A_795] {strides = array<i32>} : memref<16400xf32, #tpu.memory_space<vmem>>, vector<16xf32>,
        %add3A_797 = arith.constant 3 : i32
        %add3A_798 = arith.addi %mul3A_185, %add3A_797 : i32
        %add3A_799 = vector.broadcast %add3A_798 : i32 to vector<16xi32>
        %add3A_800 = arith.addi %mul3A_67, %add3A_799 : vector<16xi32>
        tpu.vector_store_idx %arg7[%add3A_800], %get3A_796 : memref<8192xf32, #tpu.memory_space<vmem>>[vector<16xi32>], vector<16xf32>,
        %add3A_801 = arith.constant 0 : i32
        %add3A_802 = arith.addi %scan3A_182, %add3A_801 : i32
        %mul3A_803 = arith.constant 128 : i32
        %mul3A_804 = arith.muli %add3A_802, %mul3A_803 : i32
        %add3A_805 = arith.constant 80 : i32
        %add3A_806 = arith.addi %mul3A_804, %add3A_805 : i32
        %add3A_807 = arith.constant 0 : i32
        %add3A_808 = arith.addi %add3A_806, %add3A_807 : i32
        %get3A_809 = arith.index_cast %add3A_808 : i32 to index
        %get3A_810 = tpu.vector_load %arg6[%get3A_809] {strides = array<i32>} : memref<16400xf32, #tpu.memory_space<vmem>>, vector<16xf32>,
        %add3A_811 = arith.constant 4 : i32
        %add3A_812 = arith.addi %mul3A_185, %add3A_811 : i32
        %add3A_813 = vector.broadcast %add3A_812 : i32 to vector<16xi32>
        %add3A_814 = arith.addi %mul3A_67, %add3A_813 : vector<16xi32>
        tpu.vector_store_idx %arg7[%add3A_814], %get3A_810 : memref<8192xf32, #tpu.memory_space<vmem>>[vector<16xi32>], vector<16xf32>,
        %add3A_815 = arith.constant 0 : i32
        %add3A_816 = arith.addi %scan3A_182, %add3A_815 : i32
        %mul3A_817 = arith.constant 128 : i32
        %mul3A_818 = arith.muli %add3A_816, %mul3A_817 : i32
        %add3A_819 = arith.constant 80 : i32
        %add3A_820 = arith.addi %mul3A_818, %add3A_819 : i32
        %add3A_821 = arith.constant 1 : i32
        %add3A_822 = arith.addi %add3A_820, %add3A_821 : i32
        %get3A_823 = arith.index_cast %add3A_822 : i32 to index
        %get3A_824 = tpu.vector_load %arg6[%get3A_823] {strides = array<i32>} : memref<16400xf32, #tpu.memory_space<vmem>>, vector<16xf32>,
        %add3A_825 = arith.constant 5 : i32
        %add3A_826 = arith.addi %mul3A_185, %add3A_825 : i32
        %add3A_827 = vector.broadcast %add3A_826 : i32 to vector<16xi32>
        %add3A_828 = arith.addi %mul3A_67, %add3A_827 : vector<16xi32>
        tpu.vector_store_idx %arg7[%add3A_828], %get3A_824 : memref<8192xf32, #tpu.memory_space<vmem>>[vector<16xi32>], vector<16xf32>,
        %add3A_829 = arith.constant 1 : i32
        %add3A_830 = arith.addi %scan3A_182, %add3A_829 : i32
        %mul3A_831 = arith.constant 128 : i32
        %mul3A_832 = arith.muli %add3A_830, %mul3A_831 : i32
        %add3A_833 = arith.constant 80 : i32
        %add3A_834 = arith.addi %mul3A_832, %add3A_833 : i32
        %add3A_835 = arith.constant 0 : i32
        %add3A_836 = arith.addi %add3A_834, %add3A_835 : i32
        %get3A_837 = arith.index_cast %add3A_836 : i32 to index
        %get3A_838 = tpu.vector_load %arg6[%get3A_837] {strides = array<i32>} : memref<16400xf32, #tpu.memory_space<vmem>>, vector<16xf32>,
        %add3A_839 = arith.constant 6 : i32
        %add3A_840 = arith.addi %mul3A_185, %add3A_839 : i32
        %add3A_841 = vector.broadcast %add3A_840 : i32 to vector<16xi32>
        %add3A_842 = arith.addi %mul3A_67, %add3A_841 : vector<16xi32>
        tpu.vector_store_idx %arg7[%add3A_842], %get3A_838 : memref<8192xf32, #tpu.memory_space<vmem>>[vector<16xi32>], vector<16xf32>,
        %add3A_843 = arith.constant 1 : i32
        %add3A_844 = arith.addi %scan3A_182, %add3A_843 : i32
        %mul3A_845 = arith.constant 128 : i32
        %mul3A_846 = arith.muli %add3A_844, %mul3A_845 : i32
        %add3A_847 = arith.constant 80 : i32
        %add3A_848 = arith.addi %mul3A_846, %add3A_847 : i32
        %add3A_849 = arith.constant 1 : i32
        %add3A_850 = arith.addi %add3A_848, %add3A_849 : i32
        %get3A_851 = arith.index_cast %add3A_850 : i32 to index
        %get3A_852 = tpu.vector_load %arg6[%get3A_851] {strides = array<i32>} : memref<16400xf32, #tpu.memory_space<vmem>>, vector<16xf32>,
        %add3A_853 = arith.constant 7 : i32
        %add3A_854 = arith.addi %mul3A_185, %add3A_853 : i32
        %add3A_855 = vector.broadcast %add3A_854 : i32 to vector<16xi32>
        %add3A_856 = arith.addi %mul3A_67, %add3A_855 : vector<16xi32>
        tpu.vector_store_idx %arg7[%add3A_856], %get3A_852 : memref<8192xf32, #tpu.memory_space<vmem>>[vector<16xi32>], vector<16xf32>,
        %add3A_857 = arith.constant 0 : i32
        %add3A_858 = arith.addi %scan3A_182, %add3A_857 : i32
        %mul3A_859 = arith.constant 128 : i32
        %mul3A_860 = arith.muli %add3A_858, %mul3A_859 : i32
        %add3A_861 = arith.constant 96 : i32
        %add3A_862 = arith.addi %mul3A_860, %add3A_861 : i32
        %add3A_863 = arith.constant 0 : i32
        %add3A_864 = arith.addi %add3A_862, %add3A_863 : i32
        %get3A_865 = arith.index_cast %add3A_864 : i32 to index
        %get3A_866 = tpu.vector_load %arg5[%get3A_865] {strides = array<i32>} : memref<16400xf32, #tpu.memory_space<vmem>>, vector<16xf32>,
        %add3A_867 = arith.constant 0 : i32
        %add3A_868 = arith.addi %mul3A_185, %add3A_867 : i32
        %add3A_869 = vector.broadcast %add3A_868 : i32 to vector<16xi32>
        %add3A_870 = arith.addi %mul3A_73, %add3A_869 : vector<16xi32>
        tpu.vector_store_idx %arg7[%add3A_870], %get3A_866 : memref<8192xf32, #tpu.memory_space<vmem>>[vector<16xi32>], vector<16xf32>,
        %add3A_871 = arith.constant 0 : i32
        %add3A_872 = arith.addi %scan3A_182, %add3A_871 : i32
        %mul3A_873 = arith.constant 128 : i32
        %mul3A_874 = arith.muli %add3A_872, %mul3A_873 : i32
        %add3A_875 = arith.constant 96 : i32
        %add3A_876 = arith.addi %mul3A_874, %add3A_875 : i32
        %add3A_877 = arith.constant 1 : i32
        %add3A_878 = arith.addi %add3A_876, %add3A_877 : i32
        %get3A_879 = arith.index_cast %add3A_878 : i32 to index
        %get3A_880 = tpu.vector_load %arg5[%get3A_879] {strides = array<i32>} : memref<16400xf32, #tpu.memory_space<vmem>>, vector<16xf32>,
        %add3A_881 = arith.constant 1 : i32
        %add3A_882 = arith.addi %mul3A_185, %add3A_881 : i32
        %add3A_883 = vector.broadcast %add3A_882 : i32 to vector<16xi32>
        %add3A_884 = arith.addi %mul3A_73, %add3A_883 : vector<16xi32>
        tpu.vector_store_idx %arg7[%add3A_884], %get3A_880 : memref<8192xf32, #tpu.memory_space<vmem>>[vector<16xi32>], vector<16xf32>,
        %add3A_885 = arith.constant 1 : i32
        %add3A_886 = arith.addi %scan3A_182, %add3A_885 : i32
        %mul3A_887 = arith.constant 128 : i32
        %mul3A_888 = arith.muli %add3A_886, %mul3A_887 : i32
        %add3A_889 = arith.constant 96 : i32
        %add3A_890 = arith.addi %mul3A_888, %add3A_889 : i32
        %add3A_891 = arith.constant 0 : i32
        %add3A_892 = arith.addi %add3A_890, %add3A_891 : i32
        %get3A_893 = arith.index_cast %add3A_892 : i32 to index
        %get3A_894 = tpu.vector_load %arg5[%get3A_893] {strides = array<i32>} : memref<16400xf32, #tpu.memory_space<vmem>>, vector<16xf32>,
        %add3A_895 = arith.constant 2 : i32
        %add3A_896 = arith.addi %mul3A_185, %add3A_895 : i32
        %add3A_897 = vector.broadcast %add3A_896 : i32 to vector<16xi32>
        %add3A_898 = arith.addi %mul3A_73, %add3A_897 : vector<16xi32>
        tpu.vector_store_idx %arg7[%add3A_898], %get3A_894 : memref<8192xf32, #tpu.memory_space<vmem>>[vector<16xi32>], vector<16xf32>,
        %add3A_899 = arith.constant 1 : i32
        %add3A_900 = arith.addi %scan3A_182, %add3A_899 : i32
        %mul3A_901 = arith.constant 128 : i32
        %mul3A_902 = arith.muli %add3A_900, %mul3A_901 : i32
        %add3A_903 = arith.constant 96 : i32
        %add3A_904 = arith.addi %mul3A_902, %add3A_903 : i32
        %add3A_905 = arith.constant 1 : i32
        %add3A_906 = arith.addi %add3A_904, %add3A_905 : i32
        %get3A_907 = arith.index_cast %add3A_906 : i32 to index
        %get3A_908 = tpu.vector_load %arg5[%get3A_907] {strides = array<i32>} : memref<16400xf32, #tpu.memory_space<vmem>>, vector<16xf32>,
        %add3A_909 = arith.constant 3 : i32
        %add3A_910 = arith.addi %mul3A_185, %add3A_909 : i32
        %add3A_911 = vector.broadcast %add3A_910 : i32 to vector<16xi32>
        %add3A_912 = arith.addi %mul3A_73, %add3A_911 : vector<16xi32>
        tpu.vector_store_idx %arg7[%add3A_912], %get3A_908 : memref<8192xf32, #tpu.memory_space<vmem>>[vector<16xi32>], vector<16xf32>,
        %add3A_913 = arith.constant 0 : i32
        %add3A_914 = arith.addi %scan3A_182, %add3A_913 : i32
        %mul3A_915 = arith.constant 128 : i32
        %mul3A_916 = arith.muli %add3A_914, %mul3A_915 : i32
        %add3A_917 = arith.constant 96 : i32
        %add3A_918 = arith.addi %mul3A_916, %add3A_917 : i32
        %add3A_919 = arith.constant 0 : i32
        %add3A_920 = arith.addi %add3A_918, %add3A_919 : i32
        %get3A_921 = arith.index_cast %add3A_920 : i32 to index
        %get3A_922 = tpu.vector_load %arg6[%get3A_921] {strides = array<i32>} : memref<16400xf32, #tpu.memory_space<vmem>>, vector<16xf32>,
        %add3A_923 = arith.constant 4 : i32
        %add3A_924 = arith.addi %mul3A_185, %add3A_923 : i32
        %add3A_925 = vector.broadcast %add3A_924 : i32 to vector<16xi32>
        %add3A_926 = arith.addi %mul3A_73, %add3A_925 : vector<16xi32>
        tpu.vector_store_idx %arg7[%add3A_926], %get3A_922 : memref<8192xf32, #tpu.memory_space<vmem>>[vector<16xi32>], vector<16xf32>,
        %add3A_927 = arith.constant 0 : i32
        %add3A_928 = arith.addi %scan3A_182, %add3A_927 : i32
        %mul3A_929 = arith.constant 128 : i32
        %mul3A_930 = arith.muli %add3A_928, %mul3A_929 : i32
        %add3A_931 = arith.constant 96 : i32
        %add3A_932 = arith.addi %mul3A_930, %add3A_931 : i32
        %add3A_933 = arith.constant 1 : i32
        %add3A_934 = arith.addi %add3A_932, %add3A_933 : i32
        %get3A_935 = arith.index_cast %add3A_934 : i32 to index
        %get3A_936 = tpu.vector_load %arg6[%get3A_935] {strides = array<i32>} : memref<16400xf32, #tpu.memory_space<vmem>>, vector<16xf32>,
        %add3A_937 = arith.constant 5 : i32
        %add3A_938 = arith.addi %mul3A_185, %add3A_937 : i32
        %add3A_939 = vector.broadcast %add3A_938 : i32 to vector<16xi32>
        %add3A_940 = arith.addi %mul3A_73, %add3A_939 : vector<16xi32>
        tpu.vector_store_idx %arg7[%add3A_940], %get3A_936 : memref<8192xf32, #tpu.memory_space<vmem>>[vector<16xi32>], vector<16xf32>,
        %add3A_941 = arith.constant 1 : i32
        %add3A_942 = arith.addi %scan3A_182, %add3A_941 : i32
        %mul3A_943 = arith.constant 128 : i32
        %mul3A_944 = arith.muli %add3A_942, %mul3A_943 : i32
        %add3A_945 = arith.constant 96 : i32
        %add3A_946 = arith.addi %mul3A_944, %add3A_945 : i32
        %add3A_947 = arith.constant 0 : i32
        %add3A_948 = arith.addi %add3A_946, %add3A_947 : i32
        %get3A_949 = arith.index_cast %add3A_948 : i32 to index
        %get3A_950 = tpu.vector_load %arg6[%get3A_949] {strides = array<i32>} : memref<16400xf32, #tpu.memory_space<vmem>>, vector<16xf32>,
        %add3A_951 = arith.constant 6 : i32
        %add3A_952 = arith.addi %mul3A_185, %add3A_951 : i32
        %add3A_953 = vector.broadcast %add3A_952 : i32 to vector<16xi32>
        %add3A_954 = arith.addi %mul3A_73, %add3A_953 : vector<16xi32>
        tpu.vector_store_idx %arg7[%add3A_954], %get3A_950 : memref<8192xf32, #tpu.memory_space<vmem>>[vector<16xi32>], vector<16xf32>,
        %add3A_955 = arith.constant 1 : i32
        %add3A_956 = arith.addi %scan3A_182, %add3A_955 : i32
        %mul3A_957 = arith.constant 128 : i32
        %mul3A_958 = arith.muli %add3A_956, %mul3A_957 : i32
        %add3A_959 = arith.constant 96 : i32
        %add3A_960 = arith.addi %mul3A_958, %add3A_959 : i32
        %add3A_961 = arith.constant 1 : i32
        %add3A_962 = arith.addi %add3A_960, %add3A_961 : i32
        %get3A_963 = arith.index_cast %add3A_962 : i32 to index
        %get3A_964 = tpu.vector_load %arg6[%get3A_963] {strides = array<i32>} : memref<16400xf32, #tpu.memory_space<vmem>>, vector<16xf32>,
        %add3A_965 = arith.constant 7 : i32
        %add3A_966 = arith.addi %mul3A_185, %add3A_965 : i32
        %add3A_967 = vector.broadcast %add3A_966 : i32 to vector<16xi32>
        %add3A_968 = arith.addi %mul3A_73, %add3A_967 : vector<16xi32>
        tpu.vector_store_idx %arg7[%add3A_968], %get3A_964 : memref<8192xf32, #tpu.memory_space<vmem>>[vector<16xi32>], vector<16xf32>,
        %add3A_969 = arith.constant 0 : i32
        %add3A_970 = arith.addi %scan3A_182, %add3A_969 : i32
        %mul3A_971 = arith.constant 128 : i32
        %mul3A_972 = arith.muli %add3A_970, %mul3A_971 : i32
        %add3A_973 = arith.constant 112 : i32
        %add3A_974 = arith.addi %mul3A_972, %add3A_973 : i32
        %add3A_975 = arith.constant 0 : i32
        %add3A_976 = arith.addi %add3A_974, %add3A_975 : i32
        %get3A_977 = arith.index_cast %add3A_976 : i32 to index
        %get3A_978 = tpu.vector_load %arg5[%get3A_977] {strides = array<i32>} : memref<16400xf32, #tpu.memory_space<vmem>>, vector<16xf32>,
        %add3A_979 = arith.constant 0 : i32
        %add3A_980 = arith.addi %mul3A_185, %add3A_979 : i32
        %add3A_981 = vector.broadcast %add3A_980 : i32 to vector<16xi32>
        %add3A_982 = arith.addi %mul3A_79, %add3A_981 : vector<16xi32>
        tpu.vector_store_idx %arg7[%add3A_982], %get3A_978 : memref<8192xf32, #tpu.memory_space<vmem>>[vector<16xi32>], vector<16xf32>,
        %add3A_983 = arith.constant 0 : i32
        %add3A_984 = arith.addi %scan3A_182, %add3A_983 : i32
        %mul3A_985 = arith.constant 128 : i32
        %mul3A_986 = arith.muli %add3A_984, %mul3A_985 : i32
        %add3A_987 = arith.constant 112 : i32
        %add3A_988 = arith.addi %mul3A_986, %add3A_987 : i32
        %add3A_989 = arith.constant 1 : i32
        %add3A_990 = arith.addi %add3A_988, %add3A_989 : i32
        %get3A_991 = arith.index_cast %add3A_990 : i32 to index
        %get3A_992 = tpu.vector_load %arg5[%get3A_991] {strides = array<i32>} : memref<16400xf32, #tpu.memory_space<vmem>>, vector<16xf32>,
        %add3A_993 = arith.constant 1 : i32
        %add3A_994 = arith.addi %mul3A_185, %add3A_993 : i32
        %add3A_995 = vector.broadcast %add3A_994 : i32 to vector<16xi32>
        %add3A_996 = arith.addi %mul3A_79, %add3A_995 : vector<16xi32>
        tpu.vector_store_idx %arg7[%add3A_996], %get3A_992 : memref<8192xf32, #tpu.memory_space<vmem>>[vector<16xi32>], vector<16xf32>,
        %add3A_997 = arith.constant 1 : i32
        %add3A_998 = arith.addi %scan3A_182, %add3A_997 : i32
        %mul3A_999 = arith.constant 128 : i32
        %mul3A_1000 = arith.muli %add3A_998, %mul3A_999 : i32
        %add3A_1001 = arith.constant 112 : i32
        %add3A_1002 = arith.addi %mul3A_1000, %add3A_1001 : i32
        %add3A_1003 = arith.constant 0 : i32
        %add3A_1004 = arith.addi %add3A_1002, %add3A_1003 : i32
        %get3A_1005 = arith.index_cast %add3A_1004 : i32 to index
        %get3A_1006 = tpu.vector_load %arg5[%get3A_1005] {strides = array<i32>} : memref<16400xf32, #tpu.memory_space<vmem>>, vector<16xf32>,
        %add3A_1007 = arith.constant 2 : i32
        %add3A_1008 = arith.addi %mul3A_185, %add3A_1007 : i32
        %add3A_1009 = vector.broadcast %add3A_1008 : i32 to vector<16xi32>
        %add3A_1010 = arith.addi %mul3A_79, %add3A_1009 : vector<16xi32>
        tpu.vector_store_idx %arg7[%add3A_1010], %get3A_1006 : memref<8192xf32, #tpu.memory_space<vmem>>[vector<16xi32>], vector<16xf32>,
        %add3A_1011 = arith.constant 1 : i32
        %add3A_1012 = arith.addi %scan3A_182, %add3A_1011 : i32
        %mul3A_1013 = arith.constant 128 : i32
        %mul3A_1014 = arith.muli %add3A_1012, %mul3A_1013 : i32
        %add3A_1015 = arith.constant 112 : i32
        %add3A_1016 = arith.addi %mul3A_1014, %add3A_1015 : i32
        %add3A_1017 = arith.constant 1 : i32
        %add3A_1018 = arith.addi %add3A_1016, %add3A_1017 : i32
        %get3A_1019 = arith.index_cast %add3A_1018 : i32 to index
        %get3A_1020 = tpu.vector_load %arg5[%get3A_1019] {strides = array<i32>} : memref<16400xf32, #tpu.memory_space<vmem>>, vector<16xf32>,
        %add3A_1021 = arith.constant 3 : i32
        %add3A_1022 = arith.addi %mul3A_185, %add3A_1021 : i32
        %add3A_1023 = vector.broadcast %add3A_1022 : i32 to vector<16xi32>
        %add3A_1024 = arith.addi %mul3A_79, %add3A_1023 : vector<16xi32>
        tpu.vector_store_idx %arg7[%add3A_1024], %get3A_1020 : memref<8192xf32, #tpu.memory_space<vmem>>[vector<16xi32>], vector<16xf32>,
        %add3A_1025 = arith.constant 0 : i32
        %add3A_1026 = arith.addi %scan3A_182, %add3A_1025 : i32
        %mul3A_1027 = arith.constant 128 : i32
        %mul3A_1028 = arith.muli %add3A_1026, %mul3A_1027 : i32
        %add3A_1029 = arith.constant 112 : i32
        %add3A_1030 = arith.addi %mul3A_1028, %add3A_1029 : i32
        %add3A_1031 = arith.constant 0 : i32
        %add3A_1032 = arith.addi %add3A_1030, %add3A_1031 : i32
        %get3A_1033 = arith.index_cast %add3A_1032 : i32 to index
        %get3A_1034 = tpu.vector_load %arg6[%get3A_1033] {strides = array<i32>} : memref<16400xf32, #tpu.memory_space<vmem>>, vector<16xf32>,
        %add3A_1035 = arith.constant 4 : i32
        %add3A_1036 = arith.addi %mul3A_185, %add3A_1035 : i32
        %add3A_1037 = vector.broadcast %add3A_1036 : i32 to vector<16xi32>
        %add3A_1038 = arith.addi %mul3A_79, %add3A_1037 : vector<16xi32>
        tpu.vector_store_idx %arg7[%add3A_1038], %get3A_1034 : memref<8192xf32, #tpu.memory_space<vmem>>[vector<16xi32>], vector<16xf32>,
        %add3A_1039 = arith.constant 0 : i32
        %add3A_1040 = arith.addi %scan3A_182, %add3A_1039 : i32
        %mul3A_1041 = arith.constant 128 : i32
        %mul3A_1042 = arith.muli %add3A_1040, %mul3A_1041 : i32
        %add3A_1043 = arith.constant 112 : i32
        %add3A_1044 = arith.addi %mul3A_1042, %add3A_1043 : i32
        %add3A_1045 = arith.constant 1 : i32
        %add3A_1046 = arith.addi %add3A_1044, %add3A_1045 : i32
        %get3A_1047 = arith.index_cast %add3A_1046 : i32 to index
        %get3A_1048 = tpu.vector_load %arg6[%get3A_1047] {strides = array<i32>} : memref<16400xf32, #tpu.memory_space<vmem>>, vector<16xf32>,
        %add3A_1049 = arith.constant 5 : i32
        %add3A_1050 = arith.addi %mul3A_185, %add3A_1049 : i32
        %add3A_1051 = vector.broadcast %add3A_1050 : i32 to vector<16xi32>
        %add3A_1052 = arith.addi %mul3A_79, %add3A_1051 : vector<16xi32>
        tpu.vector_store_idx %arg7[%add3A_1052], %get3A_1048 : memref<8192xf32, #tpu.memory_space<vmem>>[vector<16xi32>], vector<16xf32>,
        %add3A_1053 = arith.constant 1 : i32
        %add3A_1054 = arith.addi %scan3A_182, %add3A_1053 : i32
        %mul3A_1055 = arith.constant 128 : i32
        %mul3A_1056 = arith.muli %add3A_1054, %mul3A_1055 : i32
        %add3A_1057 = arith.constant 112 : i32
        %add3A_1058 = arith.addi %mul3A_1056, %add3A_1057 : i32
        %add3A_1059 = arith.constant 0 : i32
        %add3A_1060 = arith.addi %add3A_1058, %add3A_1059 : i32
        %get3A_1061 = arith.index_cast %add3A_1060 : i32 to index
        %get3A_1062 = tpu.vector_load %arg6[%get3A_1061] {strides = array<i32>} : memref<16400xf32, #tpu.memory_space<vmem>>, vector<16xf32>,
        %add3A_1063 = arith.constant 6 : i32
        %add3A_1064 = arith.addi %mul3A_185, %add3A_1063 : i32
        %add3A_1065 = vector.broadcast %add3A_1064 : i32 to vector<16xi32>
        %add3A_1066 = arith.addi %mul3A_79, %add3A_1065 : vector<16xi32>
        tpu.vector_store_idx %arg7[%add3A_1066], %get3A_1062 : memref<8192xf32, #tpu.memory_space<vmem>>[vector<16xi32>], vector<16xf32>,
        %add3A_1067 = arith.constant 1 : i32
        %add3A_1068 = arith.addi %scan3A_182, %add3A_1067 : i32
        %mul3A_1069 = arith.constant 128 : i32
        %mul3A_1070 = arith.muli %add3A_1068, %mul3A_1069 : i32
        %add3A_1071 = arith.constant 112 : i32
        %add3A_1072 = arith.addi %mul3A_1070, %add3A_1071 : i32
        %add3A_1073 = arith.constant 1 : i32
        %add3A_1074 = arith.addi %add3A_1072, %add3A_1073 : i32
        %get3A_1075 = arith.index_cast %add3A_1074 : i32 to index
        %get3A_1076 = tpu.vector_load %arg6[%get3A_1075] {strides = array<i32>} : memref<16400xf32, #tpu.memory_space<vmem>>, vector<16xf32>,
        %add3A_1077 = arith.constant 7 : i32
        %add3A_1078 = arith.addi %mul3A_185, %add3A_1077 : i32
        %add3A_1079 = vector.broadcast %add3A_1078 : i32 to vector<16xi32>
        %add3A_1080 = arith.addi %mul3A_79, %add3A_1079 : vector<16xi32>
        tpu.vector_store_idx %arg7[%add3A_1080], %get3A_1076 : memref<8192xf32, #tpu.memory_space<vmem>>[vector<16xi32>], vector<16xf32>,
        %mul3A_1081 = arith.constant 16129 : i32
        %mul3A_1082 = arith.muli %add3A_25, %mul3A_1081 : i32
        %add3A_1083 = arith.constant 2048383 : i32
        %add3A_1084 = arith.addi %add3A_1083, %mul3A_1082 : i32
        %mul3A_1085 = arith.constant 127 : i32
        %mul3A_1086 = arith.muli %scan3A_182, %mul3A_1085 : i32
        %add3A_1087 = arith.addi %add3A_1084, %mul3A_1086 : i32
        %mul3A_1088 = arith.constant 8 : i32
        %mul3A_1089 = arith.muli %add3A_1087, %mul3A_1088 : i32
        %dma_start3A = tpu.memref_slice %arg7[%mul3A_185] : memref<8192xf32, #tpu.memory_space<vmem>> -> memref<1016xf32, #tpu.memory_space<vmem>>
        %dma_start3A_1090 = tpu.memref_slice %arg4[%mul3A_1089] : memref<32774128xf32, #tpu.memory_space<hbm>> -> memref<1016xf32, #tpu.memory_space<hbm>>
        %dma_start3A_1091 = tpu.memref_slice %arg4[%mul3A_1089] : memref<32774128xf32, #tpu.memory_space<hbm>> -> memref<1016xf32, #tpu.memory_space<hbm>>
        %dma_start3A_1092 = tpu.memref_slice %arg7[%mul3A_185] : memref<8192xf32, #tpu.memory_space<vmem>> -> memref<1016xf32, #tpu.memory_space<vmem>>
        tpu.enqueue_dma source(%dma_start3A_1092 : memref<1016xf32, #tpu.memory_space<vmem>>) target(%dma_start3A_1091 : memref<1016xf32, #tpu.memory_space<hbm>>) target_semaphore(%arg8 : memref<!tpu.dma_semaphore, #tpu.memory_space<semaphore_mem>>)
        %ge3A = arith.constant 7 : i32
        %ge3A_1093 = arith.cmpi sge, %scan3A_182, %ge3A : i32
        %convert_element_type3A = arith.extui %ge3A_1093 : i1 to i32
        %cond3A = arith.constant 0 : i32
        %cond3A_1094 = arith.cmpi ne, %convert_element_type3A, %cond3A : i32
        scf.if %cond3A_1094 {
          %sub3A = arith.constant 7 : i32
          %sub3A_1095 = arith.subi %scan3A_182, %sub3A : i32
          %mul3A_1096 = arith.constant 16129 : i32
          %mul3A_1097 = arith.muli %add3A_25, %mul3A_1096 : i32
          %add3A_1098 = arith.constant 2048383 : i32
          %add3A_1099 = arith.addi %add3A_1098, %mul3A_1097 : i32
          %mul3A_1100 = arith.constant 127 : i32
          %mul3A_1101 = arith.muli %sub3A_1095, %mul3A_1100 : i32
          %add3A_1102 = arith.addi %add3A_1099, %mul3A_1101 : i32
          %mul3A_1103 = arith.constant 8 : i32
          %mul3A_1104 = arith.muli %add3A_1102, %mul3A_1103 : i32
          %and3A_1105 = arith.constant 7 : i32
          %and3A_1106 = arith.andi %sub3A_1095, %and3A_1105 : i32
          %mul3A_1107 = arith.constant 1024 : i32
          %mul3A_1108 = arith.muli %and3A_1106, %mul3A_1107 : i32
          %dma_wait3A_1109 = tpu.memref_slice %arg7[%mul3A_1108] : memref<8192xf32, #tpu.memory_space<vmem>> -> memref<1016xf32, #tpu.memory_space<vmem>>
          %dma_wait3A_1110 = tpu.memref_slice %arg4[%mul3A_1104] : memref<32774128xf32, #tpu.memory_space<hbm>> -> memref<1016xf32, #tpu.memory_space<hbm>>
          %dma_wait3A_1111 = tpu.memref_slice %arg4[%mul3A_1104] : memref<32774128xf32, #tpu.memory_space<hbm>> -> memref<1016xf32, #tpu.memory_space<hbm>>
          %dma_wait3A_1112 = tpu.memref_slice %arg7[%mul3A_1108] : memref<8192xf32, #tpu.memory_space<vmem>> -> memref<1016xf32, #tpu.memory_space<vmem>>
          tpu.wait_dma2 semaphore(%arg8 : memref<!tpu.dma_semaphore, #tpu.memory_space<semaphore_mem>>) src(%dma_wait3A_1112 : memref<1016xf32, #tpu.memory_space<vmem>>) dst(%dma_wait3A_1111 : memref<1016xf32, #tpu.memory_space<hbm>>)
        } else {
        }
      }
      %scan3A_84 = arith.constant 127 : i32
      %mul3A_85 = arith.constant 16129 : i32
      %mul3A_86 = arith.muli %add3A_25, %mul3A_85 : i32
      %add3A_87 = arith.constant 2048383 : i32
      %add3A_88 = arith.addi %add3A_87, %mul3A_86 : i32
      %add3A_89 = arith.constant 15240 : i32
      %add3A_90 = arith.addi %add3A_88, %add3A_89 : i32
      %mul3A_91 = arith.constant 8 : i32
      %mul3A_92 = arith.muli %add3A_90, %mul3A_91 : i32
      %dma_wait3A = arith.constant 0 : i32
      %dma_wait3A_93 = tpu.memref_slice %arg7[%dma_wait3A] : memref<8192xf32, #tpu.memory_space<vmem>> -> memref<1016xf32, #tpu.memory_space<vmem>>
      %dma_wait3A_94 = tpu.memref_slice %arg4[%mul3A_92] : memref<32774128xf32, #tpu.memory_space<hbm>> -> memref<1016xf32, #tpu.memory_space<hbm>>
      %dma_wait3A_95 = tpu.memref_slice %arg4[%mul3A_92] : memref<32774128xf32, #tpu.memory_space<hbm>> -> memref<1016xf32, #tpu.memory_space<hbm>>
      %dma_wait3A_96 = arith.constant 0 : i32
      %dma_wait3A_97 = tpu.memref_slice %arg7[%dma_wait3A_96] : memref<8192xf32, #tpu.memory_space<vmem>> -> memref<1016xf32, #tpu.memory_space<vmem>>
      tpu.wait_dma2 semaphore(%arg8 : memref<!tpu.dma_semaphore, #tpu.memory_space<semaphore_mem>>) src(%dma_wait3A_97 : memref<1016xf32, #tpu.memory_space<vmem>>) dst(%dma_wait3A_95 : memref<1016xf32, #tpu.memory_space<hbm>>)
      %mul3A_98 = arith.constant 16129 : i32
      %mul3A_99 = arith.muli %add3A_25, %mul3A_98 : i32
      %add3A_100 = arith.constant 2048383 : i32
      %add3A_101 = arith.addi %add3A_100, %mul3A_99 : i32
      %add3A_102 = arith.constant 15367 : i32
      %add3A_103 = arith.addi %add3A_101, %add3A_102 : i32
      %mul3A_104 = arith.constant 8 : i32
      %mul3A_105 = arith.muli %add3A_103, %mul3A_104 : i32
      %dma_wait3A_106 = arith.constant 1024 : i32
      %dma_wait3A_107 = tpu.memref_slice %arg7[%dma_wait3A_106] : memref<8192xf32, #tpu.memory_space<vmem>> -> memref<1016xf32, #tpu.memory_space<vmem>>
      %dma_wait3A_108 = tpu.memref_slice %arg4[%mul3A_105] : memref<32774128xf32, #tpu.memory_space<hbm>> -> memref<1016xf32, #tpu.memory_space<hbm>>
      %dma_wait3A_109 = tpu.memref_slice %arg4[%mul3A_105] : memref<32774128xf32, #tpu.memory_space<hbm>> -> memref<1016xf32, #tpu.memory_space<hbm>>
      %dma_wait3A_110 = arith.constant 1024 : i32
      %dma_wait3A_111 = tpu.memref_slice %arg7[%dma_wait3A_110] : memref<8192xf32, #tpu.memory_space<vmem>> -> memref<1016xf32, #tpu.memory_space<vmem>>
      tpu.wait_dma2 semaphore(%arg8 : memref<!tpu.dma_semaphore, #tpu.memory_space<semaphore_mem>>) src(%dma_wait3A_111 : memref<1016xf32, #tpu.memory_space<vmem>>) dst(%dma_wait3A_109 : memref<1016xf32, #tpu.memory_space<hbm>>)
      %mul3A_112 = arith.constant 16129 : i32
      %mul3A_113 = arith.muli %add3A_25, %mul3A_112 : i32
      %add3A_114 = arith.constant 2048383 : i32
      %add3A_115 = arith.addi %add3A_114, %mul3A_113 : i32
      %add3A_116 = arith.constant 15494 : i32
      %add3A_117 = arith.addi %add3A_115, %add3A_116 : i32
      %mul3A_118 = arith.constant 8 : i32
      %mul3A_119 = arith.muli %add3A_117, %mul3A_118 : i32
      %dma_wait3A_120 = arith.constant 2048 : i32
      %dma_wait3A_121 = tpu.memref_slice %arg7[%dma_wait3A_120] : memref<8192xf32, #tpu.memory_space<vmem>> -> memref<1016xf32, #tpu.memory_space<vmem>>
      %dma_wait3A_122 = tpu.memref_slice %arg4[%mul3A_119] : memref<32774128xf32, #tpu.memory_space<hbm>> -> memref<1016xf32, #tpu.memory_space<hbm>>
      %dma_wait3A_123 = tpu.memref_slice %arg4[%mul3A_119] : memref<32774128xf32, #tpu.memory_space<hbm>> -> memref<1016xf32, #tpu.memory_space<hbm>>
      %dma_wait3A_124 = arith.constant 2048 : i32
      %dma_wait3A_125 = tpu.memref_slice %arg7[%dma_wait3A_124] : memref<8192xf32, #tpu.memory_space<vmem>> -> memref<1016xf32, #tpu.memory_space<vmem>>
      tpu.wait_dma2 semaphore(%arg8 : memref<!tpu.dma_semaphore, #tpu.memory_space<semaphore_mem>>) src(%dma_wait3A_125 : memref<1016xf32, #tpu.memory_space<vmem>>) dst(%dma_wait3A_123 : memref<1016xf32, #tpu.memory_space<hbm>>)
      %mul3A_126 = arith.constant 16129 : i32
      %mul3A_127 = arith.muli %add3A_25, %mul3A_126 : i32
      %add3A_128 = arith.constant 2048383 : i32
      %add3A_129 = arith.addi %add3A_128, %mul3A_127 : i32
      %add3A_130 = arith.constant 15621 : i32
      %add3A_131 = arith.addi %add3A_129, %add3A_130 : i32
      %mul3A_132 = arith.constant 8 : i32
      %mul3A_133 = arith.muli %add3A_131, %mul3A_132 : i32
      %dma_wait3A_134 = arith.constant 3072 : i32
      %dma_wait3A_135 = tpu.memref_slice %arg7[%dma_wait3A_134] : memref<8192xf32, #tpu.memory_space<vmem>> -> memref<1016xf32, #tpu.memory_space<vmem>>
      %dma_wait3A_136 = tpu.memref_slice %arg4[%mul3A_133] : memref<32774128xf32, #tpu.memory_space<hbm>> -> memref<1016xf32, #tpu.memory_space<hbm>>
      %dma_wait3A_137 = tpu.memref_slice %arg4[%mul3A_133] : memref<32774128xf32, #tpu.memory_space<hbm>> -> memref<1016xf32, #tpu.memory_space<hbm>>
      %dma_wait3A_138 = arith.constant 3072 : i32
      %dma_wait3A_139 = tpu.memref_slice %arg7[%dma_wait3A_138] : memref<8192xf32, #tpu.memory_space<vmem>> -> memref<1016xf32, #tpu.memory_space<vmem>>
      tpu.wait_dma2 semaphore(%arg8 : memref<!tpu.dma_semaphore, #tpu.memory_space<semaphore_mem>>) src(%dma_wait3A_139 : memref<1016xf32, #tpu.memory_space<vmem>>) dst(%dma_wait3A_137 : memref<1016xf32, #tpu.memory_space<hbm>>)
      %mul3A_140 = arith.constant 16129 : i32
      %mul3A_141 = arith.muli %add3A_25, %mul3A_140 : i32
      %add3A_142 = arith.constant 2048383 : i32
      %add3A_143 = arith.addi %add3A_142, %mul3A_141 : i32
      %add3A_144 = arith.constant 15748 : i32
      %add3A_145 = arith.addi %add3A_143, %add3A_144 : i32
      %mul3A_146 = arith.constant 8 : i32
      %mul3A_147 = arith.muli %add3A_145, %mul3A_146 : i32
      %dma_wait3A_148 = arith.constant 4096 : i32
      %dma_wait3A_149 = tpu.memref_slice %arg7[%dma_wait3A_148] : memref<8192xf32, #tpu.memory_space<vmem>> -> memref<1016xf32, #tpu.memory_space<vmem>>
      %dma_wait3A_150 = tpu.memref_slice %arg4[%mul3A_147] : memref<32774128xf32, #tpu.memory_space<hbm>> -> memref<1016xf32, #tpu.memory_space<hbm>>
      %dma_wait3A_151 = tpu.memref_slice %arg4[%mul3A_147] : memref<32774128xf32, #tpu.memory_space<hbm>> -> memref<1016xf32, #tpu.memory_space<hbm>>
      %dma_wait3A_152 = arith.constant 4096 : i32
      %dma_wait3A_153 = tpu.memref_slice %arg7[%dma_wait3A_152] : memref<8192xf32, #tpu.memory_space<vmem>> -> memref<1016xf32, #tpu.memory_space<vmem>>
      tpu.wait_dma2 semaphore(%arg8 : memref<!tpu.dma_semaphore, #tpu.memory_space<semaphore_mem>>) src(%dma_wait3A_153 : memref<1016xf32, #tpu.memory_space<vmem>>) dst(%dma_wait3A_151 : memref<1016xf32, #tpu.memory_space<hbm>>)
      %mul3A_154 = arith.constant 16129 : i32
      %mul3A_155 = arith.muli %add3A_25, %mul3A_154 : i32
      %add3A_156 = arith.constant 2048383 : i32
      %add3A_157 = arith.addi %add3A_156, %mul3A_155 : i32
      %add3A_158 = arith.constant 15875 : i32
      %add3A_159 = arith.addi %add3A_157, %add3A_158 : i32
      %mul3A_160 = arith.constant 8 : i32
      %mul3A_161 = arith.muli %add3A_159, %mul3A_160 : i32
      %dma_wait3A_162 = arith.constant 5120 : i32
      %dma_wait3A_163 = tpu.memref_slice %arg7[%dma_wait3A_162] : memref<8192xf32, #tpu.memory_space<vmem>> -> memref<1016xf32, #tpu.memory_space<vmem>>
      %dma_wait3A_164 = tpu.memref_slice %arg4[%mul3A_161] : memref<32774128xf32, #tpu.memory_space<hbm>> -> memref<1016xf32, #tpu.memory_space<hbm>>
      %dma_wait3A_165 = tpu.memref_slice %arg4[%mul3A_161] : memref<32774128xf32, #tpu.memory_space<hbm>> -> memref<1016xf32, #tpu.memory_space<hbm>>
      %dma_wait3A_166 = arith.constant 5120 : i32
      %dma_wait3A_167 = tpu.memref_slice %arg7[%dma_wait3A_166] : memref<8192xf32, #tpu.memory_space<vmem>> -> memref<1016xf32, #tpu.memory_space<vmem>>
      tpu.wait_dma2 semaphore(%arg8 : memref<!tpu.dma_semaphore, #tpu.memory_space<semaphore_mem>>) src(%dma_wait3A_167 : memref<1016xf32, #tpu.memory_space<vmem>>) dst(%dma_wait3A_165 : memref<1016xf32, #tpu.memory_space<hbm>>)
      %mul3A_168 = arith.constant 16129 : i32
      %mul3A_169 = arith.muli %add3A_25, %mul3A_168 : i32
      %add3A_170 = arith.constant 2048383 : i32
      %add3A_171 = arith.addi %add3A_170, %mul3A_169 : i32
      %add3A_172 = arith.constant 16002 : i32
      %add3A_173 = arith.addi %add3A_171, %add3A_172 : i32
      %mul3A_174 = arith.constant 8 : i32
      %mul3A_175 = arith.muli %add3A_173, %mul3A_174 : i32
      %dma_wait3A_176 = arith.constant 6144 : i32
      %dma_wait3A_177 = tpu.memref_slice %arg7[%dma_wait3A_176] : memref<8192xf32, #tpu.memory_space<vmem>> -> memref<1016xf32, #tpu.memory_space<vmem>>
      %dma_wait3A_178 = tpu.memref_slice %arg4[%mul3A_175] : memref<32774128xf32, #tpu.memory_space<hbm>> -> memref<1016xf32, #tpu.memory_space<hbm>>
      %dma_wait3A_179 = tpu.memref_slice %arg4[%mul3A_175] : memref<32774128xf32, #tpu.memory_space<hbm>> -> memref<1016xf32, #tpu.memory_space<hbm>>
      %dma_wait3A_180 = arith.constant 6144 : i32
      %dma_wait3A_181 = tpu.memref_slice %arg7[%dma_wait3A_180] : memref<8192xf32, #tpu.memory_space<vmem>> -> memref<1016xf32, #tpu.memory_space<vmem>>
      tpu.wait_dma2 semaphore(%arg8 : memref<!tpu.dma_semaphore, #tpu.memory_space<semaphore_mem>>) src(%dma_wait3A_181 : memref<1016xf32, #tpu.memory_space<vmem>>) dst(%dma_wait3A_179 : memref<1016xf32, #tpu.memory_space<hbm>>)
    }
    %while3A_21 = arith.constant 1 : i32
    scf.for %while3A_22 = %while3A_19 to %while3A_15 step %while3A_21  : i32 {
      %mul3A_23 = arith.constant 32 : i32
      %mul3A_24 = arith.muli %while3A_22, %mul3A_23 : i32
      %add3A_25 = arith.addi %add3A, %mul3A_24 : i32
      %mul3A_26 = arith.constant 16384 : i32
      %mul3A_27 = arith.muli %add3A_25, %mul3A_26 : i32
      "tpu.region"() ({
        %run_scoped3A = tpu.sem_alloc : memref<!tpu.dma_semaphore, #tpu.memory_space<semaphore_mem>>
        %dma_start3A = arith.constant 0 : i32
        %dma_start3A_182 = tpu.memref_slice %arg5[%dma_start3A] : memref<16400xf32, #tpu.memory_space<vmem>> -> memref<16384xf32, #tpu.memory_space<vmem>>
        %dma_start3A_183 = tpu.memref_slice %arg3[%mul3A_27] : memref<2097152xf32, #tpu.memory_space<hbm>> -> memref<16384xf32, #tpu.memory_space<hbm>>
        %dma_start3A_184 = arith.constant 0 : i32
        %dma_start3A_185 = tpu.memref_slice %arg5[%dma_start3A_184] : memref<16400xf32, #tpu.memory_space<vmem>> -> memref<16384xf32, #tpu.memory_space<vmem>>
        %dma_start3A_186 = tpu.memref_slice %arg3[%mul3A_27] : memref<2097152xf32, #tpu.memory_space<hbm>> -> memref<16384xf32, #tpu.memory_space<hbm>>
        tpu.enqueue_dma source(%dma_start3A_186 : memref<16384xf32, #tpu.memory_space<hbm>>) target(%dma_start3A_185 : memref<16384xf32, #tpu.memory_space<vmem>>) target_semaphore(%run_scoped3A : memref<!tpu.dma_semaphore, #tpu.memory_space<semaphore_mem>>)
        %dma_wait3A_187 = arith.constant 0 : i32
        %dma_wait3A_188 = tpu.memref_slice %arg5[%dma_wait3A_187] : memref<16400xf32, #tpu.memory_space<vmem>> -> memref<16384xf32, #tpu.memory_space<vmem>>
        %dma_wait3A_189 = tpu.memref_slice %arg3[%mul3A_27] : memref<2097152xf32, #tpu.memory_space<hbm>> -> memref<16384xf32, #tpu.memory_space<hbm>>
        %dma_wait3A_190 = arith.constant 0 : i32
        %dma_wait3A_191 = tpu.memref_slice %arg5[%dma_wait3A_190] : memref<16400xf32, #tpu.memory_space<vmem>> -> memref<16384xf32, #tpu.memory_space<vmem>>
        %dma_wait3A_192 = tpu.memref_slice %arg3[%mul3A_27] : memref<2097152xf32, #tpu.memory_space<hbm>> -> memref<16384xf32, #tpu.memory_space<hbm>>
        tpu.wait_dma2 semaphore(%run_scoped3A : memref<!tpu.dma_semaphore, #tpu.memory_space<semaphore_mem>>) src(%dma_wait3A_192 : memref<16384xf32, #tpu.memory_space<hbm>>) dst(%dma_wait3A_191 : memref<16384xf32, #tpu.memory_space<vmem>>)
        tpu.yield
      }) : () -> ()
      %add3A_28 = arith.constant 1 : i32
      %add3A_29 = arith.addi %add3A_25, %add3A_28 : i32
      %mul3A_30 = arith.constant 16384 : i32
      %mul3A_31 = arith.muli %add3A_29, %mul3A_30 : i32
      "tpu.region"() ({
        %run_scoped3A = tpu.sem_alloc : memref<!tpu.dma_semaphore, #tpu.memory_space<semaphore_mem>>
        %dma_start3A = arith.constant 0 : i32
        %dma_start3A_182 = tpu.memref_slice %arg6[%dma_start3A] : memref<16400xf32, #tpu.memory_space<vmem>> -> memref<16384xf32, #tpu.memory_space<vmem>>
        %dma_start3A_183 = tpu.memref_slice %arg3[%mul3A_31] : memref<2097152xf32, #tpu.memory_space<hbm>> -> memref<16384xf32, #tpu.memory_space<hbm>>
        %dma_start3A_184 = arith.constant 0 : i32
        %dma_start3A_185 = tpu.memref_slice %arg6[%dma_start3A_184] : memref<16400xf32, #tpu.memory_space<vmem>> -> memref<16384xf32, #tpu.memory_space<vmem>>
        %dma_start3A_186 = tpu.memref_slice %arg3[%mul3A_31] : memref<2097152xf32, #tpu.memory_space<hbm>> -> memref<16384xf32, #tpu.memory_space<hbm>>
        tpu.enqueue_dma source(%dma_start3A_186 : memref<16384xf32, #tpu.memory_space<hbm>>) target(%dma_start3A_185 : memref<16384xf32, #tpu.memory_space<vmem>>) target_semaphore(%run_scoped3A : memref<!tpu.dma_semaphore, #tpu.memory_space<semaphore_mem>>)
        %dma_wait3A_187 = arith.constant 0 : i32
        %dma_wait3A_188 = tpu.memref_slice %arg6[%dma_wait3A_187] : memref<16400xf32, #tpu.memory_space<vmem>> -> memref<16384xf32, #tpu.memory_space<vmem>>
        %dma_wait3A_189 = tpu.memref_slice %arg3[%mul3A_31] : memref<2097152xf32, #tpu.memory_space<hbm>> -> memref<16384xf32, #tpu.memory_space<hbm>>
        %dma_wait3A_190 = arith.constant 0 : i32
        %dma_wait3A_191 = tpu.memref_slice %arg6[%dma_wait3A_190] : memref<16400xf32, #tpu.memory_space<vmem>> -> memref<16384xf32, #tpu.memory_space<vmem>>
        %dma_wait3A_192 = tpu.memref_slice %arg3[%mul3A_31] : memref<2097152xf32, #tpu.memory_space<hbm>> -> memref<16384xf32, #tpu.memory_space<hbm>>
        tpu.wait_dma2 semaphore(%run_scoped3A : memref<!tpu.dma_semaphore, #tpu.memory_space<semaphore_mem>>) src(%dma_wait3A_192 : memref<16384xf32, #tpu.memory_space<hbm>>) dst(%dma_wait3A_191 : memref<16384xf32, #tpu.memory_space<vmem>>)
        tpu.yield
      }) : () -> ()
      %add3A_32 = arith.constant 0 : i32
      %add3A_33 = vector.broadcast %add3A_32 : i32 to vector<16xi32>
      %add3A_34 = arith.addi %iota3A, %add3A_33 : vector<16xi32>
      %mul3A_35 = arith.constant 8 : i32
      %mul3A_36 = vector.broadcast %mul3A_35 : i32 to vector<16xi32>
      %mul3A_37 = arith.muli %add3A_34, %mul3A_36 : vector<16xi32>
      %add3A_38 = arith.constant 16 : i32
      %add3A_39 = vector.broadcast %add3A_38 : i32 to vector<16xi32>
      %add3A_40 = arith.addi %iota3A, %add3A_39 : vector<16xi32>
      %mul3A_41 = arith.constant 8 : i32
      %mul3A_42 = vector.broadcast %mul3A_41 : i32 to vector<16xi32>
      %mul3A_43 = arith.muli %add3A_40, %mul3A_42 : vector<16xi32>
      %add3A_44 = arith.constant 32 : i32
      %add3A_45 = vector.broadcast %add3A_44 : i32 to vector<16xi32>
      %add3A_46 = arith.addi %iota3A, %add3A_45 : vector<16xi32>
      %mul3A_47 = arith.constant 8 : i32
      %mul3A_48 = vector.broadcast %mul3A_47 : i32 to vector<16xi32>
      %mul3A_49 = arith.muli %add3A_46, %mul3A_48 : vector<16xi32>
      %add3A_50 = arith.constant 48 : i32
      %add3A_51 = vector.broadcast %add3A_50 : i32 to vector<16xi32>
      %add3A_52 = arith.addi %iota3A, %add3A_51 : vector<16xi32>
      %mul3A_53 = arith.constant 8 : i32
      %mul3A_54 = vector.broadcast %mul3A_53 : i32 to vector<16xi32>
      %mul3A_55 = arith.muli %add3A_52, %mul3A_54 : vector<16xi32>
      %add3A_56 = arith.constant 64 : i32
      %add3A_57 = vector.broadcast %add3A_56 : i32 to vector<16xi32>
      %add3A_58 = arith.addi %iota3A, %add3A_57 : vector<16xi32>
      %mul3A_59 = arith.constant 8 : i32
      %mul3A_60 = vector.broadcast %mul3A_59 : i32 to vector<16xi32>
      %mul3A_61 = arith.muli %add3A_58, %mul3A_60 : vector<16xi32>
      %add3A_62 = arith.constant 80 : i32
      %add3A_63 = vector.broadcast %add3A_62 : i32 to vector<16xi32>
      %add3A_64 = arith.addi %iota3A, %add3A_63 : vector<16xi32>
      %mul3A_65 = arith.constant 8 : i32
      %mul3A_66 = vector.broadcast %mul3A_65 : i32 to vector<16xi32>
      %mul3A_67 = arith.muli %add3A_64, %mul3A_66 : vector<16xi32>
      %add3A_68 = arith.constant 96 : i32
      %add3A_69 = vector.broadcast %add3A_68 : i32 to vector<16xi32>
      %add3A_70 = arith.addi %iota3A, %add3A_69 : vector<16xi32>
      %mul3A_71 = arith.constant 8 : i32
      %mul3A_72 = vector.broadcast %mul3A_71 : i32 to vector<16xi32>
      %mul3A_73 = arith.muli %add3A_70, %mul3A_72 : vector<16xi32>
      %add3A_74 = arith.constant 112 : i32
      %add3A_75 = vector.broadcast %add3A_74 : i32 to vector<16xi32>
      %add3A_76 = arith.addi %iota3A, %add3A_75 : vector<16xi32>
      %mul3A_77 = arith.constant 8 : i32
      %mul3A_78 = vector.broadcast %mul3A_77 : i32 to vector<16xi32>
      %mul3A_79 = arith.muli %add3A_76, %mul3A_78 : vector<16xi32>
      %scan3A = arith.constant 0 : i32
      %scan3A_80 = arith.constant 0 : i32
      %scan3A_81 = arith.constant 127 : i32
      %scan3A_82 = arith.addi %scan3A_80, %scan3A_81 : i32
      %scan3A_83 = arith.constant 1 : i32
      scf.for %scan3A_182 = %scan3A_80 to %scan3A_82 step %scan3A_83  : i32 {
        %and3A = arith.constant 7 : i32
        %and3A_183 = arith.andi %scan3A_182, %and3A : i32
        %mul3A_184 = arith.constant 1024 : i32
        %mul3A_185 = arith.muli %and3A_183, %mul3A_184 : i32
        %add3A_186 = arith.constant 0 : i32
        %add3A_187 = arith.addi %scan3A_182, %add3A_186 : i32
        %mul3A_188 = arith.constant 128 : i32
        %mul3A_189 = arith.muli %add3A_187, %mul3A_188 : i32
        %add3A_190 = arith.constant 0 : i32
        %add3A_191 = arith.addi %mul3A_189, %add3A_190 : i32
        %add3A_192 = arith.constant 0 : i32
        %add3A_193 = arith.addi %add3A_191, %add3A_192 : i32
        %get3A = arith.index_cast %add3A_193 : i32 to index
        %get3A_194 = tpu.vector_load %arg5[%get3A] {strides = array<i32>} : memref<16400xf32, #tpu.memory_space<vmem>>, vector<16xf32>,
        %add3A_195 = arith.constant 0 : i32
        %add3A_196 = arith.addi %mul3A_185, %add3A_195 : i32
        %add3A_197 = vector.broadcast %add3A_196 : i32 to vector<16xi32>
        %add3A_198 = arith.addi %mul3A_37, %add3A_197 : vector<16xi32>
        tpu.vector_store_idx %arg7[%add3A_198], %get3A_194 : memref<8192xf32, #tpu.memory_space<vmem>>[vector<16xi32>], vector<16xf32>,
        %add3A_199 = arith.constant 0 : i32
        %add3A_200 = arith.addi %scan3A_182, %add3A_199 : i32
        %mul3A_201 = arith.constant 128 : i32
        %mul3A_202 = arith.muli %add3A_200, %mul3A_201 : i32
        %add3A_203 = arith.constant 0 : i32
        %add3A_204 = arith.addi %mul3A_202, %add3A_203 : i32
        %add3A_205 = arith.constant 1 : i32
        %add3A_206 = arith.addi %add3A_204, %add3A_205 : i32
        %get3A_207 = arith.index_cast %add3A_206 : i32 to index
        %get3A_208 = tpu.vector_load %arg5[%get3A_207] {strides = array<i32>} : memref<16400xf32, #tpu.memory_space<vmem>>, vector<16xf32>,
        %add3A_209 = arith.constant 1 : i32
        %add3A_210 = arith.addi %mul3A_185, %add3A_209 : i32
        %add3A_211 = vector.broadcast %add3A_210 : i32 to vector<16xi32>
        %add3A_212 = arith.addi %mul3A_37, %add3A_211 : vector<16xi32>
        tpu.vector_store_idx %arg7[%add3A_212], %get3A_208 : memref<8192xf32, #tpu.memory_space<vmem>>[vector<16xi32>], vector<16xf32>,
        %add3A_213 = arith.constant 1 : i32
        %add3A_214 = arith.addi %scan3A_182, %add3A_213 : i32
        %mul3A_215 = arith.constant 128 : i32
        %mul3A_216 = arith.muli %add3A_214, %mul3A_215 : i32
        %add3A_217 = arith.constant 0 : i32
        %add3A_218 = arith.addi %mul3A_216, %add3A_217 : i32
        %add3A_219 = arith.constant 0 : i32
        %add3A_220 = arith.addi %add3A_218, %add3A_219 : i32
        %get3A_221 = arith.index_cast %add3A_220 : i32 to index
        %get3A_222 = tpu.vector_load %arg5[%get3A_221] {strides = array<i32>} : memref<16400xf32, #tpu.memory_space<vmem>>, vector<16xf32>,
        %add3A_223 = arith.constant 2 : i32
        %add3A_224 = arith.addi %mul3A_185, %add3A_223 : i32
        %add3A_225 = vector.broadcast %add3A_224 : i32 to vector<16xi32>
        %add3A_226 = arith.addi %mul3A_37, %add3A_225 : vector<16xi32>
        tpu.vector_store_idx %arg7[%add3A_226], %get3A_222 : memref<8192xf32, #tpu.memory_space<vmem>>[vector<16xi32>], vector<16xf32>,
        %add3A_227 = arith.constant 1 : i32
        %add3A_228 = arith.addi %scan3A_182, %add3A_227 : i32
        %mul3A_229 = arith.constant 128 : i32
        %mul3A_230 = arith.muli %add3A_228, %mul3A_229 : i32
        %add3A_231 = arith.constant 0 : i32
        %add3A_232 = arith.addi %mul3A_230, %add3A_231 : i32
        %add3A_233 = arith.constant 1 : i32
        %add3A_234 = arith.addi %add3A_232, %add3A_233 : i32
        %get3A_235 = arith.index_cast %add3A_234 : i32 to index
        %get3A_236 = tpu.vector_load %arg5[%get3A_235] {strides = array<i32>} : memref<16400xf32, #tpu.memory_space<vmem>>, vector<16xf32>,
        %add3A_237 = arith.constant 3 : i32
        %add3A_238 = arith.addi %mul3A_185, %add3A_237 : i32
        %add3A_239 = vector.broadcast %add3A_238 : i32 to vector<16xi32>
        %add3A_240 = arith.addi %mul3A_37, %add3A_239 : vector<16xi32>
        tpu.vector_store_idx %arg7[%add3A_240], %get3A_236 : memref<8192xf32, #tpu.memory_space<vmem>>[vector<16xi32>], vector<16xf32>,
        %add3A_241 = arith.constant 0 : i32
        %add3A_242 = arith.addi %scan3A_182, %add3A_241 : i32
        %mul3A_243 = arith.constant 128 : i32
        %mul3A_244 = arith.muli %add3A_242, %mul3A_243 : i32
        %add3A_245 = arith.constant 0 : i32
        %add3A_246 = arith.addi %mul3A_244, %add3A_245 : i32
        %add3A_247 = arith.constant 0 : i32
        %add3A_248 = arith.addi %add3A_246, %add3A_247 : i32
        %get3A_249 = arith.index_cast %add3A_248 : i32 to index
        %get3A_250 = tpu.vector_load %arg6[%get3A_249] {strides = array<i32>} : memref<16400xf32, #tpu.memory_space<vmem>>, vector<16xf32>,
        %add3A_251 = arith.constant 4 : i32
        %add3A_252 = arith.addi %mul3A_185, %add3A_251 : i32
        %add3A_253 = vector.broadcast %add3A_252 : i32 to vector<16xi32>
        %add3A_254 = arith.addi %mul3A_37, %add3A_253 : vector<16xi32>
        tpu.vector_store_idx %arg7[%add3A_254], %get3A_250 : memref<8192xf32, #tpu.memory_space<vmem>>[vector<16xi32>], vector<16xf32>,
        %add3A_255 = arith.constant 0 : i32
        %add3A_256 = arith.addi %scan3A_182, %add3A_255 : i32
        %mul3A_257 = arith.constant 128 : i32
        %mul3A_258 = arith.muli %add3A_256, %mul3A_257 : i32
        %add3A_259 = arith.constant 0 : i32
        %add3A_260 = arith.addi %mul3A_258, %add3A_259 : i32
        %add3A_261 = arith.constant 1 : i32
        %add3A_262 = arith.addi %add3A_260, %add3A_261 : i32
        %get3A_263 = arith.index_cast %add3A_262 : i32 to index
        %get3A_264 = tpu.vector_load %arg6[%get3A_263] {strides = array<i32>} : memref<16400xf32, #tpu.memory_space<vmem>>, vector<16xf32>,
        %add3A_265 = arith.constant 5 : i32
        %add3A_266 = arith.addi %mul3A_185, %add3A_265 : i32
        %add3A_267 = vector.broadcast %add3A_266 : i32 to vector<16xi32>
        %add3A_268 = arith.addi %mul3A_37, %add3A_267 : vector<16xi32>
        tpu.vector_store_idx %arg7[%add3A_268], %get3A_264 : memref<8192xf32, #tpu.memory_space<vmem>>[vector<16xi32>], vector<16xf32>,
        %add3A_269 = arith.constant 1 : i32
        %add3A_270 = arith.addi %scan3A_182, %add3A_269 : i32
        %mul3A_271 = arith.constant 128 : i32
        %mul3A_272 = arith.muli %add3A_270, %mul3A_271 : i32
        %add3A_273 = arith.constant 0 : i32
        %add3A_274 = arith.addi %mul3A_272, %add3A_273 : i32
        %add3A_275 = arith.constant 0 : i32
        %add3A_276 = arith.addi %add3A_274, %add3A_275 : i32
        %get3A_277 = arith.index_cast %add3A_276 : i32 to index
        %get3A_278 = tpu.vector_load %arg6[%get3A_277] {strides = array<i32>} : memref<16400xf32, #tpu.memory_space<vmem>>, vector<16xf32>,
        %add3A_279 = arith.constant 6 : i32
        %add3A_280 = arith.addi %mul3A_185, %add3A_279 : i32
        %add3A_281 = vector.broadcast %add3A_280 : i32 to vector<16xi32>
        %add3A_282 = arith.addi %mul3A_37, %add3A_281 : vector<16xi32>
        tpu.vector_store_idx %arg7[%add3A_282], %get3A_278 : memref<8192xf32, #tpu.memory_space<vmem>>[vector<16xi32>], vector<16xf32>,
        %add3A_283 = arith.constant 1 : i32
        %add3A_284 = arith.addi %scan3A_182, %add3A_283 : i32
        %mul3A_285 = arith.constant 128 : i32
        %mul3A_286 = arith.muli %add3A_284, %mul3A_285 : i32
        %add3A_287 = arith.constant 0 : i32
        %add3A_288 = arith.addi %mul3A_286, %add3A_287 : i32
        %add3A_289 = arith.constant 1 : i32
        %add3A_290 = arith.addi %add3A_288, %add3A_289 : i32
        %get3A_291 = arith.index_cast %add3A_290 : i32 to index
        %get3A_292 = tpu.vector_load %arg6[%get3A_291] {strides = array<i32>} : memref<16400xf32, #tpu.memory_space<vmem>>, vector<16xf32>,
        %add3A_293 = arith.constant 7 : i32
        %add3A_294 = arith.addi %mul3A_185, %add3A_293 : i32
        %add3A_295 = vector.broadcast %add3A_294 : i32 to vector<16xi32>
        %add3A_296 = arith.addi %mul3A_37, %add3A_295 : vector<16xi32>
        tpu.vector_store_idx %arg7[%add3A_296], %get3A_292 : memref<8192xf32, #tpu.memory_space<vmem>>[vector<16xi32>], vector<16xf32>,
        %add3A_297 = arith.constant 0 : i32
        %add3A_298 = arith.addi %scan3A_182, %add3A_297 : i32
        %mul3A_299 = arith.constant 128 : i32
        %mul3A_300 = arith.muli %add3A_298, %mul3A_299 : i32
        %add3A_301 = arith.constant 16 : i32
        %add3A_302 = arith.addi %mul3A_300, %add3A_301 : i32
        %add3A_303 = arith.constant 0 : i32
        %add3A_304 = arith.addi %add3A_302, %add3A_303 : i32
        %get3A_305 = arith.index_cast %add3A_304 : i32 to index
        %get3A_306 = tpu.vector_load %arg5[%get3A_305] {strides = array<i32>} : memref<16400xf32, #tpu.memory_space<vmem>>, vector<16xf32>,
        %add3A_307 = arith.constant 0 : i32
        %add3A_308 = arith.addi %mul3A_185, %add3A_307 : i32
        %add3A_309 = vector.broadcast %add3A_308 : i32 to vector<16xi32>
        %add3A_310 = arith.addi %mul3A_43, %add3A_309 : vector<16xi32>
        tpu.vector_store_idx %arg7[%add3A_310], %get3A_306 : memref<8192xf32, #tpu.memory_space<vmem>>[vector<16xi32>], vector<16xf32>,
        %add3A_311 = arith.constant 0 : i32
        %add3A_312 = arith.addi %scan3A_182, %add3A_311 : i32
        %mul3A_313 = arith.constant 128 : i32
        %mul3A_314 = arith.muli %add3A_312, %mul3A_313 : i32
        %add3A_315 = arith.constant 16 : i32
        %add3A_316 = arith.addi %mul3A_314, %add3A_315 : i32
        %add3A_317 = arith.constant 1 : i32
        %add3A_318 = arith.addi %add3A_316, %add3A_317 : i32
        %get3A_319 = arith.index_cast %add3A_318 : i32 to index
        %get3A_320 = tpu.vector_load %arg5[%get3A_319] {strides = array<i32>} : memref<16400xf32, #tpu.memory_space<vmem>>, vector<16xf32>,
        %add3A_321 = arith.constant 1 : i32
        %add3A_322 = arith.addi %mul3A_185, %add3A_321 : i32
        %add3A_323 = vector.broadcast %add3A_322 : i32 to vector<16xi32>
        %add3A_324 = arith.addi %mul3A_43, %add3A_323 : vector<16xi32>
        tpu.vector_store_idx %arg7[%add3A_324], %get3A_320 : memref<8192xf32, #tpu.memory_space<vmem>>[vector<16xi32>], vector<16xf32>,
        %add3A_325 = arith.constant 1 : i32
        %add3A_326 = arith.addi %scan3A_182, %add3A_325 : i32
        %mul3A_327 = arith.constant 128 : i32
        %mul3A_328 = arith.muli %add3A_326, %mul3A_327 : i32
        %add3A_329 = arith.constant 16 : i32
        %add3A_330 = arith.addi %mul3A_328, %add3A_329 : i32
        %add3A_331 = arith.constant 0 : i32
        %add3A_332 = arith.addi %add3A_330, %add3A_331 : i32
        %get3A_333 = arith.index_cast %add3A_332 : i32 to index
        %get3A_334 = tpu.vector_load %arg5[%get3A_333] {strides = array<i32>} : memref<16400xf32, #tpu.memory_space<vmem>>, vector<16xf32>,
        %add3A_335 = arith.constant 2 : i32
        %add3A_336 = arith.addi %mul3A_185, %add3A_335 : i32
        %add3A_337 = vector.broadcast %add3A_336 : i32 to vector<16xi32>
        %add3A_338 = arith.addi %mul3A_43, %add3A_337 : vector<16xi32>
        tpu.vector_store_idx %arg7[%add3A_338], %get3A_334 : memref<8192xf32, #tpu.memory_space<vmem>>[vector<16xi32>], vector<16xf32>,
        %add3A_339 = arith.constant 1 : i32
        %add3A_340 = arith.addi %scan3A_182, %add3A_339 : i32
        %mul3A_341 = arith.constant 128 : i32
        %mul3A_342 = arith.muli %add3A_340, %mul3A_341 : i32
        %add3A_343 = arith.constant 16 : i32
        %add3A_344 = arith.addi %mul3A_342, %add3A_343 : i32
        %add3A_345 = arith.constant 1 : i32
        %add3A_346 = arith.addi %add3A_344, %add3A_345 : i32
        %get3A_347 = arith.index_cast %add3A_346 : i32 to index
        %get3A_348 = tpu.vector_load %arg5[%get3A_347] {strides = array<i32>} : memref<16400xf32, #tpu.memory_space<vmem>>, vector<16xf32>,
        %add3A_349 = arith.constant 3 : i32
        %add3A_350 = arith.addi %mul3A_185, %add3A_349 : i32
        %add3A_351 = vector.broadcast %add3A_350 : i32 to vector<16xi32>
        %add3A_352 = arith.addi %mul3A_43, %add3A_351 : vector<16xi32>
        tpu.vector_store_idx %arg7[%add3A_352], %get3A_348 : memref<8192xf32, #tpu.memory_space<vmem>>[vector<16xi32>], vector<16xf32>,
        %add3A_353 = arith.constant 0 : i32
        %add3A_354 = arith.addi %scan3A_182, %add3A_353 : i32
        %mul3A_355 = arith.constant 128 : i32
        %mul3A_356 = arith.muli %add3A_354, %mul3A_355 : i32
        %add3A_357 = arith.constant 16 : i32
        %add3A_358 = arith.addi %mul3A_356, %add3A_357 : i32
        %add3A_359 = arith.constant 0 : i32
        %add3A_360 = arith.addi %add3A_358, %add3A_359 : i32
        %get3A_361 = arith.index_cast %add3A_360 : i32 to index
        %get3A_362 = tpu.vector_load %arg6[%get3A_361] {strides = array<i32>} : memref<16400xf32, #tpu.memory_space<vmem>>, vector<16xf32>,
        %add3A_363 = arith.constant 4 : i32
        %add3A_364 = arith.addi %mul3A_185, %add3A_363 : i32
        %add3A_365 = vector.broadcast %add3A_364 : i32 to vector<16xi32>
        %add3A_366 = arith.addi %mul3A_43, %add3A_365 : vector<16xi32>
        tpu.vector_store_idx %arg7[%add3A_366], %get3A_362 : memref<8192xf32, #tpu.memory_space<vmem>>[vector<16xi32>], vector<16xf32>,
        %add3A_367 = arith.constant 0 : i32
        %add3A_368 = arith.addi %scan3A_182, %add3A_367 : i32
        %mul3A_369 = arith.constant 128 : i32
        %mul3A_370 = arith.muli %add3A_368, %mul3A_369 : i32
        %add3A_371 = arith.constant 16 : i32
        %add3A_372 = arith.addi %mul3A_370, %add3A_371 : i32
        %add3A_373 = arith.constant 1 : i32
        %add3A_374 = arith.addi %add3A_372, %add3A_373 : i32
        %get3A_375 = arith.index_cast %add3A_374 : i32 to index
        %get3A_376 = tpu.vector_load %arg6[%get3A_375] {strides = array<i32>} : memref<16400xf32, #tpu.memory_space<vmem>>, vector<16xf32>,
        %add3A_377 = arith.constant 5 : i32
        %add3A_378 = arith.addi %mul3A_185, %add3A_377 : i32
        %add3A_379 = vector.broadcast %add3A_378 : i32 to vector<16xi32>
        %add3A_380 = arith.addi %mul3A_43, %add3A_379 : vector<16xi32>
        tpu.vector_store_idx %arg7[%add3A_380], %get3A_376 : memref<8192xf32, #tpu.memory_space<vmem>>[vector<16xi32>], vector<16xf32>,
        %add3A_381 = arith.constant 1 : i32
        %add3A_382 = arith.addi %scan3A_182, %add3A_381 : i32
        %mul3A_383 = arith.constant 128 : i32
        %mul3A_384 = arith.muli %add3A_382, %mul3A_383 : i32
        %add3A_385 = arith.constant 16 : i32
        %add3A_386 = arith.addi %mul3A_384, %add3A_385 : i32
        %add3A_387 = arith.constant 0 : i32
        %add3A_388 = arith.addi %add3A_386, %add3A_387 : i32
        %get3A_389 = arith.index_cast %add3A_388 : i32 to index
        %get3A_390 = tpu.vector_load %arg6[%get3A_389] {strides = array<i32>} : memref<16400xf32, #tpu.memory_space<vmem>>, vector<16xf32>,
        %add3A_391 = arith.constant 6 : i32
        %add3A_392 = arith.addi %mul3A_185, %add3A_391 : i32
        %add3A_393 = vector.broadcast %add3A_392 : i32 to vector<16xi32>
        %add3A_394 = arith.addi %mul3A_43, %add3A_393 : vector<16xi32>
        tpu.vector_store_idx %arg7[%add3A_394], %get3A_390 : memref<8192xf32, #tpu.memory_space<vmem>>[vector<16xi32>], vector<16xf32>,
        %add3A_395 = arith.constant 1 : i32
        %add3A_396 = arith.addi %scan3A_182, %add3A_395 : i32
        %mul3A_397 = arith.constant 128 : i32
        %mul3A_398 = arith.muli %add3A_396, %mul3A_397 : i32
        %add3A_399 = arith.constant 16 : i32
        %add3A_400 = arith.addi %mul3A_398, %add3A_399 : i32
        %add3A_401 = arith.constant 1 : i32
        %add3A_402 = arith.addi %add3A_400, %add3A_401 : i32
        %get3A_403 = arith.index_cast %add3A_402 : i32 to index
        %get3A_404 = tpu.vector_load %arg6[%get3A_403] {strides = array<i32>} : memref<16400xf32, #tpu.memory_space<vmem>>, vector<16xf32>,
        %add3A_405 = arith.constant 7 : i32
        %add3A_406 = arith.addi %mul3A_185, %add3A_405 : i32
        %add3A_407 = vector.broadcast %add3A_406 : i32 to vector<16xi32>
        %add3A_408 = arith.addi %mul3A_43, %add3A_407 : vector<16xi32>
        tpu.vector_store_idx %arg7[%add3A_408], %get3A_404 : memref<8192xf32, #tpu.memory_space<vmem>>[vector<16xi32>], vector<16xf32>,
        %add3A_409 = arith.constant 0 : i32
        %add3A_410 = arith.addi %scan3A_182, %add3A_409 : i32
        %mul3A_411 = arith.constant 128 : i32
        %mul3A_412 = arith.muli %add3A_410, %mul3A_411 : i32
        %add3A_413 = arith.constant 32 : i32
        %add3A_414 = arith.addi %mul3A_412, %add3A_413 : i32
        %add3A_415 = arith.constant 0 : i32
        %add3A_416 = arith.addi %add3A_414, %add3A_415 : i32
        %get3A_417 = arith.index_cast %add3A_416 : i32 to index
        %get3A_418 = tpu.vector_load %arg5[%get3A_417] {strides = array<i32>} : memref<16400xf32, #tpu.memory_space<vmem>>, vector<16xf32>,
        %add3A_419 = arith.constant 0 : i32
        %add3A_420 = arith.addi %mul3A_185, %add3A_419 : i32
        %add3A_421 = vector.broadcast %add3A_420 : i32 to vector<16xi32>
        %add3A_422 = arith.addi %mul3A_49, %add3A_421 : vector<16xi32>
        tpu.vector_store_idx %arg7[%add3A_422], %get3A_418 : memref<8192xf32, #tpu.memory_space<vmem>>[vector<16xi32>], vector<16xf32>,
        %add3A_423 = arith.constant 0 : i32
        %add3A_424 = arith.addi %scan3A_182, %add3A_423 : i32
        %mul3A_425 = arith.constant 128 : i32
        %mul3A_426 = arith.muli %add3A_424, %mul3A_425 : i32
        %add3A_427 = arith.constant 32 : i32
        %add3A_428 = arith.addi %mul3A_426, %add3A_427 : i32
        %add3A_429 = arith.constant 1 : i32
        %add3A_430 = arith.addi %add3A_428, %add3A_429 : i32
        %get3A_431 = arith.index_cast %add3A_430 : i32 to index
        %get3A_432 = tpu.vector_load %arg5[%get3A_431] {strides = array<i32>} : memref<16400xf32, #tpu.memory_space<vmem>>, vector<16xf32>,
        %add3A_433 = arith.constant 1 : i32
        %add3A_434 = arith.addi %mul3A_185, %add3A_433 : i32
        %add3A_435 = vector.broadcast %add3A_434 : i32 to vector<16xi32>
        %add3A_436 = arith.addi %mul3A_49, %add3A_435 : vector<16xi32>
        tpu.vector_store_idx %arg7[%add3A_436], %get3A_432 : memref<8192xf32, #tpu.memory_space<vmem>>[vector<16xi32>], vector<16xf32>,
        %add3A_437 = arith.constant 1 : i32
        %add3A_438 = arith.addi %scan3A_182, %add3A_437 : i32
        %mul3A_439 = arith.constant 128 : i32
        %mul3A_440 = arith.muli %add3A_438, %mul3A_439 : i32
        %add3A_441 = arith.constant 32 : i32
        %add3A_442 = arith.addi %mul3A_440, %add3A_441 : i32
        %add3A_443 = arith.constant 0 : i32
        %add3A_444 = arith.addi %add3A_442, %add3A_443 : i32
        %get3A_445 = arith.index_cast %add3A_444 : i32 to index
        %get3A_446 = tpu.vector_load %arg5[%get3A_445] {strides = array<i32>} : memref<16400xf32, #tpu.memory_space<vmem>>, vector<16xf32>,
        %add3A_447 = arith.constant 2 : i32
        %add3A_448 = arith.addi %mul3A_185, %add3A_447 : i32
        %add3A_449 = vector.broadcast %add3A_448 : i32 to vector<16xi32>
        %add3A_450 = arith.addi %mul3A_49, %add3A_449 : vector<16xi32>
        tpu.vector_store_idx %arg7[%add3A_450], %get3A_446 : memref<8192xf32, #tpu.memory_space<vmem>>[vector<16xi32>], vector<16xf32>,
        %add3A_451 = arith.constant 1 : i32
        %add3A_452 = arith.addi %scan3A_182, %add3A_451 : i32
        %mul3A_453 = arith.constant 128 : i32
        %mul3A_454 = arith.muli %add3A_452, %mul3A_453 : i32
        %add3A_455 = arith.constant 32 : i32
        %add3A_456 = arith.addi %mul3A_454, %add3A_455 : i32
        %add3A_457 = arith.constant 1 : i32
        %add3A_458 = arith.addi %add3A_456, %add3A_457 : i32
        %get3A_459 = arith.index_cast %add3A_458 : i32 to index
        %get3A_460 = tpu.vector_load %arg5[%get3A_459] {strides = array<i32>} : memref<16400xf32, #tpu.memory_space<vmem>>, vector<16xf32>,
        %add3A_461 = arith.constant 3 : i32
        %add3A_462 = arith.addi %mul3A_185, %add3A_461 : i32
        %add3A_463 = vector.broadcast %add3A_462 : i32 to vector<16xi32>
        %add3A_464 = arith.addi %mul3A_49, %add3A_463 : vector<16xi32>
        tpu.vector_store_idx %arg7[%add3A_464], %get3A_460 : memref<8192xf32, #tpu.memory_space<vmem>>[vector<16xi32>], vector<16xf32>,
        %add3A_465 = arith.constant 0 : i32
        %add3A_466 = arith.addi %scan3A_182, %add3A_465 : i32
        %mul3A_467 = arith.constant 128 : i32
        %mul3A_468 = arith.muli %add3A_466, %mul3A_467 : i32
        %add3A_469 = arith.constant 32 : i32
        %add3A_470 = arith.addi %mul3A_468, %add3A_469 : i32
        %add3A_471 = arith.constant 0 : i32
        %add3A_472 = arith.addi %add3A_470, %add3A_471 : i32
        %get3A_473 = arith.index_cast %add3A_472 : i32 to index
        %get3A_474 = tpu.vector_load %arg6[%get3A_473] {strides = array<i32>} : memref<16400xf32, #tpu.memory_space<vmem>>, vector<16xf32>,
        %add3A_475 = arith.constant 4 : i32
        %add3A_476 = arith.addi %mul3A_185, %add3A_475 : i32
        %add3A_477 = vector.broadcast %add3A_476 : i32 to vector<16xi32>
        %add3A_478 = arith.addi %mul3A_49, %add3A_477 : vector<16xi32>
        tpu.vector_store_idx %arg7[%add3A_478], %get3A_474 : memref<8192xf32, #tpu.memory_space<vmem>>[vector<16xi32>], vector<16xf32>,
        %add3A_479 = arith.constant 0 : i32
        %add3A_480 = arith.addi %scan3A_182, %add3A_479 : i32
        %mul3A_481 = arith.constant 128 : i32
        %mul3A_482 = arith.muli %add3A_480, %mul3A_481 : i32
        %add3A_483 = arith.constant 32 : i32
        %add3A_484 = arith.addi %mul3A_482, %add3A_483 : i32
        %add3A_485 = arith.constant 1 : i32
        %add3A_486 = arith.addi %add3A_484, %add3A_485 : i32
        %get3A_487 = arith.index_cast %add3A_486 : i32 to index
        %get3A_488 = tpu.vector_load %arg6[%get3A_487] {strides = array<i32>} : memref<16400xf32, #tpu.memory_space<vmem>>, vector<16xf32>,
        %add3A_489 = arith.constant 5 : i32
        %add3A_490 = arith.addi %mul3A_185, %add3A_489 : i32
        %add3A_491 = vector.broadcast %add3A_490 : i32 to vector<16xi32>
        %add3A_492 = arith.addi %mul3A_49, %add3A_491 : vector<16xi32>
        tpu.vector_store_idx %arg7[%add3A_492], %get3A_488 : memref<8192xf32, #tpu.memory_space<vmem>>[vector<16xi32>], vector<16xf32>,
        %add3A_493 = arith.constant 1 : i32
        %add3A_494 = arith.addi %scan3A_182, %add3A_493 : i32
        %mul3A_495 = arith.constant 128 : i32
        %mul3A_496 = arith.muli %add3A_494, %mul3A_495 : i32
        %add3A_497 = arith.constant 32 : i32
        %add3A_498 = arith.addi %mul3A_496, %add3A_497 : i32
        %add3A_499 = arith.constant 0 : i32
        %add3A_500 = arith.addi %add3A_498, %add3A_499 : i32
        %get3A_501 = arith.index_cast %add3A_500 : i32 to index
        %get3A_502 = tpu.vector_load %arg6[%get3A_501] {strides = array<i32>} : memref<16400xf32, #tpu.memory_space<vmem>>, vector<16xf32>,
        %add3A_503 = arith.constant 6 : i32
        %add3A_504 = arith.addi %mul3A_185, %add3A_503 : i32
        %add3A_505 = vector.broadcast %add3A_504 : i32 to vector<16xi32>
        %add3A_506 = arith.addi %mul3A_49, %add3A_505 : vector<16xi32>
        tpu.vector_store_idx %arg7[%add3A_506], %get3A_502 : memref<8192xf32, #tpu.memory_space<vmem>>[vector<16xi32>], vector<16xf32>,
        %add3A_507 = arith.constant 1 : i32
        %add3A_508 = arith.addi %scan3A_182, %add3A_507 : i32
        %mul3A_509 = arith.constant 128 : i32
        %mul3A_510 = arith.muli %add3A_508, %mul3A_509 : i32
        %add3A_511 = arith.constant 32 : i32
        %add3A_512 = arith.addi %mul3A_510, %add3A_511 : i32
        %add3A_513 = arith.constant 1 : i32
        %add3A_514 = arith.addi %add3A_512, %add3A_513 : i32
        %get3A_515 = arith.index_cast %add3A_514 : i32 to index
        %get3A_516 = tpu.vector_load %arg6[%get3A_515] {strides = array<i32>} : memref<16400xf32, #tpu.memory_space<vmem>>, vector<16xf32>,
        %add3A_517 = arith.constant 7 : i32
        %add3A_518 = arith.addi %mul3A_185, %add3A_517 : i32
        %add3A_519 = vector.broadcast %add3A_518 : i32 to vector<16xi32>
        %add3A_520 = arith.addi %mul3A_49, %add3A_519 : vector<16xi32>
        tpu.vector_store_idx %arg7[%add3A_520], %get3A_516 : memref<8192xf32, #tpu.memory_space<vmem>>[vector<16xi32>], vector<16xf32>,
        %add3A_521 = arith.constant 0 : i32
        %add3A_522 = arith.addi %scan3A_182, %add3A_521 : i32
        %mul3A_523 = arith.constant 128 : i32
        %mul3A_524 = arith.muli %add3A_522, %mul3A_523 : i32
        %add3A_525 = arith.constant 48 : i32
        %add3A_526 = arith.addi %mul3A_524, %add3A_525 : i32
        %add3A_527 = arith.constant 0 : i32
        %add3A_528 = arith.addi %add3A_526, %add3A_527 : i32
        %get3A_529 = arith.index_cast %add3A_528 : i32 to index
        %get3A_530 = tpu.vector_load %arg5[%get3A_529] {strides = array<i32>} : memref<16400xf32, #tpu.memory_space<vmem>>, vector<16xf32>,
        %add3A_531 = arith.constant 0 : i32
        %add3A_532 = arith.addi %mul3A_185, %add3A_531 : i32
        %add3A_533 = vector.broadcast %add3A_532 : i32 to vector<16xi32>
        %add3A_534 = arith.addi %mul3A_55, %add3A_533 : vector<16xi32>
        tpu.vector_store_idx %arg7[%add3A_534], %get3A_530 : memref<8192xf32, #tpu.memory_space<vmem>>[vector<16xi32>], vector<16xf32>,
        %add3A_535 = arith.constant 0 : i32
        %add3A_536 = arith.addi %scan3A_182, %add3A_535 : i32
        %mul3A_537 = arith.constant 128 : i32
        %mul3A_538 = arith.muli %add3A_536, %mul3A_537 : i32
        %add3A_539 = arith.constant 48 : i32
        %add3A_540 = arith.addi %mul3A_538, %add3A_539 : i32
        %add3A_541 = arith.constant 1 : i32
        %add3A_542 = arith.addi %add3A_540, %add3A_541 : i32
        %get3A_543 = arith.index_cast %add3A_542 : i32 to index
        %get3A_544 = tpu.vector_load %arg5[%get3A_543] {strides = array<i32>} : memref<16400xf32, #tpu.memory_space<vmem>>, vector<16xf32>,
        %add3A_545 = arith.constant 1 : i32
        %add3A_546 = arith.addi %mul3A_185, %add3A_545 : i32
        %add3A_547 = vector.broadcast %add3A_546 : i32 to vector<16xi32>
        %add3A_548 = arith.addi %mul3A_55, %add3A_547 : vector<16xi32>
        tpu.vector_store_idx %arg7[%add3A_548], %get3A_544 : memref<8192xf32, #tpu.memory_space<vmem>>[vector<16xi32>], vector<16xf32>,
        %add3A_549 = arith.constant 1 : i32
        %add3A_550 = arith.addi %scan3A_182, %add3A_549 : i32
        %mul3A_551 = arith.constant 128 : i32
        %mul3A_552 = arith.muli %add3A_550, %mul3A_551 : i32
        %add3A_553 = arith.constant 48 : i32
        %add3A_554 = arith.addi %mul3A_552, %add3A_553 : i32
        %add3A_555 = arith.constant 0 : i32
        %add3A_556 = arith.addi %add3A_554, %add3A_555 : i32
        %get3A_557 = arith.index_cast %add3A_556 : i32 to index
        %get3A_558 = tpu.vector_load %arg5[%get3A_557] {strides = array<i32>} : memref<16400xf32, #tpu.memory_space<vmem>>, vector<16xf32>,
        %add3A_559 = arith.constant 2 : i32
        %add3A_560 = arith.addi %mul3A_185, %add3A_559 : i32
        %add3A_561 = vector.broadcast %add3A_560 : i32 to vector<16xi32>
        %add3A_562 = arith.addi %mul3A_55, %add3A_561 : vector<16xi32>
        tpu.vector_store_idx %arg7[%add3A_562], %get3A_558 : memref<8192xf32, #tpu.memory_space<vmem>>[vector<16xi32>], vector<16xf32>,
        %add3A_563 = arith.constant 1 : i32
        %add3A_564 = arith.addi %scan3A_182, %add3A_563 : i32
        %mul3A_565 = arith.constant 128 : i32
        %mul3A_566 = arith.muli %add3A_564, %mul3A_565 : i32
        %add3A_567 = arith.constant 48 : i32
        %add3A_568 = arith.addi %mul3A_566, %add3A_567 : i32
        %add3A_569 = arith.constant 1 : i32
        %add3A_570 = arith.addi %add3A_568, %add3A_569 : i32
        %get3A_571 = arith.index_cast %add3A_570 : i32 to index
        %get3A_572 = tpu.vector_load %arg5[%get3A_571] {strides = array<i32>} : memref<16400xf32, #tpu.memory_space<vmem>>, vector<16xf32>,
        %add3A_573 = arith.constant 3 : i32
        %add3A_574 = arith.addi %mul3A_185, %add3A_573 : i32
        %add3A_575 = vector.broadcast %add3A_574 : i32 to vector<16xi32>
        %add3A_576 = arith.addi %mul3A_55, %add3A_575 : vector<16xi32>
        tpu.vector_store_idx %arg7[%add3A_576], %get3A_572 : memref<8192xf32, #tpu.memory_space<vmem>>[vector<16xi32>], vector<16xf32>,
        %add3A_577 = arith.constant 0 : i32
        %add3A_578 = arith.addi %scan3A_182, %add3A_577 : i32
        %mul3A_579 = arith.constant 128 : i32
        %mul3A_580 = arith.muli %add3A_578, %mul3A_579 : i32
        %add3A_581 = arith.constant 48 : i32
        %add3A_582 = arith.addi %mul3A_580, %add3A_581 : i32
        %add3A_583 = arith.constant 0 : i32
        %add3A_584 = arith.addi %add3A_582, %add3A_583 : i32
        %get3A_585 = arith.index_cast %add3A_584 : i32 to index
        %get3A_586 = tpu.vector_load %arg6[%get3A_585] {strides = array<i32>} : memref<16400xf32, #tpu.memory_space<vmem>>, vector<16xf32>,
        %add3A_587 = arith.constant 4 : i32
        %add3A_588 = arith.addi %mul3A_185, %add3A_587 : i32
        %add3A_589 = vector.broadcast %add3A_588 : i32 to vector<16xi32>
        %add3A_590 = arith.addi %mul3A_55, %add3A_589 : vector<16xi32>
        tpu.vector_store_idx %arg7[%add3A_590], %get3A_586 : memref<8192xf32, #tpu.memory_space<vmem>>[vector<16xi32>], vector<16xf32>,
        %add3A_591 = arith.constant 0 : i32
        %add3A_592 = arith.addi %scan3A_182, %add3A_591 : i32
        %mul3A_593 = arith.constant 128 : i32
        %mul3A_594 = arith.muli %add3A_592, %mul3A_593 : i32
        %add3A_595 = arith.constant 48 : i32
        %add3A_596 = arith.addi %mul3A_594, %add3A_595 : i32
        %add3A_597 = arith.constant 1 : i32
        %add3A_598 = arith.addi %add3A_596, %add3A_597 : i32
        %get3A_599 = arith.index_cast %add3A_598 : i32 to index
        %get3A_600 = tpu.vector_load %arg6[%get3A_599] {strides = array<i32>} : memref<16400xf32, #tpu.memory_space<vmem>>, vector<16xf32>,
        %add3A_601 = arith.constant 5 : i32
        %add3A_602 = arith.addi %mul3A_185, %add3A_601 : i32
        %add3A_603 = vector.broadcast %add3A_602 : i32 to vector<16xi32>
        %add3A_604 = arith.addi %mul3A_55, %add3A_603 : vector<16xi32>
        tpu.vector_store_idx %arg7[%add3A_604], %get3A_600 : memref<8192xf32, #tpu.memory_space<vmem>>[vector<16xi32>], vector<16xf32>,
        %add3A_605 = arith.constant 1 : i32
        %add3A_606 = arith.addi %scan3A_182, %add3A_605 : i32
        %mul3A_607 = arith.constant 128 : i32
        %mul3A_608 = arith.muli %add3A_606, %mul3A_607 : i32
        %add3A_609 = arith.constant 48 : i32
        %add3A_610 = arith.addi %mul3A_608, %add3A_609 : i32
        %add3A_611 = arith.constant 0 : i32
        %add3A_612 = arith.addi %add3A_610, %add3A_611 : i32
        %get3A_613 = arith.index_cast %add3A_612 : i32 to index
        %get3A_614 = tpu.vector_load %arg6[%get3A_613] {strides = array<i32>} : memref<16400xf32, #tpu.memory_space<vmem>>, vector<16xf32>,
        %add3A_615 = arith.constant 6 : i32
        %add3A_616 = arith.addi %mul3A_185, %add3A_615 : i32
        %add3A_617 = vector.broadcast %add3A_616 : i32 to vector<16xi32>
        %add3A_618 = arith.addi %mul3A_55, %add3A_617 : vector<16xi32>
        tpu.vector_store_idx %arg7[%add3A_618], %get3A_614 : memref<8192xf32, #tpu.memory_space<vmem>>[vector<16xi32>], vector<16xf32>,
        %add3A_619 = arith.constant 1 : i32
        %add3A_620 = arith.addi %scan3A_182, %add3A_619 : i32
        %mul3A_621 = arith.constant 128 : i32
        %mul3A_622 = arith.muli %add3A_620, %mul3A_621 : i32
        %add3A_623 = arith.constant 48 : i32
        %add3A_624 = arith.addi %mul3A_622, %add3A_623 : i32
        %add3A_625 = arith.constant 1 : i32
        %add3A_626 = arith.addi %add3A_624, %add3A_625 : i32
        %get3A_627 = arith.index_cast %add3A_626 : i32 to index
        %get3A_628 = tpu.vector_load %arg6[%get3A_627] {strides = array<i32>} : memref<16400xf32, #tpu.memory_space<vmem>>, vector<16xf32>,
        %add3A_629 = arith.constant 7 : i32
        %add3A_630 = arith.addi %mul3A_185, %add3A_629 : i32
        %add3A_631 = vector.broadcast %add3A_630 : i32 to vector<16xi32>
        %add3A_632 = arith.addi %mul3A_55, %add3A_631 : vector<16xi32>
        tpu.vector_store_idx %arg7[%add3A_632], %get3A_628 : memref<8192xf32, #tpu.memory_space<vmem>>[vector<16xi32>], vector<16xf32>,
        %add3A_633 = arith.constant 0 : i32
        %add3A_634 = arith.addi %scan3A_182, %add3A_633 : i32
        %mul3A_635 = arith.constant 128 : i32
        %mul3A_636 = arith.muli %add3A_634, %mul3A_635 : i32
        %add3A_637 = arith.constant 64 : i32
        %add3A_638 = arith.addi %mul3A_636, %add3A_637 : i32
        %add3A_639 = arith.constant 0 : i32
        %add3A_640 = arith.addi %add3A_638, %add3A_639 : i32
        %get3A_641 = arith.index_cast %add3A_640 : i32 to index
        %get3A_642 = tpu.vector_load %arg5[%get3A_641] {strides = array<i32>} : memref<16400xf32, #tpu.memory_space<vmem>>, vector<16xf32>,
        %add3A_643 = arith.constant 0 : i32
        %add3A_644 = arith.addi %mul3A_185, %add3A_643 : i32
        %add3A_645 = vector.broadcast %add3A_644 : i32 to vector<16xi32>
        %add3A_646 = arith.addi %mul3A_61, %add3A_645 : vector<16xi32>
        tpu.vector_store_idx %arg7[%add3A_646], %get3A_642 : memref<8192xf32, #tpu.memory_space<vmem>>[vector<16xi32>], vector<16xf32>,
        %add3A_647 = arith.constant 0 : i32
        %add3A_648 = arith.addi %scan3A_182, %add3A_647 : i32
        %mul3A_649 = arith.constant 128 : i32
        %mul3A_650 = arith.muli %add3A_648, %mul3A_649 : i32
        %add3A_651 = arith.constant 64 : i32
        %add3A_652 = arith.addi %mul3A_650, %add3A_651 : i32
        %add3A_653 = arith.constant 1 : i32
        %add3A_654 = arith.addi %add3A_652, %add3A_653 : i32
        %get3A_655 = arith.index_cast %add3A_654 : i32 to index
        %get3A_656 = tpu.vector_load %arg5[%get3A_655] {strides = array<i32>} : memref<16400xf32, #tpu.memory_space<vmem>>, vector<16xf32>,
        %add3A_657 = arith.constant 1 : i32
        %add3A_658 = arith.addi %mul3A_185, %add3A_657 : i32
        %add3A_659 = vector.broadcast %add3A_658 : i32 to vector<16xi32>
        %add3A_660 = arith.addi %mul3A_61, %add3A_659 : vector<16xi32>
        tpu.vector_store_idx %arg7[%add3A_660], %get3A_656 : memref<8192xf32, #tpu.memory_space<vmem>>[vector<16xi32>], vector<16xf32>,
        %add3A_661 = arith.constant 1 : i32
        %add3A_662 = arith.addi %scan3A_182, %add3A_661 : i32
        %mul3A_663 = arith.constant 128 : i32
        %mul3A_664 = arith.muli %add3A_662, %mul3A_663 : i32
        %add3A_665 = arith.constant 64 : i32
        %add3A_666 = arith.addi %mul3A_664, %add3A_665 : i32
        %add3A_667 = arith.constant 0 : i32
        %add3A_668 = arith.addi %add3A_666, %add3A_667 : i32
        %get3A_669 = arith.index_cast %add3A_668 : i32 to index
        %get3A_670 = tpu.vector_load %arg5[%get3A_669] {strides = array<i32>} : memref<16400xf32, #tpu.memory_space<vmem>>, vector<16xf32>,
        %add3A_671 = arith.constant 2 : i32
        %add3A_672 = arith.addi %mul3A_185, %add3A_671 : i32
        %add3A_673 = vector.broadcast %add3A_672 : i32 to vector<16xi32>
        %add3A_674 = arith.addi %mul3A_61, %add3A_673 : vector<16xi32>
        tpu.vector_store_idx %arg7[%add3A_674], %get3A_670 : memref<8192xf32, #tpu.memory_space<vmem>>[vector<16xi32>], vector<16xf32>,
        %add3A_675 = arith.constant 1 : i32
        %add3A_676 = arith.addi %scan3A_182, %add3A_675 : i32
        %mul3A_677 = arith.constant 128 : i32
        %mul3A_678 = arith.muli %add3A_676, %mul3A_677 : i32
        %add3A_679 = arith.constant 64 : i32
        %add3A_680 = arith.addi %mul3A_678, %add3A_679 : i32
        %add3A_681 = arith.constant 1 : i32
        %add3A_682 = arith.addi %add3A_680, %add3A_681 : i32
        %get3A_683 = arith.index_cast %add3A_682 : i32 to index
        %get3A_684 = tpu.vector_load %arg5[%get3A_683] {strides = array<i32>} : memref<16400xf32, #tpu.memory_space<vmem>>, vector<16xf32>,
        %add3A_685 = arith.constant 3 : i32
        %add3A_686 = arith.addi %mul3A_185, %add3A_685 : i32
        %add3A_687 = vector.broadcast %add3A_686 : i32 to vector<16xi32>
        %add3A_688 = arith.addi %mul3A_61, %add3A_687 : vector<16xi32>
        tpu.vector_store_idx %arg7[%add3A_688], %get3A_684 : memref<8192xf32, #tpu.memory_space<vmem>>[vector<16xi32>], vector<16xf32>,
        %add3A_689 = arith.constant 0 : i32
        %add3A_690 = arith.addi %scan3A_182, %add3A_689 : i32
        %mul3A_691 = arith.constant 128 : i32
        %mul3A_692 = arith.muli %add3A_690, %mul3A_691 : i32
        %add3A_693 = arith.constant 64 : i32
        %add3A_694 = arith.addi %mul3A_692, %add3A_693 : i32
        %add3A_695 = arith.constant 0 : i32
        %add3A_696 = arith.addi %add3A_694, %add3A_695 : i32
        %get3A_697 = arith.index_cast %add3A_696 : i32 to index
        %get3A_698 = tpu.vector_load %arg6[%get3A_697] {strides = array<i32>} : memref<16400xf32, #tpu.memory_space<vmem>>, vector<16xf32>,
        %add3A_699 = arith.constant 4 : i32
        %add3A_700 = arith.addi %mul3A_185, %add3A_699 : i32
        %add3A_701 = vector.broadcast %add3A_700 : i32 to vector<16xi32>
        %add3A_702 = arith.addi %mul3A_61, %add3A_701 : vector<16xi32>
        tpu.vector_store_idx %arg7[%add3A_702], %get3A_698 : memref<8192xf32, #tpu.memory_space<vmem>>[vector<16xi32>], vector<16xf32>,
        %add3A_703 = arith.constant 0 : i32
        %add3A_704 = arith.addi %scan3A_182, %add3A_703 : i32
        %mul3A_705 = arith.constant 128 : i32
        %mul3A_706 = arith.muli %add3A_704, %mul3A_705 : i32
        %add3A_707 = arith.constant 64 : i32
        %add3A_708 = arith.addi %mul3A_706, %add3A_707 : i32
        %add3A_709 = arith.constant 1 : i32
        %add3A_710 = arith.addi %add3A_708, %add3A_709 : i32
        %get3A_711 = arith.index_cast %add3A_710 : i32 to index
        %get3A_712 = tpu.vector_load %arg6[%get3A_711] {strides = array<i32>} : memref<16400xf32, #tpu.memory_space<vmem>>, vector<16xf32>,
        %add3A_713 = arith.constant 5 : i32
        %add3A_714 = arith.addi %mul3A_185, %add3A_713 : i32
        %add3A_715 = vector.broadcast %add3A_714 : i32 to vector<16xi32>
        %add3A_716 = arith.addi %mul3A_61, %add3A_715 : vector<16xi32>
        tpu.vector_store_idx %arg7[%add3A_716], %get3A_712 : memref<8192xf32, #tpu.memory_space<vmem>>[vector<16xi32>], vector<16xf32>,
        %add3A_717 = arith.constant 1 : i32
        %add3A_718 = arith.addi %scan3A_182, %add3A_717 : i32
        %mul3A_719 = arith.constant 128 : i32
        %mul3A_720 = arith.muli %add3A_718, %mul3A_719 : i32
        %add3A_721 = arith.constant 64 : i32
        %add3A_722 = arith.addi %mul3A_720, %add3A_721 : i32
        %add3A_723 = arith.constant 0 : i32
        %add3A_724 = arith.addi %add3A_722, %add3A_723 : i32
        %get3A_725 = arith.index_cast %add3A_724 : i32 to index
        %get3A_726 = tpu.vector_load %arg6[%get3A_725] {strides = array<i32>} : memref<16400xf32, #tpu.memory_space<vmem>>, vector<16xf32>,
        %add3A_727 = arith.constant 6 : i32
        %add3A_728 = arith.addi %mul3A_185, %add3A_727 : i32
        %add3A_729 = vector.broadcast %add3A_728 : i32 to vector<16xi32>
        %add3A_730 = arith.addi %mul3A_61, %add3A_729 : vector<16xi32>
        tpu.vector_store_idx %arg7[%add3A_730], %get3A_726 : memref<8192xf32, #tpu.memory_space<vmem>>[vector<16xi32>], vector<16xf32>,
        %add3A_731 = arith.constant 1 : i32
        %add3A_732 = arith.addi %scan3A_182, %add3A_731 : i32
        %mul3A_733 = arith.constant 128 : i32
        %mul3A_734 = arith.muli %add3A_732, %mul3A_733 : i32
        %add3A_735 = arith.constant 64 : i32
        %add3A_736 = arith.addi %mul3A_734, %add3A_735 : i32
        %add3A_737 = arith.constant 1 : i32
        %add3A_738 = arith.addi %add3A_736, %add3A_737 : i32
        %get3A_739 = arith.index_cast %add3A_738 : i32 to index
        %get3A_740 = tpu.vector_load %arg6[%get3A_739] {strides = array<i32>} : memref<16400xf32, #tpu.memory_space<vmem>>, vector<16xf32>,
        %add3A_741 = arith.constant 7 : i32
        %add3A_742 = arith.addi %mul3A_185, %add3A_741 : i32
        %add3A_743 = vector.broadcast %add3A_742 : i32 to vector<16xi32>
        %add3A_744 = arith.addi %mul3A_61, %add3A_743 : vector<16xi32>
        tpu.vector_store_idx %arg7[%add3A_744], %get3A_740 : memref<8192xf32, #tpu.memory_space<vmem>>[vector<16xi32>], vector<16xf32>,
        %add3A_745 = arith.constant 0 : i32
        %add3A_746 = arith.addi %scan3A_182, %add3A_745 : i32
        %mul3A_747 = arith.constant 128 : i32
        %mul3A_748 = arith.muli %add3A_746, %mul3A_747 : i32
        %add3A_749 = arith.constant 80 : i32
        %add3A_750 = arith.addi %mul3A_748, %add3A_749 : i32
        %add3A_751 = arith.constant 0 : i32
        %add3A_752 = arith.addi %add3A_750, %add3A_751 : i32
        %get3A_753 = arith.index_cast %add3A_752 : i32 to index
        %get3A_754 = tpu.vector_load %arg5[%get3A_753] {strides = array<i32>} : memref<16400xf32, #tpu.memory_space<vmem>>, vector<16xf32>,
        %add3A_755 = arith.constant 0 : i32
        %add3A_756 = arith.addi %mul3A_185, %add3A_755 : i32
        %add3A_757 = vector.broadcast %add3A_756 : i32 to vector<16xi32>
        %add3A_758 = arith.addi %mul3A_67, %add3A_757 : vector<16xi32>
        tpu.vector_store_idx %arg7[%add3A_758], %get3A_754 : memref<8192xf32, #tpu.memory_space<vmem>>[vector<16xi32>], vector<16xf32>,
        %add3A_759 = arith.constant 0 : i32
        %add3A_760 = arith.addi %scan3A_182, %add3A_759 : i32
        %mul3A_761 = arith.constant 128 : i32
        %mul3A_762 = arith.muli %add3A_760, %mul3A_761 : i32
        %add3A_763 = arith.constant 80 : i32
        %add3A_764 = arith.addi %mul3A_762, %add3A_763 : i32
        %add3A_765 = arith.constant 1 : i32
        %add3A_766 = arith.addi %add3A_764, %add3A_765 : i32
        %get3A_767 = arith.index_cast %add3A_766 : i32 to index
        %get3A_768 = tpu.vector_load %arg5[%get3A_767] {strides = array<i32>} : memref<16400xf32, #tpu.memory_space<vmem>>, vector<16xf32>,
        %add3A_769 = arith.constant 1 : i32
        %add3A_770 = arith.addi %mul3A_185, %add3A_769 : i32
        %add3A_771 = vector.broadcast %add3A_770 : i32 to vector<16xi32>
        %add3A_772 = arith.addi %mul3A_67, %add3A_771 : vector<16xi32>
        tpu.vector_store_idx %arg7[%add3A_772], %get3A_768 : memref<8192xf32, #tpu.memory_space<vmem>>[vector<16xi32>], vector<16xf32>,
        %add3A_773 = arith.constant 1 : i32
        %add3A_774 = arith.addi %scan3A_182, %add3A_773 : i32
        %mul3A_775 = arith.constant 128 : i32
        %mul3A_776 = arith.muli %add3A_774, %mul3A_775 : i32
        %add3A_777 = arith.constant 80 : i32
        %add3A_778 = arith.addi %mul3A_776, %add3A_777 : i32
        %add3A_779 = arith.constant 0 : i32
        %add3A_780 = arith.addi %add3A_778, %add3A_779 : i32
        %get3A_781 = arith.index_cast %add3A_780 : i32 to index
        %get3A_782 = tpu.vector_load %arg5[%get3A_781] {strides = array<i32>} : memref<16400xf32, #tpu.memory_space<vmem>>, vector<16xf32>,
        %add3A_783 = arith.constant 2 : i32
        %add3A_784 = arith.addi %mul3A_185, %add3A_783 : i32
        %add3A_785 = vector.broadcast %add3A_784 : i32 to vector<16xi32>
        %add3A_786 = arith.addi %mul3A_67, %add3A_785 : vector<16xi32>
        tpu.vector_store_idx %arg7[%add3A_786], %get3A_782 : memref<8192xf32, #tpu.memory_space<vmem>>[vector<16xi32>], vector<16xf32>,
        %add3A_787 = arith.constant 1 : i32
        %add3A_788 = arith.addi %scan3A_182, %add3A_787 : i32
        %mul3A_789 = arith.constant 128 : i32
        %mul3A_790 = arith.muli %add3A_788, %mul3A_789 : i32
        %add3A_791 = arith.constant 80 : i32
        %add3A_792 = arith.addi %mul3A_790, %add3A_791 : i32
        %add3A_793 = arith.constant 1 : i32
        %add3A_794 = arith.addi %add3A_792, %add3A_793 : i32
        %get3A_795 = arith.index_cast %add3A_794 : i32 to index
        %get3A_796 = tpu.vector_load %arg5[%get3A_795] {strides = array<i32>} : memref<16400xf32, #tpu.memory_space<vmem>>, vector<16xf32>,
        %add3A_797 = arith.constant 3 : i32
        %add3A_798 = arith.addi %mul3A_185, %add3A_797 : i32
        %add3A_799 = vector.broadcast %add3A_798 : i32 to vector<16xi32>
        %add3A_800 = arith.addi %mul3A_67, %add3A_799 : vector<16xi32>
        tpu.vector_store_idx %arg7[%add3A_800], %get3A_796 : memref<8192xf32, #tpu.memory_space<vmem>>[vector<16xi32>], vector<16xf32>,
        %add3A_801 = arith.constant 0 : i32
        %add3A_802 = arith.addi %scan3A_182, %add3A_801 : i32
        %mul3A_803 = arith.constant 128 : i32
        %mul3A_804 = arith.muli %add3A_802, %mul3A_803 : i32
        %add3A_805 = arith.constant 80 : i32
        %add3A_806 = arith.addi %mul3A_804, %add3A_805 : i32
        %add3A_807 = arith.constant 0 : i32
        %add3A_808 = arith.addi %add3A_806, %add3A_807 : i32
        %get3A_809 = arith.index_cast %add3A_808 : i32 to index
        %get3A_810 = tpu.vector_load %arg6[%get3A_809] {strides = array<i32>} : memref<16400xf32, #tpu.memory_space<vmem>>, vector<16xf32>,
        %add3A_811 = arith.constant 4 : i32
        %add3A_812 = arith.addi %mul3A_185, %add3A_811 : i32
        %add3A_813 = vector.broadcast %add3A_812 : i32 to vector<16xi32>
        %add3A_814 = arith.addi %mul3A_67, %add3A_813 : vector<16xi32>
        tpu.vector_store_idx %arg7[%add3A_814], %get3A_810 : memref<8192xf32, #tpu.memory_space<vmem>>[vector<16xi32>], vector<16xf32>,
        %add3A_815 = arith.constant 0 : i32
        %add3A_816 = arith.addi %scan3A_182, %add3A_815 : i32
        %mul3A_817 = arith.constant 128 : i32
        %mul3A_818 = arith.muli %add3A_816, %mul3A_817 : i32
        %add3A_819 = arith.constant 80 : i32
        %add3A_820 = arith.addi %mul3A_818, %add3A_819 : i32
        %add3A_821 = arith.constant 1 : i32
        %add3A_822 = arith.addi %add3A_820, %add3A_821 : i32
        %get3A_823 = arith.index_cast %add3A_822 : i32 to index
        %get3A_824 = tpu.vector_load %arg6[%get3A_823] {strides = array<i32>} : memref<16400xf32, #tpu.memory_space<vmem>>, vector<16xf32>,
        %add3A_825 = arith.constant 5 : i32
        %add3A_826 = arith.addi %mul3A_185, %add3A_825 : i32
        %add3A_827 = vector.broadcast %add3A_826 : i32 to vector<16xi32>
        %add3A_828 = arith.addi %mul3A_67, %add3A_827 : vector<16xi32>
        tpu.vector_store_idx %arg7[%add3A_828], %get3A_824 : memref<8192xf32, #tpu.memory_space<vmem>>[vector<16xi32>], vector<16xf32>,
        %add3A_829 = arith.constant 1 : i32
        %add3A_830 = arith.addi %scan3A_182, %add3A_829 : i32
        %mul3A_831 = arith.constant 128 : i32
        %mul3A_832 = arith.muli %add3A_830, %mul3A_831 : i32
        %add3A_833 = arith.constant 80 : i32
        %add3A_834 = arith.addi %mul3A_832, %add3A_833 : i32
        %add3A_835 = arith.constant 0 : i32
        %add3A_836 = arith.addi %add3A_834, %add3A_835 : i32
        %get3A_837 = arith.index_cast %add3A_836 : i32 to index
        %get3A_838 = tpu.vector_load %arg6[%get3A_837] {strides = array<i32>} : memref<16400xf32, #tpu.memory_space<vmem>>, vector<16xf32>,
        %add3A_839 = arith.constant 6 : i32
        %add3A_840 = arith.addi %mul3A_185, %add3A_839 : i32
        %add3A_841 = vector.broadcast %add3A_840 : i32 to vector<16xi32>
        %add3A_842 = arith.addi %mul3A_67, %add3A_841 : vector<16xi32>
        tpu.vector_store_idx %arg7[%add3A_842], %get3A_838 : memref<8192xf32, #tpu.memory_space<vmem>>[vector<16xi32>], vector<16xf32>,
        %add3A_843 = arith.constant 1 : i32
        %add3A_844 = arith.addi %scan3A_182, %add3A_843 : i32
        %mul3A_845 = arith.constant 128 : i32
        %mul3A_846 = arith.muli %add3A_844, %mul3A_845 : i32
        %add3A_847 = arith.constant 80 : i32
        %add3A_848 = arith.addi %mul3A_846, %add3A_847 : i32
        %add3A_849 = arith.constant 1 : i32
        %add3A_850 = arith.addi %add3A_848, %add3A_849 : i32
        %get3A_851 = arith.index_cast %add3A_850 : i32 to index
        %get3A_852 = tpu.vector_load %arg6[%get3A_851] {strides = array<i32>} : memref<16400xf32, #tpu.memory_space<vmem>>, vector<16xf32>,
        %add3A_853 = arith.constant 7 : i32
        %add3A_854 = arith.addi %mul3A_185, %add3A_853 : i32
        %add3A_855 = vector.broadcast %add3A_854 : i32 to vector<16xi32>
        %add3A_856 = arith.addi %mul3A_67, %add3A_855 : vector<16xi32>
        tpu.vector_store_idx %arg7[%add3A_856], %get3A_852 : memref<8192xf32, #tpu.memory_space<vmem>>[vector<16xi32>], vector<16xf32>,
        %add3A_857 = arith.constant 0 : i32
        %add3A_858 = arith.addi %scan3A_182, %add3A_857 : i32
        %mul3A_859 = arith.constant 128 : i32
        %mul3A_860 = arith.muli %add3A_858, %mul3A_859 : i32
        %add3A_861 = arith.constant 96 : i32
        %add3A_862 = arith.addi %mul3A_860, %add3A_861 : i32
        %add3A_863 = arith.constant 0 : i32
        %add3A_864 = arith.addi %add3A_862, %add3A_863 : i32
        %get3A_865 = arith.index_cast %add3A_864 : i32 to index
        %get3A_866 = tpu.vector_load %arg5[%get3A_865] {strides = array<i32>} : memref<16400xf32, #tpu.memory_space<vmem>>, vector<16xf32>,
        %add3A_867 = arith.constant 0 : i32
        %add3A_868 = arith.addi %mul3A_185, %add3A_867 : i32
        %add3A_869 = vector.broadcast %add3A_868 : i32 to vector<16xi32>
        %add3A_870 = arith.addi %mul3A_73, %add3A_869 : vector<16xi32>
        tpu.vector_store_idx %arg7[%add3A_870], %get3A_866 : memref<8192xf32, #tpu.memory_space<vmem>>[vector<16xi32>], vector<16xf32>,
        %add3A_871 = arith.constant 0 : i32
        %add3A_872 = arith.addi %scan3A_182, %add3A_871 : i32
        %mul3A_873 = arith.constant 128 : i32
        %mul3A_874 = arith.muli %add3A_872, %mul3A_873 : i32
        %add3A_875 = arith.constant 96 : i32
        %add3A_876 = arith.addi %mul3A_874, %add3A_875 : i32
        %add3A_877 = arith.constant 1 : i32
        %add3A_878 = arith.addi %add3A_876, %add3A_877 : i32
        %get3A_879 = arith.index_cast %add3A_878 : i32 to index
        %get3A_880 = tpu.vector_load %arg5[%get3A_879] {strides = array<i32>} : memref<16400xf32, #tpu.memory_space<vmem>>, vector<16xf32>,
        %add3A_881 = arith.constant 1 : i32
        %add3A_882 = arith.addi %mul3A_185, %add3A_881 : i32
        %add3A_883 = vector.broadcast %add3A_882 : i32 to vector<16xi32>
        %add3A_884 = arith.addi %mul3A_73, %add3A_883 : vector<16xi32>
        tpu.vector_store_idx %arg7[%add3A_884], %get3A_880 : memref<8192xf32, #tpu.memory_space<vmem>>[vector<16xi32>], vector<16xf32>,
        %add3A_885 = arith.constant 1 : i32
        %add3A_886 = arith.addi %scan3A_182, %add3A_885 : i32
        %mul3A_887 = arith.constant 128 : i32
        %mul3A_888 = arith.muli %add3A_886, %mul3A_887 : i32
        %add3A_889 = arith.constant 96 : i32
        %add3A_890 = arith.addi %mul3A_888, %add3A_889 : i32
        %add3A_891 = arith.constant 0 : i32
        %add3A_892 = arith.addi %add3A_890, %add3A_891 : i32
        %get3A_893 = arith.index_cast %add3A_892 : i32 to index
        %get3A_894 = tpu.vector_load %arg5[%get3A_893] {strides = array<i32>} : memref<16400xf32, #tpu.memory_space<vmem>>, vector<16xf32>,
        %add3A_895 = arith.constant 2 : i32
        %add3A_896 = arith.addi %mul3A_185, %add3A_895 : i32
        %add3A_897 = vector.broadcast %add3A_896 : i32 to vector<16xi32>
        %add3A_898 = arith.addi %mul3A_73, %add3A_897 : vector<16xi32>
        tpu.vector_store_idx %arg7[%add3A_898], %get3A_894 : memref<8192xf32, #tpu.memory_space<vmem>>[vector<16xi32>], vector<16xf32>,
        %add3A_899 = arith.constant 1 : i32
        %add3A_900 = arith.addi %scan3A_182, %add3A_899 : i32
        %mul3A_901 = arith.constant 128 : i32
        %mul3A_902 = arith.muli %add3A_900, %mul3A_901 : i32
        %add3A_903 = arith.constant 96 : i32
        %add3A_904 = arith.addi %mul3A_902, %add3A_903 : i32
        %add3A_905 = arith.constant 1 : i32
        %add3A_906 = arith.addi %add3A_904, %add3A_905 : i32
        %get3A_907 = arith.index_cast %add3A_906 : i32 to index
        %get3A_908 = tpu.vector_load %arg5[%get3A_907] {strides = array<i32>} : memref<16400xf32, #tpu.memory_space<vmem>>, vector<16xf32>,
        %add3A_909 = arith.constant 3 : i32
        %add3A_910 = arith.addi %mul3A_185, %add3A_909 : i32
        %add3A_911 = vector.broadcast %add3A_910 : i32 to vector<16xi32>
        %add3A_912 = arith.addi %mul3A_73, %add3A_911 : vector<16xi32>
        tpu.vector_store_idx %arg7[%add3A_912], %get3A_908 : memref<8192xf32, #tpu.memory_space<vmem>>[vector<16xi32>], vector<16xf32>,
        %add3A_913 = arith.constant 0 : i32
        %add3A_914 = arith.addi %scan3A_182, %add3A_913 : i32
        %mul3A_915 = arith.constant 128 : i32
        %mul3A_916 = arith.muli %add3A_914, %mul3A_915 : i32
        %add3A_917 = arith.constant 96 : i32
        %add3A_918 = arith.addi %mul3A_916, %add3A_917 : i32
        %add3A_919 = arith.constant 0 : i32
        %add3A_920 = arith.addi %add3A_918, %add3A_919 : i32
        %get3A_921 = arith.index_cast %add3A_920 : i32 to index
        %get3A_922 = tpu.vector_load %arg6[%get3A_921] {strides = array<i32>} : memref<16400xf32, #tpu.memory_space<vmem>>, vector<16xf32>,
        %add3A_923 = arith.constant 4 : i32
        %add3A_924 = arith.addi %mul3A_185, %add3A_923 : i32
        %add3A_925 = vector.broadcast %add3A_924 : i32 to vector<16xi32>
        %add3A_926 = arith.addi %mul3A_73, %add3A_925 : vector<16xi32>
        tpu.vector_store_idx %arg7[%add3A_926], %get3A_922 : memref<8192xf32, #tpu.memory_space<vmem>>[vector<16xi32>], vector<16xf32>,
        %add3A_927 = arith.constant 0 : i32
        %add3A_928 = arith.addi %scan3A_182, %add3A_927 : i32
        %mul3A_929 = arith.constant 128 : i32
        %mul3A_930 = arith.muli %add3A_928, %mul3A_929 : i32
        %add3A_931 = arith.constant 96 : i32
        %add3A_932 = arith.addi %mul3A_930, %add3A_931 : i32
        %add3A_933 = arith.constant 1 : i32
        %add3A_934 = arith.addi %add3A_932, %add3A_933 : i32
        %get3A_935 = arith.index_cast %add3A_934 : i32 to index
        %get3A_936 = tpu.vector_load %arg6[%get3A_935] {strides = array<i32>} : memref<16400xf32, #tpu.memory_space<vmem>>, vector<16xf32>,
        %add3A_937 = arith.constant 5 : i32
        %add3A_938 = arith.addi %mul3A_185, %add3A_937 : i32
        %add3A_939 = vector.broadcast %add3A_938 : i32 to vector<16xi32>
        %add3A_940 = arith.addi %mul3A_73, %add3A_939 : vector<16xi32>
        tpu.vector_store_idx %arg7[%add3A_940], %get3A_936 : memref<8192xf32, #tpu.memory_space<vmem>>[vector<16xi32>], vector<16xf32>,
        %add3A_941 = arith.constant 1 : i32
        %add3A_942 = arith.addi %scan3A_182, %add3A_941 : i32
        %mul3A_943 = arith.constant 128 : i32
        %mul3A_944 = arith.muli %add3A_942, %mul3A_943 : i32
        %add3A_945 = arith.constant 96 : i32
        %add3A_946 = arith.addi %mul3A_944, %add3A_945 : i32
        %add3A_947 = arith.constant 0 : i32
        %add3A_948 = arith.addi %add3A_946, %add3A_947 : i32
        %get3A_949 = arith.index_cast %add3A_948 : i32 to index
        %get3A_950 = tpu.vector_load %arg6[%get3A_949] {strides = array<i32>} : memref<16400xf32, #tpu.memory_space<vmem>>, vector<16xf32>,
        %add3A_951 = arith.constant 6 : i32
        %add3A_952 = arith.addi %mul3A_185, %add3A_951 : i32
        %add3A_953 = vector.broadcast %add3A_952 : i32 to vector<16xi32>
        %add3A_954 = arith.addi %mul3A_73, %add3A_953 : vector<16xi32>
        tpu.vector_store_idx %arg7[%add3A_954], %get3A_950 : memref<8192xf32, #tpu.memory_space<vmem>>[vector<16xi32>], vector<16xf32>,
        %add3A_955 = arith.constant 1 : i32
        %add3A_956 = arith.addi %scan3A_182, %add3A_955 : i32
        %mul3A_957 = arith.constant 128 : i32
        %mul3A_958 = arith.muli %add3A_956, %mul3A_957 : i32
        %add3A_959 = arith.constant 96 : i32
        %add3A_960 = arith.addi %mul3A_958, %add3A_959 : i32
        %add3A_961 = arith.constant 1 : i32
        %add3A_962 = arith.addi %add3A_960, %add3A_961 : i32
        %get3A_963 = arith.index_cast %add3A_962 : i32 to index
        %get3A_964 = tpu.vector_load %arg6[%get3A_963] {strides = array<i32>} : memref<16400xf32, #tpu.memory_space<vmem>>, vector<16xf32>,
        %add3A_965 = arith.constant 7 : i32
        %add3A_966 = arith.addi %mul3A_185, %add3A_965 : i32
        %add3A_967 = vector.broadcast %add3A_966 : i32 to vector<16xi32>
        %add3A_968 = arith.addi %mul3A_73, %add3A_967 : vector<16xi32>
        tpu.vector_store_idx %arg7[%add3A_968], %get3A_964 : memref<8192xf32, #tpu.memory_space<vmem>>[vector<16xi32>], vector<16xf32>,
        %add3A_969 = arith.constant 0 : i32
        %add3A_970 = arith.addi %scan3A_182, %add3A_969 : i32
        %mul3A_971 = arith.constant 128 : i32
        %mul3A_972 = arith.muli %add3A_970, %mul3A_971 : i32
        %add3A_973 = arith.constant 112 : i32
        %add3A_974 = arith.addi %mul3A_972, %add3A_973 : i32
        %add3A_975 = arith.constant 0 : i32
        %add3A_976 = arith.addi %add3A_974, %add3A_975 : i32
        %get3A_977 = arith.index_cast %add3A_976 : i32 to index
        %get3A_978 = tpu.vector_load %arg5[%get3A_977] {strides = array<i32>} : memref<16400xf32, #tpu.memory_space<vmem>>, vector<16xf32>,
        %add3A_979 = arith.constant 0 : i32
        %add3A_980 = arith.addi %mul3A_185, %add3A_979 : i32
        %add3A_981 = vector.broadcast %add3A_980 : i32 to vector<16xi32>
        %add3A_982 = arith.addi %mul3A_79, %add3A_981 : vector<16xi32>
        tpu.vector_store_idx %arg7[%add3A_982], %get3A_978 : memref<8192xf32, #tpu.memory_space<vmem>>[vector<16xi32>], vector<16xf32>,
        %add3A_983 = arith.constant 0 : i32
        %add3A_984 = arith.addi %scan3A_182, %add3A_983 : i32
        %mul3A_985 = arith.constant 128 : i32
        %mul3A_986 = arith.muli %add3A_984, %mul3A_985 : i32
        %add3A_987 = arith.constant 112 : i32
        %add3A_988 = arith.addi %mul3A_986, %add3A_987 : i32
        %add3A_989 = arith.constant 1 : i32
        %add3A_990 = arith.addi %add3A_988, %add3A_989 : i32
        %get3A_991 = arith.index_cast %add3A_990 : i32 to index
        %get3A_992 = tpu.vector_load %arg5[%get3A_991] {strides = array<i32>} : memref<16400xf32, #tpu.memory_space<vmem>>, vector<16xf32>,
        %add3A_993 = arith.constant 1 : i32
        %add3A_994 = arith.addi %mul3A_185, %add3A_993 : i32
        %add3A_995 = vector.broadcast %add3A_994 : i32 to vector<16xi32>
        %add3A_996 = arith.addi %mul3A_79, %add3A_995 : vector<16xi32>
        tpu.vector_store_idx %arg7[%add3A_996], %get3A_992 : memref<8192xf32, #tpu.memory_space<vmem>>[vector<16xi32>], vector<16xf32>,
        %add3A_997 = arith.constant 1 : i32
        %add3A_998 = arith.addi %scan3A_182, %add3A_997 : i32
        %mul3A_999 = arith.constant 128 : i32
        %mul3A_1000 = arith.muli %add3A_998, %mul3A_999 : i32
        %add3A_1001 = arith.constant 112 : i32
        %add3A_1002 = arith.addi %mul3A_1000, %add3A_1001 : i32
        %add3A_1003 = arith.constant 0 : i32
        %add3A_1004 = arith.addi %add3A_1002, %add3A_1003 : i32
        %get3A_1005 = arith.index_cast %add3A_1004 : i32 to index
        %get3A_1006 = tpu.vector_load %arg5[%get3A_1005] {strides = array<i32>} : memref<16400xf32, #tpu.memory_space<vmem>>, vector<16xf32>,
        %add3A_1007 = arith.constant 2 : i32
        %add3A_1008 = arith.addi %mul3A_185, %add3A_1007 : i32
        %add3A_1009 = vector.broadcast %add3A_1008 : i32 to vector<16xi32>
        %add3A_1010 = arith.addi %mul3A_79, %add3A_1009 : vector<16xi32>
        tpu.vector_store_idx %arg7[%add3A_1010], %get3A_1006 : memref<8192xf32, #tpu.memory_space<vmem>>[vector<16xi32>], vector<16xf32>,
        %add3A_1011 = arith.constant 1 : i32
        %add3A_1012 = arith.addi %scan3A_182, %add3A_1011 : i32
        %mul3A_1013 = arith.constant 128 : i32
        %mul3A_1014 = arith.muli %add3A_1012, %mul3A_1013 : i32
        %add3A_1015 = arith.constant 112 : i32
        %add3A_1016 = arith.addi %mul3A_1014, %add3A_1015 : i32
        %add3A_1017 = arith.constant 1 : i32
        %add3A_1018 = arith.addi %add3A_1016, %add3A_1017 : i32
        %get3A_1019 = arith.index_cast %add3A_1018 : i32 to index
        %get3A_1020 = tpu.vector_load %arg5[%get3A_1019] {strides = array<i32>} : memref<16400xf32, #tpu.memory_space<vmem>>, vector<16xf32>,
        %add3A_1021 = arith.constant 3 : i32
        %add3A_1022 = arith.addi %mul3A_185, %add3A_1021 : i32
        %add3A_1023 = vector.broadcast %add3A_1022 : i32 to vector<16xi32>
        %add3A_1024 = arith.addi %mul3A_79, %add3A_1023 : vector<16xi32>
        tpu.vector_store_idx %arg7[%add3A_1024], %get3A_1020 : memref<8192xf32, #tpu.memory_space<vmem>>[vector<16xi32>], vector<16xf32>,
        %add3A_1025 = arith.constant 0 : i32
        %add3A_1026 = arith.addi %scan3A_182, %add3A_1025 : i32
        %mul3A_1027 = arith.constant 128 : i32
        %mul3A_1028 = arith.muli %add3A_1026, %mul3A_1027 : i32
        %add3A_1029 = arith.constant 112 : i32
        %add3A_1030 = arith.addi %mul3A_1028, %add3A_1029 : i32
        %add3A_1031 = arith.constant 0 : i32
        %add3A_1032 = arith.addi %add3A_1030, %add3A_1031 : i32
        %get3A_1033 = arith.index_cast %add3A_1032 : i32 to index
        %get3A_1034 = tpu.vector_load %arg6[%get3A_1033] {strides = array<i32>} : memref<16400xf32, #tpu.memory_space<vmem>>, vector<16xf32>,
        %add3A_1035 = arith.constant 4 : i32
        %add3A_1036 = arith.addi %mul3A_185, %add3A_1035 : i32
        %add3A_1037 = vector.broadcast %add3A_1036 : i32 to vector<16xi32>
        %add3A_1038 = arith.addi %mul3A_79, %add3A_1037 : vector<16xi32>
        tpu.vector_store_idx %arg7[%add3A_1038], %get3A_1034 : memref<8192xf32, #tpu.memory_space<vmem>>[vector<16xi32>], vector<16xf32>,
        %add3A_1039 = arith.constant 0 : i32
        %add3A_1040 = arith.addi %scan3A_182, %add3A_1039 : i32
        %mul3A_1041 = arith.constant 128 : i32
        %mul3A_1042 = arith.muli %add3A_1040, %mul3A_1041 : i32
        %add3A_1043 = arith.constant 112 : i32
        %add3A_1044 = arith.addi %mul3A_1042, %add3A_1043 : i32
        %add3A_1045 = arith.constant 1 : i32
        %add3A_1046 = arith.addi %add3A_1044, %add3A_1045 : i32
        %get3A_1047 = arith.index_cast %add3A_1046 : i32 to index
        %get3A_1048 = tpu.vector_load %arg6[%get3A_1047] {strides = array<i32>} : memref<16400xf32, #tpu.memory_space<vmem>>, vector<16xf32>,
        %add3A_1049 = arith.constant 5 : i32
        %add3A_1050 = arith.addi %mul3A_185, %add3A_1049 : i32
        %add3A_1051 = vector.broadcast %add3A_1050 : i32 to vector<16xi32>
        %add3A_1052 = arith.addi %mul3A_79, %add3A_1051 : vector<16xi32>
        tpu.vector_store_idx %arg7[%add3A_1052], %get3A_1048 : memref<8192xf32, #tpu.memory_space<vmem>>[vector<16xi32>], vector<16xf32>,
        %add3A_1053 = arith.constant 1 : i32
        %add3A_1054 = arith.addi %scan3A_182, %add3A_1053 : i32
        %mul3A_1055 = arith.constant 128 : i32
        %mul3A_1056 = arith.muli %add3A_1054, %mul3A_1055 : i32
        %add3A_1057 = arith.constant 112 : i32
        %add3A_1058 = arith.addi %mul3A_1056, %add3A_1057 : i32
        %add3A_1059 = arith.constant 0 : i32
        %add3A_1060 = arith.addi %add3A_1058, %add3A_1059 : i32
        %get3A_1061 = arith.index_cast %add3A_1060 : i32 to index
        %get3A_1062 = tpu.vector_load %arg6[%get3A_1061] {strides = array<i32>} : memref<16400xf32, #tpu.memory_space<vmem>>, vector<16xf32>,
        %add3A_1063 = arith.constant 6 : i32
        %add3A_1064 = arith.addi %mul3A_185, %add3A_1063 : i32
        %add3A_1065 = vector.broadcast %add3A_1064 : i32 to vector<16xi32>
        %add3A_1066 = arith.addi %mul3A_79, %add3A_1065 : vector<16xi32>
        tpu.vector_store_idx %arg7[%add3A_1066], %get3A_1062 : memref<8192xf32, #tpu.memory_space<vmem>>[vector<16xi32>], vector<16xf32>,
        %add3A_1067 = arith.constant 1 : i32
        %add3A_1068 = arith.addi %scan3A_182, %add3A_1067 : i32
        %mul3A_1069 = arith.constant 128 : i32
        %mul3A_1070 = arith.muli %add3A_1068, %mul3A_1069 : i32
        %add3A_1071 = arith.constant 112 : i32
        %add3A_1072 = arith.addi %mul3A_1070, %add3A_1071 : i32
        %add3A_1073 = arith.constant 1 : i32
        %add3A_1074 = arith.addi %add3A_1072, %add3A_1073 : i32
        %get3A_1075 = arith.index_cast %add3A_1074 : i32 to index
        %get3A_1076 = tpu.vector_load %arg6[%get3A_1075] {strides = array<i32>} : memref<16400xf32, #tpu.memory_space<vmem>>, vector<16xf32>,
        %add3A_1077 = arith.constant 7 : i32
        %add3A_1078 = arith.addi %mul3A_185, %add3A_1077 : i32
        %add3A_1079 = vector.broadcast %add3A_1078 : i32 to vector<16xi32>
        %add3A_1080 = arith.addi %mul3A_79, %add3A_1079 : vector<16xi32>
        tpu.vector_store_idx %arg7[%add3A_1080], %get3A_1076 : memref<8192xf32, #tpu.memory_space<vmem>>[vector<16xi32>], vector<16xf32>,
        %mul3A_1081 = arith.constant 16129 : i32
        %mul3A_1082 = arith.muli %add3A_25, %mul3A_1081 : i32
        %add3A_1083 = arith.constant 2048383 : i32
        %add3A_1084 = arith.addi %add3A_1083, %mul3A_1082 : i32
        %mul3A_1085 = arith.constant 127 : i32
        %mul3A_1086 = arith.muli %scan3A_182, %mul3A_1085 : i32
        %add3A_1087 = arith.addi %add3A_1084, %mul3A_1086 : i32
        %mul3A_1088 = arith.constant 8 : i32
        %mul3A_1089 = arith.muli %add3A_1087, %mul3A_1088 : i32
        %dma_start3A = tpu.memref_slice %arg7[%mul3A_185] : memref<8192xf32, #tpu.memory_space<vmem>> -> memref<1016xf32, #tpu.memory_space<vmem>>
        %dma_start3A_1090 = tpu.memref_slice %arg4[%mul3A_1089] : memref<32774128xf32, #tpu.memory_space<hbm>> -> memref<1016xf32, #tpu.memory_space<hbm>>
        %dma_start3A_1091 = tpu.memref_slice %arg4[%mul3A_1089] : memref<32774128xf32, #tpu.memory_space<hbm>> -> memref<1016xf32, #tpu.memory_space<hbm>>
        %dma_start3A_1092 = tpu.memref_slice %arg7[%mul3A_185] : memref<8192xf32, #tpu.memory_space<vmem>> -> memref<1016xf32, #tpu.memory_space<vmem>>
        tpu.enqueue_dma source(%dma_start3A_1092 : memref<1016xf32, #tpu.memory_space<vmem>>) target(%dma_start3A_1091 : memref<1016xf32, #tpu.memory_space<hbm>>) target_semaphore(%arg8 : memref<!tpu.dma_semaphore, #tpu.memory_space<semaphore_mem>>)
        %ge3A = arith.constant 7 : i32
        %ge3A_1093 = arith.cmpi sge, %scan3A_182, %ge3A : i32
        %convert_element_type3A = arith.extui %ge3A_1093 : i1 to i32
        %cond3A = arith.constant 0 : i32
        %cond3A_1094 = arith.cmpi ne, %convert_element_type3A, %cond3A : i32
        scf.if %cond3A_1094 {
          %sub3A = arith.constant 7 : i32
          %sub3A_1095 = arith.subi %scan3A_182, %sub3A : i32
          %mul3A_1096 = arith.constant 16129 : i32
          %mul3A_1097 = arith.muli %add3A_25, %mul3A_1096 : i32
          %add3A_1098 = arith.constant 2048383 : i32
          %add3A_1099 = arith.addi %add3A_1098, %mul3A_1097 : i32
          %mul3A_1100 = arith.constant 127 : i32
          %mul3A_1101 = arith.muli %sub3A_1095, %mul3A_1100 : i32
          %add3A_1102 = arith.addi %add3A_1099, %mul3A_1101 : i32
          %mul3A_1103 = arith.constant 8 : i32
          %mul3A_1104 = arith.muli %add3A_1102, %mul3A_1103 : i32
          %and3A_1105 = arith.constant 7 : i32
          %and3A_1106 = arith.andi %sub3A_1095, %and3A_1105 : i32
          %mul3A_1107 = arith.constant 1024 : i32
          %mul3A_1108 = arith.muli %and3A_1106, %mul3A_1107 : i32
          %dma_wait3A_1109 = tpu.memref_slice %arg7[%mul3A_1108] : memref<8192xf32, #tpu.memory_space<vmem>> -> memref<1016xf32, #tpu.memory_space<vmem>>
          %dma_wait3A_1110 = tpu.memref_slice %arg4[%mul3A_1104] : memref<32774128xf32, #tpu.memory_space<hbm>> -> memref<1016xf32, #tpu.memory_space<hbm>>
          %dma_wait3A_1111 = tpu.memref_slice %arg4[%mul3A_1104] : memref<32774128xf32, #tpu.memory_space<hbm>> -> memref<1016xf32, #tpu.memory_space<hbm>>
          %dma_wait3A_1112 = tpu.memref_slice %arg7[%mul3A_1108] : memref<8192xf32, #tpu.memory_space<vmem>> -> memref<1016xf32, #tpu.memory_space<vmem>>
          tpu.wait_dma2 semaphore(%arg8 : memref<!tpu.dma_semaphore, #tpu.memory_space<semaphore_mem>>) src(%dma_wait3A_1112 : memref<1016xf32, #tpu.memory_space<vmem>>) dst(%dma_wait3A_1111 : memref<1016xf32, #tpu.memory_space<hbm>>)
        } else {
        }
      }
      %scan3A_84 = arith.constant 127 : i32
      %mul3A_85 = arith.constant 16129 : i32
      %mul3A_86 = arith.muli %add3A_25, %mul3A_85 : i32
      %add3A_87 = arith.constant 2048383 : i32
      %add3A_88 = arith.addi %add3A_87, %mul3A_86 : i32
      %add3A_89 = arith.constant 15240 : i32
      %add3A_90 = arith.addi %add3A_88, %add3A_89 : i32
      %mul3A_91 = arith.constant 8 : i32
      %mul3A_92 = arith.muli %add3A_90, %mul3A_91 : i32
      %dma_wait3A = arith.constant 0 : i32
      %dma_wait3A_93 = tpu.memref_slice %arg7[%dma_wait3A] : memref<8192xf32, #tpu.memory_space<vmem>> -> memref<1016xf32, #tpu.memory_space<vmem>>
      %dma_wait3A_94 = tpu.memref_slice %arg4[%mul3A_92] : memref<32774128xf32, #tpu.memory_space<hbm>> -> memref<1016xf32, #tpu.memory_space<hbm>>
      %dma_wait3A_95 = tpu.memref_slice %arg4[%mul3A_92] : memref<32774128xf32, #tpu.memory_space<hbm>> -> memref<1016xf32, #tpu.memory_space<hbm>>
      %dma_wait3A_96 = arith.constant 0 : i32
      %dma_wait3A_97 = tpu.memref_slice %arg7[%dma_wait3A_96] : memref<8192xf32, #tpu.memory_space<vmem>> -> memref<1016xf32, #tpu.memory_space<vmem>>
      tpu.wait_dma2 semaphore(%arg8 : memref<!tpu.dma_semaphore, #tpu.memory_space<semaphore_mem>>) src(%dma_wait3A_97 : memref<1016xf32, #tpu.memory_space<vmem>>) dst(%dma_wait3A_95 : memref<1016xf32, #tpu.memory_space<hbm>>)
      %mul3A_98 = arith.constant 16129 : i32
      %mul3A_99 = arith.muli %add3A_25, %mul3A_98 : i32
      %add3A_100 = arith.constant 2048383 : i32
      %add3A_101 = arith.addi %add3A_100, %mul3A_99 : i32
      %add3A_102 = arith.constant 15367 : i32
      %add3A_103 = arith.addi %add3A_101, %add3A_102 : i32
      %mul3A_104 = arith.constant 8 : i32
      %mul3A_105 = arith.muli %add3A_103, %mul3A_104 : i32
      %dma_wait3A_106 = arith.constant 1024 : i32
      %dma_wait3A_107 = tpu.memref_slice %arg7[%dma_wait3A_106] : memref<8192xf32, #tpu.memory_space<vmem>> -> memref<1016xf32, #tpu.memory_space<vmem>>
      %dma_wait3A_108 = tpu.memref_slice %arg4[%mul3A_105] : memref<32774128xf32, #tpu.memory_space<hbm>> -> memref<1016xf32, #tpu.memory_space<hbm>>
      %dma_wait3A_109 = tpu.memref_slice %arg4[%mul3A_105] : memref<32774128xf32, #tpu.memory_space<hbm>> -> memref<1016xf32, #tpu.memory_space<hbm>>
      %dma_wait3A_110 = arith.constant 1024 : i32
      %dma_wait3A_111 = tpu.memref_slice %arg7[%dma_wait3A_110] : memref<8192xf32, #tpu.memory_space<vmem>> -> memref<1016xf32, #tpu.memory_space<vmem>>
      tpu.wait_dma2 semaphore(%arg8 : memref<!tpu.dma_semaphore, #tpu.memory_space<semaphore_mem>>) src(%dma_wait3A_111 : memref<1016xf32, #tpu.memory_space<vmem>>) dst(%dma_wait3A_109 : memref<1016xf32, #tpu.memory_space<hbm>>)
      %mul3A_112 = arith.constant 16129 : i32
      %mul3A_113 = arith.muli %add3A_25, %mul3A_112 : i32
      %add3A_114 = arith.constant 2048383 : i32
      %add3A_115 = arith.addi %add3A_114, %mul3A_113 : i32
      %add3A_116 = arith.constant 15494 : i32
      %add3A_117 = arith.addi %add3A_115, %add3A_116 : i32
      %mul3A_118 = arith.constant 8 : i32
      %mul3A_119 = arith.muli %add3A_117, %mul3A_118 : i32
      %dma_wait3A_120 = arith.constant 2048 : i32
      %dma_wait3A_121 = tpu.memref_slice %arg7[%dma_wait3A_120] : memref<8192xf32, #tpu.memory_space<vmem>> -> memref<1016xf32, #tpu.memory_space<vmem>>
      %dma_wait3A_122 = tpu.memref_slice %arg4[%mul3A_119] : memref<32774128xf32, #tpu.memory_space<hbm>> -> memref<1016xf32, #tpu.memory_space<hbm>>
      %dma_wait3A_123 = tpu.memref_slice %arg4[%mul3A_119] : memref<32774128xf32, #tpu.memory_space<hbm>> -> memref<1016xf32, #tpu.memory_space<hbm>>
      %dma_wait3A_124 = arith.constant 2048 : i32
      %dma_wait3A_125 = tpu.memref_slice %arg7[%dma_wait3A_124] : memref<8192xf32, #tpu.memory_space<vmem>> -> memref<1016xf32, #tpu.memory_space<vmem>>
      tpu.wait_dma2 semaphore(%arg8 : memref<!tpu.dma_semaphore, #tpu.memory_space<semaphore_mem>>) src(%dma_wait3A_125 : memref<1016xf32, #tpu.memory_space<vmem>>) dst(%dma_wait3A_123 : memref<1016xf32, #tpu.memory_space<hbm>>)
      %mul3A_126 = arith.constant 16129 : i32
      %mul3A_127 = arith.muli %add3A_25, %mul3A_126 : i32
      %add3A_128 = arith.constant 2048383 : i32
      %add3A_129 = arith.addi %add3A_128, %mul3A_127 : i32
      %add3A_130 = arith.constant 15621 : i32
      %add3A_131 = arith.addi %add3A_129, %add3A_130 : i32
      %mul3A_132 = arith.constant 8 : i32
      %mul3A_133 = arith.muli %add3A_131, %mul3A_132 : i32
      %dma_wait3A_134 = arith.constant 3072 : i32
      %dma_wait3A_135 = tpu.memref_slice %arg7[%dma_wait3A_134] : memref<8192xf32, #tpu.memory_space<vmem>> -> memref<1016xf32, #tpu.memory_space<vmem>>
      %dma_wait3A_136 = tpu.memref_slice %arg4[%mul3A_133] : memref<32774128xf32, #tpu.memory_space<hbm>> -> memref<1016xf32, #tpu.memory_space<hbm>>
      %dma_wait3A_137 = tpu.memref_slice %arg4[%mul3A_133] : memref<32774128xf32, #tpu.memory_space<hbm>> -> memref<1016xf32, #tpu.memory_space<hbm>>
      %dma_wait3A_138 = arith.constant 3072 : i32
      %dma_wait3A_139 = tpu.memref_slice %arg7[%dma_wait3A_138] : memref<8192xf32, #tpu.memory_space<vmem>> -> memref<1016xf32, #tpu.memory_space<vmem>>
      tpu.wait_dma2 semaphore(%arg8 : memref<!tpu.dma_semaphore, #tpu.memory_space<semaphore_mem>>) src(%dma_wait3A_139 : memref<1016xf32, #tpu.memory_space<vmem>>) dst(%dma_wait3A_137 : memref<1016xf32, #tpu.memory_space<hbm>>)
      %mul3A_140 = arith.constant 16129 : i32
      %mul3A_141 = arith.muli %add3A_25, %mul3A_140 : i32
      %add3A_142 = arith.constant 2048383 : i32
      %add3A_143 = arith.addi %add3A_142, %mul3A_141 : i32
      %add3A_144 = arith.constant 15748 : i32
      %add3A_145 = arith.addi %add3A_143, %add3A_144 : i32
      %mul3A_146 = arith.constant 8 : i32
      %mul3A_147 = arith.muli %add3A_145, %mul3A_146 : i32
      %dma_wait3A_148 = arith.constant 4096 : i32
      %dma_wait3A_149 = tpu.memref_slice %arg7[%dma_wait3A_148] : memref<8192xf32, #tpu.memory_space<vmem>> -> memref<1016xf32, #tpu.memory_space<vmem>>
      %dma_wait3A_150 = tpu.memref_slice %arg4[%mul3A_147] : memref<32774128xf32, #tpu.memory_space<hbm>> -> memref<1016xf32, #tpu.memory_space<hbm>>
      %dma_wait3A_151 = tpu.memref_slice %arg4[%mul3A_147] : memref<32774128xf32, #tpu.memory_space<hbm>> -> memref<1016xf32, #tpu.memory_space<hbm>>
      %dma_wait3A_152 = arith.constant 4096 : i32
      %dma_wait3A_153 = tpu.memref_slice %arg7[%dma_wait3A_152] : memref<8192xf32, #tpu.memory_space<vmem>> -> memref<1016xf32, #tpu.memory_space<vmem>>
      tpu.wait_dma2 semaphore(%arg8 : memref<!tpu.dma_semaphore, #tpu.memory_space<semaphore_mem>>) src(%dma_wait3A_153 : memref<1016xf32, #tpu.memory_space<vmem>>) dst(%dma_wait3A_151 : memref<1016xf32, #tpu.memory_space<hbm>>)
      %mul3A_154 = arith.constant 16129 : i32
      %mul3A_155 = arith.muli %add3A_25, %mul3A_154 : i32
      %add3A_156 = arith.constant 2048383 : i32
      %add3A_157 = arith.addi %add3A_156, %mul3A_155 : i32
      %add3A_158 = arith.constant 15875 : i32
      %add3A_159 = arith.addi %add3A_157, %add3A_158 : i32
      %mul3A_160 = arith.constant 8 : i32
      %mul3A_161 = arith.muli %add3A_159, %mul3A_160 : i32
      %dma_wait3A_162 = arith.constant 5120 : i32
      %dma_wait3A_163 = tpu.memref_slice %arg7[%dma_wait3A_162] : memref<8192xf32, #tpu.memory_space<vmem>> -> memref<1016xf32, #tpu.memory_space<vmem>>
      %dma_wait3A_164 = tpu.memref_slice %arg4[%mul3A_161] : memref<32774128xf32, #tpu.memory_space<hbm>> -> memref<1016xf32, #tpu.memory_space<hbm>>
      %dma_wait3A_165 = tpu.memref_slice %arg4[%mul3A_161] : memref<32774128xf32, #tpu.memory_space<hbm>> -> memref<1016xf32, #tpu.memory_space<hbm>>
      %dma_wait3A_166 = arith.constant 5120 : i32
      %dma_wait3A_167 = tpu.memref_slice %arg7[%dma_wait3A_166] : memref<8192xf32, #tpu.memory_space<vmem>> -> memref<1016xf32, #tpu.memory_space<vmem>>
      tpu.wait_dma2 semaphore(%arg8 : memref<!tpu.dma_semaphore, #tpu.memory_space<semaphore_mem>>) src(%dma_wait3A_167 : memref<1016xf32, #tpu.memory_space<vmem>>) dst(%dma_wait3A_165 : memref<1016xf32, #tpu.memory_space<hbm>>)
      %mul3A_168 = arith.constant 16129 : i32
      %mul3A_169 = arith.muli %add3A_25, %mul3A_168 : i32
      %add3A_170 = arith.constant 2048383 : i32
      %add3A_171 = arith.addi %add3A_170, %mul3A_169 : i32
      %add3A_172 = arith.constant 16002 : i32
      %add3A_173 = arith.addi %add3A_171, %add3A_172 : i32
      %mul3A_174 = arith.constant 8 : i32
      %mul3A_175 = arith.muli %add3A_173, %mul3A_174 : i32
      %dma_wait3A_176 = arith.constant 6144 : i32
      %dma_wait3A_177 = tpu.memref_slice %arg7[%dma_wait3A_176] : memref<8192xf32, #tpu.memory_space<vmem>> -> memref<1016xf32, #tpu.memory_space<vmem>>
      %dma_wait3A_178 = tpu.memref_slice %arg4[%mul3A_175] : memref<32774128xf32, #tpu.memory_space<hbm>> -> memref<1016xf32, #tpu.memory_space<hbm>>
      %dma_wait3A_179 = tpu.memref_slice %arg4[%mul3A_175] : memref<32774128xf32, #tpu.memory_space<hbm>> -> memref<1016xf32, #tpu.memory_space<hbm>>
      %dma_wait3A_180 = arith.constant 6144 : i32
      %dma_wait3A_181 = tpu.memref_slice %arg7[%dma_wait3A_180] : memref<8192xf32, #tpu.memory_space<vmem>> -> memref<1016xf32, #tpu.memory_space<vmem>>
      tpu.wait_dma2 semaphore(%arg8 : memref<!tpu.dma_semaphore, #tpu.memory_space<semaphore_mem>>) src(%dma_wait3A_181 : memref<1016xf32, #tpu.memory_space<vmem>>) dst(%dma_wait3A_179 : memref<1016xf32, #tpu.memory_space<hbm>>)
    }
    return
  }
}

#map = affine_map<(d0, d1) -> (0)>
#map1 = affine_map<(d0, d1) -> (0, 0)>
module attributes {stable_mosaic.version = 14 : i64} {
  func.func @_tec_body(%arg0: i32, %arg1: i32, %arg2: memref<2000000xf32, #tpu.memory_space<hbm>>, %arg3: memref<2000000xf32, #tpu.memory_space<hbm>>, %arg4: memref<2000000xf32, #tpu.memory_space<hbm>>, %arg5: memref<2000000xf32, #tpu.memory_space<hbm>>, %arg6: memref<4096766x8xf32, #tpu.memory_space<hbm>>, %arg7: memref<2000000xf32, #tpu.memory_space<hbm>>, %arg8: memref<2x3200xf32, #tpu.memory_space<vmem>>, %arg9: memref<2x3200xf32, #tpu.memory_space<vmem>>, %arg10: memref<2x3200xf32, #tpu.memory_space<vmem>>, %arg11: memref<2x3200xf32, #tpu.memory_space<vmem>>, %arg12: memref<2x3200xf32, #tpu.memory_space<vmem>>, %arg13: memref<2x3200xf32, #tpu.memory_space<vmem>>, %arg14: memref<2x3200xf32, #tpu.memory_space<vmem>>, %arg15: memref<2x3200xi32, #tpu.memory_space<vmem>>, %arg16: memref<2x3200x8xf32, #tpu.memory_space<vmem>>, %arg17: memref<2x3200xf32, #tpu.memory_space<vmem>>, %arg18: memref<2x!tpu.dma_semaphore, #tpu.memory_space<semaphore_mem>>) attributes {dimension_semantics = [#tpu.dimension_semantics<core_parallel>, #tpu.dimension_semantics<subcore_parallel>], iteration_bounds = array<i64: 2, 16>, scalar_prefetch = 0 : i64, scratch_operands = 11 : i64, tpu.core_type = #tpu.core_type<sc_vector_subcore>, window_params = [{transform_indices = #map}, {transform_indices = #map}, {transform_indices = #map}, {transform_indices = #map}, {transform_indices = #map1}, {transform_indices = #map}]} {
    %mul3A = arith.constant 2 : i32
    %mul3A_0 = arith.muli %arg1, %mul3A : i32
    %add3A = arith.addi %mul3A_0, %arg0 : i32
    %le3A = arith.constant 16 : i32
    %le3A_1 = arith.cmpi sle, %add3A, %le3A : i32
    %jit3A = arith.constant 20 : i32
    %jit3A_2 = arith.constant 19 : i32
    %select_n3A = arith.select %le3A_1, %jit3A, %jit3A_2 : i32
    %iota3A = tpu.iota {dimensions = array<i32: 0>} : vector<16xi32>
    %add3A_3 = arith.constant 1 : i32
    %add3A_4 = arith.addi %select_n3A, %add3A_3 : i32
    %while3A = arith.constant 0 : i32
    %while3A_5 = arith.constant 0 : i32
    %while3A_6 = arith.subi %add3A_4, %while3A_5 : i32
    %while3A_7 = arith.addi %while3A_5, %while3A_6 : i32
    %while3A_8 = arith.constant 1 : i32
    %while3A_9 = arith.divsi %while3A_6, %while3A_8 : i32
    %while3A_10 = arith.muli %while3A_9, %while3A_8 : i32
    %while3A_11 = arith.addi %while3A_5, %while3A_10 : i32
    %while3A_12 = arith.constant 1 : i32
    scf.for %while3A_14 = %while3A_5 to %while3A_11 step %while3A_12  : i32 {
      %and3A = arith.constant 1 : i32
      %and3A_15 = arith.andi %while3A_14, %and3A : i32
      %lt3A = arith.cmpi slt, %while3A_14, %select_n3A : i32
      %convert_element_type3A = arith.extui %lt3A : i1 to i32
      %cond3A = arith.constant 0 : i32
      %cond3A_16 = arith.cmpi ne, %convert_element_type3A, %cond3A : i32
      scf.if %cond3A_16 {
        %mul3A_21 = arith.constant 32 : i32
        %mul3A_22 = arith.muli %while3A_14, %mul3A_21 : i32
        %add3A_23 = arith.addi %add3A, %mul3A_22 : i32
        %mul3A_24 = arith.constant 3200 : i32
        %mul3A_25 = arith.muli %add3A_23, %mul3A_24 : i32
        "tpu.region"() ({
          %run_scoped3A = tpu.sem_alloc : memref<!tpu.dma_semaphore, #tpu.memory_space<semaphore_mem>>
          %dma_start3A_42 = arith.constant 0 : i32
          %dma_start3A_43 = tpu.memref_slice %arg8[%and3A_15, %dma_start3A_42] : memref<2x3200xf32, #tpu.memory_space<vmem>> -> memref<1x3200xf32, #tpu.memory_space<vmem>>
          %dma_start3A_44 = tpu.memref_squeeze %dma_start3A_43 : memref<1x3200xf32, #tpu.memory_space<vmem>> -> memref<3200xf32, #tpu.memory_space<vmem>>
          %dma_start3A_45 = tpu.memref_slice %arg2[%mul3A_25] : memref<2000000xf32, #tpu.memory_space<hbm>> -> memref<3200xf32, #tpu.memory_space<hbm>>
          %dma_start3A_46 = arith.constant 0 : i32
          %dma_start3A_47 = tpu.memref_slice %arg8[%and3A_15, %dma_start3A_46] : memref<2x3200xf32, #tpu.memory_space<vmem>> -> memref<1x3200xf32, #tpu.memory_space<vmem>>
          %dma_start3A_48 = tpu.memref_squeeze %dma_start3A_47 : memref<1x3200xf32, #tpu.memory_space<vmem>> -> memref<3200xf32, #tpu.memory_space<vmem>>
          %dma_start3A_49 = tpu.memref_slice %arg2[%mul3A_25] : memref<2000000xf32, #tpu.memory_space<hbm>> -> memref<3200xf32, #tpu.memory_space<hbm>>
          tpu.enqueue_dma source(%dma_start3A_49 : memref<3200xf32, #tpu.memory_space<hbm>>) target(%dma_start3A_48 : memref<3200xf32, #tpu.memory_space<vmem>>) target_semaphore(%run_scoped3A : memref<!tpu.dma_semaphore, #tpu.memory_space<semaphore_mem>>)
          %dma_wait3A = arith.constant 0 : i32
          %dma_wait3A_50 = tpu.memref_slice %arg8[%and3A_15, %dma_wait3A] : memref<2x3200xf32, #tpu.memory_space<vmem>> -> memref<1x3200xf32, #tpu.memory_space<vmem>>
          %dma_wait3A_51 = tpu.memref_squeeze %dma_wait3A_50 : memref<1x3200xf32, #tpu.memory_space<vmem>> -> memref<3200xf32, #tpu.memory_space<vmem>>
          %dma_wait3A_52 = tpu.memref_slice %arg2[%mul3A_25] : memref<2000000xf32, #tpu.memory_space<hbm>> -> memref<3200xf32, #tpu.memory_space<hbm>>
          %dma_wait3A_53 = arith.constant 0 : i32
          %dma_wait3A_54 = tpu.memref_slice %arg8[%and3A_15, %dma_wait3A_53] : memref<2x3200xf32, #tpu.memory_space<vmem>> -> memref<1x3200xf32, #tpu.memory_space<vmem>>
          %dma_wait3A_55 = tpu.memref_squeeze %dma_wait3A_54 : memref<1x3200xf32, #tpu.memory_space<vmem>> -> memref<3200xf32, #tpu.memory_space<vmem>>
          %dma_wait3A_56 = tpu.memref_slice %arg2[%mul3A_25] : memref<2000000xf32, #tpu.memory_space<hbm>> -> memref<3200xf32, #tpu.memory_space<hbm>>
          tpu.wait_dma2 semaphore(%run_scoped3A : memref<!tpu.dma_semaphore, #tpu.memory_space<semaphore_mem>>) src(%dma_wait3A_56 : memref<3200xf32, #tpu.memory_space<hbm>>) dst(%dma_wait3A_55 : memref<3200xf32, #tpu.memory_space<vmem>>)
          tpu.yield
        }) : () -> ()
        "tpu.region"() ({
          %run_scoped3A = tpu.sem_alloc : memref<!tpu.dma_semaphore, #tpu.memory_space<semaphore_mem>>
          %dma_start3A_42 = arith.constant 0 : i32
          %dma_start3A_43 = tpu.memref_slice %arg9[%and3A_15, %dma_start3A_42] : memref<2x3200xf32, #tpu.memory_space<vmem>> -> memref<1x3200xf32, #tpu.memory_space<vmem>>
          %dma_start3A_44 = tpu.memref_squeeze %dma_start3A_43 : memref<1x3200xf32, #tpu.memory_space<vmem>> -> memref<3200xf32, #tpu.memory_space<vmem>>
          %dma_start3A_45 = tpu.memref_slice %arg3[%mul3A_25] : memref<2000000xf32, #tpu.memory_space<hbm>> -> memref<3200xf32, #tpu.memory_space<hbm>>
          %dma_start3A_46 = arith.constant 0 : i32
          %dma_start3A_47 = tpu.memref_slice %arg9[%and3A_15, %dma_start3A_46] : memref<2x3200xf32, #tpu.memory_space<vmem>> -> memref<1x3200xf32, #tpu.memory_space<vmem>>
          %dma_start3A_48 = tpu.memref_squeeze %dma_start3A_47 : memref<1x3200xf32, #tpu.memory_space<vmem>> -> memref<3200xf32, #tpu.memory_space<vmem>>
          %dma_start3A_49 = tpu.memref_slice %arg3[%mul3A_25] : memref<2000000xf32, #tpu.memory_space<hbm>> -> memref<3200xf32, #tpu.memory_space<hbm>>
          tpu.enqueue_dma source(%dma_start3A_49 : memref<3200xf32, #tpu.memory_space<hbm>>) target(%dma_start3A_48 : memref<3200xf32, #tpu.memory_space<vmem>>) target_semaphore(%run_scoped3A : memref<!tpu.dma_semaphore, #tpu.memory_space<semaphore_mem>>)
          %dma_wait3A = arith.constant 0 : i32
          %dma_wait3A_50 = tpu.memref_slice %arg9[%and3A_15, %dma_wait3A] : memref<2x3200xf32, #tpu.memory_space<vmem>> -> memref<1x3200xf32, #tpu.memory_space<vmem>>
          %dma_wait3A_51 = tpu.memref_squeeze %dma_wait3A_50 : memref<1x3200xf32, #tpu.memory_space<vmem>> -> memref<3200xf32, #tpu.memory_space<vmem>>
          %dma_wait3A_52 = tpu.memref_slice %arg3[%mul3A_25] : memref<2000000xf32, #tpu.memory_space<hbm>> -> memref<3200xf32, #tpu.memory_space<hbm>>
          %dma_wait3A_53 = arith.constant 0 : i32
          %dma_wait3A_54 = tpu.memref_slice %arg9[%and3A_15, %dma_wait3A_53] : memref<2x3200xf32, #tpu.memory_space<vmem>> -> memref<1x3200xf32, #tpu.memory_space<vmem>>
          %dma_wait3A_55 = tpu.memref_squeeze %dma_wait3A_54 : memref<1x3200xf32, #tpu.memory_space<vmem>> -> memref<3200xf32, #tpu.memory_space<vmem>>
          %dma_wait3A_56 = tpu.memref_slice %arg3[%mul3A_25] : memref<2000000xf32, #tpu.memory_space<hbm>> -> memref<3200xf32, #tpu.memory_space<hbm>>
          tpu.wait_dma2 semaphore(%run_scoped3A : memref<!tpu.dma_semaphore, #tpu.memory_space<semaphore_mem>>) src(%dma_wait3A_56 : memref<3200xf32, #tpu.memory_space<hbm>>) dst(%dma_wait3A_55 : memref<3200xf32, #tpu.memory_space<vmem>>)
          tpu.yield
        }) : () -> ()
        "tpu.region"() ({
          %run_scoped3A = tpu.sem_alloc : memref<!tpu.dma_semaphore, #tpu.memory_space<semaphore_mem>>
          %dma_start3A_42 = arith.constant 0 : i32
          %dma_start3A_43 = tpu.memref_slice %arg10[%and3A_15, %dma_start3A_42] : memref<2x3200xf32, #tpu.memory_space<vmem>> -> memref<1x3200xf32, #tpu.memory_space<vmem>>
          %dma_start3A_44 = tpu.memref_squeeze %dma_start3A_43 : memref<1x3200xf32, #tpu.memory_space<vmem>> -> memref<3200xf32, #tpu.memory_space<vmem>>
          %dma_start3A_45 = tpu.memref_slice %arg4[%mul3A_25] : memref<2000000xf32, #tpu.memory_space<hbm>> -> memref<3200xf32, #tpu.memory_space<hbm>>
          %dma_start3A_46 = arith.constant 0 : i32
          %dma_start3A_47 = tpu.memref_slice %arg10[%and3A_15, %dma_start3A_46] : memref<2x3200xf32, #tpu.memory_space<vmem>> -> memref<1x3200xf32, #tpu.memory_space<vmem>>
          %dma_start3A_48 = tpu.memref_squeeze %dma_start3A_47 : memref<1x3200xf32, #tpu.memory_space<vmem>> -> memref<3200xf32, #tpu.memory_space<vmem>>
          %dma_start3A_49 = tpu.memref_slice %arg4[%mul3A_25] : memref<2000000xf32, #tpu.memory_space<hbm>> -> memref<3200xf32, #tpu.memory_space<hbm>>
          tpu.enqueue_dma source(%dma_start3A_49 : memref<3200xf32, #tpu.memory_space<hbm>>) target(%dma_start3A_48 : memref<3200xf32, #tpu.memory_space<vmem>>) target_semaphore(%run_scoped3A : memref<!tpu.dma_semaphore, #tpu.memory_space<semaphore_mem>>)
          %dma_wait3A = arith.constant 0 : i32
          %dma_wait3A_50 = tpu.memref_slice %arg10[%and3A_15, %dma_wait3A] : memref<2x3200xf32, #tpu.memory_space<vmem>> -> memref<1x3200xf32, #tpu.memory_space<vmem>>
          %dma_wait3A_51 = tpu.memref_squeeze %dma_wait3A_50 : memref<1x3200xf32, #tpu.memory_space<vmem>> -> memref<3200xf32, #tpu.memory_space<vmem>>
          %dma_wait3A_52 = tpu.memref_slice %arg4[%mul3A_25] : memref<2000000xf32, #tpu.memory_space<hbm>> -> memref<3200xf32, #tpu.memory_space<hbm>>
          %dma_wait3A_53 = arith.constant 0 : i32
          %dma_wait3A_54 = tpu.memref_slice %arg10[%and3A_15, %dma_wait3A_53] : memref<2x3200xf32, #tpu.memory_space<vmem>> -> memref<1x3200xf32, #tpu.memory_space<vmem>>
          %dma_wait3A_55 = tpu.memref_squeeze %dma_wait3A_54 : memref<1x3200xf32, #tpu.memory_space<vmem>> -> memref<3200xf32, #tpu.memory_space<vmem>>
          %dma_wait3A_56 = tpu.memref_slice %arg4[%mul3A_25] : memref<2000000xf32, #tpu.memory_space<hbm>> -> memref<3200xf32, #tpu.memory_space<hbm>>
          tpu.wait_dma2 semaphore(%run_scoped3A : memref<!tpu.dma_semaphore, #tpu.memory_space<semaphore_mem>>) src(%dma_wait3A_56 : memref<3200xf32, #tpu.memory_space<hbm>>) dst(%dma_wait3A_55 : memref<3200xf32, #tpu.memory_space<vmem>>)
          tpu.yield
        }) : () -> ()
        "tpu.region"() ({
          %run_scoped3A = tpu.sem_alloc : memref<!tpu.dma_semaphore, #tpu.memory_space<semaphore_mem>>
          %dma_start3A_42 = arith.constant 0 : i32
          %dma_start3A_43 = tpu.memref_slice %arg11[%and3A_15, %dma_start3A_42] : memref<2x3200xf32, #tpu.memory_space<vmem>> -> memref<1x3200xf32, #tpu.memory_space<vmem>>
          %dma_start3A_44 = tpu.memref_squeeze %dma_start3A_43 : memref<1x3200xf32, #tpu.memory_space<vmem>> -> memref<3200xf32, #tpu.memory_space<vmem>>
          %dma_start3A_45 = tpu.memref_slice %arg5[%mul3A_25] : memref<2000000xf32, #tpu.memory_space<hbm>> -> memref<3200xf32, #tpu.memory_space<hbm>>
          %dma_start3A_46 = arith.constant 0 : i32
          %dma_start3A_47 = tpu.memref_slice %arg11[%and3A_15, %dma_start3A_46] : memref<2x3200xf32, #tpu.memory_space<vmem>> -> memref<1x3200xf32, #tpu.memory_space<vmem>>
          %dma_start3A_48 = tpu.memref_squeeze %dma_start3A_47 : memref<1x3200xf32, #tpu.memory_space<vmem>> -> memref<3200xf32, #tpu.memory_space<vmem>>
          %dma_start3A_49 = tpu.memref_slice %arg5[%mul3A_25] : memref<2000000xf32, #tpu.memory_space<hbm>> -> memref<3200xf32, #tpu.memory_space<hbm>>
          tpu.enqueue_dma source(%dma_start3A_49 : memref<3200xf32, #tpu.memory_space<hbm>>) target(%dma_start3A_48 : memref<3200xf32, #tpu.memory_space<vmem>>) target_semaphore(%run_scoped3A : memref<!tpu.dma_semaphore, #tpu.memory_space<semaphore_mem>>)
          %dma_wait3A = arith.constant 0 : i32
          %dma_wait3A_50 = tpu.memref_slice %arg11[%and3A_15, %dma_wait3A] : memref<2x3200xf32, #tpu.memory_space<vmem>> -> memref<1x3200xf32, #tpu.memory_space<vmem>>
          %dma_wait3A_51 = tpu.memref_squeeze %dma_wait3A_50 : memref<1x3200xf32, #tpu.memory_space<vmem>> -> memref<3200xf32, #tpu.memory_space<vmem>>
          %dma_wait3A_52 = tpu.memref_slice %arg5[%mul3A_25] : memref<2000000xf32, #tpu.memory_space<hbm>> -> memref<3200xf32, #tpu.memory_space<hbm>>
          %dma_wait3A_53 = arith.constant 0 : i32
          %dma_wait3A_54 = tpu.memref_slice %arg11[%and3A_15, %dma_wait3A_53] : memref<2x3200xf32, #tpu.memory_space<vmem>> -> memref<1x3200xf32, #tpu.memory_space<vmem>>
          %dma_wait3A_55 = tpu.memref_squeeze %dma_wait3A_54 : memref<1x3200xf32, #tpu.memory_space<vmem>> -> memref<3200xf32, #tpu.memory_space<vmem>>
          %dma_wait3A_56 = tpu.memref_slice %arg5[%mul3A_25] : memref<2000000xf32, #tpu.memory_space<hbm>> -> memref<3200xf32, #tpu.memory_space<hbm>>
          tpu.wait_dma2 semaphore(%run_scoped3A : memref<!tpu.dma_semaphore, #tpu.memory_space<semaphore_mem>>) src(%dma_wait3A_56 : memref<3200xf32, #tpu.memory_space<hbm>>) dst(%dma_wait3A_55 : memref<3200xf32, #tpu.memory_space<vmem>>)
          tpu.yield
        }) : () -> ()
        %scan3A = arith.constant 0 : i32
        %scan3A_26 = arith.constant 0 : i32
        %scan3A_27 = arith.constant 200 : i32
        %scan3A_28 = arith.addi %scan3A_26, %scan3A_27 : i32
        %scan3A_29 = arith.constant 1 : i32
        scf.for %scan3A_42 = %scan3A_26 to %scan3A_28 step %scan3A_29  : i32 {
          %mul3A_43 = arith.constant 16 : i32
          %mul3A_44 = arith.muli %scan3A_42, %mul3A_43 : i32
          %get3A = arith.index_cast %and3A_15 : i32 to index
          %get3A_45 = arith.index_cast %mul3A_44 : i32 to index
          %get3A_46 = tpu.vector_load %arg8[%get3A, %get3A_45] {strides = array<i32>} : memref<2x3200xf32, #tpu.memory_space<vmem>>, vector<16xf32>,
          %mul3A_47 = arith.constant 16 : i32
          %mul3A_48 = arith.muli %scan3A_42, %mul3A_47 : i32
          %get3A_49 = arith.index_cast %and3A_15 : i32 to index
          %get3A_50 = arith.index_cast %mul3A_48 : i32 to index
          %get3A_51 = tpu.vector_load %arg9[%get3A_49, %get3A_50] {strides = array<i32>} : memref<2x3200xf32, #tpu.memory_space<vmem>>, vector<16xf32>,
          %mul3A_52 = arith.constant 16 : i32
          %mul3A_53 = arith.muli %scan3A_42, %mul3A_52 : i32
          %get3A_54 = arith.index_cast %and3A_15 : i32 to index
          %get3A_55 = arith.index_cast %mul3A_53 : i32 to index
          %get3A_56 = tpu.vector_load %arg10[%get3A_54, %get3A_55] {strides = array<i32>} : memref<2x3200xf32, #tpu.memory_space<vmem>>, vector<16xf32>,
          %add3A_57 = arith.constant 1.000000e+00 : f32
          %add3A_58 = vector.broadcast %add3A_57 : f32 to vector<16xf32>
          %add3A_59 = arith.addf %get3A_46, %add3A_58 : vector<16xf32>
          %mul3A_60 = arith.constant 6.350000e+01 : f32
          %mul3A_61 = vector.broadcast %mul3A_60 : f32 to vector<16xf32>
          %mul3A_62 = arith.mulf %add3A_59, %mul3A_61 : vector<16xf32>
          %add3A_63 = arith.constant 1.000000e+00 : f32
          %add3A_64 = vector.broadcast %add3A_63 : f32 to vector<16xf32>
          %add3A_65 = arith.addf %get3A_51, %add3A_64 : vector<16xf32>
          %mul3A_66 = arith.constant 6.350000e+01 : f32
          %mul3A_67 = vector.broadcast %mul3A_66 : f32 to vector<16xf32>
          %mul3A_68 = arith.mulf %add3A_65, %mul3A_67 : vector<16xf32>
          %add3A_69 = arith.constant 1.000000e+00 : f32
          %add3A_70 = vector.broadcast %add3A_69 : f32 to vector<16xf32>
          %add3A_71 = arith.addf %get3A_56, %add3A_70 : vector<16xf32>
          %mul3A_72 = arith.constant 6.350000e+01 : f32
          %mul3A_73 = vector.broadcast %mul3A_72 : f32 to vector<16xf32>
          %mul3A_74 = arith.mulf %add3A_71, %mul3A_73 : vector<16xf32>
          %convert_element_type3A_75 = arith.fptosi %mul3A_62 : vector<16xf32> to vector<16xi32>
          %jit3A_76 = arith.constant 0 : i32
          %jit3A_77 = arith.constant 126 : i32
          %max3A = vector.broadcast %jit3A_76 : i32 to vector<16xi32>
          %max3A_78 = arith.maxsi %max3A, %convert_element_type3A_75 : vector<16xi32>
          %min3A = vector.broadcast %jit3A_77 : i32 to vector<16xi32>
          %min3A_79 = arith.minsi %min3A, %max3A_78 : vector<16xi32>
          %convert_element_type3A_80 = arith.fptosi %mul3A_68 : vector<16xf32> to vector<16xi32>
          %jit3A_81 = arith.constant 0 : i32
          %jit3A_82 = arith.constant 126 : i32
          %max3A_83 = vector.broadcast %jit3A_81 : i32 to vector<16xi32>
          %max3A_84 = arith.maxsi %max3A_83, %convert_element_type3A_80 : vector<16xi32>
          %min3A_85 = vector.broadcast %jit3A_82 : i32 to vector<16xi32>
          %min3A_86 = arith.minsi %min3A_85, %max3A_84 : vector<16xi32>
          %convert_element_type3A_87 = arith.fptosi %mul3A_74 : vector<16xf32> to vector<16xi32>
          %jit3A_88 = arith.constant 0 : i32
          %jit3A_89 = arith.constant 126 : i32
          %max3A_90 = vector.broadcast %jit3A_88 : i32 to vector<16xi32>
          %max3A_91 = arith.maxsi %max3A_90, %convert_element_type3A_87 : vector<16xi32>
          %min3A_92 = vector.broadcast %jit3A_89 : i32 to vector<16xi32>
          %min3A_93 = arith.minsi %min3A_92, %max3A_91 : vector<16xi32>
          %convert_element_type3A_94 = arith.sitofp %min3A_79 : vector<16xi32> to vector<16xf32>
          %sub3A = arith.subf %mul3A_62, %convert_element_type3A_94 : vector<16xf32>
          %jit3A_95 = arith.constant 0.000000e+00 : f32
          %jit3A_96 = arith.constant 1.000000e+00 : f32
          %max3A_97 = vector.broadcast %jit3A_95 : f32 to vector<16xf32>
          %max3A_98 = arith.maximumf %max3A_97, %sub3A : vector<16xf32>
          %min3A_99 = vector.broadcast %jit3A_96 : f32 to vector<16xf32>
          %min3A_100 = arith.minimumf %min3A_99, %max3A_98 : vector<16xf32>
          %mul3A_101 = arith.constant 16 : i32
          %mul3A_102 = arith.muli %scan3A_42, %mul3A_101 : i32
          %swap3A = arith.index_cast %and3A_15 : i32 to index
          %swap3A_103 = arith.index_cast %mul3A_102 : i32 to index
          %swap3A_104 = tpu.vector_load %arg12[%swap3A, %swap3A_103] {strides = array<i32>} : memref<2x3200xf32, #tpu.memory_space<vmem>>, vector<16xf32>,
          tpu.vector_store %arg12[%swap3A, %swap3A_103], %min3A_100 {strides = array<i32>} : memref<2x3200xf32, #tpu.memory_space<vmem>>, vector<16xf32>,
          %convert_element_type3A_105 = arith.sitofp %min3A_86 : vector<16xi32> to vector<16xf32>
          %sub3A_106 = arith.subf %mul3A_68, %convert_element_type3A_105 : vector<16xf32>
          %jit3A_107 = arith.constant 0.000000e+00 : f32
          %jit3A_108 = arith.constant 1.000000e+00 : f32
          %max3A_109 = vector.broadcast %jit3A_107 : f32 to vector<16xf32>
          %max3A_110 = arith.maximumf %max3A_109, %sub3A_106 : vector<16xf32>
          %min3A_111 = vector.broadcast %jit3A_108 : f32 to vector<16xf32>
          %min3A_112 = arith.minimumf %min3A_111, %max3A_110 : vector<16xf32>
          %mul3A_113 = arith.constant 16 : i32
          %mul3A_114 = arith.muli %scan3A_42, %mul3A_113 : i32
          %swap3A_115 = arith.index_cast %and3A_15 : i32 to index
          %swap3A_116 = arith.index_cast %mul3A_114 : i32 to index
          %swap3A_117 = tpu.vector_load %arg13[%swap3A_115, %swap3A_116] {strides = array<i32>} : memref<2x3200xf32, #tpu.memory_space<vmem>>, vector<16xf32>,
          tpu.vector_store %arg13[%swap3A_115, %swap3A_116], %min3A_112 {strides = array<i32>} : memref<2x3200xf32, #tpu.memory_space<vmem>>, vector<16xf32>,
          %convert_element_type3A_118 = arith.sitofp %min3A_93 : vector<16xi32> to vector<16xf32>
          %sub3A_119 = arith.subf %mul3A_74, %convert_element_type3A_118 : vector<16xf32>
          %jit3A_120 = arith.constant 0.000000e+00 : f32
          %jit3A_121 = arith.constant 1.000000e+00 : f32
          %max3A_122 = vector.broadcast %jit3A_120 : f32 to vector<16xf32>
          %max3A_123 = arith.maximumf %max3A_122, %sub3A_119 : vector<16xf32>
          %min3A_124 = vector.broadcast %jit3A_121 : f32 to vector<16xf32>
          %min3A_125 = arith.minimumf %min3A_124, %max3A_123 : vector<16xf32>
          %mul3A_126 = arith.constant 16 : i32
          %mul3A_127 = arith.muli %scan3A_42, %mul3A_126 : i32
          %swap3A_128 = arith.index_cast %and3A_15 : i32 to index
          %swap3A_129 = arith.index_cast %mul3A_127 : i32 to index
          %swap3A_130 = tpu.vector_load %arg14[%swap3A_128, %swap3A_129] {strides = array<i32>} : memref<2x3200xf32, #tpu.memory_space<vmem>>, vector<16xf32>,
          tpu.vector_store %arg14[%swap3A_128, %swap3A_129], %min3A_125 {strides = array<i32>} : memref<2x3200xf32, #tpu.memory_space<vmem>>, vector<16xf32>,
          %mul3A_131 = arith.constant 16 : i32
          %mul3A_132 = arith.muli %scan3A_42, %mul3A_131 : i32
          %get3A_133 = arith.index_cast %and3A_15 : i32 to index
          %get3A_134 = arith.index_cast %mul3A_132 : i32 to index
          %get3A_135 = tpu.vector_load %arg11[%get3A_133, %get3A_134] {strides = array<i32>} : memref<2x3200xf32, #tpu.memory_space<vmem>>, vector<16xf32>,
          %mul3A_136 = arith.constant 16129 : i32
          %mul3A_137 = vector.broadcast %mul3A_136 : i32 to vector<16xi32>
          %mul3A_138 = arith.muli %min3A_79, %mul3A_137 : vector<16xi32>
          %mul3A_139 = arith.constant 127 : i32
          %mul3A_140 = vector.broadcast %mul3A_139 : i32 to vector<16xi32>
          %mul3A_141 = arith.muli %min3A_86, %mul3A_140 : vector<16xi32>
          %add3A_142 = arith.addi %mul3A_138, %mul3A_141 : vector<16xi32>
          %add3A_143 = arith.addi %add3A_142, %min3A_93 : vector<16xi32>
          %lt3A_144 = arith.constant 0.000000e+00 : f32
          %lt3A_145 = vector.broadcast %lt3A_144 : f32 to vector<16xf32>
          %lt3A_146 = arith.cmpf olt, %get3A_135, %lt3A_145 : vector<16xf32>
          %jit3A_147 = arith.constant 2048383 : i32
          %jit3A_148 = arith.constant 0 : i32
          %broadcast_in_dim3A = vector.broadcast %jit3A_147 : i32 to vector<16xi32>
          %broadcast_in_dim3A_149 = vector.broadcast %jit3A_148 : i32 to vector<16xi32>
          %select_n3A_150 = arith.select %lt3A_146, %broadcast_in_dim3A, %broadcast_in_dim3A_149 : vector<16xi1>, vector<16xi32>
          %add3A_151 = arith.addi %add3A_143, %select_n3A_150 : vector<16xi32>
          %mul3A_152 = arith.constant 16 : i32
          %mul3A_153 = arith.muli %scan3A_42, %mul3A_152 : i32
          %swap3A_154 = arith.index_cast %and3A_15 : i32 to index
          %swap3A_155 = arith.index_cast %mul3A_153 : i32 to index
          %swap3A_156 = tpu.vector_load %arg15[%swap3A_154, %swap3A_155] {strides = array<i32>} : memref<2x3200xi32, #tpu.memory_space<vmem>>, vector<16xi32>,
          tpu.vector_store %arg15[%swap3A_154, %swap3A_155], %add3A_151 {strides = array<i32>} : memref<2x3200xi32, #tpu.memory_space<vmem>>, vector<16xi32>,
        }
        %scan3A_30 = arith.constant 200 : i32
        %dma_start3A = arith.constant 0 : i32
        %dma_start3A_31 = arith.constant 0 : i32
        %dma_start3A_32 = tpu.memref_slice %arg16[%and3A_15, %dma_start3A, %dma_start3A_31] : memref<2x3200x8xf32, #tpu.memory_space<vmem>> -> memref<1x3200x8xf32, #tpu.memory_space<vmem>>
        %dma_start3A_33 = tpu.memref_squeeze %dma_start3A_32 : memref<1x3200x8xf32, #tpu.memory_space<vmem>> -> memref<3200x8xf32, #tpu.memory_space<vmem>>
        %dma_start3A_34 = arith.constant 0 : i32
        %dma_start3A_35 = tpu.memref_slice %arg15[%and3A_15, %dma_start3A_34] : memref<2x3200xi32, #tpu.memory_space<vmem>> -> memref<1x3200xi32, #tpu.memory_space<vmem>>
        %dma_start3A_36 = tpu.memref_squeeze %dma_start3A_35 : memref<1x3200xi32, #tpu.memory_space<vmem>> -> memref<3200xi32, #tpu.memory_space<vmem>>
        %dma_start3A_37 = arith.constant 0 : i32
        %dma_start3A_38 = arith.constant 0 : i32
        %dma_start3A_39 = tpu.memref_slice %arg6[%dma_start3A_37, %dma_start3A_38] : memref<4096766x8xf32, #tpu.memory_space<hbm>> -> memref<4096766x8xf32, #tpu.memory_space<hbm>>
        %dma_start3A_40 = tpu.memref_slice %arg18[%and3A_15] : memref<2x!tpu.dma_semaphore, #tpu.memory_space<semaphore_mem>> -> memref<1x!tpu.dma_semaphore, #tpu.memory_space<semaphore_mem>>
        %dma_start3A_41 = tpu.memref_squeeze %dma_start3A_40 : memref<1x!tpu.dma_semaphore, #tpu.memory_space<semaphore_mem>> -> memref<!tpu.dma_semaphore, #tpu.memory_space<semaphore_mem>>
        tpu.enqueue_indirect_dma source(%dma_start3A_39 : memref<4096766x8xf32, #tpu.memory_space<hbm>>) target(%dma_start3A_33 : memref<3200x8xf32, #tpu.memory_space<vmem>>) offsets(%dma_start3A_36 : memref<3200xi32, #tpu.memory_space<vmem>>) semaphore(%dma_start3A_41 : memref<!tpu.dma_semaphore, #tpu.memory_space<semaphore_mem>>)
      } else {
      }
      %gt3A = arith.constant 0 : i32
      %gt3A_17 = arith.cmpi sgt, %while3A_14, %gt3A : i32
      %convert_element_type3A_18 = arith.extui %gt3A_17 : i1 to i32
      %cond3A_19 = arith.constant 0 : i32
      %cond3A_20 = arith.cmpi ne, %convert_element_type3A_18, %cond3A_19 : i32
      scf.if %cond3A_20 {
        %sub3A = arith.constant 1 : i32
        %sub3A_21 = arith.subi %sub3A, %and3A_15 : i32
        %sub3A_22 = arith.constant 1 : i32
        %sub3A_23 = arith.subi %while3A_14, %sub3A_22 : i32
        %mul3A_24 = arith.constant 32 : i32
        %mul3A_25 = arith.muli %sub3A_23, %mul3A_24 : i32
        %add3A_26 = arith.addi %add3A, %mul3A_25 : i32
        %mul3A_27 = arith.constant 3200 : i32
        %mul3A_28 = arith.muli %add3A_26, %mul3A_27 : i32
        %dma_wait3A = arith.constant 0 : i32
        %dma_wait3A_29 = arith.constant 0 : i32
        %dma_wait3A_30 = tpu.memref_slice %arg16[%sub3A_21, %dma_wait3A, %dma_wait3A_29] : memref<2x3200x8xf32, #tpu.memory_space<vmem>> -> memref<1x3200x8xf32, #tpu.memory_space<vmem>>
        %dma_wait3A_31 = tpu.memref_squeeze %dma_wait3A_30 : memref<1x3200x8xf32, #tpu.memory_space<vmem>> -> memref<3200x8xf32, #tpu.memory_space<vmem>>
        %dma_wait3A_32 = arith.constant 0 : i32
        %dma_wait3A_33 = tpu.memref_slice %arg15[%sub3A_21, %dma_wait3A_32] : memref<2x3200xi32, #tpu.memory_space<vmem>> -> memref<1x3200xi32, #tpu.memory_space<vmem>>
        %dma_wait3A_34 = tpu.memref_squeeze %dma_wait3A_33 : memref<1x3200xi32, #tpu.memory_space<vmem>> -> memref<3200xi32, #tpu.memory_space<vmem>>
        %dma_wait3A_35 = arith.constant 0 : i32
        %dma_wait3A_36 = arith.constant 0 : i32
        %dma_wait3A_37 = tpu.memref_slice %arg6[%dma_wait3A_35, %dma_wait3A_36] : memref<4096766x8xf32, #tpu.memory_space<hbm>> -> memref<4096766x8xf32, #tpu.memory_space<hbm>>
        %dma_wait3A_38 = tpu.memref_slice %arg18[%sub3A_21] : memref<2x!tpu.dma_semaphore, #tpu.memory_space<semaphore_mem>> -> memref<1x!tpu.dma_semaphore, #tpu.memory_space<semaphore_mem>>
        %dma_wait3A_39 = tpu.memref_squeeze %dma_wait3A_38 : memref<1x!tpu.dma_semaphore, #tpu.memory_space<semaphore_mem>> -> memref<!tpu.dma_semaphore, #tpu.memory_space<semaphore_mem>>
        tpu.wait_indirect_dma semaphore(%dma_wait3A_39 : memref<!tpu.dma_semaphore, #tpu.memory_space<semaphore_mem>>) src(%dma_wait3A_37 : memref<4096766x8xf32, #tpu.memory_space<hbm>>) dst(%dma_wait3A_31 : memref<3200x8xf32, #tpu.memory_space<vmem>>)
        %scan3A = arith.constant 0 : i32
        %scan3A_40 = arith.constant 0 : i32
        %scan3A_41 = arith.constant 200 : i32
        %scan3A_42 = arith.addi %scan3A_40, %scan3A_41 : i32
        %scan3A_43 = arith.constant 1 : i32
        scf.for %scan3A_45 = %scan3A_40 to %scan3A_42 step %scan3A_43  : i32 {
          %mul3A_46 = arith.constant 16 : i32
          %mul3A_47 = arith.muli %scan3A_45, %mul3A_46 : i32
          %add3A_48 = vector.broadcast %mul3A_47 : i32 to vector<16xi32>
          %add3A_49 = arith.addi %iota3A, %add3A_48 : vector<16xi32>
          %broadcast_in_dim3A = arith.constant 0 : i32
          %broadcast_in_dim3A_50 = vector.broadcast %broadcast_in_dim3A : i32 to vector<16xi32>
          %gather3A = arith.constant 0 : i32
          %gather3A_51 = arith.constant 0 : i32
          %gather3A_52 = tpu.memref_slice %arg16[%sub3A_21, %gather3A, %gather3A_51] : memref<2x3200x8xf32, #tpu.memory_space<vmem>> -> memref<1x3200x8xf32, #tpu.memory_space<vmem>>
          %gather3A_53 = tpu.memref_squeeze %gather3A_52 : memref<1x3200x8xf32, #tpu.memory_space<vmem>> -> memref<3200x8xf32, #tpu.memory_space<vmem>>
          %gather3A_54 = tpu.vector_load_idx %gather3A_53[%add3A_49, %broadcast_in_dim3A_50] : memref<3200x8xf32, #tpu.memory_space<vmem>>[vector<16xi32>, vector<16xi32>], vector<16xf32>,
          %broadcast_in_dim3A_55 = arith.constant 1 : i32
          %broadcast_in_dim3A_56 = vector.broadcast %broadcast_in_dim3A_55 : i32 to vector<16xi32>
          %gather3A_57 = arith.constant 0 : i32
          %gather3A_58 = arith.constant 0 : i32
          %gather3A_59 = tpu.memref_slice %arg16[%sub3A_21, %gather3A_57, %gather3A_58] : memref<2x3200x8xf32, #tpu.memory_space<vmem>> -> memref<1x3200x8xf32, #tpu.memory_space<vmem>>
          %gather3A_60 = tpu.memref_squeeze %gather3A_59 : memref<1x3200x8xf32, #tpu.memory_space<vmem>> -> memref<3200x8xf32, #tpu.memory_space<vmem>>
          %gather3A_61 = tpu.vector_load_idx %gather3A_60[%add3A_49, %broadcast_in_dim3A_56] : memref<3200x8xf32, #tpu.memory_space<vmem>>[vector<16xi32>, vector<16xi32>], vector<16xf32>,
          %broadcast_in_dim3A_62 = arith.constant 2 : i32
          %broadcast_in_dim3A_63 = vector.broadcast %broadcast_in_dim3A_62 : i32 to vector<16xi32>
          %gather3A_64 = arith.constant 0 : i32
          %gather3A_65 = arith.constant 0 : i32
          %gather3A_66 = tpu.memref_slice %arg16[%sub3A_21, %gather3A_64, %gather3A_65] : memref<2x3200x8xf32, #tpu.memory_space<vmem>> -> memref<1x3200x8xf32, #tpu.memory_space<vmem>>
          %gather3A_67 = tpu.memref_squeeze %gather3A_66 : memref<1x3200x8xf32, #tpu.memory_space<vmem>> -> memref<3200x8xf32, #tpu.memory_space<vmem>>
          %gather3A_68 = tpu.vector_load_idx %gather3A_67[%add3A_49, %broadcast_in_dim3A_63] : memref<3200x8xf32, #tpu.memory_space<vmem>>[vector<16xi32>, vector<16xi32>], vector<16xf32>,
          %broadcast_in_dim3A_69 = arith.constant 3 : i32
          %broadcast_in_dim3A_70 = vector.broadcast %broadcast_in_dim3A_69 : i32 to vector<16xi32>
          %gather3A_71 = arith.constant 0 : i32
          %gather3A_72 = arith.constant 0 : i32
          %gather3A_73 = tpu.memref_slice %arg16[%sub3A_21, %gather3A_71, %gather3A_72] : memref<2x3200x8xf32, #tpu.memory_space<vmem>> -> memref<1x3200x8xf32, #tpu.memory_space<vmem>>
          %gather3A_74 = tpu.memref_squeeze %gather3A_73 : memref<1x3200x8xf32, #tpu.memory_space<vmem>> -> memref<3200x8xf32, #tpu.memory_space<vmem>>
          %gather3A_75 = tpu.vector_load_idx %gather3A_74[%add3A_49, %broadcast_in_dim3A_70] : memref<3200x8xf32, #tpu.memory_space<vmem>>[vector<16xi32>, vector<16xi32>], vector<16xf32>,
          %broadcast_in_dim3A_76 = arith.constant 4 : i32
          %broadcast_in_dim3A_77 = vector.broadcast %broadcast_in_dim3A_76 : i32 to vector<16xi32>
          %gather3A_78 = arith.constant 0 : i32
          %gather3A_79 = arith.constant 0 : i32
          %gather3A_80 = tpu.memref_slice %arg16[%sub3A_21, %gather3A_78, %gather3A_79] : memref<2x3200x8xf32, #tpu.memory_space<vmem>> -> memref<1x3200x8xf32, #tpu.memory_space<vmem>>
          %gather3A_81 = tpu.memref_squeeze %gather3A_80 : memref<1x3200x8xf32, #tpu.memory_space<vmem>> -> memref<3200x8xf32, #tpu.memory_space<vmem>>
          %gather3A_82 = tpu.vector_load_idx %gather3A_81[%add3A_49, %broadcast_in_dim3A_77] : memref<3200x8xf32, #tpu.memory_space<vmem>>[vector<16xi32>, vector<16xi32>], vector<16xf32>,
          %broadcast_in_dim3A_83 = arith.constant 5 : i32
          %broadcast_in_dim3A_84 = vector.broadcast %broadcast_in_dim3A_83 : i32 to vector<16xi32>
          %gather3A_85 = arith.constant 0 : i32
          %gather3A_86 = arith.constant 0 : i32
          %gather3A_87 = tpu.memref_slice %arg16[%sub3A_21, %gather3A_85, %gather3A_86] : memref<2x3200x8xf32, #tpu.memory_space<vmem>> -> memref<1x3200x8xf32, #tpu.memory_space<vmem>>
          %gather3A_88 = tpu.memref_squeeze %gather3A_87 : memref<1x3200x8xf32, #tpu.memory_space<vmem>> -> memref<3200x8xf32, #tpu.memory_space<vmem>>
          %gather3A_89 = tpu.vector_load_idx %gather3A_88[%add3A_49, %broadcast_in_dim3A_84] : memref<3200x8xf32, #tpu.memory_space<vmem>>[vector<16xi32>, vector<16xi32>], vector<16xf32>,
          %broadcast_in_dim3A_90 = arith.constant 6 : i32
          %broadcast_in_dim3A_91 = vector.broadcast %broadcast_in_dim3A_90 : i32 to vector<16xi32>
          %gather3A_92 = arith.constant 0 : i32
          %gather3A_93 = arith.constant 0 : i32
          %gather3A_94 = tpu.memref_slice %arg16[%sub3A_21, %gather3A_92, %gather3A_93] : memref<2x3200x8xf32, #tpu.memory_space<vmem>> -> memref<1x3200x8xf32, #tpu.memory_space<vmem>>
          %gather3A_95 = tpu.memref_squeeze %gather3A_94 : memref<1x3200x8xf32, #tpu.memory_space<vmem>> -> memref<3200x8xf32, #tpu.memory_space<vmem>>
          %gather3A_96 = tpu.vector_load_idx %gather3A_95[%add3A_49, %broadcast_in_dim3A_91] : memref<3200x8xf32, #tpu.memory_space<vmem>>[vector<16xi32>, vector<16xi32>], vector<16xf32>,
          %broadcast_in_dim3A_97 = arith.constant 7 : i32
          %broadcast_in_dim3A_98 = vector.broadcast %broadcast_in_dim3A_97 : i32 to vector<16xi32>
          %gather3A_99 = arith.constant 0 : i32
          %gather3A_100 = arith.constant 0 : i32
          %gather3A_101 = tpu.memref_slice %arg16[%sub3A_21, %gather3A_99, %gather3A_100] : memref<2x3200x8xf32, #tpu.memory_space<vmem>> -> memref<1x3200x8xf32, #tpu.memory_space<vmem>>
          %gather3A_102 = tpu.memref_squeeze %gather3A_101 : memref<1x3200x8xf32, #tpu.memory_space<vmem>> -> memref<3200x8xf32, #tpu.memory_space<vmem>>
          %gather3A_103 = tpu.vector_load_idx %gather3A_102[%add3A_49, %broadcast_in_dim3A_98] : memref<3200x8xf32, #tpu.memory_space<vmem>>[vector<16xi32>, vector<16xi32>], vector<16xf32>,
          %mul3A_104 = arith.constant 16 : i32
          %mul3A_105 = arith.muli %scan3A_45, %mul3A_104 : i32
          %get3A = arith.index_cast %sub3A_21 : i32 to index
          %get3A_106 = arith.index_cast %mul3A_105 : i32 to index
          %get3A_107 = tpu.vector_load %arg12[%get3A, %get3A_106] {strides = array<i32>} : memref<2x3200xf32, #tpu.memory_space<vmem>>, vector<16xf32>,
          %mul3A_108 = arith.constant 16 : i32
          %mul3A_109 = arith.muli %scan3A_45, %mul3A_108 : i32
          %get3A_110 = arith.index_cast %sub3A_21 : i32 to index
          %get3A_111 = arith.index_cast %mul3A_109 : i32 to index
          %get3A_112 = tpu.vector_load %arg13[%get3A_110, %get3A_111] {strides = array<i32>} : memref<2x3200xf32, #tpu.memory_space<vmem>>, vector<16xf32>,
          %mul3A_113 = arith.constant 16 : i32
          %mul3A_114 = arith.muli %scan3A_45, %mul3A_113 : i32
          %get3A_115 = arith.index_cast %sub3A_21 : i32 to index
          %get3A_116 = arith.index_cast %mul3A_114 : i32 to index
          %get3A_117 = tpu.vector_load %arg14[%get3A_115, %get3A_116] {strides = array<i32>} : memref<2x3200xf32, #tpu.memory_space<vmem>>, vector<16xf32>,
          %sub3A_118 = arith.constant 1.000000e+00 : f32
          %sub3A_119 = vector.broadcast %sub3A_118 : f32 to vector<16xf32>
          %sub3A_120 = arith.subf %sub3A_119, %get3A_107 : vector<16xf32>
          %mul3A_121 = arith.mulf %gather3A_54, %sub3A_120 : vector<16xf32>
          %mul3A_122 = arith.mulf %gather3A_82, %get3A_107 : vector<16xf32>
          %add3A_123 = arith.addf %mul3A_121, %mul3A_122 : vector<16xf32>
          %sub3A_124 = arith.constant 1.000000e+00 : f32
          %sub3A_125 = vector.broadcast %sub3A_124 : f32 to vector<16xf32>
          %sub3A_126 = arith.subf %sub3A_125, %get3A_107 : vector<16xf32>
          %mul3A_127 = arith.mulf %gather3A_61, %sub3A_126 : vector<16xf32>
          %mul3A_128 = arith.mulf %gather3A_89, %get3A_107 : vector<16xf32>
          %add3A_129 = arith.addf %mul3A_127, %mul3A_128 : vector<16xf32>
          %sub3A_130 = arith.constant 1.000000e+00 : f32
          %sub3A_131 = vector.broadcast %sub3A_130 : f32 to vector<16xf32>
          %sub3A_132 = arith.subf %sub3A_131, %get3A_107 : vector<16xf32>
          %mul3A_133 = arith.mulf %gather3A_68, %sub3A_132 : vector<16xf32>
          %mul3A_134 = arith.mulf %gather3A_96, %get3A_107 : vector<16xf32>
          %add3A_135 = arith.addf %mul3A_133, %mul3A_134 : vector<16xf32>
          %sub3A_136 = arith.constant 1.000000e+00 : f32
          %sub3A_137 = vector.broadcast %sub3A_136 : f32 to vector<16xf32>
          %sub3A_138 = arith.subf %sub3A_137, %get3A_107 : vector<16xf32>
          %mul3A_139 = arith.mulf %gather3A_75, %sub3A_138 : vector<16xf32>
          %mul3A_140 = arith.mulf %gather3A_103, %get3A_107 : vector<16xf32>
          %add3A_141 = arith.addf %mul3A_139, %mul3A_140 : vector<16xf32>
          %sub3A_142 = arith.constant 1.000000e+00 : f32
          %sub3A_143 = vector.broadcast %sub3A_142 : f32 to vector<16xf32>
          %sub3A_144 = arith.subf %sub3A_143, %get3A_112 : vector<16xf32>
          %mul3A_145 = arith.mulf %add3A_123, %sub3A_144 : vector<16xf32>
          %mul3A_146 = arith.mulf %add3A_135, %get3A_112 : vector<16xf32>
          %add3A_147 = arith.addf %mul3A_145, %mul3A_146 : vector<16xf32>
          %sub3A_148 = arith.constant 1.000000e+00 : f32
          %sub3A_149 = vector.broadcast %sub3A_148 : f32 to vector<16xf32>
          %sub3A_150 = arith.subf %sub3A_149, %get3A_112 : vector<16xf32>
          %mul3A_151 = arith.mulf %add3A_129, %sub3A_150 : vector<16xf32>
          %mul3A_152 = arith.mulf %add3A_141, %get3A_112 : vector<16xf32>
          %add3A_153 = arith.addf %mul3A_151, %mul3A_152 : vector<16xf32>
          %sub3A_154 = arith.constant 1.000000e+00 : f32
          %sub3A_155 = vector.broadcast %sub3A_154 : f32 to vector<16xf32>
          %sub3A_156 = arith.subf %sub3A_155, %get3A_117 : vector<16xf32>
          %mul3A_157 = arith.mulf %add3A_147, %sub3A_156 : vector<16xf32>
          %mul3A_158 = arith.mulf %add3A_153, %get3A_117 : vector<16xf32>
          %add3A_159 = arith.addf %mul3A_157, %mul3A_158 : vector<16xf32>
          %mul3A_160 = arith.constant 16 : i32
          %mul3A_161 = arith.muli %scan3A_45, %mul3A_160 : i32
          %swap3A = arith.index_cast %sub3A_21 : i32 to index
          %swap3A_162 = arith.index_cast %mul3A_161 : i32 to index
          %swap3A_163 = tpu.vector_load %arg17[%swap3A, %swap3A_162] {strides = array<i32>} : memref<2x3200xf32, #tpu.memory_space<vmem>>, vector<16xf32>,
          tpu.vector_store %arg17[%swap3A, %swap3A_162], %add3A_159 {strides = array<i32>} : memref<2x3200xf32, #tpu.memory_space<vmem>>, vector<16xf32>,
        }
        %scan3A_44 = arith.constant 200 : i32
        "tpu.region"() ({
          %run_scoped3A = tpu.sem_alloc : memref<!tpu.dma_semaphore, #tpu.memory_space<semaphore_mem>>
          %dma_start3A = arith.constant 0 : i32
          %dma_start3A_45 = tpu.memref_slice %arg17[%sub3A_21, %dma_start3A] : memref<2x3200xf32, #tpu.memory_space<vmem>> -> memref<1x3200xf32, #tpu.memory_space<vmem>>
          %dma_start3A_46 = tpu.memref_squeeze %dma_start3A_45 : memref<1x3200xf32, #tpu.memory_space<vmem>> -> memref<3200xf32, #tpu.memory_space<vmem>>
          %dma_start3A_47 = tpu.memref_slice %arg7[%mul3A_28] : memref<2000000xf32, #tpu.memory_space<hbm>> -> memref<3200xf32, #tpu.memory_space<hbm>>
          %dma_start3A_48 = tpu.memref_slice %arg7[%mul3A_28] : memref<2000000xf32, #tpu.memory_space<hbm>> -> memref<3200xf32, #tpu.memory_space<hbm>>
          %dma_start3A_49 = arith.constant 0 : i32
          %dma_start3A_50 = tpu.memref_slice %arg17[%sub3A_21, %dma_start3A_49] : memref<2x3200xf32, #tpu.memory_space<vmem>> -> memref<1x3200xf32, #tpu.memory_space<vmem>>
          %dma_start3A_51 = tpu.memref_squeeze %dma_start3A_50 : memref<1x3200xf32, #tpu.memory_space<vmem>> -> memref<3200xf32, #tpu.memory_space<vmem>>
          tpu.enqueue_dma source(%dma_start3A_51 : memref<3200xf32, #tpu.memory_space<vmem>>) target(%dma_start3A_48 : memref<3200xf32, #tpu.memory_space<hbm>>) target_semaphore(%run_scoped3A : memref<!tpu.dma_semaphore, #tpu.memory_space<semaphore_mem>>)
          %dma_wait3A_52 = arith.constant 0 : i32
          %dma_wait3A_53 = tpu.memref_slice %arg17[%sub3A_21, %dma_wait3A_52] : memref<2x3200xf32, #tpu.memory_space<vmem>> -> memref<1x3200xf32, #tpu.memory_space<vmem>>
          %dma_wait3A_54 = tpu.memref_squeeze %dma_wait3A_53 : memref<1x3200xf32, #tpu.memory_space<vmem>> -> memref<3200xf32, #tpu.memory_space<vmem>>
          %dma_wait3A_55 = tpu.memref_slice %arg7[%mul3A_28] : memref<2000000xf32, #tpu.memory_space<hbm>> -> memref<3200xf32, #tpu.memory_space<hbm>>
          %dma_wait3A_56 = tpu.memref_slice %arg7[%mul3A_28] : memref<2000000xf32, #tpu.memory_space<hbm>> -> memref<3200xf32, #tpu.memory_space<hbm>>
          %dma_wait3A_57 = arith.constant 0 : i32
          %dma_wait3A_58 = tpu.memref_slice %arg17[%sub3A_21, %dma_wait3A_57] : memref<2x3200xf32, #tpu.memory_space<vmem>> -> memref<1x3200xf32, #tpu.memory_space<vmem>>
          %dma_wait3A_59 = tpu.memref_squeeze %dma_wait3A_58 : memref<1x3200xf32, #tpu.memory_space<vmem>> -> memref<3200xf32, #tpu.memory_space<vmem>>
          tpu.wait_dma2 semaphore(%run_scoped3A : memref<!tpu.dma_semaphore, #tpu.memory_space<semaphore_mem>>) src(%dma_wait3A_59 : memref<3200xf32, #tpu.memory_space<vmem>>) dst(%dma_wait3A_56 : memref<3200xf32, #tpu.memory_space<hbm>>)
          tpu.yield
        }) : () -> ()
      } else {
      }
    }
    %while3A_13 = arith.constant 1 : i32
    scf.for %while3A_14 = %while3A_11 to %while3A_7 step %while3A_13  : i32 {
      %and3A = arith.constant 1 : i32
      %and3A_15 = arith.andi %while3A_14, %and3A : i32
      %lt3A = arith.cmpi slt, %while3A_14, %select_n3A : i32
      %convert_element_type3A = arith.extui %lt3A : i1 to i32
      %cond3A = arith.constant 0 : i32
      %cond3A_16 = arith.cmpi ne, %convert_element_type3A, %cond3A : i32
      scf.if %cond3A_16 {
        %mul3A_21 = arith.constant 32 : i32
        %mul3A_22 = arith.muli %while3A_14, %mul3A_21 : i32
        %add3A_23 = arith.addi %add3A, %mul3A_22 : i32
        %mul3A_24 = arith.constant 3200 : i32
        %mul3A_25 = arith.muli %add3A_23, %mul3A_24 : i32
        "tpu.region"() ({
          %run_scoped3A = tpu.sem_alloc : memref<!tpu.dma_semaphore, #tpu.memory_space<semaphore_mem>>
          %dma_start3A_42 = arith.constant 0 : i32
          %dma_start3A_43 = tpu.memref_slice %arg8[%and3A_15, %dma_start3A_42] : memref<2x3200xf32, #tpu.memory_space<vmem>> -> memref<1x3200xf32, #tpu.memory_space<vmem>>
          %dma_start3A_44 = tpu.memref_squeeze %dma_start3A_43 : memref<1x3200xf32, #tpu.memory_space<vmem>> -> memref<3200xf32, #tpu.memory_space<vmem>>
          %dma_start3A_45 = tpu.memref_slice %arg2[%mul3A_25] : memref<2000000xf32, #tpu.memory_space<hbm>> -> memref<3200xf32, #tpu.memory_space<hbm>>
          %dma_start3A_46 = arith.constant 0 : i32
          %dma_start3A_47 = tpu.memref_slice %arg8[%and3A_15, %dma_start3A_46] : memref<2x3200xf32, #tpu.memory_space<vmem>> -> memref<1x3200xf32, #tpu.memory_space<vmem>>
          %dma_start3A_48 = tpu.memref_squeeze %dma_start3A_47 : memref<1x3200xf32, #tpu.memory_space<vmem>> -> memref<3200xf32, #tpu.memory_space<vmem>>
          %dma_start3A_49 = tpu.memref_slice %arg2[%mul3A_25] : memref<2000000xf32, #tpu.memory_space<hbm>> -> memref<3200xf32, #tpu.memory_space<hbm>>
          tpu.enqueue_dma source(%dma_start3A_49 : memref<3200xf32, #tpu.memory_space<hbm>>) target(%dma_start3A_48 : memref<3200xf32, #tpu.memory_space<vmem>>) target_semaphore(%run_scoped3A : memref<!tpu.dma_semaphore, #tpu.memory_space<semaphore_mem>>)
          %dma_wait3A = arith.constant 0 : i32
          %dma_wait3A_50 = tpu.memref_slice %arg8[%and3A_15, %dma_wait3A] : memref<2x3200xf32, #tpu.memory_space<vmem>> -> memref<1x3200xf32, #tpu.memory_space<vmem>>
          %dma_wait3A_51 = tpu.memref_squeeze %dma_wait3A_50 : memref<1x3200xf32, #tpu.memory_space<vmem>> -> memref<3200xf32, #tpu.memory_space<vmem>>
          %dma_wait3A_52 = tpu.memref_slice %arg2[%mul3A_25] : memref<2000000xf32, #tpu.memory_space<hbm>> -> memref<3200xf32, #tpu.memory_space<hbm>>
          %dma_wait3A_53 = arith.constant 0 : i32
          %dma_wait3A_54 = tpu.memref_slice %arg8[%and3A_15, %dma_wait3A_53] : memref<2x3200xf32, #tpu.memory_space<vmem>> -> memref<1x3200xf32, #tpu.memory_space<vmem>>
          %dma_wait3A_55 = tpu.memref_squeeze %dma_wait3A_54 : memref<1x3200xf32, #tpu.memory_space<vmem>> -> memref<3200xf32, #tpu.memory_space<vmem>>
          %dma_wait3A_56 = tpu.memref_slice %arg2[%mul3A_25] : memref<2000000xf32, #tpu.memory_space<hbm>> -> memref<3200xf32, #tpu.memory_space<hbm>>
          tpu.wait_dma2 semaphore(%run_scoped3A : memref<!tpu.dma_semaphore, #tpu.memory_space<semaphore_mem>>) src(%dma_wait3A_56 : memref<3200xf32, #tpu.memory_space<hbm>>) dst(%dma_wait3A_55 : memref<3200xf32, #tpu.memory_space<vmem>>)
          tpu.yield
        }) : () -> ()
        "tpu.region"() ({
          %run_scoped3A = tpu.sem_alloc : memref<!tpu.dma_semaphore, #tpu.memory_space<semaphore_mem>>
          %dma_start3A_42 = arith.constant 0 : i32
          %dma_start3A_43 = tpu.memref_slice %arg9[%and3A_15, %dma_start3A_42] : memref<2x3200xf32, #tpu.memory_space<vmem>> -> memref<1x3200xf32, #tpu.memory_space<vmem>>
          %dma_start3A_44 = tpu.memref_squeeze %dma_start3A_43 : memref<1x3200xf32, #tpu.memory_space<vmem>> -> memref<3200xf32, #tpu.memory_space<vmem>>
          %dma_start3A_45 = tpu.memref_slice %arg3[%mul3A_25] : memref<2000000xf32, #tpu.memory_space<hbm>> -> memref<3200xf32, #tpu.memory_space<hbm>>
          %dma_start3A_46 = arith.constant 0 : i32
          %dma_start3A_47 = tpu.memref_slice %arg9[%and3A_15, %dma_start3A_46] : memref<2x3200xf32, #tpu.memory_space<vmem>> -> memref<1x3200xf32, #tpu.memory_space<vmem>>
          %dma_start3A_48 = tpu.memref_squeeze %dma_start3A_47 : memref<1x3200xf32, #tpu.memory_space<vmem>> -> memref<3200xf32, #tpu.memory_space<vmem>>
          %dma_start3A_49 = tpu.memref_slice %arg3[%mul3A_25] : memref<2000000xf32, #tpu.memory_space<hbm>> -> memref<3200xf32, #tpu.memory_space<hbm>>
          tpu.enqueue_dma source(%dma_start3A_49 : memref<3200xf32, #tpu.memory_space<hbm>>) target(%dma_start3A_48 : memref<3200xf32, #tpu.memory_space<vmem>>) target_semaphore(%run_scoped3A : memref<!tpu.dma_semaphore, #tpu.memory_space<semaphore_mem>>)
          %dma_wait3A = arith.constant 0 : i32
          %dma_wait3A_50 = tpu.memref_slice %arg9[%and3A_15, %dma_wait3A] : memref<2x3200xf32, #tpu.memory_space<vmem>> -> memref<1x3200xf32, #tpu.memory_space<vmem>>
          %dma_wait3A_51 = tpu.memref_squeeze %dma_wait3A_50 : memref<1x3200xf32, #tpu.memory_space<vmem>> -> memref<3200xf32, #tpu.memory_space<vmem>>
          %dma_wait3A_52 = tpu.memref_slice %arg3[%mul3A_25] : memref<2000000xf32, #tpu.memory_space<hbm>> -> memref<3200xf32, #tpu.memory_space<hbm>>
          %dma_wait3A_53 = arith.constant 0 : i32
          %dma_wait3A_54 = tpu.memref_slice %arg9[%and3A_15, %dma_wait3A_53] : memref<2x3200xf32, #tpu.memory_space<vmem>> -> memref<1x3200xf32, #tpu.memory_space<vmem>>
          %dma_wait3A_55 = tpu.memref_squeeze %dma_wait3A_54 : memref<1x3200xf32, #tpu.memory_space<vmem>> -> memref<3200xf32, #tpu.memory_space<vmem>>
          %dma_wait3A_56 = tpu.memref_slice %arg3[%mul3A_25] : memref<2000000xf32, #tpu.memory_space<hbm>> -> memref<3200xf32, #tpu.memory_space<hbm>>
          tpu.wait_dma2 semaphore(%run_scoped3A : memref<!tpu.dma_semaphore, #tpu.memory_space<semaphore_mem>>) src(%dma_wait3A_56 : memref<3200xf32, #tpu.memory_space<hbm>>) dst(%dma_wait3A_55 : memref<3200xf32, #tpu.memory_space<vmem>>)
          tpu.yield
        }) : () -> ()
        "tpu.region"() ({
          %run_scoped3A = tpu.sem_alloc : memref<!tpu.dma_semaphore, #tpu.memory_space<semaphore_mem>>
          %dma_start3A_42 = arith.constant 0 : i32
          %dma_start3A_43 = tpu.memref_slice %arg10[%and3A_15, %dma_start3A_42] : memref<2x3200xf32, #tpu.memory_space<vmem>> -> memref<1x3200xf32, #tpu.memory_space<vmem>>
          %dma_start3A_44 = tpu.memref_squeeze %dma_start3A_43 : memref<1x3200xf32, #tpu.memory_space<vmem>> -> memref<3200xf32, #tpu.memory_space<vmem>>
          %dma_start3A_45 = tpu.memref_slice %arg4[%mul3A_25] : memref<2000000xf32, #tpu.memory_space<hbm>> -> memref<3200xf32, #tpu.memory_space<hbm>>
          %dma_start3A_46 = arith.constant 0 : i32
          %dma_start3A_47 = tpu.memref_slice %arg10[%and3A_15, %dma_start3A_46] : memref<2x3200xf32, #tpu.memory_space<vmem>> -> memref<1x3200xf32, #tpu.memory_space<vmem>>
          %dma_start3A_48 = tpu.memref_squeeze %dma_start3A_47 : memref<1x3200xf32, #tpu.memory_space<vmem>> -> memref<3200xf32, #tpu.memory_space<vmem>>
          %dma_start3A_49 = tpu.memref_slice %arg4[%mul3A_25] : memref<2000000xf32, #tpu.memory_space<hbm>> -> memref<3200xf32, #tpu.memory_space<hbm>>
          tpu.enqueue_dma source(%dma_start3A_49 : memref<3200xf32, #tpu.memory_space<hbm>>) target(%dma_start3A_48 : memref<3200xf32, #tpu.memory_space<vmem>>) target_semaphore(%run_scoped3A : memref<!tpu.dma_semaphore, #tpu.memory_space<semaphore_mem>>)
          %dma_wait3A = arith.constant 0 : i32
          %dma_wait3A_50 = tpu.memref_slice %arg10[%and3A_15, %dma_wait3A] : memref<2x3200xf32, #tpu.memory_space<vmem>> -> memref<1x3200xf32, #tpu.memory_space<vmem>>
          %dma_wait3A_51 = tpu.memref_squeeze %dma_wait3A_50 : memref<1x3200xf32, #tpu.memory_space<vmem>> -> memref<3200xf32, #tpu.memory_space<vmem>>
          %dma_wait3A_52 = tpu.memref_slice %arg4[%mul3A_25] : memref<2000000xf32, #tpu.memory_space<hbm>> -> memref<3200xf32, #tpu.memory_space<hbm>>
          %dma_wait3A_53 = arith.constant 0 : i32
          %dma_wait3A_54 = tpu.memref_slice %arg10[%and3A_15, %dma_wait3A_53] : memref<2x3200xf32, #tpu.memory_space<vmem>> -> memref<1x3200xf32, #tpu.memory_space<vmem>>
          %dma_wait3A_55 = tpu.memref_squeeze %dma_wait3A_54 : memref<1x3200xf32, #tpu.memory_space<vmem>> -> memref<3200xf32, #tpu.memory_space<vmem>>
          %dma_wait3A_56 = tpu.memref_slice %arg4[%mul3A_25] : memref<2000000xf32, #tpu.memory_space<hbm>> -> memref<3200xf32, #tpu.memory_space<hbm>>
          tpu.wait_dma2 semaphore(%run_scoped3A : memref<!tpu.dma_semaphore, #tpu.memory_space<semaphore_mem>>) src(%dma_wait3A_56 : memref<3200xf32, #tpu.memory_space<hbm>>) dst(%dma_wait3A_55 : memref<3200xf32, #tpu.memory_space<vmem>>)
          tpu.yield
        }) : () -> ()
        "tpu.region"() ({
          %run_scoped3A = tpu.sem_alloc : memref<!tpu.dma_semaphore, #tpu.memory_space<semaphore_mem>>
          %dma_start3A_42 = arith.constant 0 : i32
          %dma_start3A_43 = tpu.memref_slice %arg11[%and3A_15, %dma_start3A_42] : memref<2x3200xf32, #tpu.memory_space<vmem>> -> memref<1x3200xf32, #tpu.memory_space<vmem>>
          %dma_start3A_44 = tpu.memref_squeeze %dma_start3A_43 : memref<1x3200xf32, #tpu.memory_space<vmem>> -> memref<3200xf32, #tpu.memory_space<vmem>>
          %dma_start3A_45 = tpu.memref_slice %arg5[%mul3A_25] : memref<2000000xf32, #tpu.memory_space<hbm>> -> memref<3200xf32, #tpu.memory_space<hbm>>
          %dma_start3A_46 = arith.constant 0 : i32
          %dma_start3A_47 = tpu.memref_slice %arg11[%and3A_15, %dma_start3A_46] : memref<2x3200xf32, #tpu.memory_space<vmem>> -> memref<1x3200xf32, #tpu.memory_space<vmem>>
          %dma_start3A_48 = tpu.memref_squeeze %dma_start3A_47 : memref<1x3200xf32, #tpu.memory_space<vmem>> -> memref<3200xf32, #tpu.memory_space<vmem>>
          %dma_start3A_49 = tpu.memref_slice %arg5[%mul3A_25] : memref<2000000xf32, #tpu.memory_space<hbm>> -> memref<3200xf32, #tpu.memory_space<hbm>>
          tpu.enqueue_dma source(%dma_start3A_49 : memref<3200xf32, #tpu.memory_space<hbm>>) target(%dma_start3A_48 : memref<3200xf32, #tpu.memory_space<vmem>>) target_semaphore(%run_scoped3A : memref<!tpu.dma_semaphore, #tpu.memory_space<semaphore_mem>>)
          %dma_wait3A = arith.constant 0 : i32
          %dma_wait3A_50 = tpu.memref_slice %arg11[%and3A_15, %dma_wait3A] : memref<2x3200xf32, #tpu.memory_space<vmem>> -> memref<1x3200xf32, #tpu.memory_space<vmem>>
          %dma_wait3A_51 = tpu.memref_squeeze %dma_wait3A_50 : memref<1x3200xf32, #tpu.memory_space<vmem>> -> memref<3200xf32, #tpu.memory_space<vmem>>
          %dma_wait3A_52 = tpu.memref_slice %arg5[%mul3A_25] : memref<2000000xf32, #tpu.memory_space<hbm>> -> memref<3200xf32, #tpu.memory_space<hbm>>
          %dma_wait3A_53 = arith.constant 0 : i32
          %dma_wait3A_54 = tpu.memref_slice %arg11[%and3A_15, %dma_wait3A_53] : memref<2x3200xf32, #tpu.memory_space<vmem>> -> memref<1x3200xf32, #tpu.memory_space<vmem>>
          %dma_wait3A_55 = tpu.memref_squeeze %dma_wait3A_54 : memref<1x3200xf32, #tpu.memory_space<vmem>> -> memref<3200xf32, #tpu.memory_space<vmem>>
          %dma_wait3A_56 = tpu.memref_slice %arg5[%mul3A_25] : memref<2000000xf32, #tpu.memory_space<hbm>> -> memref<3200xf32, #tpu.memory_space<hbm>>
          tpu.wait_dma2 semaphore(%run_scoped3A : memref<!tpu.dma_semaphore, #tpu.memory_space<semaphore_mem>>) src(%dma_wait3A_56 : memref<3200xf32, #tpu.memory_space<hbm>>) dst(%dma_wait3A_55 : memref<3200xf32, #tpu.memory_space<vmem>>)
          tpu.yield
        }) : () -> ()
        %scan3A = arith.constant 0 : i32
        %scan3A_26 = arith.constant 0 : i32
        %scan3A_27 = arith.constant 200 : i32
        %scan3A_28 = arith.addi %scan3A_26, %scan3A_27 : i32
        %scan3A_29 = arith.constant 1 : i32
        scf.for %scan3A_42 = %scan3A_26 to %scan3A_28 step %scan3A_29  : i32 {
          %mul3A_43 = arith.constant 16 : i32
          %mul3A_44 = arith.muli %scan3A_42, %mul3A_43 : i32
          %get3A = arith.index_cast %and3A_15 : i32 to index
          %get3A_45 = arith.index_cast %mul3A_44 : i32 to index
          %get3A_46 = tpu.vector_load %arg8[%get3A, %get3A_45] {strides = array<i32>} : memref<2x3200xf32, #tpu.memory_space<vmem>>, vector<16xf32>,
          %mul3A_47 = arith.constant 16 : i32
          %mul3A_48 = arith.muli %scan3A_42, %mul3A_47 : i32
          %get3A_49 = arith.index_cast %and3A_15 : i32 to index
          %get3A_50 = arith.index_cast %mul3A_48 : i32 to index
          %get3A_51 = tpu.vector_load %arg9[%get3A_49, %get3A_50] {strides = array<i32>} : memref<2x3200xf32, #tpu.memory_space<vmem>>, vector<16xf32>,
          %mul3A_52 = arith.constant 16 : i32
          %mul3A_53 = arith.muli %scan3A_42, %mul3A_52 : i32
          %get3A_54 = arith.index_cast %and3A_15 : i32 to index
          %get3A_55 = arith.index_cast %mul3A_53 : i32 to index
          %get3A_56 = tpu.vector_load %arg10[%get3A_54, %get3A_55] {strides = array<i32>} : memref<2x3200xf32, #tpu.memory_space<vmem>>, vector<16xf32>,
          %add3A_57 = arith.constant 1.000000e+00 : f32
          %add3A_58 = vector.broadcast %add3A_57 : f32 to vector<16xf32>
          %add3A_59 = arith.addf %get3A_46, %add3A_58 : vector<16xf32>
          %mul3A_60 = arith.constant 6.350000e+01 : f32
          %mul3A_61 = vector.broadcast %mul3A_60 : f32 to vector<16xf32>
          %mul3A_62 = arith.mulf %add3A_59, %mul3A_61 : vector<16xf32>
          %add3A_63 = arith.constant 1.000000e+00 : f32
          %add3A_64 = vector.broadcast %add3A_63 : f32 to vector<16xf32>
          %add3A_65 = arith.addf %get3A_51, %add3A_64 : vector<16xf32>
          %mul3A_66 = arith.constant 6.350000e+01 : f32
          %mul3A_67 = vector.broadcast %mul3A_66 : f32 to vector<16xf32>
          %mul3A_68 = arith.mulf %add3A_65, %mul3A_67 : vector<16xf32>
          %add3A_69 = arith.constant 1.000000e+00 : f32
          %add3A_70 = vector.broadcast %add3A_69 : f32 to vector<16xf32>
          %add3A_71 = arith.addf %get3A_56, %add3A_70 : vector<16xf32>
          %mul3A_72 = arith.constant 6.350000e+01 : f32
          %mul3A_73 = vector.broadcast %mul3A_72 : f32 to vector<16xf32>
          %mul3A_74 = arith.mulf %add3A_71, %mul3A_73 : vector<16xf32>
          %convert_element_type3A_75 = arith.fptosi %mul3A_62 : vector<16xf32> to vector<16xi32>
          %jit3A_76 = arith.constant 0 : i32
          %jit3A_77 = arith.constant 126 : i32
          %max3A = vector.broadcast %jit3A_76 : i32 to vector<16xi32>
          %max3A_78 = arith.maxsi %max3A, %convert_element_type3A_75 : vector<16xi32>
          %min3A = vector.broadcast %jit3A_77 : i32 to vector<16xi32>
          %min3A_79 = arith.minsi %min3A, %max3A_78 : vector<16xi32>
          %convert_element_type3A_80 = arith.fptosi %mul3A_68 : vector<16xf32> to vector<16xi32>
          %jit3A_81 = arith.constant 0 : i32
          %jit3A_82 = arith.constant 126 : i32
          %max3A_83 = vector.broadcast %jit3A_81 : i32 to vector<16xi32>
          %max3A_84 = arith.maxsi %max3A_83, %convert_element_type3A_80 : vector<16xi32>
          %min3A_85 = vector.broadcast %jit3A_82 : i32 to vector<16xi32>
          %min3A_86 = arith.minsi %min3A_85, %max3A_84 : vector<16xi32>
          %convert_element_type3A_87 = arith.fptosi %mul3A_74 : vector<16xf32> to vector<16xi32>
          %jit3A_88 = arith.constant 0 : i32
          %jit3A_89 = arith.constant 126 : i32
          %max3A_90 = vector.broadcast %jit3A_88 : i32 to vector<16xi32>
          %max3A_91 = arith.maxsi %max3A_90, %convert_element_type3A_87 : vector<16xi32>
          %min3A_92 = vector.broadcast %jit3A_89 : i32 to vector<16xi32>
          %min3A_93 = arith.minsi %min3A_92, %max3A_91 : vector<16xi32>
          %convert_element_type3A_94 = arith.sitofp %min3A_79 : vector<16xi32> to vector<16xf32>
          %sub3A = arith.subf %mul3A_62, %convert_element_type3A_94 : vector<16xf32>
          %jit3A_95 = arith.constant 0.000000e+00 : f32
          %jit3A_96 = arith.constant 1.000000e+00 : f32
          %max3A_97 = vector.broadcast %jit3A_95 : f32 to vector<16xf32>
          %max3A_98 = arith.maximumf %max3A_97, %sub3A : vector<16xf32>
          %min3A_99 = vector.broadcast %jit3A_96 : f32 to vector<16xf32>
          %min3A_100 = arith.minimumf %min3A_99, %max3A_98 : vector<16xf32>
          %mul3A_101 = arith.constant 16 : i32
          %mul3A_102 = arith.muli %scan3A_42, %mul3A_101 : i32
          %swap3A = arith.index_cast %and3A_15 : i32 to index
          %swap3A_103 = arith.index_cast %mul3A_102 : i32 to index
          %swap3A_104 = tpu.vector_load %arg12[%swap3A, %swap3A_103] {strides = array<i32>} : memref<2x3200xf32, #tpu.memory_space<vmem>>, vector<16xf32>,
          tpu.vector_store %arg12[%swap3A, %swap3A_103], %min3A_100 {strides = array<i32>} : memref<2x3200xf32, #tpu.memory_space<vmem>>, vector<16xf32>,
          %convert_element_type3A_105 = arith.sitofp %min3A_86 : vector<16xi32> to vector<16xf32>
          %sub3A_106 = arith.subf %mul3A_68, %convert_element_type3A_105 : vector<16xf32>
          %jit3A_107 = arith.constant 0.000000e+00 : f32
          %jit3A_108 = arith.constant 1.000000e+00 : f32
          %max3A_109 = vector.broadcast %jit3A_107 : f32 to vector<16xf32>
          %max3A_110 = arith.maximumf %max3A_109, %sub3A_106 : vector<16xf32>
          %min3A_111 = vector.broadcast %jit3A_108 : f32 to vector<16xf32>
          %min3A_112 = arith.minimumf %min3A_111, %max3A_110 : vector<16xf32>
          %mul3A_113 = arith.constant 16 : i32
          %mul3A_114 = arith.muli %scan3A_42, %mul3A_113 : i32
          %swap3A_115 = arith.index_cast %and3A_15 : i32 to index
          %swap3A_116 = arith.index_cast %mul3A_114 : i32 to index
          %swap3A_117 = tpu.vector_load %arg13[%swap3A_115, %swap3A_116] {strides = array<i32>} : memref<2x3200xf32, #tpu.memory_space<vmem>>, vector<16xf32>,
          tpu.vector_store %arg13[%swap3A_115, %swap3A_116], %min3A_112 {strides = array<i32>} : memref<2x3200xf32, #tpu.memory_space<vmem>>, vector<16xf32>,
          %convert_element_type3A_118 = arith.sitofp %min3A_93 : vector<16xi32> to vector<16xf32>
          %sub3A_119 = arith.subf %mul3A_74, %convert_element_type3A_118 : vector<16xf32>
          %jit3A_120 = arith.constant 0.000000e+00 : f32
          %jit3A_121 = arith.constant 1.000000e+00 : f32
          %max3A_122 = vector.broadcast %jit3A_120 : f32 to vector<16xf32>
          %max3A_123 = arith.maximumf %max3A_122, %sub3A_119 : vector<16xf32>
          %min3A_124 = vector.broadcast %jit3A_121 : f32 to vector<16xf32>
          %min3A_125 = arith.minimumf %min3A_124, %max3A_123 : vector<16xf32>
          %mul3A_126 = arith.constant 16 : i32
          %mul3A_127 = arith.muli %scan3A_42, %mul3A_126 : i32
          %swap3A_128 = arith.index_cast %and3A_15 : i32 to index
          %swap3A_129 = arith.index_cast %mul3A_127 : i32 to index
          %swap3A_130 = tpu.vector_load %arg14[%swap3A_128, %swap3A_129] {strides = array<i32>} : memref<2x3200xf32, #tpu.memory_space<vmem>>, vector<16xf32>,
          tpu.vector_store %arg14[%swap3A_128, %swap3A_129], %min3A_125 {strides = array<i32>} : memref<2x3200xf32, #tpu.memory_space<vmem>>, vector<16xf32>,
          %mul3A_131 = arith.constant 16 : i32
          %mul3A_132 = arith.muli %scan3A_42, %mul3A_131 : i32
          %get3A_133 = arith.index_cast %and3A_15 : i32 to index
          %get3A_134 = arith.index_cast %mul3A_132 : i32 to index
          %get3A_135 = tpu.vector_load %arg11[%get3A_133, %get3A_134] {strides = array<i32>} : memref<2x3200xf32, #tpu.memory_space<vmem>>, vector<16xf32>,
          %mul3A_136 = arith.constant 16129 : i32
          %mul3A_137 = vector.broadcast %mul3A_136 : i32 to vector<16xi32>
          %mul3A_138 = arith.muli %min3A_79, %mul3A_137 : vector<16xi32>
          %mul3A_139 = arith.constant 127 : i32
          %mul3A_140 = vector.broadcast %mul3A_139 : i32 to vector<16xi32>
          %mul3A_141 = arith.muli %min3A_86, %mul3A_140 : vector<16xi32>
          %add3A_142 = arith.addi %mul3A_138, %mul3A_141 : vector<16xi32>
          %add3A_143 = arith.addi %add3A_142, %min3A_93 : vector<16xi32>
          %lt3A_144 = arith.constant 0.000000e+00 : f32
          %lt3A_145 = vector.broadcast %lt3A_144 : f32 to vector<16xf32>
          %lt3A_146 = arith.cmpf olt, %get3A_135, %lt3A_145 : vector<16xf32>
          %jit3A_147 = arith.constant 2048383 : i32
          %jit3A_148 = arith.constant 0 : i32
          %broadcast_in_dim3A = vector.broadcast %jit3A_147 : i32 to vector<16xi32>
          %broadcast_in_dim3A_149 = vector.broadcast %jit3A_148 : i32 to vector<16xi32>
          %select_n3A_150 = arith.select %lt3A_146, %broadcast_in_dim3A, %broadcast_in_dim3A_149 : vector<16xi1>, vector<16xi32>
          %add3A_151 = arith.addi %add3A_143, %select_n3A_150 : vector<16xi32>
          %mul3A_152 = arith.constant 16 : i32
          %mul3A_153 = arith.muli %scan3A_42, %mul3A_152 : i32
          %swap3A_154 = arith.index_cast %and3A_15 : i32 to index
          %swap3A_155 = arith.index_cast %mul3A_153 : i32 to index
          %swap3A_156 = tpu.vector_load %arg15[%swap3A_154, %swap3A_155] {strides = array<i32>} : memref<2x3200xi32, #tpu.memory_space<vmem>>, vector<16xi32>,
          tpu.vector_store %arg15[%swap3A_154, %swap3A_155], %add3A_151 {strides = array<i32>} : memref<2x3200xi32, #tpu.memory_space<vmem>>, vector<16xi32>,
        }
        %scan3A_30 = arith.constant 200 : i32
        %dma_start3A = arith.constant 0 : i32
        %dma_start3A_31 = arith.constant 0 : i32
        %dma_start3A_32 = tpu.memref_slice %arg16[%and3A_15, %dma_start3A, %dma_start3A_31] : memref<2x3200x8xf32, #tpu.memory_space<vmem>> -> memref<1x3200x8xf32, #tpu.memory_space<vmem>>
        %dma_start3A_33 = tpu.memref_squeeze %dma_start3A_32 : memref<1x3200x8xf32, #tpu.memory_space<vmem>> -> memref<3200x8xf32, #tpu.memory_space<vmem>>
        %dma_start3A_34 = arith.constant 0 : i32
        %dma_start3A_35 = tpu.memref_slice %arg15[%and3A_15, %dma_start3A_34] : memref<2x3200xi32, #tpu.memory_space<vmem>> -> memref<1x3200xi32, #tpu.memory_space<vmem>>
        %dma_start3A_36 = tpu.memref_squeeze %dma_start3A_35 : memref<1x3200xi32, #tpu.memory_space<vmem>> -> memref<3200xi32, #tpu.memory_space<vmem>>
        %dma_start3A_37 = arith.constant 0 : i32
        %dma_start3A_38 = arith.constant 0 : i32
        %dma_start3A_39 = tpu.memref_slice %arg6[%dma_start3A_37, %dma_start3A_38] : memref<4096766x8xf32, #tpu.memory_space<hbm>> -> memref<4096766x8xf32, #tpu.memory_space<hbm>>
        %dma_start3A_40 = tpu.memref_slice %arg18[%and3A_15] : memref<2x!tpu.dma_semaphore, #tpu.memory_space<semaphore_mem>> -> memref<1x!tpu.dma_semaphore, #tpu.memory_space<semaphore_mem>>
        %dma_start3A_41 = tpu.memref_squeeze %dma_start3A_40 : memref<1x!tpu.dma_semaphore, #tpu.memory_space<semaphore_mem>> -> memref<!tpu.dma_semaphore, #tpu.memory_space<semaphore_mem>>
        tpu.enqueue_indirect_dma source(%dma_start3A_39 : memref<4096766x8xf32, #tpu.memory_space<hbm>>) target(%dma_start3A_33 : memref<3200x8xf32, #tpu.memory_space<vmem>>) offsets(%dma_start3A_36 : memref<3200xi32, #tpu.memory_space<vmem>>) semaphore(%dma_start3A_41 : memref<!tpu.dma_semaphore, #tpu.memory_space<semaphore_mem>>)
      } else {
      }
      %gt3A = arith.constant 0 : i32
      %gt3A_17 = arith.cmpi sgt, %while3A_14, %gt3A : i32
      %convert_element_type3A_18 = arith.extui %gt3A_17 : i1 to i32
      %cond3A_19 = arith.constant 0 : i32
      %cond3A_20 = arith.cmpi ne, %convert_element_type3A_18, %cond3A_19 : i32
      scf.if %cond3A_20 {
        %sub3A = arith.constant 1 : i32
        %sub3A_21 = arith.subi %sub3A, %and3A_15 : i32
        %sub3A_22 = arith.constant 1 : i32
        %sub3A_23 = arith.subi %while3A_14, %sub3A_22 : i32
        %mul3A_24 = arith.constant 32 : i32
        %mul3A_25 = arith.muli %sub3A_23, %mul3A_24 : i32
        %add3A_26 = arith.addi %add3A, %mul3A_25 : i32
        %mul3A_27 = arith.constant 3200 : i32
        %mul3A_28 = arith.muli %add3A_26, %mul3A_27 : i32
        %dma_wait3A = arith.constant 0 : i32
        %dma_wait3A_29 = arith.constant 0 : i32
        %dma_wait3A_30 = tpu.memref_slice %arg16[%sub3A_21, %dma_wait3A, %dma_wait3A_29] : memref<2x3200x8xf32, #tpu.memory_space<vmem>> -> memref<1x3200x8xf32, #tpu.memory_space<vmem>>
        %dma_wait3A_31 = tpu.memref_squeeze %dma_wait3A_30 : memref<1x3200x8xf32, #tpu.memory_space<vmem>> -> memref<3200x8xf32, #tpu.memory_space<vmem>>
        %dma_wait3A_32 = arith.constant 0 : i32
        %dma_wait3A_33 = tpu.memref_slice %arg15[%sub3A_21, %dma_wait3A_32] : memref<2x3200xi32, #tpu.memory_space<vmem>> -> memref<1x3200xi32, #tpu.memory_space<vmem>>
        %dma_wait3A_34 = tpu.memref_squeeze %dma_wait3A_33 : memref<1x3200xi32, #tpu.memory_space<vmem>> -> memref<3200xi32, #tpu.memory_space<vmem>>
        %dma_wait3A_35 = arith.constant 0 : i32
        %dma_wait3A_36 = arith.constant 0 : i32
        %dma_wait3A_37 = tpu.memref_slice %arg6[%dma_wait3A_35, %dma_wait3A_36] : memref<4096766x8xf32, #tpu.memory_space<hbm>> -> memref<4096766x8xf32, #tpu.memory_space<hbm>>
        %dma_wait3A_38 = tpu.memref_slice %arg18[%sub3A_21] : memref<2x!tpu.dma_semaphore, #tpu.memory_space<semaphore_mem>> -> memref<1x!tpu.dma_semaphore, #tpu.memory_space<semaphore_mem>>
        %dma_wait3A_39 = tpu.memref_squeeze %dma_wait3A_38 : memref<1x!tpu.dma_semaphore, #tpu.memory_space<semaphore_mem>> -> memref<!tpu.dma_semaphore, #tpu.memory_space<semaphore_mem>>
        tpu.wait_indirect_dma semaphore(%dma_wait3A_39 : memref<!tpu.dma_semaphore, #tpu.memory_space<semaphore_mem>>) src(%dma_wait3A_37 : memref<4096766x8xf32, #tpu.memory_space<hbm>>) dst(%dma_wait3A_31 : memref<3200x8xf32, #tpu.memory_space<vmem>>)
        %scan3A = arith.constant 0 : i32
        %scan3A_40 = arith.constant 0 : i32
        %scan3A_41 = arith.constant 200 : i32
        %scan3A_42 = arith.addi %scan3A_40, %scan3A_41 : i32
        %scan3A_43 = arith.constant 1 : i32
        scf.for %scan3A_45 = %scan3A_40 to %scan3A_42 step %scan3A_43  : i32 {
          %mul3A_46 = arith.constant 16 : i32
          %mul3A_47 = arith.muli %scan3A_45, %mul3A_46 : i32
          %add3A_48 = vector.broadcast %mul3A_47 : i32 to vector<16xi32>
          %add3A_49 = arith.addi %iota3A, %add3A_48 : vector<16xi32>
          %broadcast_in_dim3A = arith.constant 0 : i32
          %broadcast_in_dim3A_50 = vector.broadcast %broadcast_in_dim3A : i32 to vector<16xi32>
          %gather3A = arith.constant 0 : i32
          %gather3A_51 = arith.constant 0 : i32
          %gather3A_52 = tpu.memref_slice %arg16[%sub3A_21, %gather3A, %gather3A_51] : memref<2x3200x8xf32, #tpu.memory_space<vmem>> -> memref<1x3200x8xf32, #tpu.memory_space<vmem>>
          %gather3A_53 = tpu.memref_squeeze %gather3A_52 : memref<1x3200x8xf32, #tpu.memory_space<vmem>> -> memref<3200x8xf32, #tpu.memory_space<vmem>>
          %gather3A_54 = tpu.vector_load_idx %gather3A_53[%add3A_49, %broadcast_in_dim3A_50] : memref<3200x8xf32, #tpu.memory_space<vmem>>[vector<16xi32>, vector<16xi32>], vector<16xf32>,
          %broadcast_in_dim3A_55 = arith.constant 1 : i32
          %broadcast_in_dim3A_56 = vector.broadcast %broadcast_in_dim3A_55 : i32 to vector<16xi32>
          %gather3A_57 = arith.constant 0 : i32
          %gather3A_58 = arith.constant 0 : i32
          %gather3A_59 = tpu.memref_slice %arg16[%sub3A_21, %gather3A_57, %gather3A_58] : memref<2x3200x8xf32, #tpu.memory_space<vmem>> -> memref<1x3200x8xf32, #tpu.memory_space<vmem>>
          %gather3A_60 = tpu.memref_squeeze %gather3A_59 : memref<1x3200x8xf32, #tpu.memory_space<vmem>> -> memref<3200x8xf32, #tpu.memory_space<vmem>>
          %gather3A_61 = tpu.vector_load_idx %gather3A_60[%add3A_49, %broadcast_in_dim3A_56] : memref<3200x8xf32, #tpu.memory_space<vmem>>[vector<16xi32>, vector<16xi32>], vector<16xf32>,
          %broadcast_in_dim3A_62 = arith.constant 2 : i32
          %broadcast_in_dim3A_63 = vector.broadcast %broadcast_in_dim3A_62 : i32 to vector<16xi32>
          %gather3A_64 = arith.constant 0 : i32
          %gather3A_65 = arith.constant 0 : i32
          %gather3A_66 = tpu.memref_slice %arg16[%sub3A_21, %gather3A_64, %gather3A_65] : memref<2x3200x8xf32, #tpu.memory_space<vmem>> -> memref<1x3200x8xf32, #tpu.memory_space<vmem>>
          %gather3A_67 = tpu.memref_squeeze %gather3A_66 : memref<1x3200x8xf32, #tpu.memory_space<vmem>> -> memref<3200x8xf32, #tpu.memory_space<vmem>>
          %gather3A_68 = tpu.vector_load_idx %gather3A_67[%add3A_49, %broadcast_in_dim3A_63] : memref<3200x8xf32, #tpu.memory_space<vmem>>[vector<16xi32>, vector<16xi32>], vector<16xf32>,
          %broadcast_in_dim3A_69 = arith.constant 3 : i32
          %broadcast_in_dim3A_70 = vector.broadcast %broadcast_in_dim3A_69 : i32 to vector<16xi32>
          %gather3A_71 = arith.constant 0 : i32
          %gather3A_72 = arith.constant 0 : i32
          %gather3A_73 = tpu.memref_slice %arg16[%sub3A_21, %gather3A_71, %gather3A_72] : memref<2x3200x8xf32, #tpu.memory_space<vmem>> -> memref<1x3200x8xf32, #tpu.memory_space<vmem>>
          %gather3A_74 = tpu.memref_squeeze %gather3A_73 : memref<1x3200x8xf32, #tpu.memory_space<vmem>> -> memref<3200x8xf32, #tpu.memory_space<vmem>>
          %gather3A_75 = tpu.vector_load_idx %gather3A_74[%add3A_49, %broadcast_in_dim3A_70] : memref<3200x8xf32, #tpu.memory_space<vmem>>[vector<16xi32>, vector<16xi32>], vector<16xf32>,
          %broadcast_in_dim3A_76 = arith.constant 4 : i32
          %broadcast_in_dim3A_77 = vector.broadcast %broadcast_in_dim3A_76 : i32 to vector<16xi32>
          %gather3A_78 = arith.constant 0 : i32
          %gather3A_79 = arith.constant 0 : i32
          %gather3A_80 = tpu.memref_slice %arg16[%sub3A_21, %gather3A_78, %gather3A_79] : memref<2x3200x8xf32, #tpu.memory_space<vmem>> -> memref<1x3200x8xf32, #tpu.memory_space<vmem>>
          %gather3A_81 = tpu.memref_squeeze %gather3A_80 : memref<1x3200x8xf32, #tpu.memory_space<vmem>> -> memref<3200x8xf32, #tpu.memory_space<vmem>>
          %gather3A_82 = tpu.vector_load_idx %gather3A_81[%add3A_49, %broadcast_in_dim3A_77] : memref<3200x8xf32, #tpu.memory_space<vmem>>[vector<16xi32>, vector<16xi32>], vector<16xf32>,
          %broadcast_in_dim3A_83 = arith.constant 5 : i32
          %broadcast_in_dim3A_84 = vector.broadcast %broadcast_in_dim3A_83 : i32 to vector<16xi32>
          %gather3A_85 = arith.constant 0 : i32
          %gather3A_86 = arith.constant 0 : i32
          %gather3A_87 = tpu.memref_slice %arg16[%sub3A_21, %gather3A_85, %gather3A_86] : memref<2x3200x8xf32, #tpu.memory_space<vmem>> -> memref<1x3200x8xf32, #tpu.memory_space<vmem>>
          %gather3A_88 = tpu.memref_squeeze %gather3A_87 : memref<1x3200x8xf32, #tpu.memory_space<vmem>> -> memref<3200x8xf32, #tpu.memory_space<vmem>>
          %gather3A_89 = tpu.vector_load_idx %gather3A_88[%add3A_49, %broadcast_in_dim3A_84] : memref<3200x8xf32, #tpu.memory_space<vmem>>[vector<16xi32>, vector<16xi32>], vector<16xf32>,
          %broadcast_in_dim3A_90 = arith.constant 6 : i32
          %broadcast_in_dim3A_91 = vector.broadcast %broadcast_in_dim3A_90 : i32 to vector<16xi32>
          %gather3A_92 = arith.constant 0 : i32
          %gather3A_93 = arith.constant 0 : i32
          %gather3A_94 = tpu.memref_slice %arg16[%sub3A_21, %gather3A_92, %gather3A_93] : memref<2x3200x8xf32, #tpu.memory_space<vmem>> -> memref<1x3200x8xf32, #tpu.memory_space<vmem>>
          %gather3A_95 = tpu.memref_squeeze %gather3A_94 : memref<1x3200x8xf32, #tpu.memory_space<vmem>> -> memref<3200x8xf32, #tpu.memory_space<vmem>>
          %gather3A_96 = tpu.vector_load_idx %gather3A_95[%add3A_49, %broadcast_in_dim3A_91] : memref<3200x8xf32, #tpu.memory_space<vmem>>[vector<16xi32>, vector<16xi32>], vector<16xf32>,
          %broadcast_in_dim3A_97 = arith.constant 7 : i32
          %broadcast_in_dim3A_98 = vector.broadcast %broadcast_in_dim3A_97 : i32 to vector<16xi32>
          %gather3A_99 = arith.constant 0 : i32
          %gather3A_100 = arith.constant 0 : i32
          %gather3A_101 = tpu.memref_slice %arg16[%sub3A_21, %gather3A_99, %gather3A_100] : memref<2x3200x8xf32, #tpu.memory_space<vmem>> -> memref<1x3200x8xf32, #tpu.memory_space<vmem>>
          %gather3A_102 = tpu.memref_squeeze %gather3A_101 : memref<1x3200x8xf32, #tpu.memory_space<vmem>> -> memref<3200x8xf32, #tpu.memory_space<vmem>>
          %gather3A_103 = tpu.vector_load_idx %gather3A_102[%add3A_49, %broadcast_in_dim3A_98] : memref<3200x8xf32, #tpu.memory_space<vmem>>[vector<16xi32>, vector<16xi32>], vector<16xf32>,
          %mul3A_104 = arith.constant 16 : i32
          %mul3A_105 = arith.muli %scan3A_45, %mul3A_104 : i32
          %get3A = arith.index_cast %sub3A_21 : i32 to index
          %get3A_106 = arith.index_cast %mul3A_105 : i32 to index
          %get3A_107 = tpu.vector_load %arg12[%get3A, %get3A_106] {strides = array<i32>} : memref<2x3200xf32, #tpu.memory_space<vmem>>, vector<16xf32>,
          %mul3A_108 = arith.constant 16 : i32
          %mul3A_109 = arith.muli %scan3A_45, %mul3A_108 : i32
          %get3A_110 = arith.index_cast %sub3A_21 : i32 to index
          %get3A_111 = arith.index_cast %mul3A_109 : i32 to index
          %get3A_112 = tpu.vector_load %arg13[%get3A_110, %get3A_111] {strides = array<i32>} : memref<2x3200xf32, #tpu.memory_space<vmem>>, vector<16xf32>,
          %mul3A_113 = arith.constant 16 : i32
          %mul3A_114 = arith.muli %scan3A_45, %mul3A_113 : i32
          %get3A_115 = arith.index_cast %sub3A_21 : i32 to index
          %get3A_116 = arith.index_cast %mul3A_114 : i32 to index
          %get3A_117 = tpu.vector_load %arg14[%get3A_115, %get3A_116] {strides = array<i32>} : memref<2x3200xf32, #tpu.memory_space<vmem>>, vector<16xf32>,
          %sub3A_118 = arith.constant 1.000000e+00 : f32
          %sub3A_119 = vector.broadcast %sub3A_118 : f32 to vector<16xf32>
          %sub3A_120 = arith.subf %sub3A_119, %get3A_107 : vector<16xf32>
          %mul3A_121 = arith.mulf %gather3A_54, %sub3A_120 : vector<16xf32>
          %mul3A_122 = arith.mulf %gather3A_82, %get3A_107 : vector<16xf32>
          %add3A_123 = arith.addf %mul3A_121, %mul3A_122 : vector<16xf32>
          %sub3A_124 = arith.constant 1.000000e+00 : f32
          %sub3A_125 = vector.broadcast %sub3A_124 : f32 to vector<16xf32>
          %sub3A_126 = arith.subf %sub3A_125, %get3A_107 : vector<16xf32>
          %mul3A_127 = arith.mulf %gather3A_61, %sub3A_126 : vector<16xf32>
          %mul3A_128 = arith.mulf %gather3A_89, %get3A_107 : vector<16xf32>
          %add3A_129 = arith.addf %mul3A_127, %mul3A_128 : vector<16xf32>
          %sub3A_130 = arith.constant 1.000000e+00 : f32
          %sub3A_131 = vector.broadcast %sub3A_130 : f32 to vector<16xf32>
          %sub3A_132 = arith.subf %sub3A_131, %get3A_107 : vector<16xf32>
          %mul3A_133 = arith.mulf %gather3A_68, %sub3A_132 : vector<16xf32>
          %mul3A_134 = arith.mulf %gather3A_96, %get3A_107 : vector<16xf32>
          %add3A_135 = arith.addf %mul3A_133, %mul3A_134 : vector<16xf32>
          %sub3A_136 = arith.constant 1.000000e+00 : f32
          %sub3A_137 = vector.broadcast %sub3A_136 : f32 to vector<16xf32>
          %sub3A_138 = arith.subf %sub3A_137, %get3A_107 : vector<16xf32>
          %mul3A_139 = arith.mulf %gather3A_75, %sub3A_138 : vector<16xf32>
          %mul3A_140 = arith.mulf %gather3A_103, %get3A_107 : vector<16xf32>
          %add3A_141 = arith.addf %mul3A_139, %mul3A_140 : vector<16xf32>
          %sub3A_142 = arith.constant 1.000000e+00 : f32
          %sub3A_143 = vector.broadcast %sub3A_142 : f32 to vector<16xf32>
          %sub3A_144 = arith.subf %sub3A_143, %get3A_112 : vector<16xf32>
          %mul3A_145 = arith.mulf %add3A_123, %sub3A_144 : vector<16xf32>
          %mul3A_146 = arith.mulf %add3A_135, %get3A_112 : vector<16xf32>
          %add3A_147 = arith.addf %mul3A_145, %mul3A_146 : vector<16xf32>
          %sub3A_148 = arith.constant 1.000000e+00 : f32
          %sub3A_149 = vector.broadcast %sub3A_148 : f32 to vector<16xf32>
          %sub3A_150 = arith.subf %sub3A_149, %get3A_112 : vector<16xf32>
          %mul3A_151 = arith.mulf %add3A_129, %sub3A_150 : vector<16xf32>
          %mul3A_152 = arith.mulf %add3A_141, %get3A_112 : vector<16xf32>
          %add3A_153 = arith.addf %mul3A_151, %mul3A_152 : vector<16xf32>
          %sub3A_154 = arith.constant 1.000000e+00 : f32
          %sub3A_155 = vector.broadcast %sub3A_154 : f32 to vector<16xf32>
          %sub3A_156 = arith.subf %sub3A_155, %get3A_117 : vector<16xf32>
          %mul3A_157 = arith.mulf %add3A_147, %sub3A_156 : vector<16xf32>
          %mul3A_158 = arith.mulf %add3A_153, %get3A_117 : vector<16xf32>
          %add3A_159 = arith.addf %mul3A_157, %mul3A_158 : vector<16xf32>
          %mul3A_160 = arith.constant 16 : i32
          %mul3A_161 = arith.muli %scan3A_45, %mul3A_160 : i32
          %swap3A = arith.index_cast %sub3A_21 : i32 to index
          %swap3A_162 = arith.index_cast %mul3A_161 : i32 to index
          %swap3A_163 = tpu.vector_load %arg17[%swap3A, %swap3A_162] {strides = array<i32>} : memref<2x3200xf32, #tpu.memory_space<vmem>>, vector<16xf32>,
          tpu.vector_store %arg17[%swap3A, %swap3A_162], %add3A_159 {strides = array<i32>} : memref<2x3200xf32, #tpu.memory_space<vmem>>, vector<16xf32>,
        }
        %scan3A_44 = arith.constant 200 : i32
        "tpu.region"() ({
          %run_scoped3A = tpu.sem_alloc : memref<!tpu.dma_semaphore, #tpu.memory_space<semaphore_mem>>
          %dma_start3A = arith.constant 0 : i32
          %dma_start3A_45 = tpu.memref_slice %arg17[%sub3A_21, %dma_start3A] : memref<2x3200xf32, #tpu.memory_space<vmem>> -> memref<1x3200xf32, #tpu.memory_space<vmem>>
          %dma_start3A_46 = tpu.memref_squeeze %dma_start3A_45 : memref<1x3200xf32, #tpu.memory_space<vmem>> -> memref<3200xf32, #tpu.memory_space<vmem>>
          %dma_start3A_47 = tpu.memref_slice %arg7[%mul3A_28] : memref<2000000xf32, #tpu.memory_space<hbm>> -> memref<3200xf32, #tpu.memory_space<hbm>>
          %dma_start3A_48 = tpu.memref_slice %arg7[%mul3A_28] : memref<2000000xf32, #tpu.memory_space<hbm>> -> memref<3200xf32, #tpu.memory_space<hbm>>
          %dma_start3A_49 = arith.constant 0 : i32
          %dma_start3A_50 = tpu.memref_slice %arg17[%sub3A_21, %dma_start3A_49] : memref<2x3200xf32, #tpu.memory_space<vmem>> -> memref<1x3200xf32, #tpu.memory_space<vmem>>
          %dma_start3A_51 = tpu.memref_squeeze %dma_start3A_50 : memref<1x3200xf32, #tpu.memory_space<vmem>> -> memref<3200xf32, #tpu.memory_space<vmem>>
          tpu.enqueue_dma source(%dma_start3A_51 : memref<3200xf32, #tpu.memory_space<vmem>>) target(%dma_start3A_48 : memref<3200xf32, #tpu.memory_space<hbm>>) target_semaphore(%run_scoped3A : memref<!tpu.dma_semaphore, #tpu.memory_space<semaphore_mem>>)
          %dma_wait3A_52 = arith.constant 0 : i32
          %dma_wait3A_53 = tpu.memref_slice %arg17[%sub3A_21, %dma_wait3A_52] : memref<2x3200xf32, #tpu.memory_space<vmem>> -> memref<1x3200xf32, #tpu.memory_space<vmem>>
          %dma_wait3A_54 = tpu.memref_squeeze %dma_wait3A_53 : memref<1x3200xf32, #tpu.memory_space<vmem>> -> memref<3200xf32, #tpu.memory_space<vmem>>
          %dma_wait3A_55 = tpu.memref_slice %arg7[%mul3A_28] : memref<2000000xf32, #tpu.memory_space<hbm>> -> memref<3200xf32, #tpu.memory_space<hbm>>
          %dma_wait3A_56 = tpu.memref_slice %arg7[%mul3A_28] : memref<2000000xf32, #tpu.memory_space<hbm>> -> memref<3200xf32, #tpu.memory_space<hbm>>
          %dma_wait3A_57 = arith.constant 0 : i32
          %dma_wait3A_58 = tpu.memref_slice %arg17[%sub3A_21, %dma_wait3A_57] : memref<2x3200xf32, #tpu.memory_space<vmem>> -> memref<1x3200xf32, #tpu.memory_space<vmem>>
          %dma_wait3A_59 = tpu.memref_squeeze %dma_wait3A_58 : memref<1x3200xf32, #tpu.memory_space<vmem>> -> memref<3200xf32, #tpu.memory_space<vmem>>
          tpu.wait_dma2 semaphore(%run_scoped3A : memref<!tpu.dma_semaphore, #tpu.memory_space<semaphore_mem>>) src(%dma_wait3A_59 : memref<3200xf32, #tpu.memory_space<vmem>>) dst(%dma_wait3A_56 : memref<3200xf32, #tpu.memory_space<hbm>>)
          tpu.yield
        }) : () -> ()
      } else {
      }
    }
    return
  }
}

</mosaic_0001>

<sc_bundles>
// kernel: kernel.4.cloned.1.call-start
scs
__scs_entry_jumppad:
0x0: {  	(pc) =	sbr.rel $0x88, $3  }
0x1: {  	(tag) =	ssettag $0x0;
	lr =	simm.s32 $0x1  }
0x2: {  	[smem:$0x3F9D] =	sst lr;
	_ =	strace $0xD0000000  }
0x3: {  	_ = 	snop  }
0x4: {  	_ = 	snop  }
0x5: {  	_ = 	snop  }
0x6: {  	_ = 	snop  }
0x7: {  	_ = 	snop  }
__scs_overlays_trampoline_lowered:
0x8: {  	[smem:$0x3FAC] =	sst s0  }
0x9: {  	[smem:$0x3FAD] =	sst s1  }
0xa: {  	[smem:$0x3FAE] =	sst s2  }
0xb: {  	[smem:$0x3FAF] =	sst s3  }
0xc: {  	[smem:$0x3FB0] =	sst s4  }
0xd: {  	[smem:$0x3FB1] =	sst s5  }
0xe: {  	[smem:$0x3FB2] =	sst s6  }
0xf: {  	[smem:$0x3FB3] =	sst s7  }
0x10: {  	[smem:$0x3FB4] =	sst s8  }
0x11: {  	[smem:$0x3FB5] =	sst s9;
	s0 =	simm.s32 @!p0 $0x0  }
0x12: {  	s1 =	sld [smem:$0x3F9B];
	s0 =	simm.s32 @p0 $0x1  }
0x13: {  	[smem:$0x3FB6] =	sst s0;
	s0 =	simm.s32 @!p1 $0x0  }
0x14: {  	s2 =	sld [smem:$0x3F9A];
	s0 =	simm.s32 @p1 $0x1  }
0x15: {  	[smem:$0x3FB7] =	sst s0;
	s0 =	simm.s32 @!p2 $0x0  }
0x16: {  	s3 =	sld [smem:$0x3FDB];
	s0 =	simm.s32 @p2 $0x1  }
0x17: {  	s4 =	simm.s32 $0x1BF5;
	[smem:$0x3FB9] =	sst s0  }
0x18: {  	s0 =	sld [smem:$0x3F9C];
	_ =	swait.ge [sflag:s4], $0x0  }
0x19: {  	s7 =	sld [smem:$0x3F9D]  }
0x1a: {  	s8 =	sadd.s32 $0xFFFFE003, lr  }
0x1b: {  	s9 =	sadd.s32 $0xFFFFFEF7, lr;
	s5 =	simm.s32 $0xFFFFFFFF;
	p2 =	slt.u32 s8, $0xFFFFF086  }
0x1c: {  	p1 =	slt.u32 s9, $0xF7A;
	s5 =	simm.s32 @!p2 $0x0  }
0x1d: {  	s5 =	simm.s32 @p1 $0x1;
	p0 =	seq.s32 s7, s2  }
0x1e: {  	s7 =	smul.u32 @!p0 $0xF7A, s2;
	p2 =	seq.s32 @!p0 s5, $0x0  }
0x1f: {  	s9 =	smul.u32 $0xF7A, s1;
	s8 =	simm.s32 @!p0 $0x1BF5;
	p2 =	por !p2, p0  }
0x20: {  	[sflag:s8] =	ssyncset.s32 @!p0 $0xFFFFF086;
	s6 =	sadd.s32 @!p0 s3, s7;
	s7 =	simm.s32 @!p0 $0x108  }
0x21: {  	s3 =	sadd.s32 s3, s9;
	s6 =	sadd.s32 @!p0 $0x88, s6;
	s7 =	simm.s32 @p2 $0x1082  }
0x22: {  	[simem:s7], [sflag:s8] =	dma.local @!p0 [hbm:s6], $0xF7A  }
0x23: {  	s9 =	sor.u32 $0xD0000000, s2;
	s6 =	simm.s32 $0x108;
	_ =	swait.ge @!p0 [sflag:s8], $0x0  }
0x24: {  	s3 =	sadd.s32 $0x88, s3;
	s6 =	simm.s32 @!p1 $0x1082;
	[sflag:s4] =	ssyncset.s32 $0xFFFFF086  }
0x25: {  	[simem:s6], [sflag:s4] =	dma.local [hbm:s3], $0xF7A  }
0x26: {  	[smem:$0x3F9D] =	sst s1;
	(tag) =	ssettag s2;
	_ =	strace s9  }
0x27: {  	s1 =	sld [smem:$0x3FAD]  }
0x28: {  	s2 =	sld [smem:$0x3FAE]  }
0x29: {  	s4 =	sld [smem:$0x3FB0]  }
0x2a: {  	p0 =	seq.s32 s5, $0x0;
	s5 =	sld [smem:$0x3FB1]  }
0x2b: {  	s6 =	sld [smem:$0x3FB2]  }
0x2c: {  	s7 =	sld [smem:$0x3FB3]  }
0x2d: {  	s3 =	simm.s32 $0x108;
	s8 =	sld [smem:$0x3FB4]  }
0x2e: {  	s3 =	simm.s32 @!p0 $0x1082;
	s9 =	sld [smem:$0x3FB5]  }
0x2f: {  	lr =	sadd.s32 s0, s3;
	s0 =	sld [smem:$0x3FAC]  }
0x30: {  	s3 =	sld [smem:$0x3FAF]  }
0x31: {  	[smem:$0x3FB8] =	sst s10  }
0x32: {  	s10 =	sld [smem:$0x3FB6];
	_ =	sdelay $0x3  }
0x33: {  	p0 =	seq.s32 s10, $0x1;
	s10 =	sld [smem:$0x3FB8];
	_ =	sdelay $0x3  }
0x34: {  	[smem:$0x3FB8] =	sst s10  }
0x35: {  	s10 =	sld [smem:$0x3FB7];
	_ =	sdelay $0x3  }
0x36: {  	p1 =	seq.s32 s10, $0x1;
	s10 =	sld [smem:$0x3FB8];
	_ =	sdelay $0x3  }
0x37: {  	[smem:$0x3FB8] =	sst s10  }
0x38: {  	s10 =	sld [smem:$0x3FB9]  }
0x39: {  	_ = 	snop;
	(pc) =	sbr.ind lr, $3  }
0x3a: {  	_ = 	snop  }
0x3b: {  	_ = 	snop  }
0x3c: {  	p2 =	seq.s32 s10, $0x1;
	s10 =	sld [smem:$0x3FB8]  }
0x3d: {  	_ =	shalt  }
0x3e: {  	_ =	shalt  }
0x3f: {  	_ =	shalt  }
0x40: {  	_ =	shalt  }
0x41: {  	_ =	shalt  }
0x42: {  	_ =	shalt  }
0x43: {  	_ =	shalt  }
0x44: {  	_ =	shalt  }
0x45: {  	_ =	shalt  }
0x46: {  	_ =	shalt  }
0x47: {  	_ =	shalt  }
0x48: {  	_ =	shalt  }
0x49: {  	_ =	shalt  }
0x4a: {  	_ =	shalt  }
0x4b: {  	_ =	shalt  }
0x4c: {  	_ =	shalt  }
0x4d: {  	_ =	shalt  }
0x4e: {  	_ =	shalt  }
0x4f: {  	_ =	shalt  }
0x50: {  	_ =	shalt  }
0x51: {  	_ =	shalt  }
0x52: {  	_ =	shalt  }
0x53: {  	_ =	shalt  }
0x54: {  	_ =	shalt  }
0x55: {  	_ =	shalt  }
0x56: {  	_ =	shalt  }
0x57: {  	_ =	shalt  }
0x58: {  	_ =	shalt  }
0x59: {  	_ =	shalt  }
0x5a: {  	_ =	shalt  }
0x5b: {  	_ =	shalt  }
0x5c: {  	_ =	shalt  }
0x5d: {  	_ =	shalt  }
0x5e: {  	_ =	shalt  }
0x5f: {  	_ =	shalt  }
0x60: {  	_ =	shalt  }
0x61: {  	_ =	shalt  }
0x62: {  	_ =	shalt  }
0x63: {  	_ =	shalt  }
0x64: {  	_ =	shalt  }
0x65: {  	_ =	shalt  }
0x66: {  	_ =	shalt  }
0x67: {  	_ =	shalt  }
0x68: {  	_ =	shalt  }
0x69: {  	_ =	shalt  }
0x6a: {  	_ =	shalt  }
0x6b: {  	_ =	shalt  }
0x6c: {  	_ =	shalt  }
0x6d: {  	_ =	shalt  }
0x6e: {  	_ =	shalt  }
0x6f: {  	_ =	shalt  }
0x70: {  	_ =	shalt  }
0x71: {  	_ =	shalt  }
0x72: {  	_ =	shalt  }
0x73: {  	_ =	shalt  }
0x74: {  	_ =	shalt  }
0x75: {  	_ =	shalt  }
0x76: {  	_ =	shalt  }
0x77: {  	_ =	shalt  }
0x78: {  	_ =	shalt  }
0x79: {  	_ =	shalt  }
0x7a: {  	_ =	shalt  }
0x7b: {  	_ =	shalt  }
0x7c: {  	_ =	shalt  }
0x7d: {  	_ =	shalt  }
0x7e: {  	_ =	shalt  }
0x7f: {  	_ =	shalt  }
0x80: {  	_ =	shalt  }
0x81: {  	_ =	shalt  }
0x82: {  	_ =	shalt  }
0x83: {  	_ =	shalt  }
0x84: {  	_ =	shalt  }
0x85: {  	_ =	shalt  }
0x86: {  	_ =	shalt  }
0x87: {  	_ =	shalt  }
.Lfunc_end0:
.L_simem_size_0:
called_computation_lowered:
.L_overlay_start_0:
0x88: {  	s2 =	sld [smem:$0x3FD9]  }
0x89: {  	s3 =	sld [smem:$0x3FFE];
	_ =	sdelay $0x1  }
0x8a: {  	s1 =	srdreg.scid  }
0x8b: {  	s0 =	sand.u32 $0x1, s1  }
0x8c: {  	s17 =	sshll.u32 s0, $0xA;
	s2 =	sadd.s32 s3, s2  }
0x8d: {  	s2 =	sadd.s32 s2, s17  }
0x8e: {  	[smem:$0x3FC4] =	sst s2  }
0x8f: {  	_ = 	snop  }
0x90: {  	s2 =	sld [smem:$0x3FC7]  }
0x91: {  	s18 =	sld [smem:$0x3FC6];
	(tm) =	ssettm $0x1  }
0x92: {  	s4 =	sld [smem:$0x3FFB];
	_ =	sdelay $0x3  }
0x93: {  	_ =	strace s4  }
0x94: {  	s4 =	sld [smem:$0x3FFC];
	_ =	sdelay $0x3  }
0x95: {  	_ =	strace s4  }
0x96: {  	s4 =	sld [smem:$0x3FFD];
	_ =	sdelay $0x3  }
0x97: {  	_ =	strace s4  }
0x98: {  	_ =	strace $0x8FFFFFFF  }
0x99: {  	s19 =	sld [smem:$0x3FDB];
	_ =	sdelay $0x1  }
0x9a: {  	s5 =	simm.s32 $_scs_section_size  }
0x9b: {  	s6 =	simm.s32 $_size__tile_overlayer_lowered;
	s7 =	simm.s32 $_tile_overlayer_lowered  }
0x9c: {  	s22 =	simm.s32 $0x1BFF;
	s21 =	sshll.u32 s7, $0x1;
	s4 =	sadd.s32 s5, s19  }
0x9d: {  	s8 =	simm.s32 $0x0;
	s20 =	sshll.u32 s6, $0x1;
	s6 =	sadd.s32 s21, s4  }
0x9e: {  	[timem:s8], [sflag:s22] =	dma.local [hbm:s6], s20  }
0x9f: {  	_ =	swait.ge [sflag:s22], s20  }
0xa0: {  	s5 =	ssub.s32 $0x0, s20;
	[sflag:s22] =	ssyncset.done $0x0  }
0xa1: {  	[sflag:s22] =	ssyncadd.s32 s5;
	_ =	sdelay $0x1  }
0xa2: {  	s23 =	simm.s32 $0x1B8B  }
0xa3: {  	_ =	swait.ge [sflag:s23], $0x1  }
0xa4: {  	[sflag:s23] =	ssyncset.done $0x0  }
0xa5: {  	s25 =	simm.s32 $0x1B8E;
	s24 =	sld [smem:$0x3FFE];
	[sflag:s23] =	ssyncadd.s32 $0xFFFFFFFF  }
0xa6: {  	s26 =	simm.s32 $execute0_lowered;
	[smem:$0x3FD2] =	sst s25  }
0xa7: {  	s6 =	sshll.u32 s26, $0x1;
	_ =	strace $0x80000046;
	[dreg:$0x1] =	wrdreg $0xFFFFFFFF  }
0xa8: {  	s28 =	simm.s32 $_size_execute0_lowered;
	s4 =	sadd.s32 s4, s6;
	[dreg:$0x0] =	wrdreg $0x0  }
0xa9: {  	s6 =	sshll.u32 s28, $0x1;
	[dreg:$0x2] =	wrdreg s4  }
0xaa: {  	[dreg:$0x3] =	wrdreg s6  }
0xab: {  	[dreg:$0x4] =	wrdreg $0xC0  }
0xac: {  	_ =	task [dreg:s8], $0x5FFFF  }
0xad: {  	[dreg:$0x1] =	wrdreg $0xFFFFFFFF  }
0xae: {  	[dreg:$0x0] =	wrdreg $0x60  }
0xaf: {  	[dreg:$0x2] =	wrdreg s18  }
0xb0: {  	[dreg:$0x3] =	wrdreg s2  }
0xb1: {  	[dreg:$0x4] =	wrdreg s24  }
0xb2: {  	[dreg:$0x5] =	wrdreg $0x9  }
0xb3: {  	_ =	task.clear_ibuf [dreg:s8], $0x6FFFF;
	_ =	strace $0x90000046  }
0xb4: {  	s29 =	simm.s32 $0x9;
	_ =	strace $0x80000048  }
0xb5: {  	_ =	swait.ge [sflag:s29], $0x1  }
0xb6: {  	[sflag:s29] =	ssyncadd.s32 $0xFFFFFFFF  }
0xb7: {  	_ =	strace $0x90000048  }
0xb8: {  	_ =	sfence  }
0xb9: {  	s30 =	sld [smem:$0x0];
	_ =	sdelay $0x2  }
0xba: {  	s31 =	sshll.u32 s1, $0xD;
	s1 =	sshrl.u32 s1, $0x2  }
0xbb: {  	s3 =	sand.u32 $0x4000, s31;
	s1 =	sadd.s32 s1, s30  }
0xbc: {  	s0 =	sor.u32 s3, s0;
	s1 =	sshll.u32 s1, $0x11  }
0xbd: {  	s0 =	sor.u32 s1, s0  }
0xbe: {  	s0 =	sadd.s32 $0x8F2B, s0  }
0xbf: {  	[sflag:s0] =	ssyncadd.remote.s32 $0x1  }
0xc0: {  	_ =	sfence.sel $0xFFFF  }
0xc1: {  	[dreg:$0x0] =	wrdreg $0xFFFFFFFF;
	(pc) =	sbr.abs _section_cstart, $3  }
0xc2: {  	[dreg:$0x1] =	wrdreg $0xFFFFFFFF  }
0xc3: {  	_ =	task.clear_ibuf [dreg:s8], $0x2FFFF;
	_ =	strace $0x9FFFFFFF  }
0xc4: {  	(tm) =	ssettm $0x7FFFFFFF  }
0xc5: {  	_ =	shalt  }
tec
execute0_lowered:
.L_overlay_start_1:
0x0: {  	(tag) =	ssettag $0x1  }
0x1: {  	v0 =	vlaneseq.u32  }
0x2: {  	v1 =	vmul.u32 $0x8, v0;
	_ =	sdelay $0x1  }
0x3: {  	v0 =	vor.u32 $0x1, v1  }
0x4: {  	[tilespmem:$0x1FC10] =	vst v0;
	v0 =	vor.u32 $0x2, v1  }
0x5: {  	[tilespmem:$0x1FC20] =	vst v0;
	v0 =	vor.u32 $0x3, v1  }
0x6: {  	[tilespmem:$0x1FC30] =	vst v0;
	v0 =	vor.u32 $0x4, v1  }
0x7: {  	[tilespmem:$0x1FC40] =	vst v0;
	v0 =	vor.u32 $0x5, v1  }
0x8: {  	[tilespmem:$0x1FC50] =	vst v0;
	v0 =	vor.u32 $0x6, v1  }
0x9: {  	[tilespmem:$0x1FC60] =	vst v0;
	v0 =	vor.u32 $0x7, v1  }
0xa: {  	[tilespmem:$0x1FC70] =	vst v0;
	v0 =	vor.u32 $0x80, v1  }
0xb: {  	[tilespmem:$0x1FC80] =	vst v0;
	v0 =	vor.u32 $0x81, v1  }
0xc: {  	[tilespmem:$0x1FC90] =	vst v0;
	v0 =	vor.u32 $0x82, v1  }
0xd: {  	[tilespmem:$0x1FCA0] =	vst v0;
	v0 =	vor.u32 $0x83, v1  }
0xe: {  	[tilespmem:$0x1FCB0] =	vst v0;
	v0 =	vor.u32 $0x84, v1  }
0xf: {  	[tilespmem:$0x1FCC0] =	vst v0;
	v0 =	vor.u32 $0x85, v1  }
0x10: {  	[tilespmem:$0x1FCD0] =	vst v0;
	v0 =	vor.u32 $0x86, v1  }
0x11: {  	[tilespmem:$0x1FCE0] =	vst v0;
	v0 =	vor.u32 $0x87, v1  }
0x12: {  	[tilespmem:$0x1FCF0] =	vst v0;
	v0 =	vor.u32 $0x100, v1  }
0x13: {  	[tilespmem:$0x1FD00] =	vst v0;
	v0 =	vor.u32 $0x101, v1  }
0x14: {  	[tilespmem:$0x1FD10] =	vst v0;
	v0 =	vor.u32 $0x102, v1  }
0x15: {  	[tilespmem:$0x1FD20] =	vst v0;
	v0 =	vor.u32 $0x103, v1  }
0x16: {  	[tilespmem:$0x1FD30] =	vst v0;
	v0 =	vor.u32 $0x104, v1  }
0x17: {  	[tilespmem:$0x1FD40] =	vst v0;
	v0 =	vor.u32 $0x105, v1  }
0x18: {  	[tilespmem:$0x1FD50] =	vst v0;
	v0 =	vor.u32 $0x106, v1  }
0x19: {  	[tilespmem:$0x1FD60] =	vst v0;
	v0 =	vor.u32 $0x107, v1  }
0x1a: {  	[tilespmem:$0x1FD70] =	vst v0;
	v0 =	vor.u32 $0x180, v1  }
0x1b: {  	[tilespmem:$0x1FD80] =	vst v0;
	v0 =	vor.u32 $0x181, v1  }
0x1c: {  	[tilespmem:$0x1FD90] =	vst v0;
	v0 =	vor.u32 $0x182, v1  }
0x1d: {  	[tilespmem:$0x1FDA0] =	vst v0;
	v0 =	vor.u32 $0x183, v1  }
0x1e: {  	[tilespmem:$0x1FDB0] =	vst v0;
	v0 =	vor.u32 $0x184, v1  }
0x1f: {  	[tilespmem:$0x1FDC0] =	vst v0;
	v0 =	vor.u32 $0x185, v1  }
0x20: {  	[tilespmem:$0x1FDD0] =	vst v0;
	v0 =	vor.u32 $0x186, v1  }
0x21: {  	[tilespmem:$0x1FDE0] =	vst v0;
	v0 =	vor.u32 $0x187, v1  }
0x22: {  	[tilespmem:$0x1FDF0] =	vst v0;
	v0 =	vor.u32 $0x200, v1  }
0x23: {  	[tilespmem:$0x1FE00] =	vst v0;
	v0 =	vor.u32 $0x201, v1  }
0x24: {  	[tilespmem:$0x1FE10] =	vst v0;
	v0 =	vor.u32 $0x202, v1  }
0x25: {  	[tilespmem:$0x1FE20] =	vst v0;
	v0 =	vor.u32 $0x203, v1  }
0x26: {  	[tilespmem:$0x1FE30] =	vst v0;
	v0 =	vor.u32 $0x204, v1  }
0x27: {  	[tilespmem:$0x1FE40] =	vst v0;
	v0 =	vor.u32 $0x205, v1  }
0x28: {  	[tilespmem:$0x1FE50] =	vst v0;
	v0 =	vor.u32 $0x206, v1  }
0x29: {  	[tilespmem:$0x1FE60] =	vst v0;
	v0 =	vor.u32 $0x207, v1  }
0x2a: {  	[tilespmem:$0x1FE70] =	vst v0;
	v0 =	vor.u32 $0x280, v1  }
0x2b: {  	[tilespmem:$0x1FE80] =	vst v0;
	v0 =	vor.u32 $0x281, v1  }
0x2c: {  	[tilespmem:$0x1FE90] =	vst v0;
	v0 =	vor.u32 $0x282, v1  }
0x2d: {  	[tilespmem:$0x1FEA0] =	vst v0;
	v0 =	vor.u32 $0x283, v1  }
0x2e: {  	[tilespmem:$0x1FEB0] =	vst v0;
	v0 =	vor.u32 $0x284, v1  }
0x2f: {  	[tilespmem:$0x1FEC0] =	vst v0;
	v0 =	vor.u32 $0x285, v1  }
0x30: {  	s0 =	rddreg [dreg:$0x0];
	[tilespmem:$0x1FED0] =	vst v0;
	v0 =	vor.u32 $0x286, v1  }
0x31: {  	s1 =	rddreg [dreg:$0x1];
	[tilespmem:$0x1FEE0] =	vst v0;
	v0 =	vor.u32 $0x287, v1  }
0x32: {  	s3 =	rddreg [dreg:$0x2];
	s5 =	simm.s32 $0x0;
	[tilespmem:$0x1FEF0] =	vst v0;
	v0 =	vor.u32 $0x300, v1  }
0x33: {  	[smem:$0x7FF] =	sst s5;
	[tilespmem:$0x1FF00] =	vst v0;
	v0 =	vor.u32 $0x301, v1  }
0x34: {  	s2 =	rddreg [dreg:$0x3];
	_ =	strace $0x80000047;
	[tilespmem:$0x1FF10] =	vst v0;
	v0 =	vor.u32 $0x302, v1  }
0x35: {  	[tilespmem:$0x1FF20] =	vst v0;
	v0 =	vor.u32 $0x303, v1  }
0x36: {  	[tilespmem:$0x1FF30] =	vst v0;
	v0 =	vor.u32 $0x304, v1  }
0x37: {  	[tilespmem:$0x1FF40] =	vst v0;
	v0 =	vor.u32 $0x305, v1  }
0x38: {  	[tilespmem:$0x1FF50] =	vst v0;
	v0 =	vor.u32 $0x306, v1  }
0x39: {  	[tilespmem:$0x1FF60] =	vst v0;
	v0 =	vor.u32 $0x307, v1  }
0x3a: {  	[tilespmem:$0x1FF70] =	vst v0;
	v0 =	vor.u32 $0x380, v1  }
0x3b: {  	s6 =	srdreg.scid;
	[tilespmem:$0x1FF80] =	vst v0;
	v0 =	vor.u32 $0x381, v1  }
0x3c: {  	s4 =	stileid.u32;
	s12 =	simm.s32 $0x4010;
	s13 =	simm.s32 $0x8020;
	[tilespmem:$0x1FF90] =	vst v0;
	v0 =	vor.u32 $0x382, v1  }
0x3d: {  	s14 =	simm.s32 $0x1;
	s15 =	simm.s32 $0x0;
	s6 =	sand.u32 $0x1, s6;
	[tilespmem:$0x1FFA0] =	vst v0;
	v0 =	vor.u32 $0x383, v1  }
0x3e: {  	s8 =	smul.u32 $0x7E02, s4;
	s10 =	sshll.u32 s4, $0x1;
	s7 =	ssub.s32 $0x2, s6;
	[tilespmem:$0x1FFB0] =	vst v0;
	v0 =	vor.u32 $0x384, v1  }
0x3f: {  	s11 =	smul.u32 $0x3F01, s6;
	s10 =	sor.u32 s6, s10;
	s6 =	simm.s32 $0x3;
	[tilespmem:$0x1FFC0] =	vst v0;
	v0 =	vor.u32 $0x385, v1  }
0x40: {  	s9 =	sshrl.u32 s7, $0x1;
	p0 =	seq.s32 s10, $0x1F;
	s10 =	sshll.u32 s10, $0xB;
	[tilespmem:$0x1FFD0] =	vst v0;
	v0 =	vor.u32 $0x386, v1  }
0x41: {  	s9 =	ssub.s32 s7, s9;
	s7 =	sadd.s32 s11, s8;
	s6 =	simm.s32 @!p0 $0x4;
	[tilespmem:$0x1FFE0] =	vst v0;
	v0 =	vor.u32 $0x387, v1  }
0x42: {  	s11 =	simm.s32 $0x2;
	s8 =	smax.u32 s9, $0x1;
	s9 =	sadd.s32 $0x1F417F, s7;
	[tilespmem:$0x1FFF0] =	vst v0  }
.LBB2_1:
0x43: {  	s17 =	smov.u32 s7;
	s18 =	simm.s32 $0x0  }
.LBB2_2:
0x44: {  	s16 =	sshll.u32 s18, $0x10  }
0x45: {  	s19 =	sor.u32 s10, s16  }
0x46: {  	s16 =	simm.s32 $0x0;
	s20 =	sadd.s32 s0, s19  }
0x47: {  	[tilespmem:s16], [sflag:$0x2] =	stream.linear.gather [hbm4b:s20+s16], $0x4000, $0x38;
	[tilespmem:$0xA020] =	vst v63  }
0x48: {  	s19 =	sand.u32 $0x1FFFF800, s19;
	_ =	swait.ge [sflag:s11], $0x4000  }
0x49: {  	s19 =	sadd.s32 s0, s19;
	[sflag:s11] =	ssyncset.done $0x0  }
0x4a: {  	s19 =	sadd.s32 $0x800, s19;
	[sflag:s11] =	ssyncadd.s32 $0xFFFFC000  }
0x4b: {  	[tilespmem:s12], [sflag:$0x2] =	stream.linear.gather [hbm4b:s19+s16], $0x4000, $0x38;
	[tilespmem:$0xA020] =	vst v63  }
0x4c: {  	_ =	swait.ge [sflag:s11], $0x4000  }
0x4d: {  	v5 =	vld [tilespmem:$0x1FC30]  }
0x4e: {  	v6 =	vld [tilespmem:$0x1FC40]  }
0x4f: {  	v7 =	vld [tilespmem:$0x1FC50]  }
0x50: {  	v8 =	vld [tilespmem:$0x1FC60]  }
0x51: {  	v9 =	vld [tilespmem:$0x1FC70]  }
0x52: {  	v10 =	vld [tilespmem:$0x1FC80]  }
0x53: {  	v11 =	vld [tilespmem:$0x1FC90]  }
0x54: {  	v12 =	vld [tilespmem:$0x1FCA0]  }
0x55: {  	v13 =	vld [tilespmem:$0x1FCB0]  }
0x56: {  	v14 =	vld [tilespmem:$0x1FCC0]  }
0x57: {  	v15 =	vld [tilespmem:$0x1FCD0]  }
0x58: {  	v16 =	vld [tilespmem:$0x1FCE0]  }
0x59: {  	v17 =	vld [tilespmem:$0x1FCF0]  }
0x5a: {  	v18 =	vld [tilespmem:$0x1FD00]  }
0x5b: {  	v19 =	vld [tilespmem:$0x1FD10]  }
0x5c: {  	v20 =	vld [tilespmem:$0x1FD20]  }
0x5d: {  	v21 =	vld [tilespmem:$0x1FD30]  }
0x5e: {  	v22 =	vld [tilespmem:$0x1FD40]  }
0x5f: {  	v23 =	vld [tilespmem:$0x1FD50]  }
0x60: {  	v24 =	vld [tilespmem:$0x1FD60]  }
0x61: {  	v25 =	vld [tilespmem:$0x1FD70]  }
0x62: {  	v26 =	vld [tilespmem:$0x1FD80]  }
0x63: {  	v27 =	vld [tilespmem:$0x1FD90]  }
0x64: {  	v28 =	vld [tilespmem:$0x1FDA0]  }
0x65: {  	v29 =	vld [tilespmem:$0x1FDB0]  }
0x66: {  	v30 =	vld [tilespmem:$0x1FDC0]  }
0x67: {  	v31 =	vld [tilespmem:$0x1FDD0]  }
0x68: {  	v32 =	vld [tilespmem:$0x1FDE0]  }
0x69: {  	v33 =	vld [tilespmem:$0x1FDF0]  }
0x6a: {  	v34 =	vld [tilespmem:$0x1FE00]  }
0x6b: {  	v35 =	vld [tilespmem:$0x1FE10]  }
0x6c: {  	v36 =	vld [tilespmem:$0x1FE20]  }
0x6d: {  	v37 =	vld [tilespmem:$0x1FE30]  }
0x6e: {  	v38 =	vld [tilespmem:$0x1FE40]  }
0x6f: {  	v39 =	vld [tilespmem:$0x1FE50]  }
0x70: {  	v40 =	vld [tilespmem:$0x1FE60]  }
0x71: {  	v41 =	vld [tilespmem:$0x1FE70]  }
0x72: {  	v42 =	vld [tilespmem:$0x1FE80]  }
0x73: {  	v43 =	vld [tilespmem:$0x1FE90]  }
0x74: {  	v44 =	vld [tilespmem:$0x1FEA0]  }
0x75: {  	v45 =	vld [tilespmem:$0x1FEB0]  }
0x76: {  	v46 =	vld [tilespmem:$0x1FEC0]  }
0x77: {  	v47 =	vld [tilespmem:$0x1FED0]  }
0x78: {  	v48 =	vld [tilespmem:$0x1FEE0]  }
0x79: {  	v49 =	vld [tilespmem:$0x1FEF0]  }
0x7a: {  	v50 =	vld [tilespmem:$0x1FF00]  }
0x7b: {  	v51 =	vld [tilespmem:$0x1FF10]  }
0x7c: {  	v52 =	vld [tilespmem:$0x1FF20]  }
0x7d: {  	v53 =	vld [tilespmem:$0x1FF30]  }
0x7e: {  	v54 =	vld [tilespmem:$0x1FF40]  }
0x7f: {  	v55 =	vld [tilespmem:$0x1FF50]  }
0x80: {  	v56 =	vld [tilespmem:$0x1FF60]  }
0x81: {  	v57 =	vld [tilespmem:$0x1FF70]  }
0x82: {  	v58 =	vld [tilespmem:$0x1FF80]  }
0x83: {  	v59 =	vld [tilespmem:$0x1FF90]  }
0x84: {  	v60 =	vld [tilespmem:$0x1FFA0]  }
0x85: {  	v61 =	vld [tilespmem:$0x1FFB0]  }
0x86: {  	v62 =	vld [tilespmem:$0x1FFC0]  }
0x87: {  	v63 =	vld [tilespmem:$0x1FFD0]  }
0x88: {  	s21 =	simm.s32 $0x0;
	s22 =	smov.u32 s17;
	[sflag:s11] =	ssyncset.done $0x0;
	v3 =	vld [tilespmem:$0x1FFE0]  }
0x89: {  	s20 =	simm.s32 $0x80;
	s19 =	simm.s32 $0x4090;
	v4 =	vld [tilespmem:$0x1FFF0];
	[sflag:s11] =	ssyncadd.s32 $0xFFFFC000  }
.LBB2_3:
0x8a: {  	s23 =	sand.u32 $0x1C00, s21  }
0x8b: {  	v0 =	vld [tilespmem:s20+$0xFFFFFF80];
	v2 =	vmov v1;
	v1 =	vor.u32 s23, v1;
	_ =	sdelay $0x4  }
0x8c: {  	[tilespmem:v1+s13+$0x0] =	vst.idx.msk $0xffff, v0;
	v1 =	vld [tilespmem:$0x1FC10];
	_ =	sdelay $0x4  }
0x8d: {  	v0 =	vld [tilespmem:s20+$0xFFFFFF81];
	v1 =	vor.u32 s23, v1;
	_ =	sdelay $0x4  }
0x8e: {  	[tilespmem:v1+s13+$0x0] =	vst.idx.msk $0xffff, v0;
	v1 =	vld [tilespmem:$0x1FC20];
	_ =	sdelay $0x4  }
0x8f: {  	v0 =	vld [tilespmem:s20+$0x0];
	v1 =	vor.u32 s23, v1;
	_ =	sdelay $0x4  }
0x90: {  	[tilespmem:v1+s13+$0x0] =	vst.idx.msk $0xffff, v0  }
0x91: {  	v1 =	vor.u32 s23, v5;
	v0 =	vld [tilespmem:s20+$0x1];
	_ =	sdelay $0x4  }
0x92: {  	[tilespmem:v1+s13+$0x0] =	vst.idx.msk $0xffff, v0  }
0x93: {  	v1 =	vor.u32 s23, v6;
	v0 =	vld [tilespmem:s19+$0xFFFFFF80];
	_ =	sdelay $0x4  }
0x94: {  	[tilespmem:v1+s13+$0x0] =	vst.idx.msk $0xffff, v0  }
0x95: {  	v1 =	vor.u32 s23, v7;
	v0 =	vld [tilespmem:s19+$0xFFFFFF81];
	_ =	sdelay $0x4  }
0x96: {  	[tilespmem:v1+s13+$0x0] =	vst.idx.msk $0xffff, v0  }
0x97: {  	v1 =	vor.u32 s23, v8;
	v0 =	vld [tilespmem:s19+$0x0];
	_ =	sdelay $0x4  }
0x98: {  	[tilespmem:v1+s13+$0x0] =	vst.idx.msk $0xffff, v0  }
0x99: {  	v1 =	vor.u32 s23, v9;
	v0 =	vld [tilespmem:s19+$0x1];
	_ =	sdelay $0x4  }
0x9a: {  	[tilespmem:v1+s13+$0x0] =	vst.idx.msk $0xffff, v0  }
0x9b: {  	v1 =	vor.u32 s23, v10;
	v0 =	vld [tilespmem:s20+$0xFFFFFF90];
	_ =	sdelay $0x4  }
0x9c: {  	[tilespmem:v1+s13+$0x0] =	vst.idx.msk $0xffff, v0  }
0x9d: {  	v1 =	vor.u32 s23, v11;
	v0 =	vld [tilespmem:s20+$0xFFFFFF91];
	_ =	sdelay $0x4  }
0x9e: {  	[tilespmem:v1+s13+$0x0] =	vst.idx.msk $0xffff, v0  }
0x9f: {  	v1 =	vor.u32 s23, v12;
	v0 =	vld [tilespmem:s20+$0x10];
	_ =	sdelay $0x4  }
0xa0: {  	[tilespmem:v1+s13+$0x0] =	vst.idx.msk $0xffff, v0  }
0xa1: {  	v1 =	vor.u32 s23, v13;
	v0 =	vld [tilespmem:s20+$0x11];
	_ =	sdelay $0x4  }
0xa2: {  	[tilespmem:v1+s13+$0x0] =	vst.idx.msk $0xffff, v0  }
0xa3: {  	v1 =	vor.u32 s23, v14;
	v0 =	vld [tilespmem:s19+$0xFFFFFF90];
	_ =	sdelay $0x4  }
0xa4: {  	[tilespmem:v1+s13+$0x0] =	vst.idx.msk $0xffff, v0  }
0xa5: {  	v1 =	vor.u32 s23, v15;
	v0 =	vld [tilespmem:s19+$0xFFFFFF91];
	_ =	sdelay $0x4  }
0xa6: {  	[tilespmem:v1+s13+$0x0] =	vst.idx.msk $0xffff, v0  }
0xa7: {  	v1 =	vor.u32 s23, v16;
	v0 =	vld [tilespmem:s19+$0x10];
	_ =	sdelay $0x4  }
0xa8: {  	[tilespmem:v1+s13+$0x0] =	vst.idx.msk $0xffff, v0  }
0xa9: {  	v1 =	vor.u32 s23, v17;
	v0 =	vld [tilespmem:s19+$0x11];
	_ =	sdelay $0x4  }
0xaa: {  	[tilespmem:v1+s13+$0x0] =	vst.idx.msk $0xffff, v0  }
0xab: {  	v1 =	vor.u32 s23, v18;
	v0 =	vld [tilespmem:s20+$0xFFFFFFA0];
	_ =	sdelay $0x4  }
0xac: {  	[tilespmem:v1+s13+$0x0] =	vst.idx.msk $0xffff, v0  }
0xad: {  	v1 =	vor.u32 s23, v19;
	v0 =	vld [tilespmem:s20+$0xFFFFFFA1];
	_ =	sdelay $0x4  }
0xae: {  	[tilespmem:v1+s13+$0x0] =	vst.idx.msk $0xffff, v0  }
0xaf: {  	v1 =	vor.u32 s23, v20;
	v0 =	vld [tilespmem:s20+$0x20];
	_ =	sdelay $0x4  }
0xb0: {  	[tilespmem:v1+s13+$0x0] =	vst.idx.msk $0xffff, v0  }
0xb1: {  	v1 =	vor.u32 s23, v21;
	v0 =	vld [tilespmem:s20+$0x21];
	_ =	sdelay $0x4  }
0xb2: {  	[tilespmem:v1+s13+$0x0] =	vst.idx.msk $0xffff, v0  }
0xb3: {  	v1 =	vor.u32 s23, v22;
	v0 =	vld [tilespmem:s19+$0xFFFFFFA0];
	_ =	sdelay $0x4  }
0xb4: {  	[tilespmem:v1+s13+$0x0] =	vst.idx.msk $0xffff, v0  }
0xb5: {  	v1 =	vor.u32 s23, v23;
	v0 =	vld [tilespmem:s19+$0xFFFFFFA1];
	_ =	sdelay $0x4  }
0xb6: {  	[tilespmem:v1+s13+$0x0] =	vst.idx.msk $0xffff, v0  }
0xb7: {  	v1 =	vor.u32 s23, v24;
	v0 =	vld [tilespmem:s19+$0x20];
	_ =	sdelay $0x4  }
0xb8: {  	[tilespmem:v1+s13+$0x0] =	vst.idx.msk $0xffff, v0  }
0xb9: {  	v1 =	vor.u32 s23, v25;
	v0 =	vld [tilespmem:s19+$0x21];
	_ =	sdelay $0x4  }
0xba: {  	[tilespmem:v1+s13+$0x0] =	vst.idx.msk $0xffff, v0  }
0xbb: {  	v1 =	vor.u32 s23, v26;
	v0 =	vld [tilespmem:s20+$0xFFFFFFB0];
	_ =	sdelay $0x4  }
0xbc: {  	[tilespmem:v1+s13+$0x0] =	vst.idx.msk $0xffff, v0  }
0xbd: {  	v1 =	vor.u32 s23, v27;
	v0 =	vld [tilespmem:s20+$0xFFFFFFB1];
	_ =	sdelay $0x4  }
0xbe: {  	[tilespmem:v1+s13+$0x0] =	vst.idx.msk $0xffff, v0  }
0xbf: {  	v1 =	vor.u32 s23, v28;
	v0 =	vld [tilespmem:s20+$0x30];
	_ =	sdelay $0x4  }
0xc0: {  	[tilespmem:v1+s13+$0x0] =	vst.idx.msk $0xffff, v0  }
0xc1: {  	v1 =	vor.u32 s23, v29;
	v0 =	vld [tilespmem:s20+$0x31];
	_ =	sdelay $0x4  }
0xc2: {  	[tilespmem:v1+s13+$0x0] =	vst.idx.msk $0xffff, v0  }
0xc3: {  	v1 =	vor.u32 s23, v30;
	v0 =	vld [tilespmem:s19+$0xFFFFFFB0];
	_ =	sdelay $0x4  }
0xc4: {  	[tilespmem:v1+s13+$0x0] =	vst.idx.msk $0xffff, v0  }
0xc5: {  	v1 =	vor.u32 s23, v31;
	v0 =	vld [tilespmem:s19+$0xFFFFFFB1];
	_ =	sdelay $0x4  }
0xc6: {  	[tilespmem:v1+s13+$0x0] =	vst.idx.msk $0xffff, v0  }
0xc7: {  	v1 =	vor.u32 s23, v32;
	v0 =	vld [tilespmem:s19+$0x30];
	_ =	sdelay $0x4  }
0xc8: {  	[tilespmem:v1+s13+$0x0] =	vst.idx.msk $0xffff, v0  }
0xc9: {  	v1 =	vor.u32 s23, v33;
	v0 =	vld [tilespmem:s19+$0x31];
	_ =	sdelay $0x4  }
0xca: {  	[tilespmem:v1+s13+$0x0] =	vst.idx.msk $0xffff, v0  }
0xcb: {  	v1 =	vor.u32 s23, v34;
	v0 =	vld [tilespmem:s20+$0xFFFFFFC0];
	_ =	sdelay $0x4  }
0xcc: {  	[tilespmem:v1+s13+$0x0] =	vst.idx.msk $0xffff, v0  }
0xcd: {  	v1 =	vor.u32 s23, v35;
	v0 =	vld [tilespmem:s20+$0xFFFFFFC1];
	_ =	sdelay $0x4  }
0xce: {  	[tilespmem:v1+s13+$0x0] =	vst.idx.msk $0xffff, v0  }
0xcf: {  	v1 =	vor.u32 s23, v36;
	v0 =	vld [tilespmem:s20+$0x40];
	_ =	sdelay $0x4  }
0xd0: {  	[tilespmem:v1+s13+$0x0] =	vst.idx.msk $0xffff, v0  }
0xd1: {  	v1 =	vor.u32 s23, v37;
	v0 =	vld [tilespmem:s20+$0x41];
	_ =	sdelay $0x4  }
0xd2: {  	[tilespmem:v1+s13+$0x0] =	vst.idx.msk $0xffff, v0  }
0xd3: {  	v1 =	vor.u32 s23, v38;
	v0 =	vld [tilespmem:s19+$0xFFFFFFC0];
	_ =	sdelay $0x4  }
0xd4: {  	[tilespmem:v1+s13+$0x0] =	vst.idx.msk $0xffff, v0  }
0xd5: {  	v1 =	vor.u32 s23, v39;
	v0 =	vld [tilespmem:s19+$0xFFFFFFC1];
	_ =	sdelay $0x4  }
0xd6: {  	[tilespmem:v1+s13+$0x0] =	vst.idx.msk $0xffff, v0  }
0xd7: {  	v1 =	vor.u32 s23, v40;
	v0 =	vld [tilespmem:s19+$0x40];
	_ =	sdelay $0x4  }
0xd8: {  	[tilespmem:v1+s13+$0x0] =	vst.idx.msk $0xffff, v0  }
0xd9: {  	v1 =	vor.u32 s23, v41;
	v0 =	vld [tilespmem:s19+$0x41];
	_ =	sdelay $0x4  }
0xda: {  	[tilespmem:v1+s13+$0x0] =	vst.idx.msk $0xffff, v0  }
0xdb: {  	v1 =	vor.u32 s23, v42;
	v0 =	vld [tilespmem:s20+$0xFFFFFFD0];
	_ =	sdelay $0x4  }
0xdc: {  	[tilespmem:v1+s13+$0x0] =	vst.idx.msk $0xffff, v0  }
0xdd: {  	v1 =	vor.u32 s23, v43;
	v0 =	vld [tilespmem:s20+$0xFFFFFFD1];
	_ =	sdelay $0x4  }
0xde: {  	[tilespmem:v1+s13+$0x0] =	vst.idx.msk $0xffff, v0  }
0xdf: {  	v1 =	vor.u32 s23, v44;
	v0 =	vld [tilespmem:s20+$0x50];
	_ =	sdelay $0x4  }
0xe0: {  	[tilespmem:v1+s13+$0x0] =	vst.idx.msk $0xffff, v0  }
0xe1: {  	v1 =	vor.u32 s23, v45;
	v0 =	vld [tilespmem:s20+$0x51];
	_ =	sdelay $0x4  }
0xe2: {  	[tilespmem:v1+s13+$0x0] =	vst.idx.msk $0xffff, v0  }
0xe3: {  	v1 =	vor.u32 s23, v46;
	v0 =	vld [tilespmem:s19+$0xFFFFFFD0];
	_ =	sdelay $0x4  }
0xe4: {  	[tilespmem:v1+s13+$0x0] =	vst.idx.msk $0xffff, v0  }
0xe5: {  	v1 =	vor.u32 s23, v47;
	v0 =	vld [tilespmem:s19+$0xFFFFFFD1];
	_ =	sdelay $0x4  }
0xe6: {  	[tilespmem:v1+s13+$0x0] =	vst.idx.msk $0xffff, v0  }
0xe7: {  	v1 =	vor.u32 s23, v48;
	v0 =	vld [tilespmem:s19+$0x50];
	_ =	sdelay $0x4  }
0xe8: {  	[tilespmem:v1+s13+$0x0] =	vst.idx.msk $0xffff, v0  }
0xe9: {  	v1 =	vor.u32 s23, v49;
	v0 =	vld [tilespmem:s19+$0x51];
	_ =	sdelay $0x4  }
0xea: {  	[tilespmem:v1+s13+$0x0] =	vst.idx.msk $0xffff, v0  }
0xeb: {  	v1 =	vor.u32 s23, v50;
	v0 =	vld [tilespmem:s20+$0xFFFFFFE0];
	_ =	sdelay $0x4  }
0xec: {  	[tilespmem:v1+s13+$0x0] =	vst.idx.msk $0xffff, v0  }
0xed: {  	v1 =	vor.u32 s23, v51;
	v0 =	vld [tilespmem:s20+$0xFFFFFFE1];
	_ =	sdelay $0x4  }
0xee: {  	[tilespmem:v1+s13+$0x0] =	vst.idx.msk $0xffff, v0  }
0xef: {  	v1 =	vor.u32 s23, v52;
	v0 =	vld [tilespmem:s20+$0x60];
	_ =	sdelay $0x4  }
0xf0: {  	[tilespmem:v1+s13+$0x0] =	vst.idx.msk $0xffff, v0  }
0xf1: {  	v1 =	vor.u32 s23, v53;
	v0 =	vld [tilespmem:s20+$0x61];
	_ =	sdelay $0x4  }
0xf2: {  	[tilespmem:v1+s13+$0x0] =	vst.idx.msk $0xffff, v0  }
0xf3: {  	v1 =	vor.u32 s23, v54;
	v0 =	vld [tilespmem:s19+$0xFFFFFFE0];
	_ =	sdelay $0x4  }
0xf4: {  	[tilespmem:v1+s13+$0x0] =	vst.idx.msk $0xffff, v0  }
0xf5: {  	v1 =	vor.u32 s23, v55;
	v0 =	vld [tilespmem:s19+$0xFFFFFFE1];
	_ =	sdelay $0x4  }
0xf6: {  	[tilespmem:v1+s13+$0x0] =	vst.idx.msk $0xffff, v0  }
0xf7: {  	v1 =	vor.u32 s23, v56;
	v0 =	vld [tilespmem:s19+$0x60];
	_ =	sdelay $0x4  }
0xf8: {  	[tilespmem:v1+s13+$0x0] =	vst.idx.msk $0xffff, v0  }
0xf9: {  	v1 =	vor.u32 s23, v57;
	v0 =	vld [tilespmem:s19+$0x61];
	_ =	sdelay $0x4  }
0xfa: {  	[tilespmem:v1+s13+$0x0] =	vst.idx.msk $0xffff, v0  }
0xfb: {  	v1 =	vor.u32 s23, v58;
	v0 =	vld [tilespmem:s20+$0xFFFFFFF0];
	_ =	sdelay $0x4  }
0xfc: {  	[tilespmem:v1+s13+$0x0] =	vst.idx.msk $0xffff, v0  }
0xfd: {  	v1 =	vor.u32 s23, v59;
	v0 =	vld [tilespmem:s20+$0xFFFFFFF1];
	_ =	sdelay $0x4  }
0xfe: {  	[tilespmem:v1+s13+$0x0] =	vst.idx.msk $0xffff, v0  }
0xff: {  	v1 =	vor.u32 s23, v60;
	v0 =	vld [tilespmem:s20+$0x70];
	_ =	sdelay $0x4  }
0x100: {  	[tilespmem:v1+s13+$0x0] =	vst.idx.msk $0xffff, v0  }
0x101: {  	v1 =	vor.u32 s23, v61;
	v0 =	vld [tilespmem:s20+$0x71];
	_ =	sdelay $0x4  }
0x102: {  	[tilespmem:v1+s13+$0x0] =	vst.idx.msk $0xffff, v0  }
0x103: {  	v1 =	vor.u32 s23, v62;
	v0 =	vld [tilespmem:s19+$0xFFFFFFF0];
	_ =	sdelay $0x4  }
0x104: {  	[tilespmem:v1+s13+$0x0] =	vst.idx.msk $0xffff, v0  }
0x105: {  	v1 =	vor.u32 s23, v63;
	v0 =	vld [tilespmem:s19+$0xFFFFFFF1];
	_ =	sdelay $0x4  }
0x106: {  	[tilespmem:v1+s13+$0x0] =	vst.idx.msk $0xffff, v0  }
0x107: {  	v1 =	vor.u32 s23, v3;
	v0 =	vld [tilespmem:s19+$0x70];
	_ =	sdelay $0x4  }
0x108: {  	[tilespmem:v1+s13+$0x0] =	vst.idx.msk $0xffff, v0  }
0x109: {  	v1 =	vor.u32 s23, v4;
	v0 =	vld [tilespmem:s19+$0x71];
	_ =	sdelay $0x3  }
0x10a: {  	s24 =	sand.u32 $0x1FFFFFFF, s22  }
0x10b: {  	p0 =	slt.u32 s16, $0x7;
	s24 =	sadd.s32 s3, s24;
	s23 =	sor.u32 $0x8020, s23;
	[tilespmem:v1+s13+$0x0] =	vst.idx.msk $0xffff, v0  }
0x10c: {  	[hbm4b:s24+s5] =	stream.linear.scatter [tilespmem:s23], [sflag:$0x1], $0x3F8, $0x38;
	[tilespmem:$0xA020] =	vst v63  }
0x10d: {  	s23 =	simm.s32 @!p0 $0x1  }
0x10e: {  	_ =	swait.ge @!p0 [sflag:s23], $0x3F8  }
0x10f: {  	s16 =	sadd.s32 $0x1, s16;
	[sflag:s23] =	ssyncset.done @!p0 $0x0  }
0x110: {  	[sflag:s23] =	ssyncadd.s32 @!p0 $0xFFFFFC08;
	p0 =	sne.s32 s16, $0x7F  }
.Ltmp0:
0x111: {  	_ = 	snop;
	(pc) =	sbr.rel @p0 .LBB2_3-.Ltmp0, $3  }
0x112: {  	_ =	sdelay $0x1  }
0x113: {  	s22 =	sadd.s32 $0x7F, s22  }
0x114: {  	s21 =	sadd.s32 $0x400, s21;
	s20 =	sadd.s32 $0x80, s20;
	s19 =	sadd.s32 $0x80, s19;
	v1 =	vmov v2  }
0x115: {  	_ =	swait.ge [sflag:s14], $0x3F8  }
0x116: {  	[sflag:s14] =	ssyncset.done $0x0  }
0x117: {  	[sflag:s14] =	ssyncadd.s32 $0xFFFFFC08  }
0x118: {  	_ =	swait.ge [sflag:s14], $0x3F8  }
0x119: {  	[sflag:s14] =	ssyncset.done $0x0  }
0x11a: {  	[sflag:s14] =	ssyncadd.s32 $0xFFFFFC08  }
0x11b: {  	_ =	swait.ge [sflag:s14], $0x3F8  }
0x11c: {  	[sflag:s14] =	ssyncset.done $0x0  }
0x11d: {  	[sflag:s14] =	ssyncadd.s32 $0xFFFFFC08  }
0x11e: {  	_ =	swait.ge [sflag:s14], $0x3F8  }
0x11f: {  	[sflag:s14] =	ssyncset.done $0x0  }
0x120: {  	[sflag:s14] =	ssyncadd.s32 $0xFFFFFC08  }
0x121: {  	_ =	swait.ge [sflag:s14], $0x3F8  }
0x122: {  	[sflag:s14] =	ssyncset.done $0x0  }
0x123: {  	s18 =	sadd.s32 $0x1, s18;
	[sflag:s14] =	ssyncadd.s32 $0xFFFFFC08  }
0x124: {  	p0 =	sne.s32 s18, s6;
	_ =	swait.ge [sflag:s14], $0x3F8  }
.Ltmp1:
0x125: {  	[sflag:s14] =	ssyncset.done $0x0;
	(pc) =	sbr.rel @p0 .LBB2_2-.Ltmp1, $4  }
0x126: {  	[sflag:s14] =	ssyncadd.s32 $0xFFFFFC08  }
0x127: {  	_ =	swait.ge [sflag:s14], $0x3F8  }
0x128: {  	[sflag:s14] =	ssyncset.done $0x0  }
0x129: {  	s17 =	sadd.s32 $0x7E020, s17;
	s16 =	simm.s32 $0x0;
	[sflag:s14] =	ssyncadd.s32 $0xFFFFFC08  }
0x12a: {  	s17 =	smov.u32 s9;
	s18 =	simm.s32 $0x0  }
.LBB2_6:
0x12b: {  	s19 =	sshll.u32 s18, $0x10  }
0x12c: {  	s19 =	sor.u32 s10, s19  }
0x12d: {  	s20 =	sadd.s32 s1, s19  }
0x12e: {  	[tilespmem:s16], [sflag:$0x2] =	stream.linear.gather [hbm4b:s20+s16], $0x4000, $0x38;
	[tilespmem:$0xA020] =	vst v63  }
0x12f: {  	s19 =	sand.u32 $0x1FFFF800, s19;
	_ =	swait.ge [sflag:s11], $0x4000  }
0x130: {  	s19 =	sadd.s32 s1, s19;
	[sflag:s11] =	ssyncset.done $0x0  }
0x131: {  	s19 =	sadd.s32 $0x800, s19;
	[sflag:s11] =	ssyncadd.s32 $0xFFFFC000  }
0x132: {  	[tilespmem:s12], [sflag:$0x2] =	stream.linear.gather [hbm4b:s19+s16], $0x4000, $0x38;
	[tilespmem:$0xA020] =	vst v63  }
0x133: {  	_ =	swait.ge [sflag:s11], $0x4000  }
0x134: {  	v5 =	vld [tilespmem:$0x1FC30]  }
0x135: {  	v6 =	vld [tilespmem:$0x1FC40]  }
0x136: {  	v7 =	vld [tilespmem:$0x1FC50]  }
0x137: {  	v8 =	vld [tilespmem:$0x1FC60]  }
0x138: {  	v9 =	vld [tilespmem:$0x1FC70]  }
0x139: {  	v10 =	vld [tilespmem:$0x1FC80]  }
0x13a: {  	v11 =	vld [tilespmem:$0x1FC90]  }
0x13b: {  	v12 =	vld [tilespmem:$0x1FCA0]  }
0x13c: {  	v13 =	vld [tilespmem:$0x1FCB0]  }
0x13d: {  	v14 =	vld [tilespmem:$0x1FCC0]  }
0x13e: {  	v15 =	vld [tilespmem:$0x1FCD0]  }
0x13f: {  	v16 =	vld [tilespmem:$0x1FCE0]  }
0x140: {  	v17 =	vld [tilespmem:$0x1FCF0]  }
0x141: {  	v18 =	vld [tilespmem:$0x1FD00]  }
0x142: {  	v19 =	vld [tilespmem:$0x1FD10]  }
0x143: {  	v20 =	vld [tilespmem:$0x1FD20]  }
0x144: {  	v21 =	vld [tilespmem:$0x1FD30]  }
0x145: {  	v22 =	vld [tilespmem:$0x1FD40]  }
0x146: {  	v23 =	vld [tilespmem:$0x1FD50]  }
0x147: {  	v24 =	vld [tilespmem:$0x1FD60]  }
0x148: {  	v25 =	vld [tilespmem:$0x1FD70]  }
0x149: {  	v26 =	vld [tilespmem:$0x1FD80]  }
0x14a: {  	v27 =	vld [tilespmem:$0x1FD90]  }
0x14b: {  	v28 =	vld [tilespmem:$0x1FDA0]  }
0x14c: {  	v29 =	vld [tilespmem:$0x1FDB0]  }
0x14d: {  	v30 =	vld [tilespmem:$0x1FDC0]  }
0x14e: {  	v31 =	vld [tilespmem:$0x1FDD0]  }
0x14f: {  	v32 =	vld [tilespmem:$0x1FDE0]  }
0x150: {  	v33 =	vld [tilespmem:$0x1FDF0]  }
0x151: {  	v34 =	vld [tilespmem:$0x1FE00]  }
0x152: {  	v35 =	vld [tilespmem:$0x1FE10]  }
0x153: {  	v36 =	vld [tilespmem:$0x1FE20]  }
0x154: {  	v37 =	vld [tilespmem:$0x1FE30]  }
0x155: {  	v38 =	vld [tilespmem:$0x1FE40]  }
0x156: {  	v39 =	vld [tilespmem:$0x1FE50]  }
0x157: {  	v40 =	vld [tilespmem:$0x1FE60]  }
0x158: {  	v41 =	vld [tilespmem:$0x1FE70]  }
0x159: {  	v42 =	vld [tilespmem:$0x1FE80]  }
0x15a: {  	v43 =	vld [tilespmem:$0x1FE90]  }
0x15b: {  	v44 =	vld [tilespmem:$0x1FEA0]  }
0x15c: {  	v45 =	vld [tilespmem:$0x1FEB0]  }
0x15d: {  	v46 =	vld [tilespmem:$0x1FEC0]  }
0x15e: {  	v47 =	vld [tilespmem:$0x1FED0]  }
0x15f: {  	v48 =	vld [tilespmem:$0x1FEE0]  }
0x160: {  	v49 =	vld [tilespmem:$0x1FEF0]  }
0x161: {  	v50 =	vld [tilespmem:$0x1FF00]  }
0x162: {  	v51 =	vld [tilespmem:$0x1FF10]  }
0x163: {  	v52 =	vld [tilespmem:$0x1FF20]  }
0x164: {  	v53 =	vld [tilespmem:$0x1FF30]  }
0x165: {  	v54 =	vld [tilespmem:$0x1FF40]  }
0x166: {  	v55 =	vld [tilespmem:$0x1FF50]  }
0x167: {  	v56 =	vld [tilespmem:$0x1FF60]  }
0x168: {  	v57 =	vld [tilespmem:$0x1FF70]  }
0x169: {  	v58 =	vld [tilespmem:$0x1FF80]  }
0x16a: {  	v59 =	vld [tilespmem:$0x1FF90]  }
0x16b: {  	v60 =	vld [tilespmem:$0x1FFA0]  }
0x16c: {  	v61 =	vld [tilespmem:$0x1FFB0]  }
0x16d: {  	v62 =	vld [tilespmem:$0x1FFC0]  }
0x16e: {  	s21 =	simm.s32 $0x0;
	v63 =	vld [tilespmem:$0x1FFD0]  }
0x16f: {  	s22 =	smov.u32 s17;
	s23 =	simm.s32 $0x0;
	[sflag:s11] =	ssyncset.done $0x0;
	v3 =	vld [tilespmem:$0x1FFE0]  }
0x170: {  	s20 =	simm.s32 $0x80;
	s19 =	simm.s32 $0x4090;
	v4 =	vld [tilespmem:$0x1FFF0];
	[sflag:s11] =	ssyncadd.s32 $0xFFFFC000  }
.LBB2_7:
0x171: {  	s24 =	sand.u32 $0x1C00, s21  }
0x172: {  	v0 =	vld [tilespmem:s20+$0xFFFFFF80];
	v1 =	vor.u32 s24, v2;
	_ =	sdelay $0x4  }
0x173: {  	[tilespmem:v1+s13+$0x0] =	vst.idx.msk $0xffff, v0;
	v1 =	vld [tilespmem:$0x1FC10];
	_ =	sdelay $0x4  }
0x174: {  	v0 =	vld [tilespmem:s20+$0xFFFFFF81];
	v1 =	vor.u32 s24, v1;
	_ =	sdelay $0x4  }
0x175: {  	[tilespmem:v1+s13+$0x0] =	vst.idx.msk $0xffff, v0;
	v1 =	vld [tilespmem:$0x1FC20];
	_ =	sdelay $0x4  }
0x176: {  	v0 =	vld [tilespmem:s20+$0x0];
	v1 =	vor.u32 s24, v1;
	_ =	sdelay $0x4  }
0x177: {  	[tilespmem:v1+s13+$0x0] =	vst.idx.msk $0xffff, v0  }
0x178: {  	v1 =	vor.u32 s24, v5;
	v0 =	vld [tilespmem:s20+$0x1];
	_ =	sdelay $0x4  }
0x179: {  	[tilespmem:v1+s13+$0x0] =	vst.idx.msk $0xffff, v0  }
0x17a: {  	v1 =	vor.u32 s24, v6;
	v0 =	vld [tilespmem:s19+$0xFFFFFF80];
	_ =	sdelay $0x4  }
0x17b: {  	[tilespmem:v1+s13+$0x0] =	vst.idx.msk $0xffff, v0  }
0x17c: {  	v1 =	vor.u32 s24, v7;
	v0 =	vld [tilespmem:s19+$0xFFFFFF81];
	_ =	sdelay $0x4  }
0x17d: {  	[tilespmem:v1+s13+$0x0] =	vst.idx.msk $0xffff, v0  }
0x17e: {  	v1 =	vor.u32 s24, v8;
	v0 =	vld [tilespmem:s19+$0x0];
	_ =	sdelay $0x4  }
0x17f: {  	[tilespmem:v1+s13+$0x0] =	vst.idx.msk $0xffff, v0  }
0x180: {  	v1 =	vor.u32 s24, v9;
	v0 =	vld [tilespmem:s19+$0x1];
	_ =	sdelay $0x4  }
0x181: {  	[tilespmem:v1+s13+$0x0] =	vst.idx.msk $0xffff, v0  }
0x182: {  	v1 =	vor.u32 s24, v10;
	v0 =	vld [tilespmem:s20+$0xFFFFFF90];
	_ =	sdelay $0x4  }
0x183: {  	[tilespmem:v1+s13+$0x0] =	vst.idx.msk $0xffff, v0  }
0x184: {  	v1 =	vor.u32 s24, v11;
	v0 =	vld [tilespmem:s20+$0xFFFFFF91];
	_ =	sdelay $0x4  }
0x185: {  	[tilespmem:v1+s13+$0x0] =	vst.idx.msk $0xffff, v0  }
0x186: {  	v1 =	vor.u32 s24, v12;
	v0 =	vld [tilespmem:s20+$0x10];
	_ =	sdelay $0x4  }
0x187: {  	[tilespmem:v1+s13+$0x0] =	vst.idx.msk $0xffff, v0  }
0x188: {  	v1 =	vor.u32 s24, v13;
	v0 =	vld [tilespmem:s20+$0x11];
	_ =	sdelay $0x4  }
0x189: {  	[tilespmem:v1+s13+$0x0] =	vst.idx.msk $0xffff, v0  }
0x18a: {  	v1 =	vor.u32 s24, v14;
	v0 =	vld [tilespmem:s19+$0xFFFFFF90];
	_ =	sdelay $0x4  }
0x18b: {  	[tilespmem:v1+s13+$0x0] =	vst.idx.msk $0xffff, v0  }
0x18c: {  	v1 =	vor.u32 s24, v15;
	v0 =	vld [tilespmem:s19+$0xFFFFFF91];
	_ =	sdelay $0x4  }
0x18d: {  	[tilespmem:v1+s13+$0x0] =	vst.idx.msk $0xffff, v0  }
0x18e: {  	v1 =	vor.u32 s24, v16;
	v0 =	vld [tilespmem:s19+$0x10];
	_ =	sdelay $0x4  }
0x18f: {  	[tilespmem:v1+s13+$0x0] =	vst.idx.msk $0xffff, v0  }
0x190: {  	v1 =	vor.u32 s24, v17;
	v0 =	vld [tilespmem:s19+$0x11];
	_ =	sdelay $0x4  }
0x191: {  	[tilespmem:v1+s13+$0x0] =	vst.idx.msk $0xffff, v0  }
0x192: {  	v1 =	vor.u32 s24, v18;
	v0 =	vld [tilespmem:s20+$0xFFFFFFA0];
	_ =	sdelay $0x4  }
0x193: {  	[tilespmem:v1+s13+$0x0] =	vst.idx.msk $0xffff, v0  }
0x194: {  	v1 =	vor.u32 s24, v19;
	v0 =	vld [tilespmem:s20+$0xFFFFFFA1];
	_ =	sdelay $0x4  }
0x195: {  	[tilespmem:v1+s13+$0x0] =	vst.idx.msk $0xffff, v0  }
0x196: {  	v1 =	vor.u32 s24, v20;
	v0 =	vld [tilespmem:s20+$0x20];
	_ =	sdelay $0x4  }
0x197: {  	[tilespmem:v1+s13+$0x0] =	vst.idx.msk $0xffff, v0  }
0x198: {  	v1 =	vor.u32 s24, v21;
	v0 =	vld [tilespmem:s20+$0x21];
	_ =	sdelay $0x4  }
0x199: {  	[tilespmem:v1+s13+$0x0] =	vst.idx.msk $0xffff, v0  }
0x19a: {  	v1 =	vor.u32 s24, v22;
	v0 =	vld [tilespmem:s19+$0xFFFFFFA0];
	_ =	sdelay $0x4  }
0x19b: {  	[tilespmem:v1+s13+$0x0] =	vst.idx.msk $0xffff, v0  }
0x19c: {  	v1 =	vor.u32 s24, v23;
	v0 =	vld [tilespmem:s19+$0xFFFFFFA1];
	_ =	sdelay $0x4  }
0x19d: {  	[tilespmem:v1+s13+$0x0] =	vst.idx.msk $0xffff, v0  }
0x19e: {  	v1 =	vor.u32 s24, v24;
	v0 =	vld [tilespmem:s19+$0x20];
	_ =	sdelay $0x4  }
0x19f: {  	[tilespmem:v1+s13+$0x0] =	vst.idx.msk $0xffff, v0  }
0x1a0: {  	v1 =	vor.u32 s24, v25;
	v0 =	vld [tilespmem:s19+$0x21];
	_ =	sdelay $0x4  }
0x1a1: {  	[tilespmem:v1+s13+$0x0] =	vst.idx.msk $0xffff, v0  }
0x1a2: {  	v1 =	vor.u32 s24, v26;
	v0 =	vld [tilespmem:s20+$0xFFFFFFB0];
	_ =	sdelay $0x4  }
0x1a3: {  	[tilespmem:v1+s13+$0x0] =	vst.idx.msk $0xffff, v0  }
0x1a4: {  	v1 =	vor.u32 s24, v27;
	v0 =	vld [tilespmem:s20+$0xFFFFFFB1];
	_ =	sdelay $0x4  }
0x1a5: {  	[tilespmem:v1+s13+$0x0] =	vst.idx.msk $0xffff, v0  }
0x1a6: {  	v1 =	vor.u32 s24, v28;
	v0 =	vld [tilespmem:s20+$0x30];
	_ =	sdelay $0x4  }
0x1a7: {  	[tilespmem:v1+s13+$0x0] =	vst.idx.msk $0xffff, v0  }
0x1a8: {  	v1 =	vor.u32 s24, v29;
	v0 =	vld [tilespmem:s20+$0x31];
	_ =	sdelay $0x4  }
0x1a9: {  	[tilespmem:v1+s13+$0x0] =	vst.idx.msk $0xffff, v0  }
0x1aa: {  	v1 =	vor.u32 s24, v30;
	v0 =	vld [tilespmem:s19+$0xFFFFFFB0];
	_ =	sdelay $0x4  }
0x1ab: {  	[tilespmem:v1+s13+$0x0] =	vst.idx.msk $0xffff, v0  }
0x1ac: {  	v1 =	vor.u32 s24, v31;
	v0 =	vld [tilespmem:s19+$0xFFFFFFB1];
	_ =	sdelay $0x4  }
0x1ad: {  	[tilespmem:v1+s13+$0x0] =	vst.idx.msk $0xffff, v0  }
0x1ae: {  	v1 =	vor.u32 s24, v32;
	v0 =	vld [tilespmem:s19+$0x30];
	_ =	sdelay $0x4  }
0x1af: {  	[tilespmem:v1+s13+$0x0] =	vst.idx.msk $0xffff, v0  }
0x1b0: {  	v1 =	vor.u32 s24, v33;
	v0 =	vld [tilespmem:s19+$0x31];
	_ =	sdelay $0x4  }
0x1b1: {  	[tilespmem:v1+s13+$0x0] =	vst.idx.msk $0xffff, v0  }
0x1b2: {  	v1 =	vor.u32 s24, v34;
	v0 =	vld [tilespmem:s20+$0xFFFFFFC0];
	_ =	sdelay $0x4  }
0x1b3: {  	[tilespmem:v1+s13+$0x0] =	vst.idx.msk $0xffff, v0  }
0x1b4: {  	v1 =	vor.u32 s24, v35;
	v0 =	vld [tilespmem:s20+$0xFFFFFFC1];
	_ =	sdelay $0x4  }
0x1b5: {  	[tilespmem:v1+s13+$0x0] =	vst.idx.msk $0xffff, v0  }
0x1b6: {  	v1 =	vor.u32 s24, v36;
	v0 =	vld [tilespmem:s20+$0x40];
	_ =	sdelay $0x4  }
0x1b7: {  	[tilespmem:v1+s13+$0x0] =	vst.idx.msk $0xffff, v0  }
0x1b8: {  	v1 =	vor.u32 s24, v37;
	v0 =	vld [tilespmem:s20+$0x41];
	_ =	sdelay $0x4  }
0x1b9: {  	[tilespmem:v1+s13+$0x0] =	vst.idx.msk $0xffff, v0  }
0x1ba: {  	v1 =	vor.u32 s24, v38;
	v0 =	vld [tilespmem:s19+$0xFFFFFFC0];
	_ =	sdelay $0x4  }
0x1bb: {  	[tilespmem:v1+s13+$0x0] =	vst.idx.msk $0xffff, v0  }
0x1bc: {  	v1 =	vor.u32 s24, v39;
	v0 =	vld [tilespmem:s19+$0xFFFFFFC1];
	_ =	sdelay $0x4  }
0x1bd: {  	[tilespmem:v1+s13+$0x0] =	vst.idx.msk $0xffff, v0  }
0x1be: {  	v1 =	vor.u32 s24, v40;
	v0 =	vld [tilespmem:s19+$0x40];
	_ =	sdelay $0x4  }
0x1bf: {  	[tilespmem:v1+s13+$0x0] =	vst.idx.msk $0xffff, v0  }
0x1c0: {  	v1 =	vor.u32 s24, v41;
	v0 =	vld [tilespmem:s19+$0x41];
	_ =	sdelay $0x4  }
0x1c1: {  	[tilespmem:v1+s13+$0x0] =	vst.idx.msk $0xffff, v0  }
0x1c2: {  	v1 =	vor.u32 s24, v42;
	v0 =	vld [tilespmem:s20+$0xFFFFFFD0];
	_ =	sdelay $0x4  }
0x1c3: {  	[tilespmem:v1+s13+$0x0] =	vst.idx.msk $0xffff, v0  }
0x1c4: {  	v1 =	vor.u32 s24, v43;
	v0 =	vld [tilespmem:s20+$0xFFFFFFD1];
	_ =	sdelay $0x4  }
0x1c5: {  	[tilespmem:v1+s13+$0x0] =	vst.idx.msk $0xffff, v0  }
0x1c6: {  	v1 =	vor.u32 s24, v44;
	v0 =	vld [tilespmem:s20+$0x50];
	_ =	sdelay $0x4  }
0x1c7: {  	[tilespmem:v1+s13+$0x0] =	vst.idx.msk $0xffff, v0  }
0x1c8: {  	v1 =	vor.u32 s24, v45;
	v0 =	vld [tilespmem:s20+$0x51];
	_ =	sdelay $0x4  }
0x1c9: {  	[tilespmem:v1+s13+$0x0] =	vst.idx.msk $0xffff, v0  }
0x1ca: {  	v1 =	vor.u32 s24, v46;
	v0 =	vld [tilespmem:s19+$0xFFFFFFD0];
	_ =	sdelay $0x4  }
0x1cb: {  	[tilespmem:v1+s13+$0x0] =	vst.idx.msk $0xffff, v0  }
0x1cc: {  	v1 =	vor.u32 s24, v47;
	v0 =	vld [tilespmem:s19+$0xFFFFFFD1];
	_ =	sdelay $0x4  }
0x1cd: {  	[tilespmem:v1+s13+$0x0] =	vst.idx.msk $0xffff, v0  }
0x1ce: {  	v1 =	vor.u32 s24, v48;
	v0 =	vld [tilespmem:s19+$0x50];
	_ =	sdelay $0x4  }
0x1cf: {  	[tilespmem:v1+s13+$0x0] =	vst.idx.msk $0xffff, v0  }
0x1d0: {  	v1 =	vor.u32 s24, v49;
	v0 =	vld [tilespmem:s19+$0x51];
	_ =	sdelay $0x4  }
0x1d1: {  	[tilespmem:v1+s13+$0x0] =	vst.idx.msk $0xffff, v0  }
0x1d2: {  	v1 =	vor.u32 s24, v50;
	v0 =	vld [tilespmem:s20+$0xFFFFFFE0];
	_ =	sdelay $0x4  }
0x1d3: {  	[tilespmem:v1+s13+$0x0] =	vst.idx.msk $0xffff, v0  }
0x1d4: {  	v1 =	vor.u32 s24, v51;
	v0 =	vld [tilespmem:s20+$0xFFFFFFE1];
	_ =	sdelay $0x4  }
0x1d5: {  	[tilespmem:v1+s13+$0x0] =	vst.idx.msk $0xffff, v0  }
0x1d6: {  	v1 =	vor.u32 s24, v52;
	v0 =	vld [tilespmem:s20+$0x60];
	_ =	sdelay $0x4  }
0x1d7: {  	[tilespmem:v1+s13+$0x0] =	vst.idx.msk $0xffff, v0  }
0x1d8: {  	v1 =	vor.u32 s24, v53;
	v0 =	vld [tilespmem:s20+$0x61];
	_ =	sdelay $0x4  }
0x1d9: {  	[tilespmem:v1+s13+$0x0] =	vst.idx.msk $0xffff, v0  }
0x1da: {  	v1 =	vor.u32 s24, v54;
	v0 =	vld [tilespmem:s19+$0xFFFFFFE0];
	_ =	sdelay $0x4  }
0x1db: {  	[tilespmem:v1+s13+$0x0] =	vst.idx.msk $0xffff, v0  }
0x1dc: {  	v1 =	vor.u32 s24, v55;
	v0 =	vld [tilespmem:s19+$0xFFFFFFE1];
	_ =	sdelay $0x4  }
0x1dd: {  	[tilespmem:v1+s13+$0x0] =	vst.idx.msk $0xffff, v0  }
0x1de: {  	v1 =	vor.u32 s24, v56;
	v0 =	vld [tilespmem:s19+$0x60];
	_ =	sdelay $0x4  }
0x1df: {  	[tilespmem:v1+s13+$0x0] =	vst.idx.msk $0xffff, v0  }
0x1e0: {  	v1 =	vor.u32 s24, v57;
	v0 =	vld [tilespmem:s19+$0x61];
	_ =	sdelay $0x4  }
0x1e1: {  	[tilespmem:v1+s13+$0x0] =	vst.idx.msk $0xffff, v0  }
0x1e2: {  	v1 =	vor.u32 s24, v58;
	v0 =	vld [tilespmem:s20+$0xFFFFFFF0];
	_ =	sdelay $0x4  }
0x1e3: {  	[tilespmem:v1+s13+$0x0] =	vst.idx.msk $0xffff, v0  }
0x1e4: {  	v1 =	vor.u32 s24, v59;
	v0 =	vld [tilespmem:s20+$0xFFFFFFF1];
	_ =	sdelay $0x4  }
0x1e5: {  	[tilespmem:v1+s13+$0x0] =	vst.idx.msk $0xffff, v0  }
0x1e6: {  	v1 =	vor.u32 s24, v60;
	v0 =	vld [tilespmem:s20+$0x70];
	_ =	sdelay $0x4  }
0x1e7: {  	[tilespmem:v1+s13+$0x0] =	vst.idx.msk $0xffff, v0  }
0x1e8: {  	v1 =	vor.u32 s24, v61;
	v0 =	vld [tilespmem:s20+$0x71];
	_ =	sdelay $0x4  }
0x1e9: {  	[tilespmem:v1+s13+$0x0] =	vst.idx.msk $0xffff, v0  }
0x1ea: {  	v1 =	vor.u32 s24, v62;
	v0 =	vld [tilespmem:s19+$0xFFFFFFF0];
	_ =	sdelay $0x4  }
0x1eb: {  	[tilespmem:v1+s13+$0x0] =	vst.idx.msk $0xffff, v0  }
0x1ec: {  	v1 =	vor.u32 s24, v63;
	v0 =	vld [tilespmem:s19+$0xFFFFFFF1];
	_ =	sdelay $0x4  }
0x1ed: {  	[tilespmem:v1+s13+$0x0] =	vst.idx.msk $0xffff, v0  }
0x1ee: {  	v1 =	vor.u32 s24, v3;
	v0 =	vld [tilespmem:s19+$0x70];
	_ =	sdelay $0x4  }
0x1ef: {  	[tilespmem:v1+s13+$0x0] =	vst.idx.msk $0xffff, v0  }
0x1f0: {  	v1 =	vor.u32 s24, v4;
	v0 =	vld [tilespmem:s19+$0x71];
	_ =	sdelay $0x3  }
0x1f1: {  	s25 =	sand.u32 $0x1FFFFFFF, s22  }
0x1f2: {  	p0 =	slt.u32 s23, $0x7;
	s25 =	sadd.s32 s3, s25;
	s24 =	sor.u32 $0x8020, s24;
	[tilespmem:v1+s13+$0x0] =	vst.idx.msk $0xffff, v0  }
0x1f3: {  	[hbm4b:s25+s5] =	stream.linear.scatter [tilespmem:s24], [sflag:$0x1], $0x3F8, $0x38;
	[tilespmem:$0xA020] =	vst v63  }
0x1f4: {  	s24 =	simm.s32 @!p0 $0x1  }
0x1f5: {  	_ =	swait.ge @!p0 [sflag:s24], $0x3F8  }
0x1f6: {  	s23 =	sadd.s32 $0x1, s23;
	[sflag:s24] =	ssyncset.done @!p0 $0x0  }
0x1f7: {  	[sflag:s24] =	ssyncadd.s32 @!p0 $0xFFFFFC08;
	p0 =	sne.s32 s23, $0x7F  }
.Ltmp2:
0x1f8: {  	_ = 	snop;
	(pc) =	sbr.rel @p0 .LBB2_7-.Ltmp2, $3  }
0x1f9: {  	_ =	sdelay $0x1  }
0x1fa: {  	s22 =	sadd.s32 $0x7F, s22  }
0x1fb: {  	s21 =	sadd.s32 $0x400, s21;
	s20 =	sadd.s32 $0x80, s20;
	s19 =	sadd.s32 $0x80, s19  }
0x1fc: {  	_ =	swait.ge [sflag:s14], $0x3F8  }
0x1fd: {  	[sflag:s14] =	ssyncset.done $0x0  }
0x1fe: {  	[sflag:s14] =	ssyncadd.s32 $0xFFFFFC08  }
0x1ff: {  	_ =	swait.ge [sflag:s14], $0x3F8  }
0x200: {  	[sflag:s14] =	ssyncset.done $0x0  }
0x201: {  	[sflag:s14] =	ssyncadd.s32 $0xFFFFFC08  }
0x202: {  	_ =	swait.ge [sflag:s14], $0x3F8  }
0x203: {  	[sflag:s14] =	ssyncset.done $0x0  }
0x204: {  	[sflag:s14] =	ssyncadd.s32 $0xFFFFFC08  }
0x205: {  	_ =	swait.ge [sflag:s14], $0x3F8  }
0x206: {  	[sflag:s14] =	ssyncset.done $0x0  }
0x207: {  	[sflag:s14] =	ssyncadd.s32 $0xFFFFFC08  }
0x208: {  	_ =	swait.ge [sflag:s14], $0x3F8  }
0x209: {  	[sflag:s14] =	ssyncset.done $0x0  }
0x20a: {  	s18 =	sadd.s32 $0x1, s18;
	[sflag:s14] =	ssyncadd.s32 $0xFFFFFC08  }
0x20b: {  	p0 =	sne.s32 s18, s6;
	_ =	swait.ge [sflag:s14], $0x3F8  }
.Ltmp3:
0x20c: {  	[sflag:s14] =	ssyncset.done $0x0;
	(pc) =	sbr.rel @p0 .LBB2_6-.Ltmp3, $4  }
0x20d: {  	[sflag:s14] =	ssyncadd.s32 $0xFFFFFC08  }
0x20e: {  	_ =	swait.ge [sflag:s14], $0x3F8  }
0x20f: {  	[sflag:s14] =	ssyncset.done $0x0  }
0x210: {  	s17 =	sadd.s32 $0x7E020, s17;
	[sflag:s14] =	ssyncadd.s32 $0xFFFFFC08  }
0x211: {  	s15 =	sadd.s32 $0x1, s15  }
0x212: {  	p0 =	sne.s32 s15, s8  }
.Ltmp4:
0x213: {  	_ = 	snop;
	(pc) =	sbr.rel @p0 .LBB2_1-.Ltmp4, $2  }
0x214: {  	_ =	sdelay $0x2  }
0x215: {  	v1 =	vmov v2  }
0x216: {  	_ =	sfence.sel $0x180000  }
0x217: {  	[bflag:$0x0] =	sbarrier.arrive $0xFFFF  }
0x218: {  	p0 =	sne.s32 s4, $0x0;
	_ =	strace $0x90000047  }
0x219: {  	s0 =	sadd.s32 @!p0 $0x100000, s2;
	[bflag:$0x2] =	sbarrier.arrive $0xFFFF  }
0x21a: {  	[sflag:s0] =	ssyncadd.tile.s32 @!p0 $0x1;
	_ =	shalt  }
.Lfunc_end2:
_tile_overlayer_lowered:
.L_overlay_start_2:
0x21b: {  	(tag) =	ssettag $0x2  }
0x21c: {  	s0 =	rddreg [dreg:$0x0];
	s2 =	stileid.u32  }
0x21d: {  	s1 =	rddreg [dreg:$0x1];
	p0 =	sne.s32 s2, $0x0  }
0x21e: {  	s3 =	rddreg [dreg:$0x2];
	[bflag:$0x3] =	sbarrier.arrive $0xFFFF;
	s2 =	simm.s32 @!p0 $0x1C02  }
0x21f: {  	[timem:s3], [sflag:s2] =	dma.local @!p0 [hbm:s0], s1  }
0x220: {  	s0 =	simm.s32 @!p0 $0x2  }
0x221: {  	_ =	swait.ge @!p0 [sflag:s0], s1  }
0x222: {  	s1 =	ssub.s32 @!p0 $0x0, s1;
	[sflag:s0] =	ssyncset.done @!p0 $0x0  }
0x223: {  	[sflag:s0] =	ssyncadd.s32 @!p0 s1  }
0x224: {  	[bflag:$0x3] =	sbarrier.arrive $0xFFFF  }
0x225: {  	_ =	shalt  }

// kernel: kernel.7.cloned.1.call-start
scs
__scs_entry_jumppad:
0x0: {  	(pc) =	sbr.rel $0x88, $3  }
0x1: {  	(tag) =	ssettag $0x0;
	lr =	simm.s32 $0x1  }
0x2: {  	[smem:$0x3F9D] =	sst lr;
	_ =	strace $0xD0000000  }
0x3: {  	_ = 	snop  }
0x4: {  	_ = 	snop  }
0x5: {  	_ = 	snop  }
0x6: {  	_ = 	snop  }
0x7: {  	_ = 	snop  }
__scs_overlays_trampoline_lowered:
0x8: {  	[smem:$0x3FAC] =	sst s0  }
0x9: {  	[smem:$0x3FAD] =	sst s1  }
0xa: {  	[smem:$0x3FAE] =	sst s2  }
0xb: {  	[smem:$0x3FAF] =	sst s3  }
0xc: {  	[smem:$0x3FB0] =	sst s4  }
0xd: {  	[smem:$0x3FB1] =	sst s5  }
0xe: {  	[smem:$0x3FB2] =	sst s6  }
0xf: {  	[smem:$0x3FB3] =	sst s7  }
0x10: {  	[smem:$0x3FB4] =	sst s8  }
0x11: {  	[smem:$0x3FB5] =	sst s9;
	s0 =	simm.s32 @!p0 $0x0  }
0x12: {  	s1 =	sld [smem:$0x3F9B];
	s0 =	simm.s32 @p0 $0x1  }
0x13: {  	[smem:$0x3FB6] =	sst s0;
	s0 =	simm.s32 @!p1 $0x0  }
0x14: {  	s2 =	sld [smem:$0x3F9A];
	s0 =	simm.s32 @p1 $0x1  }
0x15: {  	[smem:$0x3FB7] =	sst s0;
	s0 =	simm.s32 @!p2 $0x0  }
0x16: {  	s3 =	sld [smem:$0x3FDB];
	s0 =	simm.s32 @p2 $0x1  }
0x17: {  	s4 =	simm.s32 $0x1BF5;
	[smem:$0x3FB9] =	sst s0  }
0x18: {  	s0 =	sld [smem:$0x3F9C];
	_ =	swait.ge [sflag:s4], $0x0  }
0x19: {  	s7 =	sld [smem:$0x3F9D]  }
0x1a: {  	s8 =	sadd.s32 $0xFFFFE003, lr  }
0x1b: {  	s9 =	sadd.s32 $0xFFFFFEF7, lr;
	s5 =	simm.s32 $0xFFFFFFFF;
	p2 =	slt.u32 s8, $0xFFFFF086  }
0x1c: {  	p1 =	slt.u32 s9, $0xF7A;
	s5 =	simm.s32 @!p2 $0x0  }
0x1d: {  	s5 =	simm.s32 @p1 $0x1;
	p0 =	seq.s32 s7, s2  }
0x1e: {  	s7 =	smul.u32 @!p0 $0xF7A, s2;
	p2 =	seq.s32 @!p0 s5, $0x0  }
0x1f: {  	s9 =	smul.u32 $0xF7A, s1;
	s8 =	simm.s32 @!p0 $0x1BF5;
	p2 =	por !p2, p0  }
0x20: {  	[sflag:s8] =	ssyncset.s32 @!p0 $0xFFFFF086;
	s6 =	sadd.s32 @!p0 s3, s7;
	s7 =	simm.s32 @!p0 $0x108  }
0x21: {  	s3 =	sadd.s32 s3, s9;
	s6 =	sadd.s32 @!p0 $0x88, s6;
	s7 =	simm.s32 @p2 $0x1082  }
0x22: {  	[simem:s7], [sflag:s8] =	dma.local @!p0 [hbm:s6], $0xF7A  }
0x23: {  	s9 =	sor.u32 $0xD0000000, s2;
	s6 =	simm.s32 $0x108;
	_ =	swait.ge @!p0 [sflag:s8], $0x0  }
0x24: {  	s3 =	sadd.s32 $0x88, s3;
	s6 =	simm.s32 @!p1 $0x1082;
	[sflag:s4] =	ssyncset.s32 $0xFFFFF086  }
0x25: {  	[simem:s6], [sflag:s4] =	dma.local [hbm:s3], $0xF7A  }
0x26: {  	[smem:$0x3F9D] =	sst s1;
	(tag) =	ssettag s2;
	_ =	strace s9  }
0x27: {  	s1 =	sld [smem:$0x3FAD]  }
0x28: {  	s2 =	sld [smem:$0x3FAE]  }
0x29: {  	s4 =	sld [smem:$0x3FB0]  }
0x2a: {  	p0 =	seq.s32 s5, $0x0;
	s5 =	sld [smem:$0x3FB1]  }
0x2b: {  	s6 =	sld [smem:$0x3FB2]  }
0x2c: {  	s7 =	sld [smem:$0x3FB3]  }
0x2d: {  	s3 =	simm.s32 $0x108;
	s8 =	sld [smem:$0x3FB4]  }
0x2e: {  	s3 =	simm.s32 @!p0 $0x1082;
	s9 =	sld [smem:$0x3FB5]  }
0x2f: {  	lr =	sadd.s32 s0, s3;
	s0 =	sld [smem:$0x3FAC]  }
0x30: {  	s3 =	sld [smem:$0x3FAF]  }
0x31: {  	[smem:$0x3FB8] =	sst s10  }
0x32: {  	s10 =	sld [smem:$0x3FB6];
	_ =	sdelay $0x3  }
0x33: {  	p0 =	seq.s32 s10, $0x1;
	s10 =	sld [smem:$0x3FB8];
	_ =	sdelay $0x3  }
0x34: {  	[smem:$0x3FB8] =	sst s10  }
0x35: {  	s10 =	sld [smem:$0x3FB7];
	_ =	sdelay $0x3  }
0x36: {  	p1 =	seq.s32 s10, $0x1;
	s10 =	sld [smem:$0x3FB8];
	_ =	sdelay $0x3  }
0x37: {  	[smem:$0x3FB8] =	sst s10  }
0x38: {  	s10 =	sld [smem:$0x3FB9]  }
0x39: {  	_ = 	snop;
	(pc) =	sbr.ind lr, $3  }
0x3a: {  	_ = 	snop  }
0x3b: {  	_ = 	snop  }
0x3c: {  	p2 =	seq.s32 s10, $0x1;
	s10 =	sld [smem:$0x3FB8]  }
0x3d: {  	_ =	shalt  }
0x3e: {  	_ =	shalt  }
0x3f: {  	_ =	shalt  }
0x40: {  	_ =	shalt  }
0x41: {  	_ =	shalt  }
0x42: {  	_ =	shalt  }
0x43: {  	_ =	shalt  }
0x44: {  	_ =	shalt  }
0x45: {  	_ =	shalt  }
0x46: {  	_ =	shalt  }
0x47: {  	_ =	shalt  }
0x48: {  	_ =	shalt  }
0x49: {  	_ =	shalt  }
0x4a: {  	_ =	shalt  }
0x4b: {  	_ =	shalt  }
0x4c: {  	_ =	shalt  }
0x4d: {  	_ =	shalt  }
0x4e: {  	_ =	shalt  }
0x4f: {  	_ =	shalt  }
0x50: {  	_ =	shalt  }
0x51: {  	_ =	shalt  }
0x52: {  	_ =	shalt  }
0x53: {  	_ =	shalt  }
0x54: {  	_ =	shalt  }
0x55: {  	_ =	shalt  }
0x56: {  	_ =	shalt  }
0x57: {  	_ =	shalt  }
0x58: {  	_ =	shalt  }
0x59: {  	_ =	shalt  }
0x5a: {  	_ =	shalt  }
0x5b: {  	_ =	shalt  }
0x5c: {  	_ =	shalt  }
0x5d: {  	_ =	shalt  }
0x5e: {  	_ =	shalt  }
0x5f: {  	_ =	shalt  }
0x60: {  	_ =	shalt  }
0x61: {  	_ =	shalt  }
0x62: {  	_ =	shalt  }
0x63: {  	_ =	shalt  }
0x64: {  	_ =	shalt  }
0x65: {  	_ =	shalt  }
0x66: {  	_ =	shalt  }
0x67: {  	_ =	shalt  }
0x68: {  	_ =	shalt  }
0x69: {  	_ =	shalt  }
0x6a: {  	_ =	shalt  }
0x6b: {  	_ =	shalt  }
0x6c: {  	_ =	shalt  }
0x6d: {  	_ =	shalt  }
0x6e: {  	_ =	shalt  }
0x6f: {  	_ =	shalt  }
0x70: {  	_ =	shalt  }
0x71: {  	_ =	shalt  }
0x72: {  	_ =	shalt  }
0x73: {  	_ =	shalt  }
0x74: {  	_ =	shalt  }
0x75: {  	_ =	shalt  }
0x76: {  	_ =	shalt  }
0x77: {  	_ =	shalt  }
0x78: {  	_ =	shalt  }
0x79: {  	_ =	shalt  }
0x7a: {  	_ =	shalt  }
0x7b: {  	_ =	shalt  }
0x7c: {  	_ =	shalt  }
0x7d: {  	_ =	shalt  }
0x7e: {  	_ =	shalt  }
0x7f: {  	_ =	shalt  }
0x80: {  	_ =	shalt  }
0x81: {  	_ =	shalt  }
0x82: {  	_ =	shalt  }
0x83: {  	_ =	shalt  }
0x84: {  	_ =	shalt  }
0x85: {  	_ =	shalt  }
0x86: {  	_ =	shalt  }
0x87: {  	_ =	shalt  }
.Lfunc_end0:
.L_simem_size_0:
called_computation.1_lowered:
.L_overlay_start_0:
0x88: {  	s2 =	sld [smem:$0x3FD9]  }
0x89: {  	s3 =	sld [smem:$0x3FFE];
	_ =	sdelay $0x1  }
0x8a: {  	s1 =	srdreg.scid  }
0x8b: {  	s0 =	sand.u32 $0x1, s1  }
0x8c: {  	s17 =	sshll.u32 s0, $0xA;
	s2 =	sadd.s32 s3, s2  }
0x8d: {  	s2 =	sadd.s32 s2, s17  }
0x8e: {  	[smem:$0x3FC4] =	sst s2  }
0x8f: {  	_ = 	snop  }
0x90: {  	s2 =	sld [smem:$0x3FC8]  }
0x91: {  	s18 =	sld [smem:$0x3FD0];
	(tm) =	ssettm $0x1  }
0x92: {  	s4 =	sld [smem:$0x3FFB];
	_ =	sdelay $0x3  }
0x93: {  	_ =	strace s4  }
0x94: {  	s4 =	sld [smem:$0x3FFC];
	_ =	sdelay $0x3  }
0x95: {  	_ =	strace s4  }
0x96: {  	s4 =	sld [smem:$0x3FFD];
	_ =	sdelay $0x3  }
0x97: {  	_ =	strace s4  }
0x98: {  	_ =	strace $0x8FFFFFFF  }
0x99: {  	s19 =	sld [smem:$0x3FDB];
	_ =	sdelay $0x1  }
0x9a: {  	s5 =	simm.s32 $_scs_section_size  }
0x9b: {  	s6 =	simm.s32 $_size__tile_overlayer_lowered;
	s7 =	simm.s32 $_tile_overlayer_lowered  }
0x9c: {  	s22 =	simm.s32 $0x1BFF;
	s21 =	sshll.u32 s7, $0x1;
	s4 =	sadd.s32 s5, s19  }
0x9d: {  	s8 =	simm.s32 $0x0;
	s20 =	sshll.u32 s6, $0x1;
	s6 =	sadd.s32 s21, s4  }
0x9e: {  	[timem:s8], [sflag:s22] =	dma.local [hbm:s6], s20  }
0x9f: {  	_ =	swait.ge [sflag:s22], s20  }
0xa0: {  	s5 =	ssub.s32 $0x0, s20;
	[sflag:s22] =	ssyncset.done $0x0  }
0xa1: {  	[sflag:s22] =	ssyncadd.s32 s5;
	_ =	sdelay $0x1  }
0xa2: {  	s23 =	simm.s32 $0x1B8B  }
0xa3: {  	_ =	swait.ge [sflag:s23], $0x1  }
0xa4: {  	[sflag:s23] =	ssyncset.done $0x0  }
0xa5: {  	s25 =	simm.s32 $0x1B8E;
	s24 =	sld [smem:$0x3FFE];
	[sflag:s23] =	ssyncadd.s32 $0xFFFFFFFF  }
0xa6: {  	s26 =	simm.s32 $execute0_lowered;
	[smem:$0x3FD2] =	sst s25  }
0xa7: {  	s6 =	sshll.u32 s26, $0x1;
	_ =	strace $0x80000049;
	[dreg:$0x1] =	wrdreg $0xFFFFFFFF  }
0xa8: {  	s28 =	simm.s32 $_size_execute0_lowered;
	s4 =	sadd.s32 s4, s6;
	[dreg:$0x0] =	wrdreg $0x0  }
0xa9: {  	s6 =	sshll.u32 s28, $0x1;
	[dreg:$0x2] =	wrdreg s4  }
0xaa: {  	[dreg:$0x3] =	wrdreg s6  }
0xab: {  	[dreg:$0x4] =	wrdreg $0xC0  }
0xac: {  	_ =	task [dreg:s8], $0x5FFFF  }
0xad: {  	[dreg:$0x1] =	wrdreg $0xFFFFFFFF  }
0xae: {  	[dreg:$0x0] =	wrdreg $0x60  }
0xaf: {  	[dreg:$0x2] =	wrdreg s24  }
0xb0: {  	[dreg:$0x3] =	wrdreg s2  }
0xb1: {  	[dreg:$0x4] =	wrdreg s18  }
0xb2: {  	[dreg:$0x5] =	wrdreg $0x9  }
0xb3: {  	_ =	task.clear_ibuf [dreg:s8], $0x6FFFF;
	_ =	strace $0x90000049  }
0xb4: {  	s29 =	simm.s32 $0x9;
	_ =	strace $0x8000004B  }
0xb5: {  	_ =	swait.ge [sflag:s29], $0x1  }
0xb6: {  	[sflag:s29] =	ssyncadd.s32 $0xFFFFFFFF  }
0xb7: {  	_ =	strace $0x9000004B  }
0xb8: {  	_ =	sfence  }
0xb9: {  	s30 =	sld [smem:$0x0];
	_ =	sdelay $0x2  }
0xba: {  	s31 =	sshll.u32 s1, $0xD;
	s1 =	sshrl.u32 s1, $0x2  }
0xbb: {  	s3 =	sand.u32 $0x4000, s31;
	s1 =	sadd.s32 s1, s30  }
0xbc: {  	s0 =	sor.u32 s3, s0;
	s1 =	sshll.u32 s1, $0x11  }
0xbd: {  	s0 =	sor.u32 s1, s0  }
0xbe: {  	s0 =	sadd.s32 $0x8F2B, s0  }
0xbf: {  	[sflag:s0] =	ssyncadd.remote.s32 $0x1  }
0xc0: {  	_ =	sfence.sel $0xFFFF  }
0xc1: {  	[dreg:$0x0] =	wrdreg $0xFFFFFFFF;
	(pc) =	sbr.abs _section_cstart, $3  }
0xc2: {  	[dreg:$0x1] =	wrdreg $0xFFFFFFFF  }
0xc3: {  	_ =	task.clear_ibuf [dreg:s8], $0x2FFFF;
	_ =	strace $0x9FFFFFFF  }
0xc4: {  	(tm) =	ssettm $0x7FFFFFFF  }
0xc5: {  	_ =	shalt  }
tec
execute0_lowered:
.L_overlay_start_1:
0x0: {  	(tag) =	ssettag $0x1  }
0x1: {  	s1 =	rddreg [dreg:$0x0]  }
0x2: {  	s2 =	rddreg [dreg:$0x1]  }
0x3: {  	s3 =	rddreg [dreg:$0x2]  }
0x4: {  	s0 =	rddreg [dreg:$0x3]  }
0x5: {  	s5 =	simm.s32 $0x0;
	s7 =	srdreg.scid;
	s4 =	stileid.u32  }
0x6: {  	s13 =	simm.s32 $0x4;
	s14 =	simm.s32 $0xC80;
	s15 =	simm.s32 $0x3  }
0x7: {  	s16 =	simm.s32 $0x0;
	[smem:$0x7FF] =	sst s5;
	s6 =	sadd.s32 $0x462800, s1  }
.Ltmp0:
0x8: {  	s8 =	sand.u32 $0x1, s7;
	s9 =	sshll.u32 s4, $0x1;
	(pc) =	sbr.rel .LBB2_1-.Ltmp0, $4  }
0x9: {  	s7 =	sadd.s32 $0x425600, s1;
	s10 =	sadd.s32 $0x3E8400, s1;
	s11 =	ssub.s32 $0x2, s8  }
0xa: {  	_ =	strace $0x8000004A;
	s8 =	sor.u32 s8, s9;
	s12 =	sshrl.u32 s11, $0x1  }
0xb: {  	v1 =	vlaneseq.u32;
	s9 =	simm.s32 $0x14;
	p0 =	slt.u32 s8, $0x11;
	s12 =	ssub.s32 s11, s12  }
0xc: {  	v0 =	vimm.s32 $0x0;
	v1 =	vmul.u32 $0x8, v1;
	s9 =	simm.s32 @!p0 $0x13;
	s11 =	sor.u32 $0xFFFFFFE0, s8;
	s12 =	smax.u32 s12, $0x1  }
.LBB2_11:
0xd: {  	s16 =	sadd.s32 $0x1, s16  }
0xe: {  	p0 =	sne.s32 s16, s12  }
.Ltmp1:
0xf: {  	_ = 	snop;
	(pc) =	sbr.rel @!p0 .LBB2_12-.Ltmp1, $1  }
0x10: {  	_ =	sdelay $0x3  }
.LBB2_1:
.Ltmp2:
0x11: {  	(pc) =	sbr.rel .LBB2_2-.Ltmp2, $2  }
0x12: {  	_ =	sdelay $0x2  }
0x13: {  	p0 =	por $0x0, $0x0;
	p1 =	por $0x1, $0x1;
	s17 =	simm.s32 $0x0  }
.LBB2_10:
0x14: {  	p2 =	sne.s32 s17, s9  }
.Ltmp3:
0x15: {  	_ = 	snop;
	(pc) =	sbr.rel @!p2 .LBB2_11-.Ltmp3, $3  }
0x16: {  	_ =	sdelay $0x1  }
0x17: {  	s18 =	sadd.s32 $0x1, s17  }
0x18: {  	p0 =	por !p0, !p0;
	p1 =	por !p1, !p1;
	s17 =	smov.u32 s18  }
.LBB2_2:
0x19: {  	p2 =	sge.u32 s17, s9  }
.Ltmp4:
0x1a: {  	_ = 	snop;
	(pc) =	sbr.rel @p2 .LBB2_6-.Ltmp4, $2  }
0x1b: {  	_ =	sdelay $0x2  }
0x1c: {  	s19 =	sand.u32 $0x1, s17;
	s18 =	sshll.u32 s17, $0x5  }
0x1d: {  	s20 =	sor.u32 s8, s18  }
0x1e: {  	s21 =	smul.u32 $0x190, s20  }
0x1f: {  	s20 =	smul.u32 $0xC80, s19  }
0x20: {  	s23 =	simm.s32 $0x0;
	s22 =	sadd.s32 s6, s21  }
0x21: {  	[tilespmem:s20], [sflag:$0x4] =	stream.linear.gather [hbm4b:s22+s23], $0xC80, $0x38;
	[tilespmem:$0x1A900] =	vst v63  }
0x22: {  	_ =	swait.ge [sflag:s13], $0xC80  }
0x23: {  	[sflag:s13] =	ssyncset.done $0x0  }
0x24: {  	s24 =	sadd.s32 $0x1900, s20;
	s25 =	sadd.s32 s7, s21;
	[sflag:s13] =	ssyncadd.s32 $0xFFFFF380  }
0x25: {  	[tilespmem:s24], [sflag:$0x4] =	stream.linear.gather [hbm4b:s25+s23], $0xC80, $0x38;
	[tilespmem:$0x1A900] =	vst v63  }
0x26: {  	s22 =	simm.s32 $0x1;
	_ =	swait.ge [sflag:s13], $0xC80  }
0x27: {  	s28 =	sadd.s32 $0x3200, s20;
	s22 =	simm.s32 @!p0 $0x0;
	[sflag:s13] =	ssyncset.done $0x0  }
0x28: {  	s29 =	sadd.s32 s10, s21;
	s22 =	smul.u32 $0x3200, s22;
	[sflag:s13] =	ssyncadd.s32 $0xFFFFF380  }
0x29: {  	[tilespmem:s28], [sflag:$0x4] =	stream.linear.gather [hbm4b:s29+s23], $0xC80, $0x38;
	[tilespmem:$0x1A900] =	vst v63  }
0x2a: {  	s26 =	sadd.s32 $0x4B00, s20;
	_ =	swait.ge [sflag:s13], $0xC80  }
0x2b: {  	s21 =	sadd.s32 s2, s21;
	s22 =	sshrl.u32 s22, $0x2;
	[sflag:s13] =	ssyncset.done $0x0  }
0x2c: {  	s30 =	sadd.s32 $0x1900, s22;
	s31 =	sadd.s32 $0x3200, s22;
	v2 =	vmov s22;
	[sflag:s13] =	ssyncadd.s32 $0xFFFFF380  }
0x2d: {  	v3 =	vmov s30;
	[tilespmem:s26], [sflag:$0x4] =	stream.linear.gather [hbm4b:s21+s23], $0xC80, $0x38;
	[tilespmem:$0x1A900] =	vst v63  }
0x2e: {  	v5 =	vmov s31;
	_ =	swait.ge [sflag:s13], $0xC80  }
0x2f: {  	[sflag:s13] =	ssyncset.done $0x0  }
0x30: {  	s21 =	simm.s32 $0x0;
	[sflag:s13] =	ssyncadd.s32 $0xFFFFF380  }
0x31: {  	v4 =	vld.idx.msk [tilespmem:v2+s21+$0x0 ss:$0x1], $0xffff  }
0x32: {  	v6 =	vld.idx.msk [tilespmem:v3+s21+$0x0 ss:$0x1], $0xffff  }
0x33: {  	v7 =	vld.idx.msk [tilespmem:v5+s21+$0x0 ss:$0x1], $0xffff;
	_ =	sdelay $0x2  }
0x34: {  	v4 =	vadd.f32 $1.000000000e+00, v4  }
0x35: {  	v6 =	vadd.f32 $1.000000000e+00, v6  }
0x36: {  	v8 =	vmul.f32 $6.350000000e+01, v4;
	v4 =	vadd.f32 $1.000000000e+00, v7  }
0x37: {  	v9 =	vmul.f32 $6.350000000e+01, v6  }
0x38: {  	v10 =	vmul.f32 $6.350000000e+01, v4;
	v4 =	vtrunc.f32 v8  }
0x39: {  	v6 =	vtrunc.f32 v9;
	v4 =	vcvt.f32.s32 v4  }
0x3a: {  	v6 =	vcvt.f32.s32 v6;
	v7 =	vtrunc.f32 v10  }
0x3b: {  	vm0 =	vgt.s32 v4, $0x0;
	v7 =	vcvt.f32.s32 v7  }
0x3c: {  	vm13 =	vgt.s32 v6, $0x0;
	v4 =	vnsel vm0, $0x0, v4  }
0x3d: {  	v11 =	vmin.u32 v4, $0x7E;
	v4 =	vnsel vm13, $0x0, v6;
	vm14 =	vgt.s32 v7, $0x0  }
0x3e: {  	s28 =	sadd.s32 $0x6400, s22;
	v12 =	vmin.u32 v4, $0x7E;
	v6 =	vnsel vm14, $0x0, v7;
	v7 =	vcvt.s32.f32 v11  }
0x3f: {  	s29 =	sadd.s32 $0x7D00, s22;
	v4 =	vmov s28;
	v13 =	vmin.u32 v6, $0x7E;
	v14 =	vcvt.s32.f32 v12  }
0x40: {  	s30 =	sadd.s32 $0x9600, s22;
	v6 =	vmov s29;
	v15 =	vsub.f32 v8, v7;
	v16 =	vcvt.s32.f32 v13  }
0x41: {  	s31 =	sadd.s32 $0x4B00, s22;
	v7 =	vmov s30;
	v9 =	vsub.f32 v9, v14  }
0x42: {  	v8 =	vmov s31;
	v63 =	vmax.f32 v15, $0.0e+00;
	v10 =	vsub.f32 v10, v16  }
0x43: {  	v14 =	vmin.f32 v63, $1.000000000e+00;
	v9 =	vmax.f32 v9, $0.0e+00  }
0x44: {  	[tilespmem:v4+s21+$0x0 ss:$0x1] =	vst.idx.msk $0xffff, v14;
	v9 =	vmin.f32 v9, $1.000000000e+00;
	v10 =	vmax.f32 v10, $0.0e+00  }
0x45: {  	[tilespmem:v6+s21+$0x0 ss:$0x1] =	vst.idx.msk $0xffff, v9;
	v9 =	vmin.f32 v10, $1.000000000e+00  }
0x46: {  	[tilespmem:v7+s21+$0x0 ss:$0x1] =	vst.idx.msk $0xffff, v9  }
0x47: {  	v9 =	vld.idx.msk [tilespmem:v8+s21+$0x0 ss:$0x1], $0xffff;
	_ =	sdelay $0x3  }
0x48: {  	s22 =	sadd.s32 $0xAF00, s22;
	v11 =	vmul.u32 $0x3F01, v11;
	v10 =	vmul.u32 $0x7F, v12  }
0x49: {  	vm15 =	vlt.f32 v9, $0.0e+00;
	v9 =	vmov s22  }
0x4a: {  	v10 =	vadd.s32 v11, v10  }
0x4b: {  	v10 =	vadd.s32 v13, v10;
	v11 =	vsel vm15, $0x1F417F, v0  }
0x4c: {  	s23 =	simm.s32 $0x80;
	s22 =	simm.s32 $0x40;
	v10 =	vadd.s32 v11, v10  }
.LBB2_4:
0x4d: {  	p2 =	sne.s32 s23, $0x31C0  }
0x4e: {  	[tilespmem:v9+s21+$0x0 ss:$0x1] =	vst.idx.msk $0xffff, v10;
	s21 =	sshra.s32 s22, $0x2;
	s22 =	smov.u32 s23;
	s23 =	sadd.s32 $0x40, s23  }
0x4f: {  	v10 =	vld.idx.msk [tilespmem:v2+s21+$0x0 ss:$0x1], $0xffff  }
0x50: {  	v11 =	vld.idx.msk [tilespmem:v3+s21+$0x0 ss:$0x1], $0xffff  }
0x51: {  	v12 =	vld.idx.msk [tilespmem:v5+s21+$0x0 ss:$0x1], $0xffff;
	_ =	sdelay $0x3  }
0x52: {  	v10 =	vadd.f32 $1.000000000e+00, v10  }
0x53: {  	v11 =	vadd.f32 $1.000000000e+00, v11  }
0x54: {  	v10 =	vmul.f32 $6.350000000e+01, v10;
	v12 =	vadd.f32 $1.000000000e+00, v12  }
0x55: {  	v11 =	vmul.f32 $6.350000000e+01, v11  }
0x56: {  	v12 =	vmul.f32 $6.350000000e+01, v12;
	v13 =	vtrunc.f32 v10  }
0x57: {  	v13 =	vcvt.f32.s32 v13;
	v14 =	vtrunc.f32 v11  }
0x58: {  	v14 =	vcvt.f32.s32 v14;
	v15 =	vtrunc.f32 v12  }
0x59: {  	vm0 =	vgt.s32 v13, $0x0;
	v15 =	vcvt.f32.s32 v15  }
0x5a: {  	v13 =	vnsel vm0, $0x0, v13;
	vm0 =	vgt.s32 v14, $0x0  }
0x5b: {  	v13 =	vmin.u32 v13, $0x7E;
	v14 =	vnsel vm0, $0x0, v14;
	vm0 =	vgt.s32 v15, $0x0  }
0x5c: {  	v14 =	vmin.u32 v14, $0x7E;
	v15 =	vnsel vm0, $0x0, v15;
	v16 =	vcvt.s32.f32 v13  }
0x5d: {  	v15 =	vmin.u32 v15, $0x7E;
	v17 =	vcvt.s32.f32 v14;
	v14 =	vmul.u32 $0x7F, v14  }
0x5e: {  	v13 =	vmul.u32 $0x3F01, v13;
	v10 =	vsub.f32 v10, v16;
	v16 =	vcvt.s32.f32 v15  }
0x5f: {  	v11 =	vsub.f32 v11, v17  }
0x60: {  	v13 =	vadd.s32 v13, v14;
	v10 =	vmax.f32 v10, $0.0e+00;
	v12 =	vsub.f32 v12, v16  }
0x61: {  	v13 =	vadd.s32 v15, v13;
	v10 =	vmin.f32 v10, $1.000000000e+00;
	v11 =	vmax.f32 v11, $0.0e+00  }
0x62: {  	[tilespmem:v4+s21+$0x0 ss:$0x1] =	vst.idx.msk $0xffff, v10;
	v10 =	vmin.f32 v11, $1.000000000e+00;
	v11 =	vmax.f32 v12, $0.0e+00  }
0x63: {  	[tilespmem:v6+s21+$0x0 ss:$0x1] =	vst.idx.msk $0xffff, v10;
	v10 =	vmin.f32 v11, $1.000000000e+00  }
0x64: {  	[tilespmem:v7+s21+$0x0 ss:$0x1] =	vst.idx.msk $0xffff, v10  }
0x65: {  	v10 =	vld.idx.msk [tilespmem:v8+s21+$0x0 ss:$0x1], $0xffff;
	_ =	sdelay $0x3  }
.Ltmp5:
0x66: {  	(pc) =	sbr.rel @p2 .LBB2_4-.Ltmp5, $4  }
0x67: {  	_ = 	snop  }
0x68: {  	vm0 =	vlt.f32 v10, $0.0e+00  }
0x69: {  	v10 =	vsel vm0, $0x1F417F, v0  }
0x6a: {  	v10 =	vadd.s32 v10, v13  }
0x6b: {  	_ =	sdelay $0x3  }
0x6c: {  	s22 =	sshra.s32 s22, $0x2;
	[tilespmem:v9+s21+$0x0 ss:$0x1] =	vst.idx.msk $0xffff, v10  }
0x6d: {  	v2 =	vld.idx.msk [tilespmem:v2+s22+$0x0 ss:$0x1], $0xffff  }
0x6e: {  	v3 =	vld.idx.msk [tilespmem:v3+s22+$0x0 ss:$0x1], $0xffff  }
0x6f: {  	v5 =	vld.idx.msk [tilespmem:v5+s22+$0x0 ss:$0x1], $0xffff;
	_ =	sdelay $0x2  }
0x70: {  	v2 =	vadd.f32 $1.000000000e+00, v2  }
0x71: {  	v3 =	vadd.f32 $1.000000000e+00, v3  }
0x72: {  	v5 =	vadd.f32 $1.000000000e+00, v5;
	v2 =	vmul.f32 $6.350000000e+01, v2  }
0x73: {  	v3 =	vmul.f32 $6.350000000e+01, v3  }
0x74: {  	v5 =	vmul.f32 $6.350000000e+01, v5;
	v61 =	vtrunc.f32 v2  }
0x75: {  	v11 =	vtrunc.f32 v3;
	v10 =	vcvt.f32.s32 v61  }
0x76: {  	v12 =	vtrunc.f32 v5;
	v11 =	vcvt.f32.s32 v11  }
0x77: {  	v12 =	vcvt.f32.s32 v12;
	vm0 =	vgt.s32 v10, $0x0  }
0x78: {  	vm13 =	vgt.s32 v11, $0x0;
	v10 =	vnsel vm0, $0x0, v10  }
0x79: {  	vm14 =	vgt.s32 v12, $0x0;
	v11 =	vnsel vm13, $0x0, v11;
	v10 =	vmin.u32 v10, $0x7E  }
0x7a: {  	v12 =	vnsel vm14, $0x0, v12;
	v11 =	vmin.u32 v11, $0x7E;
	v13 =	vcvt.s32.f32 v10  }
0x7b: {  	v12 =	vmin.u32 v12, $0x7E;
	v14 =	vcvt.s32.f32 v11  }
0x7c: {  	v62 =	vcvt.s32.f32 v12;
	v2 =	vsub.f32 v2, v13  }
0x7d: {  	v3 =	vsub.f32 v3, v14  }
0x7e: {  	v5 =	vsub.f32 v5, v62;
	v2 =	vmax.f32 v2, $0.0e+00  }
0x7f: {  	v3 =	vmax.f32 v3, $0.0e+00;
	v2 =	vmin.f32 v2, $1.000000000e+00  }
0x80: {  	[tilespmem:v4+s22+$0x0 ss:$0x1] =	vst.idx.msk $0xffff, v2;
	v2 =	vmin.f32 v3, $1.000000000e+00;
	v3 =	vmax.f32 v5, $0.0e+00  }
0x81: {  	[tilespmem:v6+s22+$0x0 ss:$0x1] =	vst.idx.msk $0xffff, v2;
	v2 =	vmin.f32 v3, $1.000000000e+00  }
0x82: {  	[tilespmem:v7+s22+$0x0 ss:$0x1] =	vst.idx.msk $0xffff, v2  }
0x83: {  	v2 =	vld.idx.msk [tilespmem:v8+s22+$0x0 ss:$0x1], $0xffff;
	_ =	sdelay $0x2  }
0x84: {  	v63 =	vmul.u32 $0x3F01, v10;
	v3 =	vmul.u32 $0x7F, v11;
	_ =	sdelay $0x1  }
0x85: {  	s30 =	smul.u32 $0x19000, s19;
	v3 =	vadd.s32 v63, v3;
	vm15 =	vlt.f32 v2, $0.0e+00  }
0x86: {  	v2 =	vadd.s32 v12, v3;
	v3 =	vsel vm15, $0x1F417F, v0  }
0x87: {  	s21 =	sshrl.u32 s30, $0x2;
	v2 =	vadd.s32 v3, v2  }
0x88: {  	s20 =	sadd.s32 $0xAF00, s20;
	s31 =	sadd.s32 $0x1, s19;
	s21 =	sadd.s32 $0xC800, s21;
	[tilespmem:v9+s22+$0x0 ss:$0x1] =	vst.idx.msk $0xffff, v2  }
0x89: {  	[tilespmem:s21], [sflag:s31] =	stream.indirect.gather [hbm4b:s1+s14], $0x8, s20, s14, $0xb8;
	[tilespmem:$0x1A900] =	vst v63  }
.LBB2_6:
0x8a: {  	p2 =	seq.s32 s17, $0x0  }
.Ltmp6:
0x8b: {  	_ = 	snop;
	(pc) =	sbr.rel @p2 .LBB2_10-.Ltmp6, $1  }
0x8c: {  	_ =	sdelay $0x3  }
0x8d: {  	s20 =	simm.s32 $0x0;
	s19 =	sxor.u32 $0x1, s19;
	s22 =	simm.s32 $0x1  }
0x8e: {  	v2 =	vmov s20;
	s21 =	smul.u32 $0x19000, s19;
	s22 =	simm.s32 @!p1 $0x0  }
0x8f: {  	s30 =	sadd.s32 $0x1, s19;
	v2 =	vshll.u32 v2, $0x3;
	s31 =	smul.u32 $0x3200, s22  }
0x90: {  	_ =	swait.ge [sflag:s30], $0x6400;
	v2 =	vor.u32 v1, v2  }
0x91: {  	[sflag:s30] =	ssyncset.done $0x0;
	s21 =	sshrl.u32 s21, $0x2;
	v3 =	vor.u32 $0x4, v2;
	s24 =	sshrl.u32 s31, $0x2  }
0x92: {  	v4 =	vor.u32 $0x2, v2;
	[sflag:s30] =	ssyncadd.s32 $0xFFFF9C00;
	s20 =	sadd.s32 $0xC800, s21;
	s21 =	sadd.s32 $0x6400, s24  }
0x93: {  	v5 =	vor.u32 $0x6, v2;
	s23 =	sadd.s32 $0x7D00, s24;
	v10 =	vld [tilespmem:s21+$0x0]  }
0x94: {  	v7 =	vor.u32 $0x1, v2;
	v11 =	vld [tilespmem:s23+$0x0]  }
0x95: {  	v8 =	vor.u32 $0x5, v2;
	v6 =	vld.idx.msk [tilespmem:v2+s20+$0x0], $0xffff  }
0x96: {  	v9 =	vor.u32 $0x3, v2;
	v3 =	vld.idx.msk [tilespmem:v3+s20+$0x0], $0xffff  }
0x97: {  	v2 =	vor.u32 $0x7, v2;
	v4 =	vld.idx.msk [tilespmem:v4+s20+$0x0], $0xffff  }
0x98: {  	v5 =	vld.idx.msk [tilespmem:v5+s20+$0x0], $0xffff  }
0x99: {  	v7 =	vld.idx.msk [tilespmem:v7+s20+$0x0], $0xffff  }
0x9a: {  	v8 =	vld.idx.msk [tilespmem:v8+s20+$0x0], $0xffff  }
0x9b: {  	v9 =	vld.idx.msk [tilespmem:v9+s20+$0x0], $0xffff  }
0x9c: {  	v12 =	vsub.f32 $1.000000000e+00, v10;
	v2 =	vld.idx.msk [tilespmem:v2+s20+$0x0], $0xffff;
	_ =	sdelay $0x1  }
0x9d: {  	v6 =	vmul.f32 v12, v6;
	v3 =	vmul.f32 v10, v3  }
0x9e: {  	v7 =	vmul.f32 v12, v7;
	v8 =	vmul.f32 v10, v8  }
0x9f: {  	s22 =	sadd.s32 $0x9600, s24;
	v4 =	vmul.f32 v12, v4;
	v5 =	vmul.f32 v10, v5  }
0xa0: {  	v13 =	vld [tilespmem:s22+$0x0];
	v63 =	vsub.f32 $1.000000000e+00, v11;
	v9 =	vmul.f32 v12, v9;
	v2 =	vmul.f32 v10, v2  }
0xa1: {  	v3 =	vadd.f32 v6, v3;
	v4 =	vadd.f32 v4, v5  }
0xa2: {  	v5 =	vadd.f32 v7, v8;
	v2 =	vadd.f32 v9, v2  }
0xa3: {  	v3 =	vmul.f32 v3, v63;
	v4 =	vmul.f32 v4, v11  }
0xa4: {  	v5 =	vmul.f32 v5, v63;
	v2 =	vmul.f32 v2, v11  }
0xa5: {  	s25 =	simm.s32 $0x10;
	v6 =	vsub.f32 $1.000000000e+00, v13  }
0xa6: {  	v7 =	vmov s25;
	v4 =	vadd.f32 v4, v3;
	v2 =	vadd.f32 v2, v5  }
0xa7: {  	v3 =	vshll.u32 v7, $0x3  }
0xa8: {  	v3 =	vor.u32 v1, v3;
	v4 =	vmul.f32 v4, v6;
	v2 =	vmul.f32 v2, v13  }
0xa9: {  	v7 =	vor.u32 $0x4, v3  }
0xaa: {  	v6 =	vor.u32 $0x2, v3;
	v2 =	vadd.f32 v2, v4  }
0xab: {  	s24 =	sor.u32 $0x19000, s24;
	v5 =	vor.u32 $0x6, v3  }
0xac: {  	[tilespmem:s24+$0x0] =	vst v2  }
0xad: {  	s25 =	simm.s32 $0x20;
	v4 =	vor.u32 $0x1, v3;
	v2 =	vld.idx.msk [tilespmem:v3+s20+$0x0], $0xffff  }
.LBB2_8:
0xae: {  	p2 =	sne.s32 s25, $0xC70;
	v7 =	vld.idx.msk [tilespmem:v7+s20+$0x0], $0xffff;
	v8 =	vor.u32 $0x5, v3  }
0xaf: {  	v9 =	vor.u32 $0x3, v3;
	v6 =	vld.idx.msk [tilespmem:v6+s20+$0x0], $0xffff  }
0xb0: {  	v3 =	vor.u32 $0x7, v3;
	s21 =	sadd.s32 $0x10, s21;
	v5 =	vld.idx.msk [tilespmem:v5+s20+$0x0], $0xffff  }
0xb1: {  	v10 =	vld [tilespmem:s21+$0x0]  }
0xb2: {  	v4 =	vld.idx.msk [tilespmem:v4+s20+$0x0], $0xffff  }
0xb3: {  	v8 =	vld.idx.msk [tilespmem:v8+s20+$0x0], $0xffff  }
0xb4: {  	v9 =	vld.idx.msk [tilespmem:v9+s20+$0x0], $0xffff  }
0xb5: {  	s23 =	sadd.s32 $0x10, s23;
	v3 =	vld.idx.msk [tilespmem:v3+s20+$0x0], $0xffff  }
0xb6: {  	v11 =	vld [tilespmem:s23+$0x0];
	v12 =	vsub.f32 $1.000000000e+00, v10;
	_ =	sdelay $0x1  }
0xb7: {  	v7 =	vmul.f32 v10, v7;
	v2 =	vmul.f32 v12, v2  }
0xb8: {  	v4 =	vmul.f32 v12, v4;
	v8 =	vmul.f32 v10, v8  }
0xb9: {  	s22 =	sadd.s32 $0x10, s22;
	v5 =	vmul.f32 v10, v5;
	v6 =	vmul.f32 v12, v6  }
0xba: {  	v9 =	vmul.f32 v12, v9;
	v3 =	vmul.f32 v10, v3;
	v13 =	vld [tilespmem:s22+$0x0];
	v10 =	vsub.f32 $1.000000000e+00, v11  }
0xbb: {  	v2 =	vadd.f32 v2, v7;
	v5 =	vadd.f32 v6, v5  }
0xbc: {  	v4 =	vadd.f32 v4, v8;
	v3 =	vadd.f32 v9, v3  }
0xbd: {  	v5 =	vmul.f32 v5, v11;
	v2 =	vmul.f32 v2, v10  }
0xbe: {  	v4 =	vmul.f32 v4, v10;
	v3 =	vmul.f32 v3, v11  }
0xbf: {  	v6 =	vsub.f32 $1.000000000e+00, v13  }
0xc0: {  	v7 =	vmov s25;
	v2 =	vadd.f32 v5, v2;
	v4 =	vadd.f32 v3, v4  }
0xc1: {  	v3 =	vshll.u32 v7, $0x3  }
0xc2: {  	v3 =	vor.u32 v1, v3;
	v2 =	vmul.f32 v2, v6;
	v4 =	vmul.f32 v4, v13  }
.Ltmp7:
0xc3: {  	v7 =	vor.u32 $0x4, v3;
	(pc) =	sbr.rel @p2 .LBB2_8-.Ltmp7, $4  }
0xc4: {  	v6 =	vor.u32 $0x2, v3;
	v2 =	vadd.f32 v4, v2  }
0xc5: {  	s24 =	sadd.s32 $0x10, s24;
	v5 =	vor.u32 $0x6, v3  }
0xc6: {  	[tilespmem:s24+$0x0] =	vst v2  }
0xc7: {  	s25 =	sadd.s32 $0x10, s25;
	v4 =	vor.u32 $0x1, v3;
	v2 =	vld.idx.msk [tilespmem:v3+s20+$0x0], $0xffff  }
0xc8: {  	_ =	sdelay $0x3  }
0xc9: {  	v7 =	vld.idx.msk [tilespmem:v7+s20+$0x0], $0xffff  }
0xca: {  	v8 =	vor.u32 $0x5, v3;
	v6 =	vld.idx.msk [tilespmem:v6+s20+$0x0], $0xffff  }
0xcb: {  	v9 =	vor.u32 $0x3, v3;
	v5 =	vld.idx.msk [tilespmem:v5+s20+$0x0], $0xffff  }
0xcc: {  	v3 =	vor.u32 $0x7, v3;
	s21 =	sadd.s32 $0x10, s21;
	v4 =	vld.idx.msk [tilespmem:v4+s20+$0x0], $0xffff  }
0xcd: {  	s29 =	sadd.s32 $0x10, s23;
	v10 =	vld [tilespmem:s21+$0x0]  }
0xce: {  	v11 =	vld [tilespmem:s29+$0x0]  }
0xcf: {  	v8 =	vld.idx.msk [tilespmem:v8+s20+$0x0], $0xffff  }
0xd0: {  	v9 =	vld.idx.msk [tilespmem:v9+s20+$0x0], $0xffff  }
0xd1: {  	v3 =	vld.idx.msk [tilespmem:v3+s20+$0x0], $0xffff  }
0xd2: {  	v12 =	vsub.f32 $1.000000000e+00, v10  }
0xd3: {  	v7 =	vmul.f32 v10, v7;
	v5 =	vmul.f32 v10, v5  }
0xd4: {  	v2 =	vmul.f32 v12, v2;
	v4 =	vmul.f32 v12, v4  }
0xd5: {  	s30 =	sadd.s32 $0x10, s22;
	v6 =	vmul.f32 v12, v6;
	v8 =	vmul.f32 v10, v8  }
0xd6: {  	v13 =	vld [tilespmem:s30+$0x0];
	v62 =	vsub.f32 $1.000000000e+00, v11;
	v9 =	vmul.f32 v12, v9;
	v3 =	vmul.f32 v10, v3  }
0xd7: {  	v2 =	vadd.f32 v2, v7;
	v5 =	vadd.f32 v6, v5  }
0xd8: {  	v4 =	vadd.f32 v4, v8;
	v3 =	vadd.f32 v9, v3  }
0xd9: {  	v2 =	vmul.f32 v2, v62;
	v5 =	vmul.f32 v5, v11  }
0xda: {  	v4 =	vmul.f32 v4, v62;
	v3 =	vmul.f32 v3, v11  }
0xdb: {  	v63 =	vsub.f32 $1.000000000e+00, v13  }
0xdc: {  	v2 =	vadd.f32 v5, v2;
	v3 =	vadd.f32 v3, v4;
	_ =	sdelay $0x1  }
0xdd: {  	v2 =	vmul.f32 v2, v63;
	v3 =	vmul.f32 v3, v13  }
0xde: {  	s18 =	sadd.s32 s11, s18;
	s19 =	smul.u32 $0x3200, s19  }
0xdf: {  	s18 =	smul.u32 $0x190, s18;
	v2 =	vadd.f32 v3, v2  }
0xe0: {  	s31 =	sadd.s32 $0x10, s24;
	s19 =	sshrl.u32 s19, $0x2  }
.Ltmp8:
0xe1: {  	s18 =	sadd.s32 s3, s18;
	s19 =	sor.u32 $0x19000, s19;
	[tilespmem:s31+$0x0] =	vst v2;
	(pc) =	sbr.rel .LBB2_10-.Ltmp8, $4  }
0xe2: {  	[hbm4b:s18+s5] =	stream.linear.scatter [tilespmem:s19], [sflag:$0x3], $0xC80, $0x38;
	[tilespmem:$0x1A900] =	vst v63  }
0xe3: {  	_ =	swait.ge [sflag:s15], $0xC80  }
0xe4: {  	[sflag:s15] =	ssyncset.done $0x0  }
0xe5: {  	[sflag:s15] =	ssyncadd.s32 $0xFFFFF380  }
.LBB2_12:
0xe6: {  	_ =	sfence.sel $0x180000  }
0xe7: {  	[bflag:$0x0] =	sbarrier.arrive $0xFFFF  }
0xe8: {  	p0 =	sne.s32 s4, $0x0;
	_ =	strace $0x9000004A  }
0xe9: {  	s0 =	sadd.s32 @!p0 $0x100000, s0;
	[bflag:$0x2] =	sbarrier.arrive $0xFFFF  }
0xea: {  	[sflag:s0] =	ssyncadd.tile.s32 @!p0 $0x1;
	_ =	shalt  }
.Lfunc_end2:
_tile_overlayer_lowered:
.L_overlay_start_2:
0xeb: {  	(tag) =	ssettag $0x2  }
0xec: {  	s0 =	rddreg [dreg:$0x0];
	s2 =	stileid.u32  }
0xed: {  	s1 =	rddreg [dreg:$0x1];
	p0 =	sne.s32 s2, $0x0  }
0xee: {  	s3 =	rddreg [dreg:$0x2];
	[bflag:$0x3] =	sbarrier.arrive $0xFFFF;
	s2 =	simm.s32 @!p0 $0x1C03  }
0xef: {  	[timem:s3], [sflag:s2] =	dma.local @!p0 [hbm:s0], s1  }
0xf0: {  	s0 =	simm.s32 @!p0 $0x3  }
0xf1: {  	_ =	swait.ge @!p0 [sflag:s0], s1  }
0xf2: {  	s1 =	ssub.s32 @!p0 $0x0, s1;
	[sflag:s0] =	ssyncset.done @!p0 $0x0  }
0xf3: {  	[sflag:s0] =	ssyncadd.s32 @!p0 s1  }
0xf4: {  	[bflag:$0x3] =	sbarrier.arrive $0xFFFF  }
0xf5: {  	_ =	shalt  }

</sc_bundles>
